<compile_context>
chip_gen: v7x
topology: tpu7x:2x2x1
jax: 0.10.2.dev20260603
libtpu: 0.0.44.dev20260713+nightly
codegen_flags: <defaults>
</compile_context>

<pallas_src>
import functools

import jax
import jax.numpy as jnp
from jax import lax
from jax.experimental import pallas as pl
from jax.experimental.pallas import tpu as pltpu
from jax.experimental.pallas import tpu_sc as plsc

_PI = 3.141592653589793
_EMB_RANGE = 0.21875
_GAMMA = 12.0
_PHASE_SCALE = _PI / _EMB_RANGE


@functools.lru_cache(maxsize=None)
def _make_gather_kernel(B, NEGN, ENT_DIM, NW):
  assert B % NW == 0
  b_per_w = B // NW
  n_per_w = b_per_w * NEGN
  NBUF = 4
  CHUNK = next(c for c in range(128, 0, -8)
               if n_per_w % c == 0 and (n_per_w // c) % NBUF == 0)
  n_chunks = n_per_w // CHUNK
  mesh = plsc.VectorSubcoreMesh(core_axis_name="c", subcore_axis_name="s")
  NC = 2

  @functools.partial(
      pl.kernel,
      mesh=mesh,
      out_type=(
          jax.ShapeDtypeStruct((B, ENT_DIM), jnp.float32),
          jax.ShapeDtypeStruct((B, ENT_DIM), jnp.float32),
          jax.ShapeDtypeStruct((B * NEGN, ENT_DIM), jnp.float32),
      ),
      compiler_params=pltpu.CompilerParams(needs_layout_passes=False),
      scratch_types=[
          pltpu.VMEM((b_per_w,), jnp.int32),
          pltpu.VMEM((b_per_w,), jnp.int32),
          pltpu.VMEM((n_per_w,), jnp.int32),
          pltpu.VMEM((b_per_w, ENT_DIM), jnp.float32),
          pltpu.VMEM((b_per_w, ENT_DIM), jnp.float32),
          pltpu.VMEM((CHUNK, ENT_DIM), jnp.float32),
          pltpu.VMEM((CHUNK, ENT_DIM), jnp.float32),
          pltpu.VMEM((CHUNK, ENT_DIM), jnp.float32),
          pltpu.VMEM((CHUNK, ENT_DIM), jnp.float32),
          pltpu.SemaphoreType.DMA,
          pltpu.SemaphoreType.DMA,
          pltpu.SemaphoreType.DMA,
          pltpu.SemaphoreType.DMA,
          pltpu.SemaphoreType.DMA,
          pltpu.SemaphoreType.DMA,
          pltpu.SemaphoreType.DMA,
          pltpu.SemaphoreType.DMA,
          pltpu.SemaphoreType.DMA,
      ],
  )
  def sc_gather(h_hbm, r_hbm, tflat_hbm, ent_hbm, rel_hbm,
                hrows_hbm, rrows_hbm, trows_hbm,
                hidx_v, ridx_v, tidx_v, hbuf_v, rbuf_v,
                buf0, buf1, buf2, buf3,
                sem0, sem1, sem2, sem3,
                wsem0, wsem1, wsem2, wsem3, hrsem):
    wid = lax.axis_index("s") * NC + lax.axis_index("c")
    base_b = pl.multiple_of(wid * b_per_w, 8)
    base_n = pl.multiple_of(wid * n_per_w, 8)

    pltpu.sync_copy(h_hbm.at[pl.ds(base_b, b_per_w)], hidx_v)
    pltpu.sync_copy(r_hbm.at[pl.ds(base_b, b_per_w)], ridx_v)
    pltpu.sync_copy(tflat_hbm.at[pl.ds(base_n, n_per_w)], tidx_v)

    bufs = (buf0, buf1, buf2, buf3)
    sems = (sem0, sem1, sem2, sem3)
    wsems = (wsem0, wsem1, wsem2, wsem3)

    def _idx(c):
      return tidx_v.at[pl.ds(pl.multiple_of(c * CHUNK, 8), CHUNK)]

    def _out(c):
      return trows_hbm.at[pl.ds(pl.multiple_of(base_n + c * CHUNK, 8), CHUNK)]

    for j in range(NBUF - 1):
      pltpu.async_copy(ent_hbm.at[_idx(j)], bufs[j], sems[j])
    pltpu.async_copy(ent_hbm.at[hidx_v], hbuf_v, hrsem)
    pltpu.async_copy(rel_hbm.at[ridx_v], rbuf_v, hrsem)

    def chunk_group(p, carry):
      c = p * NBUF
      for j in range(NBUF):
        cj = c + j
        bidx = (j + NBUF - 1) % NBUF
        pltpu.make_async_copy(ent_hbm.at[_idx(0)], bufs[j], sems[j]).wait()

        @pl.when(cj >= 1)
        def _():
          pltpu.make_async_copy(bufs[bidx], _out(0), wsems[bidx]).wait()

        nj = cj + NBUF - 1

        @pl.when(nj < n_chunks)
        def _():
          pltpu.async_copy(ent_hbm.at[_idx(nj)], bufs[bidx], sems[bidx])

        pltpu.async_copy(bufs[j], _out(cj), wsems[j])
      return carry

    lax.fori_loop(0, n_chunks // NBUF, chunk_group, 0)
    lastb = (n_chunks - 1) % NBUF
    pltpu.make_async_copy(bufs[lastb], _out(0), wsems[lastb]).wait()

    pltpu.make_async_copy(ent_hbm.at[hidx_v], hbuf_v, hrsem).wait()
    pltpu.make_async_copy(rel_hbm.at[ridx_v], rbuf_v, hrsem).wait()
    pltpu.sync_copy(hbuf_v, hrows_hbm.at[pl.ds(base_b, b_per_w)])
    pltpu.sync_copy(rbuf_v, rrows_hbm.at[pl.ds(base_b, b_per_w)])

  return sc_gather


@functools.lru_cache(maxsize=None)
def _make_score_kernel(B, NEGN, ENT_DIM, BB=16, CN=8):
  HALF = ENT_DIM // 2
  assert B % BB == 0 and NEGN % CN == 0

  SB = 8

  def tc_score(hrows_ref, rrows_ref, t3_ref, out_ref):
    hr = hrows_ref[...]
    ph = rrows_ref[...] * jnp.float32(_PHASE_SCALE)
    sn = jnp.sin(ph)
    cs = jnp.cos(ph)
    h_re = hr[:, :HALF]
    h_im = hr[:, HALF:]
    rot = jnp.concatenate(
        [h_re * cs[:, :HALF] - h_im * sn[:, :HALF],
         h_re * sn[:, :HALF] + h_im * cs[:, :HALF]], axis=1)
    ones = jnp.ones((ENT_DIM, 1), jnp.float32)
    for bj in range(BB // SB):
      rotb = rot[bj * SB:(bj + 1) * SB, None, :]
      for ci in range(NEGN // CN):
        t = t3_ref[bj * SB:(bj + 1) * SB, ci * CN:(ci + 1) * CN, :]
        d = rotb - t
        sq = d * d
        folded = sq + jnp.concatenate(
            [sq[:, :, HALF:], sq[:, :, :HALF]], axis=2)
        folded = folded + jnp.float32(1e-30)
        dist = folded * lax.rsqrt(folded)
        tot = jax.lax.dot(dist.reshape(SB * CN, ENT_DIM), ones)
        out_ref[bj * SB:(bj + 1) * SB, ci * CN:(ci + 1) * CN] = (
            jnp.float32(0.5) * tot.reshape(SB, CN) - jnp.float32(_GAMMA))

  grid = (B // BB,)
  return pl.pallas_call(
      tc_score,
      grid=grid,
      in_specs=[
          pl.BlockSpec((BB, ENT_DIM), lambda i: (i, 0)),
          pl.BlockSpec((BB, ENT_DIM), lambda i: (i, 0)),
          pl.BlockSpec((BB, NEGN, ENT_DIM), lambda i: (i, 0, 0)),
      ],
      out_specs=pl.BlockSpec((BB, NEGN), lambda i: (i, 0)),
      out_shape=jax.ShapeDtypeStruct((B, NEGN), jnp.float32),
  )


def kernel(h, r, t, batch_type, ent_emb, rel_emb):
  B, NEGN = t.shape
  ENT_DIM = ent_emb.shape[1]
  info = plsc.get_sparse_core_info()
  NW = info.num_cores * info.num_subcores
  rel_padded = jnp.pad(rel_emb, ((0, 0), (0, ENT_DIM - rel_emb.shape[1])))
  parts = 4 if B % (4 * NW * 8) == 0 else 1
  bp = B // parts
  gather_fn = _make_gather_kernel(bp, NEGN, ENT_DIM, NW)
  score_fn = _make_score_kernel(bp, NEGN, ENT_DIM)
  outs = []
  for p in range(parts):
    sl = slice(p * bp, (p + 1) * bp)
    hrows, rrows, trows = gather_fn(
        h[sl], r[sl], t[sl].reshape(-1), ent_emb, rel_padded)
    outs.append(score_fn(hrows, rrows, trows.reshape(bp, NEGN, ENT_DIM)))
  return jnp.concatenate(outs, axis=0) if parts > 1 else outs[0]

# --- scband reference (transcript-rebuilt; emitter-appended) ---
"""Pipeline reference for scband-ins-model-rotate-9509057593804 (READ-ONLY COPY).

The authoritative reference and input builder live on the scoring server;
editing this copy changes nothing except your own understanding.
"""

import jax, jax.numpy as jnp
import numpy as np

NUM_ENT = 1000000
NUM_REL = 1000
ENT_DIM = 128  # 2 * d (real/imag concatenated)
REL_DIM = 64   # d phases
BATCH = 1024
NEG = 200
EMB_RANGE = 0.21875
GAMMA = 12.0
PI = 3.141592653589793


def setup_inputs(seed: int = 0) -> dict:
    key = jax.random.key(seed)
    k1, k2, k3, k4, k5 = jax.random.split(key, 5)
    h = jax.random.randint(k1, (BATCH,), 0, NUM_ENT, dtype=jnp.int32)
    r = jax.random.randint(k2, (BATCH,), 0, NUM_REL, dtype=jnp.int32)
    t = jax.random.randint(k3, (BATCH, NEG), 0, NUM_ENT, dtype=jnp.int32)
    ent_emb = jax.random.uniform(k4, (NUM_ENT, ENT_DIM), dtype=jnp.float32,
                                 minval=-EMB_RANGE, maxval=EMB_RANGE)
    rel_emb = jax.random.uniform(k5, (NUM_REL, REL_DIM), dtype=jnp.float32,
                                 minval=-EMB_RANGE, maxval=EMB_RANGE)
    return {"h": h, "r": r, "t": t, "batch_type": 2,
            "ent_emb": ent_emb, "rel_emb": rel_emb}


def reference(h, r, t, batch_type, ent_emb, rel_emb):
    # batch_type == 2 (TAIL_BATCH): h,r are [B], t is [B, neg]
    bs, neg = t.shape
    h_e = jnp.take(ent_emb, h, axis=0)[:, None, :]          # [B, 1, 2d]
    r_e = jnp.take(rel_emb, r, axis=0)[:, None, :]          # [B, 1, d]
    t_e = jnp.take(ent_emb, t.reshape(-1), axis=0).reshape(bs, neg, -1)  # [B, neg, 2d]

    phase = r_e / (EMB_RANGE / PI)
    r_e_i = jnp.sin(phase)
    r_e_r = jnp.cos(phase)

    h_e_r, h_e_i = jnp.split(h_e, 2, axis=2)
    t_e_r, t_e_i = jnp.split(t_e, 2, axis=2)

    # TAIL_BATCH branch of the torch code
    score_r = h_e_r * r_e_r - h_e_i * r_e_i
    score_i = h_e_r * r_e_i + h_e_i * r_e_r
    score_r = score_r - t_e_r
    score_i = score_i - t_e_i

    score = jnp.linalg.norm(jnp.stack([score_r, score_i], axis=0), axis=0).sum(axis=2)
    return -(GAMMA - score)  # [B, neg]

if __name__ == "__main__":
    import jax
    _d = setup_inputs()
    print(jax.jit(kernel)(*tuple(_d.values())))

</pallas_src>

<mosaic_0001>
#map = affine_map<(d0, d1) -> (0)>
#map1 = affine_map<(d0, d1) -> (0, 0)>
module attributes {stable_mosaic.version = 14 : i64} {
  func.func @sc_gather(%arg0: i32, %arg1: i32, %arg2: memref<256xi32, #tpu.memory_space<hbm>>, %arg3: memref<256xi32, #tpu.memory_space<hbm>>, %arg4: memref<51200xi32, #tpu.memory_space<hbm>>, %arg5: memref<1000000x128xf32, #tpu.memory_space<hbm>>, %arg6: memref<1000x128xf32, #tpu.memory_space<hbm>>, %arg7: memref<256x128xf32, #tpu.memory_space<hbm>>, %arg8: memref<256x128xf32, #tpu.memory_space<hbm>>, %arg9: memref<51200x128xf32, #tpu.memory_space<hbm>>, %arg10: memref<8xi32, #tpu.memory_space<vmem>>, %arg11: memref<8xi32, #tpu.memory_space<vmem>>, %arg12: memref<1600xi32, #tpu.memory_space<vmem>>, %arg13: memref<8x128xf32, #tpu.memory_space<vmem>>, %arg14: memref<8x128xf32, #tpu.memory_space<vmem>>, %arg15: memref<80x128xf32, #tpu.memory_space<vmem>>, %arg16: memref<80x128xf32, #tpu.memory_space<vmem>>, %arg17: memref<80x128xf32, #tpu.memory_space<vmem>>, %arg18: memref<80x128xf32, #tpu.memory_space<vmem>>, %arg19: memref<!tpu.dma_semaphore, #tpu.memory_space<semaphore_mem>>, %arg20: memref<!tpu.dma_semaphore, #tpu.memory_space<semaphore_mem>>, %arg21: memref<!tpu.dma_semaphore, #tpu.memory_space<semaphore_mem>>, %arg22: memref<!tpu.dma_semaphore, #tpu.memory_space<semaphore_mem>>, %arg23: memref<!tpu.dma_semaphore, #tpu.memory_space<semaphore_mem>>, %arg24: memref<!tpu.dma_semaphore, #tpu.memory_space<semaphore_mem>>, %arg25: memref<!tpu.dma_semaphore, #tpu.memory_space<semaphore_mem>>, %arg26: memref<!tpu.dma_semaphore, #tpu.memory_space<semaphore_mem>>, %arg27: memref<!tpu.dma_semaphore, #tpu.memory_space<semaphore_mem>>) attributes {dimension_semantics = [#tpu.dimension_semantics<core_parallel>, #tpu.dimension_semantics<subcore_parallel>], iteration_bounds = array<i64: 2, 16>, scalar_prefetch = 0 : i64, scratch_operands = 18 : i64, tpu.core_type = #tpu.core_type<sc_vector_subcore>, window_params = [{transform_indices = #map}, {transform_indices = #map}, {transform_indices = #map}, {transform_indices = #map1}, {transform_indices = #map1}, {transform_indices = #map1}, {transform_indices = #map1}, {transform_indices = #map1}]} {
    %mul3A = arith.constant 2 : i32
    %mul3A_0 = arith.muli %arg1, %mul3A : i32
    %add3A = arith.addi %mul3A_0, %arg0 : i32
    %mul3A_1 = arith.constant 8 : i32
    %mul3A_2 = arith.muli %add3A, %mul3A_1 : i32
    %multiple_of3A = tpu.assume_multiple %mul3A_2, 8 : i32
    %mul3A_3 = arith.constant 1600 : i32
    %mul3A_4 = arith.muli %add3A, %mul3A_3 : i32
    %multiple_of3A_5 = tpu.assume_multiple %mul3A_4, 8 : i32
    "tpu.region"() ({
      %run_scoped3A = tpu.sem_alloc : memref<!tpu.dma_semaphore, #tpu.memory_space<semaphore_mem>>
      %dma_start3A_46 = tpu.memref_slice %arg2[%multiple_of3A] : memref<256xi32, #tpu.memory_space<hbm>> -> memref<8xi32, #tpu.memory_space<hbm>>
      %dma_start3A_47 = tpu.memref_slice %arg2[%multiple_of3A] : memref<256xi32, #tpu.memory_space<hbm>> -> memref<8xi32, #tpu.memory_space<hbm>>
      tpu.enqueue_dma source(%dma_start3A_47 : memref<8xi32, #tpu.memory_space<hbm>>) target(%arg10 : memref<8xi32, #tpu.memory_space<vmem>>) target_semaphore(%run_scoped3A : memref<!tpu.dma_semaphore, #tpu.memory_space<semaphore_mem>>)
      %dma_wait3A_48 = tpu.memref_slice %arg2[%multiple_of3A] : memref<256xi32, #tpu.memory_space<hbm>> -> memref<8xi32, #tpu.memory_space<hbm>>
      %dma_wait3A_49 = tpu.memref_slice %arg2[%multiple_of3A] : memref<256xi32, #tpu.memory_space<hbm>> -> memref<8xi32, #tpu.memory_space<hbm>>
      tpu.wait_dma2 semaphore(%run_scoped3A : memref<!tpu.dma_semaphore, #tpu.memory_space<semaphore_mem>>) src(%dma_wait3A_49 : memref<8xi32, #tpu.memory_space<hbm>>) dst(%arg10 : memref<8xi32, #tpu.memory_space<vmem>>)
      tpu.yield
    }) : () -> ()
    "tpu.region"() ({
      %run_scoped3A = tpu.sem_alloc : memref<!tpu.dma_semaphore, #tpu.memory_space<semaphore_mem>>
      %dma_start3A_46 = tpu.memref_slice %arg3[%multiple_of3A] : memref<256xi32, #tpu.memory_space<hbm>> -> memref<8xi32, #tpu.memory_space<hbm>>
      %dma_start3A_47 = tpu.memref_slice %arg3[%multiple_of3A] : memref<256xi32, #tpu.memory_space<hbm>> -> memref<8xi32, #tpu.memory_space<hbm>>
      tpu.enqueue_dma source(%dma_start3A_47 : memref<8xi32, #tpu.memory_space<hbm>>) target(%arg11 : memref<8xi32, #tpu.memory_space<vmem>>) target_semaphore(%run_scoped3A : memref<!tpu.dma_semaphore, #tpu.memory_space<semaphore_mem>>)
      %dma_wait3A_48 = tpu.memref_slice %arg3[%multiple_of3A] : memref<256xi32, #tpu.memory_space<hbm>> -> memref<8xi32, #tpu.memory_space<hbm>>
      %dma_wait3A_49 = tpu.memref_slice %arg3[%multiple_of3A] : memref<256xi32, #tpu.memory_space<hbm>> -> memref<8xi32, #tpu.memory_space<hbm>>
      tpu.wait_dma2 semaphore(%run_scoped3A : memref<!tpu.dma_semaphore, #tpu.memory_space<semaphore_mem>>) src(%dma_wait3A_49 : memref<8xi32, #tpu.memory_space<hbm>>) dst(%arg11 : memref<8xi32, #tpu.memory_space<vmem>>)
      tpu.yield
    }) : () -> ()
    "tpu.region"() ({
      %run_scoped3A = tpu.sem_alloc : memref<!tpu.dma_semaphore, #tpu.memory_space<semaphore_mem>>
      %dma_start3A_46 = tpu.memref_slice %arg4[%multiple_of3A_5] : memref<51200xi32, #tpu.memory_space<hbm>> -> memref<1600xi32, #tpu.memory_space<hbm>>
      %dma_start3A_47 = tpu.memref_slice %arg4[%multiple_of3A_5] : memref<51200xi32, #tpu.memory_space<hbm>> -> memref<1600xi32, #tpu.memory_space<hbm>>
      tpu.enqueue_dma source(%dma_start3A_47 : memref<1600xi32, #tpu.memory_space<hbm>>) target(%arg12 : memref<1600xi32, #tpu.memory_space<vmem>>) target_semaphore(%run_scoped3A : memref<!tpu.dma_semaphore, #tpu.memory_space<semaphore_mem>>)
      %dma_wait3A_48 = tpu.memref_slice %arg4[%multiple_of3A_5] : memref<51200xi32, #tpu.memory_space<hbm>> -> memref<1600xi32, #tpu.memory_space<hbm>>
      %dma_wait3A_49 = tpu.memref_slice %arg4[%multiple_of3A_5] : memref<51200xi32, #tpu.memory_space<hbm>> -> memref<1600xi32, #tpu.memory_space<hbm>>
      tpu.wait_dma2 semaphore(%run_scoped3A : memref<!tpu.dma_semaphore, #tpu.memory_space<semaphore_mem>>) src(%dma_wait3A_49 : memref<1600xi32, #tpu.memory_space<hbm>>) dst(%arg12 : memref<1600xi32, #tpu.memory_space<vmem>>)
      tpu.yield
    }) : () -> ()
    %multiple_of3A_6 = arith.constant 0 : i32
    %multiple_of3A_7 = tpu.assume_multiple %multiple_of3A_6, 8 : i32
    %dma_start3A = tpu.memref_slice %arg12[%multiple_of3A_7] : memref<1600xi32, #tpu.memory_space<vmem>> -> memref<80xi32, #tpu.memory_space<vmem>>
    %dma_start3A_8 = arith.constant 0 : i32
    %dma_start3A_9 = arith.constant 0 : i32
    %dma_start3A_10 = tpu.memref_slice %arg5[%dma_start3A_8, %dma_start3A_9] : memref<1000000x128xf32, #tpu.memory_space<hbm>> -> memref<1000000x128xf32, #tpu.memory_space<hbm>>
    tpu.enqueue_indirect_dma source(%dma_start3A_10 : memref<1000000x128xf32, #tpu.memory_space<hbm>>) target(%arg15 : memref<80x128xf32, #tpu.memory_space<vmem>>) offsets(%dma_start3A : memref<80xi32, #tpu.memory_space<vmem>>) semaphore(%arg19 : memref<!tpu.dma_semaphore, #tpu.memory_space<semaphore_mem>>)
    %multiple_of3A_11 = arith.constant 80 : i32
    %multiple_of3A_12 = tpu.assume_multiple %multiple_of3A_11, 8 : i32
    %dma_start3A_13 = tpu.memref_slice %arg12[%multiple_of3A_12] : memref<1600xi32, #tpu.memory_space<vmem>> -> memref<80xi32, #tpu.memory_space<vmem>>
    %dma_start3A_14 = arith.constant 0 : i32
    %dma_start3A_15 = arith.constant 0 : i32
    %dma_start3A_16 = tpu.memref_slice %arg5[%dma_start3A_14, %dma_start3A_15] : memref<1000000x128xf32, #tpu.memory_space<hbm>> -> memref<1000000x128xf32, #tpu.memory_space<hbm>>
    tpu.enqueue_indirect_dma source(%dma_start3A_16 : memref<1000000x128xf32, #tpu.memory_space<hbm>>) target(%arg16 : memref<80x128xf32, #tpu.memory_space<vmem>>) offsets(%dma_start3A_13 : memref<80xi32, #tpu.memory_space<vmem>>) semaphore(%arg20 : memref<!tpu.dma_semaphore, #tpu.memory_space<semaphore_mem>>)
    %multiple_of3A_17 = arith.constant 160 : i32
    %multiple_of3A_18 = tpu.assume_multiple %multiple_of3A_17, 8 : i32
    %dma_start3A_19 = tpu.memref_slice %arg12[%multiple_of3A_18] : memref<1600xi32, #tpu.memory_space<vmem>> -> memref<80xi32, #tpu.memory_space<vmem>>
    %dma_start3A_20 = arith.constant 0 : i32
    %dma_start3A_21 = arith.constant 0 : i32
    %dma_start3A_22 = tpu.memref_slice %arg5[%dma_start3A_20, %dma_start3A_21] : memref<1000000x128xf32, #tpu.memory_space<hbm>> -> memref<1000000x128xf32, #tpu.memory_space<hbm>>
    tpu.enqueue_indirect_dma source(%dma_start3A_22 : memref<1000000x128xf32, #tpu.memory_space<hbm>>) target(%arg17 : memref<80x128xf32, #tpu.memory_space<vmem>>) offsets(%dma_start3A_19 : memref<80xi32, #tpu.memory_space<vmem>>) semaphore(%arg21 : memref<!tpu.dma_semaphore, #tpu.memory_space<semaphore_mem>>)
    %dma_start3A_23 = arith.constant 0 : i32
    %dma_start3A_24 = arith.constant 0 : i32
    %dma_start3A_25 = tpu.memref_slice %arg5[%dma_start3A_23, %dma_start3A_24] : memref<1000000x128xf32, #tpu.memory_space<hbm>> -> memref<1000000x128xf32, #tpu.memory_space<hbm>>
    tpu.enqueue_indirect_dma source(%dma_start3A_25 : memref<1000000x128xf32, #tpu.memory_space<hbm>>) target(%arg13 : memref<8x128xf32, #tpu.memory_space<vmem>>) offsets(%arg10 : memref<8xi32, #tpu.memory_space<vmem>>) semaphore(%arg27 : memref<!tpu.dma_semaphore, #tpu.memory_space<semaphore_mem>>)
    %dma_start3A_26 = arith.constant 0 : i32
    %dma_start3A_27 = arith.constant 0 : i32
    %dma_start3A_28 = tpu.memref_slice %arg6[%dma_start3A_26, %dma_start3A_27] : memref<1000x128xf32, #tpu.memory_space<hbm>> -> memref<1000x128xf32, #tpu.memory_space<hbm>>
    tpu.enqueue_indirect_dma source(%dma_start3A_28 : memref<1000x128xf32, #tpu.memory_space<hbm>>) target(%arg14 : memref<8x128xf32, #tpu.memory_space<vmem>>) offsets(%arg11 : memref<8xi32, #tpu.memory_space<vmem>>) semaphore(%arg27 : memref<!tpu.dma_semaphore, #tpu.memory_space<semaphore_mem>>)
    %scan3A = arith.constant 0 : i32
    %scan3A_29 = arith.constant 0 : i32
    %scan3A_30 = arith.constant 5 : i32
    %scan3A_31 = arith.addi %scan3A_29, %scan3A_30 : i32
    %scan3A_32 = arith.constant 1 : i32
    scf.for %scan3A_46 = %scan3A_29 to %scan3A_31 step %scan3A_32  : i32 {
      %mul3A_47 = arith.constant 4 : i32
      %mul3A_48 = arith.muli %scan3A_46, %mul3A_47 : i32
      %add3A_49 = arith.constant 0 : i32
      %add3A_50 = arith.addi %mul3A_48, %add3A_49 : i32
      %multiple_of3A_51 = arith.constant 0 : i32
      %multiple_of3A_52 = tpu.assume_multiple %multiple_of3A_51, 8 : i32
      %dma_wait3A_53 = tpu.memref_slice %arg12[%multiple_of3A_52] : memref<1600xi32, #tpu.memory_space<vmem>> -> memref<80xi32, #tpu.memory_space<vmem>>
      %dma_wait3A_54 = arith.constant 0 : i32
      %dma_wait3A_55 = arith.constant 0 : i32
      %dma_wait3A_56 = tpu.memref_slice %arg5[%dma_wait3A_54, %dma_wait3A_55] : memref<1000000x128xf32, #tpu.memory_space<hbm>> -> memref<1000000x128xf32, #tpu.memory_space<hbm>>
      tpu.wait_indirect_dma semaphore(%arg19 : memref<!tpu.dma_semaphore, #tpu.memory_space<semaphore_mem>>) src(%dma_wait3A_56 : memref<1000000x128xf32, #tpu.memory_space<hbm>>) dst(%arg15 : memref<80x128xf32, #tpu.memory_space<vmem>>)
      %ge3A = arith.constant 1 : i32
      %ge3A_57 = arith.cmpi sge, %add3A_50, %ge3A : i32
      %convert_element_type3A = arith.extui %ge3A_57 : i1 to i32
      %cond3A = arith.constant 0 : i32
      %cond3A_58 = arith.cmpi ne, %convert_element_type3A, %cond3A : i32
      scf.if %cond3A_58 {
        %add3A_164 = arith.constant 0 : i32
        %add3A_165 = arith.addi %multiple_of3A_5, %add3A_164 : i32
        %multiple_of3A_166 = tpu.assume_multiple %add3A_165, 8 : i32
        %dma_wait3A_167 = arith.constant 0 : i32
        %dma_wait3A_168 = tpu.memref_slice %arg9[%multiple_of3A_166, %dma_wait3A_167] : memref<51200x128xf32, #tpu.memory_space<hbm>> -> memref<80x128xf32, #tpu.memory_space<hbm>>
        %dma_wait3A_169 = arith.constant 0 : i32
        %dma_wait3A_170 = tpu.memref_slice %arg9[%multiple_of3A_166, %dma_wait3A_169] : memref<51200x128xf32, #tpu.memory_space<hbm>> -> memref<80x128xf32, #tpu.memory_space<hbm>>
        tpu.wait_dma2 semaphore(%arg26 : memref<!tpu.dma_semaphore, #tpu.memory_space<semaphore_mem>>) src(%arg18 : memref<80x128xf32, #tpu.memory_space<vmem>>) dst(%dma_wait3A_170 : memref<80x128xf32, #tpu.memory_space<hbm>>)
      } else {
      }
      %add3A_59 = arith.constant 4 : i32
      %add3A_60 = arith.addi %add3A_50, %add3A_59 : i32
      %sub3A = arith.constant 1 : i32
      %sub3A_61 = arith.subi %add3A_60, %sub3A : i32
      %lt3A = arith.constant 20 : i32
      %lt3A_62 = arith.cmpi slt, %sub3A_61, %lt3A : i32
      %convert_element_type3A_63 = arith.extui %lt3A_62 : i1 to i32
      %cond3A_64 = arith.constant 0 : i32
      %cond3A_65 = arith.cmpi ne, %convert_element_type3A_63, %cond3A_64 : i32
      scf.if %cond3A_65 {
        %mul3A_164 = arith.constant 80 : i32
        %mul3A_165 = arith.muli %sub3A_61, %mul3A_164 : i32
        %multiple_of3A_166 = tpu.assume_multiple %mul3A_165, 8 : i32
        %dma_start3A_167 = tpu.memref_slice %arg12[%multiple_of3A_166] : memref<1600xi32, #tpu.memory_space<vmem>> -> memref<80xi32, #tpu.memory_space<vmem>>
        %dma_start3A_168 = arith.constant 0 : i32
        %dma_start3A_169 = arith.constant 0 : i32
        %dma_start3A_170 = tpu.memref_slice %arg5[%dma_start3A_168, %dma_start3A_169] : memref<1000000x128xf32, #tpu.memory_space<hbm>> -> memref<1000000x128xf32, #tpu.memory_space<hbm>>
        tpu.enqueue_indirect_dma source(%dma_start3A_170 : memref<1000000x128xf32, #tpu.memory_space<hbm>>) target(%arg18 : memref<80x128xf32, #tpu.memory_space<vmem>>) offsets(%dma_start3A_167 : memref<80xi32, #tpu.memory_space<vmem>>) semaphore(%arg22 : memref<!tpu.dma_semaphore, #tpu.memory_space<semaphore_mem>>)
      } else {
      }
      %mul3A_66 = arith.constant 80 : i32
      %mul3A_67 = arith.muli %add3A_50, %mul3A_66 : i32
      %add3A_68 = arith.addi %multiple_of3A_5, %mul3A_67 : i32
      %multiple_of3A_69 = tpu.assume_multiple %add3A_68, 8 : i32
      %dma_start3A_70 = arith.constant 0 : i32
      %dma_start3A_71 = tpu.memref_slice %arg9[%multiple_of3A_69, %dma_start3A_70] : memref<51200x128xf32, #tpu.memory_space<hbm>> -> memref<80x128xf32, #tpu.memory_space<hbm>>
      %dma_start3A_72 = arith.constant 0 : i32
      %dma_start3A_73 = tpu.memref_slice %arg9[%multiple_of3A_69, %dma_start3A_72] : memref<51200x128xf32, #tpu.memory_space<hbm>> -> memref<80x128xf32, #tpu.memory_space<hbm>>
      tpu.enqueue_dma source(%arg15 : memref<80x128xf32, #tpu.memory_space<vmem>>) target(%dma_start3A_73 : memref<80x128xf32, #tpu.memory_space<hbm>>) target_semaphore(%arg23 : memref<!tpu.dma_semaphore, #tpu.memory_space<semaphore_mem>>)
      %add3A_74 = arith.constant 1 : i32
      %add3A_75 = arith.addi %mul3A_48, %add3A_74 : i32
      %multiple_of3A_76 = arith.constant 0 : i32
      %multiple_of3A_77 = tpu.assume_multiple %multiple_of3A_76, 8 : i32
      %dma_wait3A_78 = tpu.memref_slice %arg12[%multiple_of3A_77] : memref<1600xi32, #tpu.memory_space<vmem>> -> memref<80xi32, #tpu.memory_space<vmem>>
      %dma_wait3A_79 = arith.constant 0 : i32
      %dma_wait3A_80 = arith.constant 0 : i32
      %dma_wait3A_81 = tpu.memref_slice %arg5[%dma_wait3A_79, %dma_wait3A_80] : memref<1000000x128xf32, #tpu.memory_space<hbm>> -> memref<1000000x128xf32, #tpu.memory_space<hbm>>
      tpu.wait_indirect_dma semaphore(%arg20 : memref<!tpu.dma_semaphore, #tpu.memory_space<semaphore_mem>>) src(%dma_wait3A_81 : memref<1000000x128xf32, #tpu.memory_space<hbm>>) dst(%arg16 : memref<80x128xf32, #tpu.memory_space<vmem>>)
      %ge3A_82 = arith.constant 1 : i32
      %ge3A_83 = arith.cmpi sge, %add3A_75, %ge3A_82 : i32
      %convert_element_type3A_84 = arith.extui %ge3A_83 : i1 to i32
      %cond3A_85 = arith.constant 0 : i32
      %cond3A_86 = arith.cmpi ne, %convert_element_type3A_84, %cond3A_85 : i32
      scf.if %cond3A_86 {
        %add3A_164 = arith.constant 0 : i32
        %add3A_165 = arith.addi %multiple_of3A_5, %add3A_164 : i32
        %multiple_of3A_166 = tpu.assume_multiple %add3A_165, 8 : i32
        %dma_wait3A_167 = arith.constant 0 : i32
        %dma_wait3A_168 = tpu.memref_slice %arg9[%multiple_of3A_166, %dma_wait3A_167] : memref<51200x128xf32, #tpu.memory_space<hbm>> -> memref<80x128xf32, #tpu.memory_space<hbm>>
        %dma_wait3A_169 = arith.constant 0 : i32
        %dma_wait3A_170 = tpu.memref_slice %arg9[%multiple_of3A_166, %dma_wait3A_169] : memref<51200x128xf32, #tpu.memory_space<hbm>> -> memref<80x128xf32, #tpu.memory_space<hbm>>
        tpu.wait_dma2 semaphore(%arg23 : memref<!tpu.dma_semaphore, #tpu.memory_space<semaphore_mem>>) src(%arg15 : memref<80x128xf32, #tpu.memory_space<vmem>>) dst(%dma_wait3A_170 : memref<80x128xf32, #tpu.memory_space<hbm>>)
      } else {
      }
      %add3A_87 = arith.constant 4 : i32
      %add3A_88 = arith.addi %add3A_75, %add3A_87 : i32
      %sub3A_89 = arith.constant 1 : i32
      %sub3A_90 = arith.subi %add3A_88, %sub3A_89 : i32
      %lt3A_91 = arith.constant 20 : i32
      %lt3A_92 = arith.cmpi slt, %sub3A_90, %lt3A_91 : i32
      %convert_element_type3A_93 = arith.extui %lt3A_92 : i1 to i32
      %cond3A_94 = arith.constant 0 : i32
      %cond3A_95 = arith.cmpi ne, %convert_element_type3A_93, %cond3A_94 : i32
      scf.if %cond3A_95 {
        %mul3A_164 = arith.constant 80 : i32
        %mul3A_165 = arith.muli %sub3A_90, %mul3A_164 : i32
        %multiple_of3A_166 = tpu.assume_multiple %mul3A_165, 8 : i32
        %dma_start3A_167 = tpu.memref_slice %arg12[%multiple_of3A_166] : memref<1600xi32, #tpu.memory_space<vmem>> -> memref<80xi32, #tpu.memory_space<vmem>>
        %dma_start3A_168 = arith.constant 0 : i32
        %dma_start3A_169 = arith.constant 0 : i32
        %dma_start3A_170 = tpu.memref_slice %arg5[%dma_start3A_168, %dma_start3A_169] : memref<1000000x128xf32, #tpu.memory_space<hbm>> -> memref<1000000x128xf32, #tpu.memory_space<hbm>>
        tpu.enqueue_indirect_dma source(%dma_start3A_170 : memref<1000000x128xf32, #tpu.memory_space<hbm>>) target(%arg15 : memref<80x128xf32, #tpu.memory_space<vmem>>) offsets(%dma_start3A_167 : memref<80xi32, #tpu.memory_space<vmem>>) semaphore(%arg19 : memref<!tpu.dma_semaphore, #tpu.memory_space<semaphore_mem>>)
      } else {
      }
      %mul3A_96 = arith.constant 80 : i32
      %mul3A_97 = arith.muli %add3A_75, %mul3A_96 : i32
      %add3A_98 = arith.addi %multiple_of3A_5, %mul3A_97 : i32
      %multiple_of3A_99 = tpu.assume_multiple %add3A_98, 8 : i32
      %dma_start3A_100 = arith.constant 0 : i32
      %dma_start3A_101 = tpu.memref_slice %arg9[%multiple_of3A_99, %dma_start3A_100] : memref<51200x128xf32, #tpu.memory_space<hbm>> -> memref<80x128xf32, #tpu.memory_space<hbm>>
      %dma_start3A_102 = arith.constant 0 : i32
      %dma_start3A_103 = tpu.memref_slice %arg9[%multiple_of3A_99, %dma_start3A_102] : memref<51200x128xf32, #tpu.memory_space<hbm>> -> memref<80x128xf32, #tpu.memory_space<hbm>>
      tpu.enqueue_dma source(%arg16 : memref<80x128xf32, #tpu.memory_space<vmem>>) target(%dma_start3A_103 : memref<80x128xf32, #tpu.memory_space<hbm>>) target_semaphore(%arg24 : memref<!tpu.dma_semaphore, #tpu.memory_space<semaphore_mem>>)
      %add3A_104 = arith.constant 2 : i32
      %add3A_105 = arith.addi %mul3A_48, %add3A_104 : i32
      %multiple_of3A_106 = arith.constant 0 : i32
      %multiple_of3A_107 = tpu.assume_multiple %multiple_of3A_106, 8 : i32
      %dma_wait3A_108 = tpu.memref_slice %arg12[%multiple_of3A_107] : memref<1600xi32, #tpu.memory_space<vmem>> -> memref<80xi32, #tpu.memory_space<vmem>>
      %dma_wait3A_109 = arith.constant 0 : i32
      %dma_wait3A_110 = arith.constant 0 : i32
      %dma_wait3A_111 = tpu.memref_slice %arg5[%dma_wait3A_109, %dma_wait3A_110] : memref<1000000x128xf32, #tpu.memory_space<hbm>> -> memref<1000000x128xf32, #tpu.memory_space<hbm>>
      tpu.wait_indirect_dma semaphore(%arg21 : memref<!tpu.dma_semaphore, #tpu.memory_space<semaphore_mem>>) src(%dma_wait3A_111 : memref<1000000x128xf32, #tpu.memory_space<hbm>>) dst(%arg17 : memref<80x128xf32, #tpu.memory_space<vmem>>)
      %ge3A_112 = arith.constant 1 : i32
      %ge3A_113 = arith.cmpi sge, %add3A_105, %ge3A_112 : i32
      %convert_element_type3A_114 = arith.extui %ge3A_113 : i1 to i32
      %cond3A_115 = arith.constant 0 : i32
      %cond3A_116 = arith.cmpi ne, %convert_element_type3A_114, %cond3A_115 : i32
      scf.if %cond3A_116 {
        %add3A_164 = arith.constant 0 : i32
        %add3A_165 = arith.addi %multiple_of3A_5, %add3A_164 : i32
        %multiple_of3A_166 = tpu.assume_multiple %add3A_165, 8 : i32
        %dma_wait3A_167 = arith.constant 0 : i32
        %dma_wait3A_168 = tpu.memref_slice %arg9[%multiple_of3A_166, %dma_wait3A_167] : memref<51200x128xf32, #tpu.memory_space<hbm>> -> memref<80x128xf32, #tpu.memory_space<hbm>>
        %dma_wait3A_169 = arith.constant 0 : i32
        %dma_wait3A_170 = tpu.memref_slice %arg9[%multiple_of3A_166, %dma_wait3A_169] : memref<51200x128xf32, #tpu.memory_space<hbm>> -> memref<80x128xf32, #tpu.memory_space<hbm>>
        tpu.wait_dma2 semaphore(%arg24 : memref<!tpu.dma_semaphore, #tpu.memory_space<semaphore_mem>>) src(%arg16 : memref<80x128xf32, #tpu.memory_space<vmem>>) dst(%dma_wait3A_170 : memref<80x128xf32, #tpu.memory_space<hbm>>)
      } else {
      }
      %add3A_117 = arith.constant 4 : i32
      %add3A_118 = arith.addi %add3A_105, %add3A_117 : i32
      %sub3A_119 = arith.constant 1 : i32
      %sub3A_120 = arith.subi %add3A_118, %sub3A_119 : i32
      %lt3A_121 = arith.constant 20 : i32
      %lt3A_122 = arith.cmpi slt, %sub3A_120, %lt3A_121 : i32
      %convert_element_type3A_123 = arith.extui %lt3A_122 : i1 to i32
      %cond3A_124 = arith.constant 0 : i32
      %cond3A_125 = arith.cmpi ne, %convert_element_type3A_123, %cond3A_124 : i32
      scf.if %cond3A_125 {
        %mul3A_164 = arith.constant 80 : i32
        %mul3A_165 = arith.muli %sub3A_120, %mul3A_164 : i32
        %multiple_of3A_166 = tpu.assume_multiple %mul3A_165, 8 : i32
        %dma_start3A_167 = tpu.memref_slice %arg12[%multiple_of3A_166] : memref<1600xi32, #tpu.memory_space<vmem>> -> memref<80xi32, #tpu.memory_space<vmem>>
        %dma_start3A_168 = arith.constant 0 : i32
        %dma_start3A_169 = arith.constant 0 : i32
        %dma_start3A_170 = tpu.memref_slice %arg5[%dma_start3A_168, %dma_start3A_169] : memref<1000000x128xf32, #tpu.memory_space<hbm>> -> memref<1000000x128xf32, #tpu.memory_space<hbm>>
        tpu.enqueue_indirect_dma source(%dma_start3A_170 : memref<1000000x128xf32, #tpu.memory_space<hbm>>) target(%arg16 : memref<80x128xf32, #tpu.memory_space<vmem>>) offsets(%dma_start3A_167 : memref<80xi32, #tpu.memory_space<vmem>>) semaphore(%arg20 : memref<!tpu.dma_semaphore, #tpu.memory_space<semaphore_mem>>)
      } else {
      }
      %mul3A_126 = arith.constant 80 : i32
      %mul3A_127 = arith.muli %add3A_105, %mul3A_126 : i32
      %add3A_128 = arith.addi %multiple_of3A_5, %mul3A_127 : i32
      %multiple_of3A_129 = tpu.assume_multiple %add3A_128, 8 : i32
      %dma_start3A_130 = arith.constant 0 : i32
      %dma_start3A_131 = tpu.memref_slice %arg9[%multiple_of3A_129, %dma_start3A_130] : memref<51200x128xf32, #tpu.memory_space<hbm>> -> memref<80x128xf32, #tpu.memory_space<hbm>>
      %dma_start3A_132 = arith.constant 0 : i32
      %dma_start3A_133 = tpu.memref_slice %arg9[%multiple_of3A_129, %dma_start3A_132] : memref<51200x128xf32, #tpu.memory_space<hbm>> -> memref<80x128xf32, #tpu.memory_space<hbm>>
      tpu.enqueue_dma source(%arg17 : memref<80x128xf32, #tpu.memory_space<vmem>>) target(%dma_start3A_133 : memref<80x128xf32, #tpu.memory_space<hbm>>) target_semaphore(%arg25 : memref<!tpu.dma_semaphore, #tpu.memory_space<semaphore_mem>>)
      %add3A_134 = arith.constant 3 : i32
      %add3A_135 = arith.addi %mul3A_48, %add3A_134 : i32
      %multiple_of3A_136 = arith.constant 0 : i32
      %multiple_of3A_137 = tpu.assume_multiple %multiple_of3A_136, 8 : i32
      %dma_wait3A_138 = tpu.memref_slice %arg12[%multiple_of3A_137] : memref<1600xi32, #tpu.memory_space<vmem>> -> memref<80xi32, #tpu.memory_space<vmem>>
      %dma_wait3A_139 = arith.constant 0 : i32
      %dma_wait3A_140 = arith.constant 0 : i32
      %dma_wait3A_141 = tpu.memref_slice %arg5[%dma_wait3A_139, %dma_wait3A_140] : memref<1000000x128xf32, #tpu.memory_space<hbm>> -> memref<1000000x128xf32, #tpu.memory_space<hbm>>
      tpu.wait_indirect_dma semaphore(%arg22 : memref<!tpu.dma_semaphore, #tpu.memory_space<semaphore_mem>>) src(%dma_wait3A_141 : memref<1000000x128xf32, #tpu.memory_space<hbm>>) dst(%arg18 : memref<80x128xf32, #tpu.memory_space<vmem>>)
      %ge3A_142 = arith.constant 1 : i32
      %ge3A_143 = arith.cmpi sge, %add3A_135, %ge3A_142 : i32
      %convert_element_type3A_144 = arith.extui %ge3A_143 : i1 to i32
      %cond3A_145 = arith.constant 0 : i32
      %cond3A_146 = arith.cmpi ne, %convert_element_type3A_144, %cond3A_145 : i32
      scf.if %cond3A_146 {
        %add3A_164 = arith.constant 0 : i32
        %add3A_165 = arith.addi %multiple_of3A_5, %add3A_164 : i32
        %multiple_of3A_166 = tpu.assume_multiple %add3A_165, 8 : i32
        %dma_wait3A_167 = arith.constant 0 : i32
        %dma_wait3A_168 = tpu.memref_slice %arg9[%multiple_of3A_166, %dma_wait3A_167] : memref<51200x128xf32, #tpu.memory_space<hbm>> -> memref<80x128xf32, #tpu.memory_space<hbm>>
        %dma_wait3A_169 = arith.constant 0 : i32
        %dma_wait3A_170 = tpu.memref_slice %arg9[%multiple_of3A_166, %dma_wait3A_169] : memref<51200x128xf32, #tpu.memory_space<hbm>> -> memref<80x128xf32, #tpu.memory_space<hbm>>
        tpu.wait_dma2 semaphore(%arg25 : memref<!tpu.dma_semaphore, #tpu.memory_space<semaphore_mem>>) src(%arg17 : memref<80x128xf32, #tpu.memory_space<vmem>>) dst(%dma_wait3A_170 : memref<80x128xf32, #tpu.memory_space<hbm>>)
      } else {
      }
      %add3A_147 = arith.constant 4 : i32
      %add3A_148 = arith.addi %add3A_135, %add3A_147 : i32
      %sub3A_149 = arith.constant 1 : i32
      %sub3A_150 = arith.subi %add3A_148, %sub3A_149 : i32
      %lt3A_151 = arith.constant 20 : i32
      %lt3A_152 = arith.cmpi slt, %sub3A_150, %lt3A_151 : i32
      %convert_element_type3A_153 = arith.extui %lt3A_152 : i1 to i32
      %cond3A_154 = arith.constant 0 : i32
      %cond3A_155 = arith.cmpi ne, %convert_element_type3A_153, %cond3A_154 : i32
      scf.if %cond3A_155 {
        %mul3A_164 = arith.constant 80 : i32
        %mul3A_165 = arith.muli %sub3A_150, %mul3A_164 : i32
        %multiple_of3A_166 = tpu.assume_multiple %mul3A_165, 8 : i32
        %dma_start3A_167 = tpu.memref_slice %arg12[%multiple_of3A_166] : memref<1600xi32, #tpu.memory_space<vmem>> -> memref<80xi32, #tpu.memory_space<vmem>>
        %dma_start3A_168 = arith.constant 0 : i32
        %dma_start3A_169 = arith.constant 0 : i32
        %dma_start3A_170 = tpu.memref_slice %arg5[%dma_start3A_168, %dma_start3A_169] : memref<1000000x128xf32, #tpu.memory_space<hbm>> -> memref<1000000x128xf32, #tpu.memory_space<hbm>>
        tpu.enqueue_indirect_dma source(%dma_start3A_170 : memref<1000000x128xf32, #tpu.memory_space<hbm>>) target(%arg17 : memref<80x128xf32, #tpu.memory_space<vmem>>) offsets(%dma_start3A_167 : memref<80xi32, #tpu.memory_space<vmem>>) semaphore(%arg21 : memref<!tpu.dma_semaphore, #tpu.memory_space<semaphore_mem>>)
      } else {
      }
      %mul3A_156 = arith.constant 80 : i32
      %mul3A_157 = arith.muli %add3A_135, %mul3A_156 : i32
      %add3A_158 = arith.addi %multiple_of3A_5, %mul3A_157 : i32
      %multiple_of3A_159 = tpu.assume_multiple %add3A_158, 8 : i32
      %dma_start3A_160 = arith.constant 0 : i32
      %dma_start3A_161 = tpu.memref_slice %arg9[%multiple_of3A_159, %dma_start3A_160] : memref<51200x128xf32, #tpu.memory_space<hbm>> -> memref<80x128xf32, #tpu.memory_space<hbm>>
      %dma_start3A_162 = arith.constant 0 : i32
      %dma_start3A_163 = tpu.memref_slice %arg9[%multiple_of3A_159, %dma_start3A_162] : memref<51200x128xf32, #tpu.memory_space<hbm>> -> memref<80x128xf32, #tpu.memory_space<hbm>>
      tpu.enqueue_dma source(%arg18 : memref<80x128xf32, #tpu.memory_space<vmem>>) target(%dma_start3A_163 : memref<80x128xf32, #tpu.memory_space<hbm>>) target_semaphore(%arg26 : memref<!tpu.dma_semaphore, #tpu.memory_space<semaphore_mem>>)
    }
    %scan3A_33 = arith.constant 5 : i32
    %add3A_34 = arith.constant 0 : i32
    %add3A_35 = arith.addi %multiple_of3A_5, %add3A_34 : i32
    %multiple_of3A_36 = tpu.assume_multiple %add3A_35, 8 : i32
    %dma_wait3A = arith.constant 0 : i32
    %dma_wait3A_37 = tpu.memref_slice %arg9[%multiple_of3A_36, %dma_wait3A] : memref<51200x128xf32, #tpu.memory_space<hbm>> -> memref<80x128xf32, #tpu.memory_space<hbm>>
    %dma_wait3A_38 = arith.constant 0 : i32
    %dma_wait3A_39 = tpu.memref_slice %arg9[%multiple_of3A_36, %dma_wait3A_38] : memref<51200x128xf32, #tpu.memory_space<hbm>> -> memref<80x128xf32, #tpu.memory_space<hbm>>
    tpu.wait_dma2 semaphore(%arg26 : memref<!tpu.dma_semaphore, #tpu.memory_space<semaphore_mem>>) src(%arg18 : memref<80x128xf32, #tpu.memory_space<vmem>>) dst(%dma_wait3A_39 : memref<80x128xf32, #tpu.memory_space<hbm>>)
    %dma_wait3A_40 = arith.constant 0 : i32
    %dma_wait3A_41 = arith.constant 0 : i32
    %dma_wait3A_42 = tpu.memref_slice %arg5[%dma_wait3A_40, %dma_wait3A_41] : memref<1000000x128xf32, #tpu.memory_space<hbm>> -> memref<1000000x128xf32, #tpu.memory_space<hbm>>
    tpu.wait_indirect_dma semaphore(%arg27 : memref<!tpu.dma_semaphore, #tpu.memory_space<semaphore_mem>>) src(%dma_wait3A_42 : memref<1000000x128xf32, #tpu.memory_space<hbm>>) dst(%arg13 : memref<8x128xf32, #tpu.memory_space<vmem>>)
    %dma_wait3A_43 = arith.constant 0 : i32
    %dma_wait3A_44 = arith.constant 0 : i32
    %dma_wait3A_45 = tpu.memref_slice %arg6[%dma_wait3A_43, %dma_wait3A_44] : memref<1000x128xf32, #tpu.memory_space<hbm>> -> memref<1000x128xf32, #tpu.memory_space<hbm>>
    tpu.wait_indirect_dma semaphore(%arg27 : memref<!tpu.dma_semaphore, #tpu.memory_space<semaphore_mem>>) src(%dma_wait3A_45 : memref<1000x128xf32, #tpu.memory_space<hbm>>) dst(%arg14 : memref<8x128xf32, #tpu.memory_space<vmem>>)
    "tpu.region"() ({
      %run_scoped3A = tpu.sem_alloc : memref<!tpu.dma_semaphore, #tpu.memory_space<semaphore_mem>>
      %dma_start3A_46 = arith.constant 0 : i32
      %dma_start3A_47 = tpu.memref_slice %arg7[%multiple_of3A, %dma_start3A_46] : memref<256x128xf32, #tpu.memory_space<hbm>> -> memref<8x128xf32, #tpu.memory_space<hbm>>
      %dma_start3A_48 = arith.constant 0 : i32
      %dma_start3A_49 = tpu.memref_slice %arg7[%multiple_of3A, %dma_start3A_48] : memref<256x128xf32, #tpu.memory_space<hbm>> -> memref<8x128xf32, #tpu.memory_space<hbm>>
      tpu.enqueue_dma source(%arg13 : memref<8x128xf32, #tpu.memory_space<vmem>>) target(%dma_start3A_49 : memref<8x128xf32, #tpu.memory_space<hbm>>) target_semaphore(%run_scoped3A : memref<!tpu.dma_semaphore, #tpu.memory_space<semaphore_mem>>)
      %dma_wait3A_50 = arith.constant 0 : i32
      %dma_wait3A_51 = tpu.memref_slice %arg7[%multiple_of3A, %dma_wait3A_50] : memref<256x128xf32, #tpu.memory_space<hbm>> -> memref<8x128xf32, #tpu.memory_space<hbm>>
      %dma_wait3A_52 = arith.constant 0 : i32
      %dma_wait3A_53 = tpu.memref_slice %arg7[%multiple_of3A, %dma_wait3A_52] : memref<256x128xf32, #tpu.memory_space<hbm>> -> memref<8x128xf32, #tpu.memory_space<hbm>>
      tpu.wait_dma2 semaphore(%run_scoped3A : memref<!tpu.dma_semaphore, #tpu.memory_space<semaphore_mem>>) src(%arg13 : memref<8x128xf32, #tpu.memory_space<vmem>>) dst(%dma_wait3A_53 : memref<8x128xf32, #tpu.memory_space<hbm>>)
      tpu.yield
    }) : () -> ()
    "tpu.region"() ({
      %run_scoped3A = tpu.sem_alloc : memref<!tpu.dma_semaphore, #tpu.memory_space<semaphore_mem>>
      %dma_start3A_46 = arith.constant 0 : i32
      %dma_start3A_47 = tpu.memref_slice %arg8[%multiple_of3A, %dma_start3A_46] : memref<256x128xf32, #tpu.memory_space<hbm>> -> memref<8x128xf32, #tpu.memory_space<hbm>>
      %dma_start3A_48 = arith.constant 0 : i32
      %dma_start3A_49 = tpu.memref_slice %arg8[%multiple_of3A, %dma_start3A_48] : memref<256x128xf32, #tpu.memory_space<hbm>> -> memref<8x128xf32, #tpu.memory_space<hbm>>
      tpu.enqueue_dma source(%arg14 : memref<8x128xf32, #tpu.memory_space<vmem>>) target(%dma_start3A_49 : memref<8x128xf32, #tpu.memory_space<hbm>>) target_semaphore(%run_scoped3A : memref<!tpu.dma_semaphore, #tpu.memory_space<semaphore_mem>>)
      %dma_wait3A_50 = arith.constant 0 : i32
      %dma_wait3A_51 = tpu.memref_slice %arg8[%multiple_of3A, %dma_wait3A_50] : memref<256x128xf32, #tpu.memory_space<hbm>> -> memref<8x128xf32, #tpu.memory_space<hbm>>
      %dma_wait3A_52 = arith.constant 0 : i32
      %dma_wait3A_53 = tpu.memref_slice %arg8[%multiple_of3A, %dma_wait3A_52] : memref<256x128xf32, #tpu.memory_space<hbm>> -> memref<8x128xf32, #tpu.memory_space<hbm>>
      tpu.wait_dma2 semaphore(%run_scoped3A : memref<!tpu.dma_semaphore, #tpu.memory_space<semaphore_mem>>) src(%arg14 : memref<8x128xf32, #tpu.memory_space<vmem>>) dst(%dma_wait3A_53 : memref<8x128xf32, #tpu.memory_space<hbm>>)
      tpu.yield
    }) : () -> ()
    return
  }
}

#map = affine_map<(d0, d1) -> (0)>
#map1 = affine_map<(d0, d1) -> (0, 0)>
module attributes {stable_mosaic.version = 14 : i64} {
  func.func @sc_gather(%arg0: i32, %arg1: i32, %arg2: memref<256xi32, #tpu.memory_space<hbm>>, %arg3: memref<256xi32, #tpu.memory_space<hbm>>, %arg4: memref<51200xi32, #tpu.memory_space<hbm>>, %arg5: memref<1000000x128xf32, #tpu.memory_space<hbm>>, %arg6: memref<1000x128xf32, #tpu.memory_space<hbm>>, %arg7: memref<256x128xf32, #tpu.memory_space<hbm>>, %arg8: memref<256x128xf32, #tpu.memory_space<hbm>>, %arg9: memref<51200x128xf32, #tpu.memory_space<hbm>>, %arg10: memref<8xi32, #tpu.memory_space<vmem>>, %arg11: memref<8xi32, #tpu.memory_space<vmem>>, %arg12: memref<1600xi32, #tpu.memory_space<vmem>>, %arg13: memref<8x128xf32, #tpu.memory_space<vmem>>, %arg14: memref<8x128xf32, #tpu.memory_space<vmem>>, %arg15: memref<80x128xf32, #tpu.memory_space<vmem>>, %arg16: memref<80x128xf32, #tpu.memory_space<vmem>>, %arg17: memref<80x128xf32, #tpu.memory_space<vmem>>, %arg18: memref<80x128xf32, #tpu.memory_space<vmem>>, %arg19: memref<!tpu.dma_semaphore, #tpu.memory_space<semaphore_mem>>, %arg20: memref<!tpu.dma_semaphore, #tpu.memory_space<semaphore_mem>>, %arg21: memref<!tpu.dma_semaphore, #tpu.memory_space<semaphore_mem>>, %arg22: memref<!tpu.dma_semaphore, #tpu.memory_space<semaphore_mem>>, %arg23: memref<!tpu.dma_semaphore, #tpu.memory_space<semaphore_mem>>, %arg24: memref<!tpu.dma_semaphore, #tpu.memory_space<semaphore_mem>>, %arg25: memref<!tpu.dma_semaphore, #tpu.memory_space<semaphore_mem>>, %arg26: memref<!tpu.dma_semaphore, #tpu.memory_space<semaphore_mem>>, %arg27: memref<!tpu.dma_semaphore, #tpu.memory_space<semaphore_mem>>) attributes {dimension_semantics = [#tpu.dimension_semantics<core_parallel>, #tpu.dimension_semantics<subcore_parallel>], iteration_bounds = array<i64: 2, 16>, scalar_prefetch = 0 : i64, scratch_operands = 18 : i64, tpu.core_type = #tpu.core_type<sc_vector_subcore>, window_params = [{transform_indices = #map}, {transform_indices = #map}, {transform_indices = #map}, {transform_indices = #map1}, {transform_indices = #map1}, {transform_indices = #map1}, {transform_indices = #map1}, {transform_indices = #map1}]} {
    %mul3A = arith.constant 2 : i32
    %mul3A_0 = arith.muli %arg1, %mul3A : i32
    %add3A = arith.addi %mul3A_0, %arg0 : i32
    %mul3A_1 = arith.constant 8 : i32
    %mul3A_2 = arith.muli %add3A, %mul3A_1 : i32
    %multiple_of3A = tpu.assume_multiple %mul3A_2, 8 : i32
    %mul3A_3 = arith.constant 1600 : i32
    %mul3A_4 = arith.muli %add3A, %mul3A_3 : i32
    %multiple_of3A_5 = tpu.assume_multiple %mul3A_4, 8 : i32
    "tpu.region"() ({
      %run_scoped3A = tpu.sem_alloc : memref<!tpu.dma_semaphore, #tpu.memory_space<semaphore_mem>>
      %dma_start3A_46 = tpu.memref_slice %arg2[%multiple_of3A] : memref<256xi32, #tpu.memory_space<hbm>> -> memref<8xi32, #tpu.memory_space<hbm>>
      %dma_start3A_47 = tpu.memref_slice %arg2[%multiple_of3A] : memref<256xi32, #tpu.memory_space<hbm>> -> memref<8xi32, #tpu.memory_space<hbm>>
      tpu.enqueue_dma source(%dma_start3A_47 : memref<8xi32, #tpu.memory_space<hbm>>) target(%arg10 : memref<8xi32, #tpu.memory_space<vmem>>) target_semaphore(%run_scoped3A : memref<!tpu.dma_semaphore, #tpu.memory_space<semaphore_mem>>)
      %dma_wait3A_48 = tpu.memref_slice %arg2[%multiple_of3A] : memref<256xi32, #tpu.memory_space<hbm>> -> memref<8xi32, #tpu.memory_space<hbm>>
      %dma_wait3A_49 = tpu.memref_slice %arg2[%multiple_of3A] : memref<256xi32, #tpu.memory_space<hbm>> -> memref<8xi32, #tpu.memory_space<hbm>>
      tpu.wait_dma2 semaphore(%run_scoped3A : memref<!tpu.dma_semaphore, #tpu.memory_space<semaphore_mem>>) src(%dma_wait3A_49 : memref<8xi32, #tpu.memory_space<hbm>>) dst(%arg10 : memref<8xi32, #tpu.memory_space<vmem>>)
      tpu.yield
    }) : () -> ()
    "tpu.region"() ({
      %run_scoped3A = tpu.sem_alloc : memref<!tpu.dma_semaphore, #tpu.memory_space<semaphore_mem>>
      %dma_start3A_46 = tpu.memref_slice %arg3[%multiple_of3A] : memref<256xi32, #tpu.memory_space<hbm>> -> memref<8xi32, #tpu.memory_space<hbm>>
      %dma_start3A_47 = tpu.memref_slice %arg3[%multiple_of3A] : memref<256xi32, #tpu.memory_space<hbm>> -> memref<8xi32, #tpu.memory_space<hbm>>
      tpu.enqueue_dma source(%dma_start3A_47 : memref<8xi32, #tpu.memory_space<hbm>>) target(%arg11 : memref<8xi32, #tpu.memory_space<vmem>>) target_semaphore(%run_scoped3A : memref<!tpu.dma_semaphore, #tpu.memory_space<semaphore_mem>>)
      %dma_wait3A_48 = tpu.memref_slice %arg3[%multiple_of3A] : memref<256xi32, #tpu.memory_space<hbm>> -> memref<8xi32, #tpu.memory_space<hbm>>
      %dma_wait3A_49 = tpu.memref_slice %arg3[%multiple_of3A] : memref<256xi32, #tpu.memory_space<hbm>> -> memref<8xi32, #tpu.memory_space<hbm>>
      tpu.wait_dma2 semaphore(%run_scoped3A : memref<!tpu.dma_semaphore, #tpu.memory_space<semaphore_mem>>) src(%dma_wait3A_49 : memref<8xi32, #tpu.memory_space<hbm>>) dst(%arg11 : memref<8xi32, #tpu.memory_space<vmem>>)
      tpu.yield
    }) : () -> ()
    "tpu.region"() ({
      %run_scoped3A = tpu.sem_alloc : memref<!tpu.dma_semaphore, #tpu.memory_space<semaphore_mem>>
      %dma_start3A_46 = tpu.memref_slice %arg4[%multiple_of3A_5] : memref<51200xi32, #tpu.memory_space<hbm>> -> memref<1600xi32, #tpu.memory_space<hbm>>
      %dma_start3A_47 = tpu.memref_slice %arg4[%multiple_of3A_5] : memref<51200xi32, #tpu.memory_space<hbm>> -> memref<1600xi32, #tpu.memory_space<hbm>>
      tpu.enqueue_dma source(%dma_start3A_47 : memref<1600xi32, #tpu.memory_space<hbm>>) target(%arg12 : memref<1600xi32, #tpu.memory_space<vmem>>) target_semaphore(%run_scoped3A : memref<!tpu.dma_semaphore, #tpu.memory_space<semaphore_mem>>)
      %dma_wait3A_48 = tpu.memref_slice %arg4[%multiple_of3A_5] : memref<51200xi32, #tpu.memory_space<hbm>> -> memref<1600xi32, #tpu.memory_space<hbm>>
      %dma_wait3A_49 = tpu.memref_slice %arg4[%multiple_of3A_5] : memref<51200xi32, #tpu.memory_space<hbm>> -> memref<1600xi32, #tpu.memory_space<hbm>>
      tpu.wait_dma2 semaphore(%run_scoped3A : memref<!tpu.dma_semaphore, #tpu.memory_space<semaphore_mem>>) src(%dma_wait3A_49 : memref<1600xi32, #tpu.memory_space<hbm>>) dst(%arg12 : memref<1600xi32, #tpu.memory_space<vmem>>)
      tpu.yield
    }) : () -> ()
    %multiple_of3A_6 = arith.constant 0 : i32
    %multiple_of3A_7 = tpu.assume_multiple %multiple_of3A_6, 8 : i32
    %dma_start3A = tpu.memref_slice %arg12[%multiple_of3A_7] : memref<1600xi32, #tpu.memory_space<vmem>> -> memref<80xi32, #tpu.memory_space<vmem>>
    %dma_start3A_8 = arith.constant 0 : i32
    %dma_start3A_9 = arith.constant 0 : i32
    %dma_start3A_10 = tpu.memref_slice %arg5[%dma_start3A_8, %dma_start3A_9] : memref<1000000x128xf32, #tpu.memory_space<hbm>> -> memref<1000000x128xf32, #tpu.memory_space<hbm>>
    tpu.enqueue_indirect_dma source(%dma_start3A_10 : memref<1000000x128xf32, #tpu.memory_space<hbm>>) target(%arg15 : memref<80x128xf32, #tpu.memory_space<vmem>>) offsets(%dma_start3A : memref<80xi32, #tpu.memory_space<vmem>>) semaphore(%arg19 : memref<!tpu.dma_semaphore, #tpu.memory_space<semaphore_mem>>)
    %multiple_of3A_11 = arith.constant 80 : i32
    %multiple_of3A_12 = tpu.assume_multiple %multiple_of3A_11, 8 : i32
    %dma_start3A_13 = tpu.memref_slice %arg12[%multiple_of3A_12] : memref<1600xi32, #tpu.memory_space<vmem>> -> memref<80xi32, #tpu.memory_space<vmem>>
    %dma_start3A_14 = arith.constant 0 : i32
    %dma_start3A_15 = arith.constant 0 : i32
    %dma_start3A_16 = tpu.memref_slice %arg5[%dma_start3A_14, %dma_start3A_15] : memref<1000000x128xf32, #tpu.memory_space<hbm>> -> memref<1000000x128xf32, #tpu.memory_space<hbm>>
    tpu.enqueue_indirect_dma source(%dma_start3A_16 : memref<1000000x128xf32, #tpu.memory_space<hbm>>) target(%arg16 : memref<80x128xf32, #tpu.memory_space<vmem>>) offsets(%dma_start3A_13 : memref<80xi32, #tpu.memory_space<vmem>>) semaphore(%arg20 : memref<!tpu.dma_semaphore, #tpu.memory_space<semaphore_mem>>)
    %multiple_of3A_17 = arith.constant 160 : i32
    %multiple_of3A_18 = tpu.assume_multiple %multiple_of3A_17, 8 : i32
    %dma_start3A_19 = tpu.memref_slice %arg12[%multiple_of3A_18] : memref<1600xi32, #tpu.memory_space<vmem>> -> memref<80xi32, #tpu.memory_space<vmem>>
    %dma_start3A_20 = arith.constant 0 : i32
    %dma_start3A_21 = arith.constant 0 : i32
    %dma_start3A_22 = tpu.memref_slice %arg5[%dma_start3A_20, %dma_start3A_21] : memref<1000000x128xf32, #tpu.memory_space<hbm>> -> memref<1000000x128xf32, #tpu.memory_space<hbm>>
    tpu.enqueue_indirect_dma source(%dma_start3A_22 : memref<1000000x128xf32, #tpu.memory_space<hbm>>) target(%arg17 : memref<80x128xf32, #tpu.memory_space<vmem>>) offsets(%dma_start3A_19 : memref<80xi32, #tpu.memory_space<vmem>>) semaphore(%arg21 : memref<!tpu.dma_semaphore, #tpu.memory_space<semaphore_mem>>)
    %dma_start3A_23 = arith.constant 0 : i32
    %dma_start3A_24 = arith.constant 0 : i32
    %dma_start3A_25 = tpu.memref_slice %arg5[%dma_start3A_23, %dma_start3A_24] : memref<1000000x128xf32, #tpu.memory_space<hbm>> -> memref<1000000x128xf32, #tpu.memory_space<hbm>>
    tpu.enqueue_indirect_dma source(%dma_start3A_25 : memref<1000000x128xf32, #tpu.memory_space<hbm>>) target(%arg13 : memref<8x128xf32, #tpu.memory_space<vmem>>) offsets(%arg10 : memref<8xi32, #tpu.memory_space<vmem>>) semaphore(%arg27 : memref<!tpu.dma_semaphore, #tpu.memory_space<semaphore_mem>>)
    %dma_start3A_26 = arith.constant 0 : i32
    %dma_start3A_27 = arith.constant 0 : i32
    %dma_start3A_28 = tpu.memref_slice %arg6[%dma_start3A_26, %dma_start3A_27] : memref<1000x128xf32, #tpu.memory_space<hbm>> -> memref<1000x128xf32, #tpu.memory_space<hbm>>
    tpu.enqueue_indirect_dma source(%dma_start3A_28 : memref<1000x128xf32, #tpu.memory_space<hbm>>) target(%arg14 : memref<8x128xf32, #tpu.memory_space<vmem>>) offsets(%arg11 : memref<8xi32, #tpu.memory_space<vmem>>) semaphore(%arg27 : memref<!tpu.dma_semaphore, #tpu.memory_space<semaphore_mem>>)
    %scan3A = arith.constant 0 : i32
    %scan3A_29 = arith.constant 0 : i32
    %scan3A_30 = arith.constant 5 : i32
    %scan3A_31 = arith.addi %scan3A_29, %scan3A_30 : i32
    %scan3A_32 = arith.constant 1 : i32
    scf.for %scan3A_46 = %scan3A_29 to %scan3A_31 step %scan3A_32  : i32 {
      %mul3A_47 = arith.constant 4 : i32
      %mul3A_48 = arith.muli %scan3A_46, %mul3A_47 : i32
      %add3A_49 = arith.constant 0 : i32
      %add3A_50 = arith.addi %mul3A_48, %add3A_49 : i32
      %multiple_of3A_51 = arith.constant 0 : i32
      %multiple_of3A_52 = tpu.assume_multiple %multiple_of3A_51, 8 : i32
      %dma_wait3A_53 = tpu.memref_slice %arg12[%multiple_of3A_52] : memref<1600xi32, #tpu.memory_space<vmem>> -> memref<80xi32, #tpu.memory_space<vmem>>
      %dma_wait3A_54 = arith.constant 0 : i32
      %dma_wait3A_55 = arith.constant 0 : i32
      %dma_wait3A_56 = tpu.memref_slice %arg5[%dma_wait3A_54, %dma_wait3A_55] : memref<1000000x128xf32, #tpu.memory_space<hbm>> -> memref<1000000x128xf32, #tpu.memory_space<hbm>>
      tpu.wait_indirect_dma semaphore(%arg19 : memref<!tpu.dma_semaphore, #tpu.memory_space<semaphore_mem>>) src(%dma_wait3A_56 : memref<1000000x128xf32, #tpu.memory_space<hbm>>) dst(%arg15 : memref<80x128xf32, #tpu.memory_space<vmem>>)
      %ge3A = arith.constant 1 : i32
      %ge3A_57 = arith.cmpi sge, %add3A_50, %ge3A : i32
      %convert_element_type3A = arith.extui %ge3A_57 : i1 to i32
      %cond3A = arith.constant 0 : i32
      %cond3A_58 = arith.cmpi ne, %convert_element_type3A, %cond3A : i32
      scf.if %cond3A_58 {
        %add3A_164 = arith.constant 0 : i32
        %add3A_165 = arith.addi %multiple_of3A_5, %add3A_164 : i32
        %multiple_of3A_166 = tpu.assume_multiple %add3A_165, 8 : i32
        %dma_wait3A_167 = arith.constant 0 : i32
        %dma_wait3A_168 = tpu.memref_slice %arg9[%multiple_of3A_166, %dma_wait3A_167] : memref<51200x128xf32, #tpu.memory_space<hbm>> -> memref<80x128xf32, #tpu.memory_space<hbm>>
        %dma_wait3A_169 = arith.constant 0 : i32
        %dma_wait3A_170 = tpu.memref_slice %arg9[%multiple_of3A_166, %dma_wait3A_169] : memref<51200x128xf32, #tpu.memory_space<hbm>> -> memref<80x128xf32, #tpu.memory_space<hbm>>
        tpu.wait_dma2 semaphore(%arg26 : memref<!tpu.dma_semaphore, #tpu.memory_space<semaphore_mem>>) src(%arg18 : memref<80x128xf32, #tpu.memory_space<vmem>>) dst(%dma_wait3A_170 : memref<80x128xf32, #tpu.memory_space<hbm>>)
      } else {
      }
      %add3A_59 = arith.constant 4 : i32
      %add3A_60 = arith.addi %add3A_50, %add3A_59 : i32
      %sub3A = arith.constant 1 : i32
      %sub3A_61 = arith.subi %add3A_60, %sub3A : i32
      %lt3A = arith.constant 20 : i32
      %lt3A_62 = arith.cmpi slt, %sub3A_61, %lt3A : i32
      %convert_element_type3A_63 = arith.extui %lt3A_62 : i1 to i32
      %cond3A_64 = arith.constant 0 : i32
      %cond3A_65 = arith.cmpi ne, %convert_element_type3A_63, %cond3A_64 : i32
      scf.if %cond3A_65 {
        %mul3A_164 = arith.constant 80 : i32
        %mul3A_165 = arith.muli %sub3A_61, %mul3A_164 : i32
        %multiple_of3A_166 = tpu.assume_multiple %mul3A_165, 8 : i32
        %dma_start3A_167 = tpu.memref_slice %arg12[%multiple_of3A_166] : memref<1600xi32, #tpu.memory_space<vmem>> -> memref<80xi32, #tpu.memory_space<vmem>>
        %dma_start3A_168 = arith.constant 0 : i32
        %dma_start3A_169 = arith.constant 0 : i32
        %dma_start3A_170 = tpu.memref_slice %arg5[%dma_start3A_168, %dma_start3A_169] : memref<1000000x128xf32, #tpu.memory_space<hbm>> -> memref<1000000x128xf32, #tpu.memory_space<hbm>>
        tpu.enqueue_indirect_dma source(%dma_start3A_170 : memref<1000000x128xf32, #tpu.memory_space<hbm>>) target(%arg18 : memref<80x128xf32, #tpu.memory_space<vmem>>) offsets(%dma_start3A_167 : memref<80xi32, #tpu.memory_space<vmem>>) semaphore(%arg22 : memref<!tpu.dma_semaphore, #tpu.memory_space<semaphore_mem>>)
      } else {
      }
      %mul3A_66 = arith.constant 80 : i32
      %mul3A_67 = arith.muli %add3A_50, %mul3A_66 : i32
      %add3A_68 = arith.addi %multiple_of3A_5, %mul3A_67 : i32
      %multiple_of3A_69 = tpu.assume_multiple %add3A_68, 8 : i32
      %dma_start3A_70 = arith.constant 0 : i32
      %dma_start3A_71 = tpu.memref_slice %arg9[%multiple_of3A_69, %dma_start3A_70] : memref<51200x128xf32, #tpu.memory_space<hbm>> -> memref<80x128xf32, #tpu.memory_space<hbm>>
      %dma_start3A_72 = arith.constant 0 : i32
      %dma_start3A_73 = tpu.memref_slice %arg9[%multiple_of3A_69, %dma_start3A_72] : memref<51200x128xf32, #tpu.memory_space<hbm>> -> memref<80x128xf32, #tpu.memory_space<hbm>>
      tpu.enqueue_dma source(%arg15 : memref<80x128xf32, #tpu.memory_space<vmem>>) target(%dma_start3A_73 : memref<80x128xf32, #tpu.memory_space<hbm>>) target_semaphore(%arg23 : memref<!tpu.dma_semaphore, #tpu.memory_space<semaphore_mem>>)
      %add3A_74 = arith.constant 1 : i32
      %add3A_75 = arith.addi %mul3A_48, %add3A_74 : i32
      %multiple_of3A_76 = arith.constant 0 : i32
      %multiple_of3A_77 = tpu.assume_multiple %multiple_of3A_76, 8 : i32
      %dma_wait3A_78 = tpu.memref_slice %arg12[%multiple_of3A_77] : memref<1600xi32, #tpu.memory_space<vmem>> -> memref<80xi32, #tpu.memory_space<vmem>>
      %dma_wait3A_79 = arith.constant 0 : i32
      %dma_wait3A_80 = arith.constant 0 : i32
      %dma_wait3A_81 = tpu.memref_slice %arg5[%dma_wait3A_79, %dma_wait3A_80] : memref<1000000x128xf32, #tpu.memory_space<hbm>> -> memref<1000000x128xf32, #tpu.memory_space<hbm>>
      tpu.wait_indirect_dma semaphore(%arg20 : memref<!tpu.dma_semaphore, #tpu.memory_space<semaphore_mem>>) src(%dma_wait3A_81 : memref<1000000x128xf32, #tpu.memory_space<hbm>>) dst(%arg16 : memref<80x128xf32, #tpu.memory_space<vmem>>)
      %ge3A_82 = arith.constant 1 : i32
      %ge3A_83 = arith.cmpi sge, %add3A_75, %ge3A_82 : i32
      %convert_element_type3A_84 = arith.extui %ge3A_83 : i1 to i32
      %cond3A_85 = arith.constant 0 : i32
      %cond3A_86 = arith.cmpi ne, %convert_element_type3A_84, %cond3A_85 : i32
      scf.if %cond3A_86 {
        %add3A_164 = arith.constant 0 : i32
        %add3A_165 = arith.addi %multiple_of3A_5, %add3A_164 : i32
        %multiple_of3A_166 = tpu.assume_multiple %add3A_165, 8 : i32
        %dma_wait3A_167 = arith.constant 0 : i32
        %dma_wait3A_168 = tpu.memref_slice %arg9[%multiple_of3A_166, %dma_wait3A_167] : memref<51200x128xf32, #tpu.memory_space<hbm>> -> memref<80x128xf32, #tpu.memory_space<hbm>>
        %dma_wait3A_169 = arith.constant 0 : i32
        %dma_wait3A_170 = tpu.memref_slice %arg9[%multiple_of3A_166, %dma_wait3A_169] : memref<51200x128xf32, #tpu.memory_space<hbm>> -> memref<80x128xf32, #tpu.memory_space<hbm>>
        tpu.wait_dma2 semaphore(%arg23 : memref<!tpu.dma_semaphore, #tpu.memory_space<semaphore_mem>>) src(%arg15 : memref<80x128xf32, #tpu.memory_space<vmem>>) dst(%dma_wait3A_170 : memref<80x128xf32, #tpu.memory_space<hbm>>)
      } else {
      }
      %add3A_87 = arith.constant 4 : i32
      %add3A_88 = arith.addi %add3A_75, %add3A_87 : i32
      %sub3A_89 = arith.constant 1 : i32
      %sub3A_90 = arith.subi %add3A_88, %sub3A_89 : i32
      %lt3A_91 = arith.constant 20 : i32
      %lt3A_92 = arith.cmpi slt, %sub3A_90, %lt3A_91 : i32
      %convert_element_type3A_93 = arith.extui %lt3A_92 : i1 to i32
      %cond3A_94 = arith.constant 0 : i32
      %cond3A_95 = arith.cmpi ne, %convert_element_type3A_93, %cond3A_94 : i32
      scf.if %cond3A_95 {
        %mul3A_164 = arith.constant 80 : i32
        %mul3A_165 = arith.muli %sub3A_90, %mul3A_164 : i32
        %multiple_of3A_166 = tpu.assume_multiple %mul3A_165, 8 : i32
        %dma_start3A_167 = tpu.memref_slice %arg12[%multiple_of3A_166] : memref<1600xi32, #tpu.memory_space<vmem>> -> memref<80xi32, #tpu.memory_space<vmem>>
        %dma_start3A_168 = arith.constant 0 : i32
        %dma_start3A_169 = arith.constant 0 : i32
        %dma_start3A_170 = tpu.memref_slice %arg5[%dma_start3A_168, %dma_start3A_169] : memref<1000000x128xf32, #tpu.memory_space<hbm>> -> memref<1000000x128xf32, #tpu.memory_space<hbm>>
        tpu.enqueue_indirect_dma source(%dma_start3A_170 : memref<1000000x128xf32, #tpu.memory_space<hbm>>) target(%arg15 : memref<80x128xf32, #tpu.memory_space<vmem>>) offsets(%dma_start3A_167 : memref<80xi32, #tpu.memory_space<vmem>>) semaphore(%arg19 : memref<!tpu.dma_semaphore, #tpu.memory_space<semaphore_mem>>)
      } else {
      }
      %mul3A_96 = arith.constant 80 : i32
      %mul3A_97 = arith.muli %add3A_75, %mul3A_96 : i32
      %add3A_98 = arith.addi %multiple_of3A_5, %mul3A_97 : i32
      %multiple_of3A_99 = tpu.assume_multiple %add3A_98, 8 : i32
      %dma_start3A_100 = arith.constant 0 : i32
      %dma_start3A_101 = tpu.memref_slice %arg9[%multiple_of3A_99, %dma_start3A_100] : memref<51200x128xf32, #tpu.memory_space<hbm>> -> memref<80x128xf32, #tpu.memory_space<hbm>>
      %dma_start3A_102 = arith.constant 0 : i32
      %dma_start3A_103 = tpu.memref_slice %arg9[%multiple_of3A_99, %dma_start3A_102] : memref<51200x128xf32, #tpu.memory_space<hbm>> -> memref<80x128xf32, #tpu.memory_space<hbm>>
      tpu.enqueue_dma source(%arg16 : memref<80x128xf32, #tpu.memory_space<vmem>>) target(%dma_start3A_103 : memref<80x128xf32, #tpu.memory_space<hbm>>) target_semaphore(%arg24 : memref<!tpu.dma_semaphore, #tpu.memory_space<semaphore_mem>>)
      %add3A_104 = arith.constant 2 : i32
      %add3A_105 = arith.addi %mul3A_48, %add3A_104 : i32
      %multiple_of3A_106 = arith.constant 0 : i32
      %multiple_of3A_107 = tpu.assume_multiple %multiple_of3A_106, 8 : i32
      %dma_wait3A_108 = tpu.memref_slice %arg12[%multiple_of3A_107] : memref<1600xi32, #tpu.memory_space<vmem>> -> memref<80xi32, #tpu.memory_space<vmem>>
      %dma_wait3A_109 = arith.constant 0 : i32
      %dma_wait3A_110 = arith.constant 0 : i32
      %dma_wait3A_111 = tpu.memref_slice %arg5[%dma_wait3A_109, %dma_wait3A_110] : memref<1000000x128xf32, #tpu.memory_space<hbm>> -> memref<1000000x128xf32, #tpu.memory_space<hbm>>
      tpu.wait_indirect_dma semaphore(%arg21 : memref<!tpu.dma_semaphore, #tpu.memory_space<semaphore_mem>>) src(%dma_wait3A_111 : memref<1000000x128xf32, #tpu.memory_space<hbm>>) dst(%arg17 : memref<80x128xf32, #tpu.memory_space<vmem>>)
      %ge3A_112 = arith.constant 1 : i32
      %ge3A_113 = arith.cmpi sge, %add3A_105, %ge3A_112 : i32
      %convert_element_type3A_114 = arith.extui %ge3A_113 : i1 to i32
      %cond3A_115 = arith.constant 0 : i32
      %cond3A_116 = arith.cmpi ne, %convert_element_type3A_114, %cond3A_115 : i32
      scf.if %cond3A_116 {
        %add3A_164 = arith.constant 0 : i32
        %add3A_165 = arith.addi %multiple_of3A_5, %add3A_164 : i32
        %multiple_of3A_166 = tpu.assume_multiple %add3A_165, 8 : i32
        %dma_wait3A_167 = arith.constant 0 : i32
        %dma_wait3A_168 = tpu.memref_slice %arg9[%multiple_of3A_166, %dma_wait3A_167] : memref<51200x128xf32, #tpu.memory_space<hbm>> -> memref<80x128xf32, #tpu.memory_space<hbm>>
        %dma_wait3A_169 = arith.constant 0 : i32
        %dma_wait3A_170 = tpu.memref_slice %arg9[%multiple_of3A_166, %dma_wait3A_169] : memref<51200x128xf32, #tpu.memory_space<hbm>> -> memref<80x128xf32, #tpu.memory_space<hbm>>
        tpu.wait_dma2 semaphore(%arg24 : memref<!tpu.dma_semaphore, #tpu.memory_space<semaphore_mem>>) src(%arg16 : memref<80x128xf32, #tpu.memory_space<vmem>>) dst(%dma_wait3A_170 : memref<80x128xf32, #tpu.memory_space<hbm>>)
      } else {
      }
      %add3A_117 = arith.constant 4 : i32
      %add3A_118 = arith.addi %add3A_105, %add3A_117 : i32
      %sub3A_119 = arith.constant 1 : i32
      %sub3A_120 = arith.subi %add3A_118, %sub3A_119 : i32
      %lt3A_121 = arith.constant 20 : i32
      %lt3A_122 = arith.cmpi slt, %sub3A_120, %lt3A_121 : i32
      %convert_element_type3A_123 = arith.extui %lt3A_122 : i1 to i32
      %cond3A_124 = arith.constant 0 : i32
      %cond3A_125 = arith.cmpi ne, %convert_element_type3A_123, %cond3A_124 : i32
      scf.if %cond3A_125 {
        %mul3A_164 = arith.constant 80 : i32
        %mul3A_165 = arith.muli %sub3A_120, %mul3A_164 : i32
        %multiple_of3A_166 = tpu.assume_multiple %mul3A_165, 8 : i32
        %dma_start3A_167 = tpu.memref_slice %arg12[%multiple_of3A_166] : memref<1600xi32, #tpu.memory_space<vmem>> -> memref<80xi32, #tpu.memory_space<vmem>>
        %dma_start3A_168 = arith.constant 0 : i32
        %dma_start3A_169 = arith.constant 0 : i32
        %dma_start3A_170 = tpu.memref_slice %arg5[%dma_start3A_168, %dma_start3A_169] : memref<1000000x128xf32, #tpu.memory_space<hbm>> -> memref<1000000x128xf32, #tpu.memory_space<hbm>>
        tpu.enqueue_indirect_dma source(%dma_start3A_170 : memref<1000000x128xf32, #tpu.memory_space<hbm>>) target(%arg16 : memref<80x128xf32, #tpu.memory_space<vmem>>) offsets(%dma_start3A_167 : memref<80xi32, #tpu.memory_space<vmem>>) semaphore(%arg20 : memref<!tpu.dma_semaphore, #tpu.memory_space<semaphore_mem>>)
      } else {
      }
      %mul3A_126 = arith.constant 80 : i32
      %mul3A_127 = arith.muli %add3A_105, %mul3A_126 : i32
      %add3A_128 = arith.addi %multiple_of3A_5, %mul3A_127 : i32
      %multiple_of3A_129 = tpu.assume_multiple %add3A_128, 8 : i32
      %dma_start3A_130 = arith.constant 0 : i32
      %dma_start3A_131 = tpu.memref_slice %arg9[%multiple_of3A_129, %dma_start3A_130] : memref<51200x128xf32, #tpu.memory_space<hbm>> -> memref<80x128xf32, #tpu.memory_space<hbm>>
      %dma_start3A_132 = arith.constant 0 : i32
      %dma_start3A_133 = tpu.memref_slice %arg9[%multiple_of3A_129, %dma_start3A_132] : memref<51200x128xf32, #tpu.memory_space<hbm>> -> memref<80x128xf32, #tpu.memory_space<hbm>>
      tpu.enqueue_dma source(%arg17 : memref<80x128xf32, #tpu.memory_space<vmem>>) target(%dma_start3A_133 : memref<80x128xf32, #tpu.memory_space<hbm>>) target_semaphore(%arg25 : memref<!tpu.dma_semaphore, #tpu.memory_space<semaphore_mem>>)
      %add3A_134 = arith.constant 3 : i32
      %add3A_135 = arith.addi %mul3A_48, %add3A_134 : i32
      %multiple_of3A_136 = arith.constant 0 : i32
      %multiple_of3A_137 = tpu.assume_multiple %multiple_of3A_136, 8 : i32
      %dma_wait3A_138 = tpu.memref_slice %arg12[%multiple_of3A_137] : memref<1600xi32, #tpu.memory_space<vmem>> -> memref<80xi32, #tpu.memory_space<vmem>>
      %dma_wait3A_139 = arith.constant 0 : i32
      %dma_wait3A_140 = arith.constant 0 : i32
      %dma_wait3A_141 = tpu.memref_slice %arg5[%dma_wait3A_139, %dma_wait3A_140] : memref<1000000x128xf32, #tpu.memory_space<hbm>> -> memref<1000000x128xf32, #tpu.memory_space<hbm>>
      tpu.wait_indirect_dma semaphore(%arg22 : memref<!tpu.dma_semaphore, #tpu.memory_space<semaphore_mem>>) src(%dma_wait3A_141 : memref<1000000x128xf32, #tpu.memory_space<hbm>>) dst(%arg18 : memref<80x128xf32, #tpu.memory_space<vmem>>)
      %ge3A_142 = arith.constant 1 : i32
      %ge3A_143 = arith.cmpi sge, %add3A_135, %ge3A_142 : i32
      %convert_element_type3A_144 = arith.extui %ge3A_143 : i1 to i32
      %cond3A_145 = arith.constant 0 : i32
      %cond3A_146 = arith.cmpi ne, %convert_element_type3A_144, %cond3A_145 : i32
      scf.if %cond3A_146 {
        %add3A_164 = arith.constant 0 : i32
        %add3A_165 = arith.addi %multiple_of3A_5, %add3A_164 : i32
        %multiple_of3A_166 = tpu.assume_multiple %add3A_165, 8 : i32
        %dma_wait3A_167 = arith.constant 0 : i32
        %dma_wait3A_168 = tpu.memref_slice %arg9[%multiple_of3A_166, %dma_wait3A_167] : memref<51200x128xf32, #tpu.memory_space<hbm>> -> memref<80x128xf32, #tpu.memory_space<hbm>>
        %dma_wait3A_169 = arith.constant 0 : i32
        %dma_wait3A_170 = tpu.memref_slice %arg9[%multiple_of3A_166, %dma_wait3A_169] : memref<51200x128xf32, #tpu.memory_space<hbm>> -> memref<80x128xf32, #tpu.memory_space<hbm>>
        tpu.wait_dma2 semaphore(%arg25 : memref<!tpu.dma_semaphore, #tpu.memory_space<semaphore_mem>>) src(%arg17 : memref<80x128xf32, #tpu.memory_space<vmem>>) dst(%dma_wait3A_170 : memref<80x128xf32, #tpu.memory_space<hbm>>)
      } else {
      }
      %add3A_147 = arith.constant 4 : i32
      %add3A_148 = arith.addi %add3A_135, %add3A_147 : i32
      %sub3A_149 = arith.constant 1 : i32
      %sub3A_150 = arith.subi %add3A_148, %sub3A_149 : i32
      %lt3A_151 = arith.constant 20 : i32
      %lt3A_152 = arith.cmpi slt, %sub3A_150, %lt3A_151 : i32
      %convert_element_type3A_153 = arith.extui %lt3A_152 : i1 to i32
      %cond3A_154 = arith.constant 0 : i32
      %cond3A_155 = arith.cmpi ne, %convert_element_type3A_153, %cond3A_154 : i32
      scf.if %cond3A_155 {
        %mul3A_164 = arith.constant 80 : i32
        %mul3A_165 = arith.muli %sub3A_150, %mul3A_164 : i32
        %multiple_of3A_166 = tpu.assume_multiple %mul3A_165, 8 : i32
        %dma_start3A_167 = tpu.memref_slice %arg12[%multiple_of3A_166] : memref<1600xi32, #tpu.memory_space<vmem>> -> memref<80xi32, #tpu.memory_space<vmem>>
        %dma_start3A_168 = arith.constant 0 : i32
        %dma_start3A_169 = arith.constant 0 : i32
        %dma_start3A_170 = tpu.memref_slice %arg5[%dma_start3A_168, %dma_start3A_169] : memref<1000000x128xf32, #tpu.memory_space<hbm>> -> memref<1000000x128xf32, #tpu.memory_space<hbm>>
        tpu.enqueue_indirect_dma source(%dma_start3A_170 : memref<1000000x128xf32, #tpu.memory_space<hbm>>) target(%arg17 : memref<80x128xf32, #tpu.memory_space<vmem>>) offsets(%dma_start3A_167 : memref<80xi32, #tpu.memory_space<vmem>>) semaphore(%arg21 : memref<!tpu.dma_semaphore, #tpu.memory_space<semaphore_mem>>)
      } else {
      }
      %mul3A_156 = arith.constant 80 : i32
      %mul3A_157 = arith.muli %add3A_135, %mul3A_156 : i32
      %add3A_158 = arith.addi %multiple_of3A_5, %mul3A_157 : i32
      %multiple_of3A_159 = tpu.assume_multiple %add3A_158, 8 : i32
      %dma_start3A_160 = arith.constant 0 : i32
      %dma_start3A_161 = tpu.memref_slice %arg9[%multiple_of3A_159, %dma_start3A_160] : memref<51200x128xf32, #tpu.memory_space<hbm>> -> memref<80x128xf32, #tpu.memory_space<hbm>>
      %dma_start3A_162 = arith.constant 0 : i32
      %dma_start3A_163 = tpu.memref_slice %arg9[%multiple_of3A_159, %dma_start3A_162] : memref<51200x128xf32, #tpu.memory_space<hbm>> -> memref<80x128xf32, #tpu.memory_space<hbm>>
      tpu.enqueue_dma source(%arg18 : memref<80x128xf32, #tpu.memory_space<vmem>>) target(%dma_start3A_163 : memref<80x128xf32, #tpu.memory_space<hbm>>) target_semaphore(%arg26 : memref<!tpu.dma_semaphore, #tpu.memory_space<semaphore_mem>>)
    }
    %scan3A_33 = arith.constant 5 : i32
    %add3A_34 = arith.constant 0 : i32
    %add3A_35 = arith.addi %multiple_of3A_5, %add3A_34 : i32
    %multiple_of3A_36 = tpu.assume_multiple %add3A_35, 8 : i32
    %dma_wait3A = arith.constant 0 : i32
    %dma_wait3A_37 = tpu.memref_slice %arg9[%multiple_of3A_36, %dma_wait3A] : memref<51200x128xf32, #tpu.memory_space<hbm>> -> memref<80x128xf32, #tpu.memory_space<hbm>>
    %dma_wait3A_38 = arith.constant 0 : i32
    %dma_wait3A_39 = tpu.memref_slice %arg9[%multiple_of3A_36, %dma_wait3A_38] : memref<51200x128xf32, #tpu.memory_space<hbm>> -> memref<80x128xf32, #tpu.memory_space<hbm>>
    tpu.wait_dma2 semaphore(%arg26 : memref<!tpu.dma_semaphore, #tpu.memory_space<semaphore_mem>>) src(%arg18 : memref<80x128xf32, #tpu.memory_space<vmem>>) dst(%dma_wait3A_39 : memref<80x128xf32, #tpu.memory_space<hbm>>)
    %dma_wait3A_40 = arith.constant 0 : i32
    %dma_wait3A_41 = arith.constant 0 : i32
    %dma_wait3A_42 = tpu.memref_slice %arg5[%dma_wait3A_40, %dma_wait3A_41] : memref<1000000x128xf32, #tpu.memory_space<hbm>> -> memref<1000000x128xf32, #tpu.memory_space<hbm>>
    tpu.wait_indirect_dma semaphore(%arg27 : memref<!tpu.dma_semaphore, #tpu.memory_space<semaphore_mem>>) src(%dma_wait3A_42 : memref<1000000x128xf32, #tpu.memory_space<hbm>>) dst(%arg13 : memref<8x128xf32, #tpu.memory_space<vmem>>)
    %dma_wait3A_43 = arith.constant 0 : i32
    %dma_wait3A_44 = arith.constant 0 : i32
    %dma_wait3A_45 = tpu.memref_slice %arg6[%dma_wait3A_43, %dma_wait3A_44] : memref<1000x128xf32, #tpu.memory_space<hbm>> -> memref<1000x128xf32, #tpu.memory_space<hbm>>
    tpu.wait_indirect_dma semaphore(%arg27 : memref<!tpu.dma_semaphore, #tpu.memory_space<semaphore_mem>>) src(%dma_wait3A_45 : memref<1000x128xf32, #tpu.memory_space<hbm>>) dst(%arg14 : memref<8x128xf32, #tpu.memory_space<vmem>>)
    "tpu.region"() ({
      %run_scoped3A = tpu.sem_alloc : memref<!tpu.dma_semaphore, #tpu.memory_space<semaphore_mem>>
      %dma_start3A_46 = arith.constant 0 : i32
      %dma_start3A_47 = tpu.memref_slice %arg7[%multiple_of3A, %dma_start3A_46] : memref<256x128xf32, #tpu.memory_space<hbm>> -> memref<8x128xf32, #tpu.memory_space<hbm>>
      %dma_start3A_48 = arith.constant 0 : i32
      %dma_start3A_49 = tpu.memref_slice %arg7[%multiple_of3A, %dma_start3A_48] : memref<256x128xf32, #tpu.memory_space<hbm>> -> memref<8x128xf32, #tpu.memory_space<hbm>>
      tpu.enqueue_dma source(%arg13 : memref<8x128xf32, #tpu.memory_space<vmem>>) target(%dma_start3A_49 : memref<8x128xf32, #tpu.memory_space<hbm>>) target_semaphore(%run_scoped3A : memref<!tpu.dma_semaphore, #tpu.memory_space<semaphore_mem>>)
      %dma_wait3A_50 = arith.constant 0 : i32
      %dma_wait3A_51 = tpu.memref_slice %arg7[%multiple_of3A, %dma_wait3A_50] : memref<256x128xf32, #tpu.memory_space<hbm>> -> memref<8x128xf32, #tpu.memory_space<hbm>>
      %dma_wait3A_52 = arith.constant 0 : i32
      %dma_wait3A_53 = tpu.memref_slice %arg7[%multiple_of3A, %dma_wait3A_52] : memref<256x128xf32, #tpu.memory_space<hbm>> -> memref<8x128xf32, #tpu.memory_space<hbm>>
      tpu.wait_dma2 semaphore(%run_scoped3A : memref<!tpu.dma_semaphore, #tpu.memory_space<semaphore_mem>>) src(%arg13 : memref<8x128xf32, #tpu.memory_space<vmem>>) dst(%dma_wait3A_53 : memref<8x128xf32, #tpu.memory_space<hbm>>)
      tpu.yield
    }) : () -> ()
    "tpu.region"() ({
      %run_scoped3A = tpu.sem_alloc : memref<!tpu.dma_semaphore, #tpu.memory_space<semaphore_mem>>
      %dma_start3A_46 = arith.constant 0 : i32
      %dma_start3A_47 = tpu.memref_slice %arg8[%multiple_of3A, %dma_start3A_46] : memref<256x128xf32, #tpu.memory_space<hbm>> -> memref<8x128xf32, #tpu.memory_space<hbm>>
      %dma_start3A_48 = arith.constant 0 : i32
      %dma_start3A_49 = tpu.memref_slice %arg8[%multiple_of3A, %dma_start3A_48] : memref<256x128xf32, #tpu.memory_space<hbm>> -> memref<8x128xf32, #tpu.memory_space<hbm>>
      tpu.enqueue_dma source(%arg14 : memref<8x128xf32, #tpu.memory_space<vmem>>) target(%dma_start3A_49 : memref<8x128xf32, #tpu.memory_space<hbm>>) target_semaphore(%run_scoped3A : memref<!tpu.dma_semaphore, #tpu.memory_space<semaphore_mem>>)
      %dma_wait3A_50 = arith.constant 0 : i32
      %dma_wait3A_51 = tpu.memref_slice %arg8[%multiple_of3A, %dma_wait3A_50] : memref<256x128xf32, #tpu.memory_space<hbm>> -> memref<8x128xf32, #tpu.memory_space<hbm>>
      %dma_wait3A_52 = arith.constant 0 : i32
      %dma_wait3A_53 = tpu.memref_slice %arg8[%multiple_of3A, %dma_wait3A_52] : memref<256x128xf32, #tpu.memory_space<hbm>> -> memref<8x128xf32, #tpu.memory_space<hbm>>
      tpu.wait_dma2 semaphore(%run_scoped3A : memref<!tpu.dma_semaphore, #tpu.memory_space<semaphore_mem>>) src(%arg14 : memref<8x128xf32, #tpu.memory_space<vmem>>) dst(%dma_wait3A_53 : memref<8x128xf32, #tpu.memory_space<hbm>>)
      tpu.yield
    }) : () -> ()
    return
  }
}

#map = affine_map<(d0, d1) -> (0)>
#map1 = affine_map<(d0, d1) -> (0, 0)>
module attributes {stable_mosaic.version = 14 : i64} {
  func.func @sc_gather(%arg0: i32, %arg1: i32, %arg2: memref<256xi32, #tpu.memory_space<hbm>>, %arg3: memref<256xi32, #tpu.memory_space<hbm>>, %arg4: memref<51200xi32, #tpu.memory_space<hbm>>, %arg5: memref<1000000x128xf32, #tpu.memory_space<hbm>>, %arg6: memref<1000x128xf32, #tpu.memory_space<hbm>>, %arg7: memref<256x128xf32, #tpu.memory_space<hbm>>, %arg8: memref<256x128xf32, #tpu.memory_space<hbm>>, %arg9: memref<51200x128xf32, #tpu.memory_space<hbm>>, %arg10: memref<8xi32, #tpu.memory_space<vmem>>, %arg11: memref<8xi32, #tpu.memory_space<vmem>>, %arg12: memref<1600xi32, #tpu.memory_space<vmem>>, %arg13: memref<8x128xf32, #tpu.memory_space<vmem>>, %arg14: memref<8x128xf32, #tpu.memory_space<vmem>>, %arg15: memref<80x128xf32, #tpu.memory_space<vmem>>, %arg16: memref<80x128xf32, #tpu.memory_space<vmem>>, %arg17: memref<80x128xf32, #tpu.memory_space<vmem>>, %arg18: memref<80x128xf32, #tpu.memory_space<vmem>>, %arg19: memref<!tpu.dma_semaphore, #tpu.memory_space<semaphore_mem>>, %arg20: memref<!tpu.dma_semaphore, #tpu.memory_space<semaphore_mem>>, %arg21: memref<!tpu.dma_semaphore, #tpu.memory_space<semaphore_mem>>, %arg22: memref<!tpu.dma_semaphore, #tpu.memory_space<semaphore_mem>>, %arg23: memref<!tpu.dma_semaphore, #tpu.memory_space<semaphore_mem>>, %arg24: memref<!tpu.dma_semaphore, #tpu.memory_space<semaphore_mem>>, %arg25: memref<!tpu.dma_semaphore, #tpu.memory_space<semaphore_mem>>, %arg26: memref<!tpu.dma_semaphore, #tpu.memory_space<semaphore_mem>>, %arg27: memref<!tpu.dma_semaphore, #tpu.memory_space<semaphore_mem>>) attributes {dimension_semantics = [#tpu.dimension_semantics<core_parallel>, #tpu.dimension_semantics<subcore_parallel>], iteration_bounds = array<i64: 2, 16>, scalar_prefetch = 0 : i64, scratch_operands = 18 : i64, tpu.core_type = #tpu.core_type<sc_vector_subcore>, window_params = [{transform_indices = #map}, {transform_indices = #map}, {transform_indices = #map}, {transform_indices = #map1}, {transform_indices = #map1}, {transform_indices = #map1}, {transform_indices = #map1}, {transform_indices = #map1}]} {
    %mul3A = arith.constant 2 : i32
    %mul3A_0 = arith.muli %arg1, %mul3A : i32
    %add3A = arith.addi %mul3A_0, %arg0 : i32
    %mul3A_1 = arith.constant 8 : i32
    %mul3A_2 = arith.muli %add3A, %mul3A_1 : i32
    %multiple_of3A = tpu.assume_multiple %mul3A_2, 8 : i32
    %mul3A_3 = arith.constant 1600 : i32
    %mul3A_4 = arith.muli %add3A, %mul3A_3 : i32
    %multiple_of3A_5 = tpu.assume_multiple %mul3A_4, 8 : i32
    "tpu.region"() ({
      %run_scoped3A = tpu.sem_alloc : memref<!tpu.dma_semaphore, #tpu.memory_space<semaphore_mem>>
      %dma_start3A_46 = tpu.memref_slice %arg2[%multiple_of3A] : memref<256xi32, #tpu.memory_space<hbm>> -> memref<8xi32, #tpu.memory_space<hbm>>
      %dma_start3A_47 = tpu.memref_slice %arg2[%multiple_of3A] : memref<256xi32, #tpu.memory_space<hbm>> -> memref<8xi32, #tpu.memory_space<hbm>>
      tpu.enqueue_dma source(%dma_start3A_47 : memref<8xi32, #tpu.memory_space<hbm>>) target(%arg10 : memref<8xi32, #tpu.memory_space<vmem>>) target_semaphore(%run_scoped3A : memref<!tpu.dma_semaphore, #tpu.memory_space<semaphore_mem>>)
      %dma_wait3A_48 = tpu.memref_slice %arg2[%multiple_of3A] : memref<256xi32, #tpu.memory_space<hbm>> -> memref<8xi32, #tpu.memory_space<hbm>>
      %dma_wait3A_49 = tpu.memref_slice %arg2[%multiple_of3A] : memref<256xi32, #tpu.memory_space<hbm>> -> memref<8xi32, #tpu.memory_space<hbm>>
      tpu.wait_dma2 semaphore(%run_scoped3A : memref<!tpu.dma_semaphore, #tpu.memory_space<semaphore_mem>>) src(%dma_wait3A_49 : memref<8xi32, #tpu.memory_space<hbm>>) dst(%arg10 : memref<8xi32, #tpu.memory_space<vmem>>)
      tpu.yield
    }) : () -> ()
    "tpu.region"() ({
      %run_scoped3A = tpu.sem_alloc : memref<!tpu.dma_semaphore, #tpu.memory_space<semaphore_mem>>
      %dma_start3A_46 = tpu.memref_slice %arg3[%multiple_of3A] : memref<256xi32, #tpu.memory_space<hbm>> -> memref<8xi32, #tpu.memory_space<hbm>>
      %dma_start3A_47 = tpu.memref_slice %arg3[%multiple_of3A] : memref<256xi32, #tpu.memory_space<hbm>> -> memref<8xi32, #tpu.memory_space<hbm>>
      tpu.enqueue_dma source(%dma_start3A_47 : memref<8xi32, #tpu.memory_space<hbm>>) target(%arg11 : memref<8xi32, #tpu.memory_space<vmem>>) target_semaphore(%run_scoped3A : memref<!tpu.dma_semaphore, #tpu.memory_space<semaphore_mem>>)
      %dma_wait3A_48 = tpu.memref_slice %arg3[%multiple_of3A] : memref<256xi32, #tpu.memory_space<hbm>> -> memref<8xi32, #tpu.memory_space<hbm>>
      %dma_wait3A_49 = tpu.memref_slice %arg3[%multiple_of3A] : memref<256xi32, #tpu.memory_space<hbm>> -> memref<8xi32, #tpu.memory_space<hbm>>
      tpu.wait_dma2 semaphore(%run_scoped3A : memref<!tpu.dma_semaphore, #tpu.memory_space<semaphore_mem>>) src(%dma_wait3A_49 : memref<8xi32, #tpu.memory_space<hbm>>) dst(%arg11 : memref<8xi32, #tpu.memory_space<vmem>>)
      tpu.yield
    }) : () -> ()
    "tpu.region"() ({
      %run_scoped3A = tpu.sem_alloc : memref<!tpu.dma_semaphore, #tpu.memory_space<semaphore_mem>>
      %dma_start3A_46 = tpu.memref_slice %arg4[%multiple_of3A_5] : memref<51200xi32, #tpu.memory_space<hbm>> -> memref<1600xi32, #tpu.memory_space<hbm>>
      %dma_start3A_47 = tpu.memref_slice %arg4[%multiple_of3A_5] : memref<51200xi32, #tpu.memory_space<hbm>> -> memref<1600xi32, #tpu.memory_space<hbm>>
      tpu.enqueue_dma source(%dma_start3A_47 : memref<1600xi32, #tpu.memory_space<hbm>>) target(%arg12 : memref<1600xi32, #tpu.memory_space<vmem>>) target_semaphore(%run_scoped3A : memref<!tpu.dma_semaphore, #tpu.memory_space<semaphore_mem>>)
      %dma_wait3A_48 = tpu.memref_slice %arg4[%multiple_of3A_5] : memref<51200xi32, #tpu.memory_space<hbm>> -> memref<1600xi32, #tpu.memory_space<hbm>>
      %dma_wait3A_49 = tpu.memref_slice %arg4[%multiple_of3A_5] : memref<51200xi32, #tpu.memory_space<hbm>> -> memref<1600xi32, #tpu.memory_space<hbm>>
      tpu.wait_dma2 semaphore(%run_scoped3A : memref<!tpu.dma_semaphore, #tpu.memory_space<semaphore_mem>>) src(%dma_wait3A_49 : memref<1600xi32, #tpu.memory_space<hbm>>) dst(%arg12 : memref<1600xi32, #tpu.memory_space<vmem>>)
      tpu.yield
    }) : () -> ()
    %multiple_of3A_6 = arith.constant 0 : i32
    %multiple_of3A_7 = tpu.assume_multiple %multiple_of3A_6, 8 : i32
    %dma_start3A = tpu.memref_slice %arg12[%multiple_of3A_7] : memref<1600xi32, #tpu.memory_space<vmem>> -> memref<80xi32, #tpu.memory_space<vmem>>
    %dma_start3A_8 = arith.constant 0 : i32
    %dma_start3A_9 = arith.constant 0 : i32
    %dma_start3A_10 = tpu.memref_slice %arg5[%dma_start3A_8, %dma_start3A_9] : memref<1000000x128xf32, #tpu.memory_space<hbm>> -> memref<1000000x128xf32, #tpu.memory_space<hbm>>
    tpu.enqueue_indirect_dma source(%dma_start3A_10 : memref<1000000x128xf32, #tpu.memory_space<hbm>>) target(%arg15 : memref<80x128xf32, #tpu.memory_space<vmem>>) offsets(%dma_start3A : memref<80xi32, #tpu.memory_space<vmem>>) semaphore(%arg19 : memref<!tpu.dma_semaphore, #tpu.memory_space<semaphore_mem>>)
    %multiple_of3A_11 = arith.constant 80 : i32
    %multiple_of3A_12 = tpu.assume_multiple %multiple_of3A_11, 8 : i32
    %dma_start3A_13 = tpu.memref_slice %arg12[%multiple_of3A_12] : memref<1600xi32, #tpu.memory_space<vmem>> -> memref<80xi32, #tpu.memory_space<vmem>>
    %dma_start3A_14 = arith.constant 0 : i32
    %dma_start3A_15 = arith.constant 0 : i32
    %dma_start3A_16 = tpu.memref_slice %arg5[%dma_start3A_14, %dma_start3A_15] : memref<1000000x128xf32, #tpu.memory_space<hbm>> -> memref<1000000x128xf32, #tpu.memory_space<hbm>>
    tpu.enqueue_indirect_dma source(%dma_start3A_16 : memref<1000000x128xf32, #tpu.memory_space<hbm>>) target(%arg16 : memref<80x128xf32, #tpu.memory_space<vmem>>) offsets(%dma_start3A_13 : memref<80xi32, #tpu.memory_space<vmem>>) semaphore(%arg20 : memref<!tpu.dma_semaphore, #tpu.memory_space<semaphore_mem>>)
    %multiple_of3A_17 = arith.constant 160 : i32
    %multiple_of3A_18 = tpu.assume_multiple %multiple_of3A_17, 8 : i32
    %dma_start3A_19 = tpu.memref_slice %arg12[%multiple_of3A_18] : memref<1600xi32, #tpu.memory_space<vmem>> -> memref<80xi32, #tpu.memory_space<vmem>>
    %dma_start3A_20 = arith.constant 0 : i32
    %dma_start3A_21 = arith.constant 0 : i32
    %dma_start3A_22 = tpu.memref_slice %arg5[%dma_start3A_20, %dma_start3A_21] : memref<1000000x128xf32, #tpu.memory_space<hbm>> -> memref<1000000x128xf32, #tpu.memory_space<hbm>>
    tpu.enqueue_indirect_dma source(%dma_start3A_22 : memref<1000000x128xf32, #tpu.memory_space<hbm>>) target(%arg17 : memref<80x128xf32, #tpu.memory_space<vmem>>) offsets(%dma_start3A_19 : memref<80xi32, #tpu.memory_space<vmem>>) semaphore(%arg21 : memref<!tpu.dma_semaphore, #tpu.memory_space<semaphore_mem>>)
    %dma_start3A_23 = arith.constant 0 : i32
    %dma_start3A_24 = arith.constant 0 : i32
    %dma_start3A_25 = tpu.memref_slice %arg5[%dma_start3A_23, %dma_start3A_24] : memref<1000000x128xf32, #tpu.memory_space<hbm>> -> memref<1000000x128xf32, #tpu.memory_space<hbm>>
    tpu.enqueue_indirect_dma source(%dma_start3A_25 : memref<1000000x128xf32, #tpu.memory_space<hbm>>) target(%arg13 : memref<8x128xf32, #tpu.memory_space<vmem>>) offsets(%arg10 : memref<8xi32, #tpu.memory_space<vmem>>) semaphore(%arg27 : memref<!tpu.dma_semaphore, #tpu.memory_space<semaphore_mem>>)
    %dma_start3A_26 = arith.constant 0 : i32
    %dma_start3A_27 = arith.constant 0 : i32
    %dma_start3A_28 = tpu.memref_slice %arg6[%dma_start3A_26, %dma_start3A_27] : memref<1000x128xf32, #tpu.memory_space<hbm>> -> memref<1000x128xf32, #tpu.memory_space<hbm>>
    tpu.enqueue_indirect_dma source(%dma_start3A_28 : memref<1000x128xf32, #tpu.memory_space<hbm>>) target(%arg14 : memref<8x128xf32, #tpu.memory_space<vmem>>) offsets(%arg11 : memref<8xi32, #tpu.memory_space<vmem>>) semaphore(%arg27 : memref<!tpu.dma_semaphore, #tpu.memory_space<semaphore_mem>>)
    %scan3A = arith.constant 0 : i32
    %scan3A_29 = arith.constant 0 : i32
    %scan3A_30 = arith.constant 5 : i32
    %scan3A_31 = arith.addi %scan3A_29, %scan3A_30 : i32
    %scan3A_32 = arith.constant 1 : i32
    scf.for %scan3A_46 = %scan3A_29 to %scan3A_31 step %scan3A_32  : i32 {
      %mul3A_47 = arith.constant 4 : i32
      %mul3A_48 = arith.muli %scan3A_46, %mul3A_47 : i32
      %add3A_49 = arith.constant 0 : i32
      %add3A_50 = arith.addi %mul3A_48, %add3A_49 : i32
      %multiple_of3A_51 = arith.constant 0 : i32
      %multiple_of3A_52 = tpu.assume_multiple %multiple_of3A_51, 8 : i32
      %dma_wait3A_53 = tpu.memref_slice %arg12[%multiple_of3A_52] : memref<1600xi32, #tpu.memory_space<vmem>> -> memref<80xi32, #tpu.memory_space<vmem>>
      %dma_wait3A_54 = arith.constant 0 : i32
      %dma_wait3A_55 = arith.constant 0 : i32
      %dma_wait3A_56 = tpu.memref_slice %arg5[%dma_wait3A_54, %dma_wait3A_55] : memref<1000000x128xf32, #tpu.memory_space<hbm>> -> memref<1000000x128xf32, #tpu.memory_space<hbm>>
      tpu.wait_indirect_dma semaphore(%arg19 : memref<!tpu.dma_semaphore, #tpu.memory_space<semaphore_mem>>) src(%dma_wait3A_56 : memref<1000000x128xf32, #tpu.memory_space<hbm>>) dst(%arg15 : memref<80x128xf32, #tpu.memory_space<vmem>>)
      %ge3A = arith.constant 1 : i32
      %ge3A_57 = arith.cmpi sge, %add3A_50, %ge3A : i32
      %convert_element_type3A = arith.extui %ge3A_57 : i1 to i32
      %cond3A = arith.constant 0 : i32
      %cond3A_58 = arith.cmpi ne, %convert_element_type3A, %cond3A : i32
      scf.if %cond3A_58 {
        %add3A_164 = arith.constant 0 : i32
        %add3A_165 = arith.addi %multiple_of3A_5, %add3A_164 : i32
        %multiple_of3A_166 = tpu.assume_multiple %add3A_165, 8 : i32
        %dma_wait3A_167 = arith.constant 0 : i32
        %dma_wait3A_168 = tpu.memref_slice %arg9[%multiple_of3A_166, %dma_wait3A_167] : memref<51200x128xf32, #tpu.memory_space<hbm>> -> memref<80x128xf32, #tpu.memory_space<hbm>>
        %dma_wait3A_169 = arith.constant 0 : i32
        %dma_wait3A_170 = tpu.memref_slice %arg9[%multiple_of3A_166, %dma_wait3A_169] : memref<51200x128xf32, #tpu.memory_space<hbm>> -> memref<80x128xf32, #tpu.memory_space<hbm>>
        tpu.wait_dma2 semaphore(%arg26 : memref<!tpu.dma_semaphore, #tpu.memory_space<semaphore_mem>>) src(%arg18 : memref<80x128xf32, #tpu.memory_space<vmem>>) dst(%dma_wait3A_170 : memref<80x128xf32, #tpu.memory_space<hbm>>)
      } else {
      }
      %add3A_59 = arith.constant 4 : i32
      %add3A_60 = arith.addi %add3A_50, %add3A_59 : i32
      %sub3A = arith.constant 1 : i32
      %sub3A_61 = arith.subi %add3A_60, %sub3A : i32
      %lt3A = arith.constant 20 : i32
      %lt3A_62 = arith.cmpi slt, %sub3A_61, %lt3A : i32
      %convert_element_type3A_63 = arith.extui %lt3A_62 : i1 to i32
      %cond3A_64 = arith.constant 0 : i32
      %cond3A_65 = arith.cmpi ne, %convert_element_type3A_63, %cond3A_64 : i32
      scf.if %cond3A_65 {
        %mul3A_164 = arith.constant 80 : i32
        %mul3A_165 = arith.muli %sub3A_61, %mul3A_164 : i32
        %multiple_of3A_166 = tpu.assume_multiple %mul3A_165, 8 : i32
        %dma_start3A_167 = tpu.memref_slice %arg12[%multiple_of3A_166] : memref<1600xi32, #tpu.memory_space<vmem>> -> memref<80xi32, #tpu.memory_space<vmem>>
        %dma_start3A_168 = arith.constant 0 : i32
        %dma_start3A_169 = arith.constant 0 : i32
        %dma_start3A_170 = tpu.memref_slice %arg5[%dma_start3A_168, %dma_start3A_169] : memref<1000000x128xf32, #tpu.memory_space<hbm>> -> memref<1000000x128xf32, #tpu.memory_space<hbm>>
        tpu.enqueue_indirect_dma source(%dma_start3A_170 : memref<1000000x128xf32, #tpu.memory_space<hbm>>) target(%arg18 : memref<80x128xf32, #tpu.memory_space<vmem>>) offsets(%dma_start3A_167 : memref<80xi32, #tpu.memory_space<vmem>>) semaphore(%arg22 : memref<!tpu.dma_semaphore, #tpu.memory_space<semaphore_mem>>)
      } else {
      }
      %mul3A_66 = arith.constant 80 : i32
      %mul3A_67 = arith.muli %add3A_50, %mul3A_66 : i32
      %add3A_68 = arith.addi %multiple_of3A_5, %mul3A_67 : i32
      %multiple_of3A_69 = tpu.assume_multiple %add3A_68, 8 : i32
      %dma_start3A_70 = arith.constant 0 : i32
      %dma_start3A_71 = tpu.memref_slice %arg9[%multiple_of3A_69, %dma_start3A_70] : memref<51200x128xf32, #tpu.memory_space<hbm>> -> memref<80x128xf32, #tpu.memory_space<hbm>>
      %dma_start3A_72 = arith.constant 0 : i32
      %dma_start3A_73 = tpu.memref_slice %arg9[%multiple_of3A_69, %dma_start3A_72] : memref<51200x128xf32, #tpu.memory_space<hbm>> -> memref<80x128xf32, #tpu.memory_space<hbm>>
      tpu.enqueue_dma source(%arg15 : memref<80x128xf32, #tpu.memory_space<vmem>>) target(%dma_start3A_73 : memref<80x128xf32, #tpu.memory_space<hbm>>) target_semaphore(%arg23 : memref<!tpu.dma_semaphore, #tpu.memory_space<semaphore_mem>>)
      %add3A_74 = arith.constant 1 : i32
      %add3A_75 = arith.addi %mul3A_48, %add3A_74 : i32
      %multiple_of3A_76 = arith.constant 0 : i32
      %multiple_of3A_77 = tpu.assume_multiple %multiple_of3A_76, 8 : i32
      %dma_wait3A_78 = tpu.memref_slice %arg12[%multiple_of3A_77] : memref<1600xi32, #tpu.memory_space<vmem>> -> memref<80xi32, #tpu.memory_space<vmem>>
      %dma_wait3A_79 = arith.constant 0 : i32
      %dma_wait3A_80 = arith.constant 0 : i32
      %dma_wait3A_81 = tpu.memref_slice %arg5[%dma_wait3A_79, %dma_wait3A_80] : memref<1000000x128xf32, #tpu.memory_space<hbm>> -> memref<1000000x128xf32, #tpu.memory_space<hbm>>
      tpu.wait_indirect_dma semaphore(%arg20 : memref<!tpu.dma_semaphore, #tpu.memory_space<semaphore_mem>>) src(%dma_wait3A_81 : memref<1000000x128xf32, #tpu.memory_space<hbm>>) dst(%arg16 : memref<80x128xf32, #tpu.memory_space<vmem>>)
      %ge3A_82 = arith.constant 1 : i32
      %ge3A_83 = arith.cmpi sge, %add3A_75, %ge3A_82 : i32
      %convert_element_type3A_84 = arith.extui %ge3A_83 : i1 to i32
      %cond3A_85 = arith.constant 0 : i32
      %cond3A_86 = arith.cmpi ne, %convert_element_type3A_84, %cond3A_85 : i32
      scf.if %cond3A_86 {
        %add3A_164 = arith.constant 0 : i32
        %add3A_165 = arith.addi %multiple_of3A_5, %add3A_164 : i32
        %multiple_of3A_166 = tpu.assume_multiple %add3A_165, 8 : i32
        %dma_wait3A_167 = arith.constant 0 : i32
        %dma_wait3A_168 = tpu.memref_slice %arg9[%multiple_of3A_166, %dma_wait3A_167] : memref<51200x128xf32, #tpu.memory_space<hbm>> -> memref<80x128xf32, #tpu.memory_space<hbm>>
        %dma_wait3A_169 = arith.constant 0 : i32
        %dma_wait3A_170 = tpu.memref_slice %arg9[%multiple_of3A_166, %dma_wait3A_169] : memref<51200x128xf32, #tpu.memory_space<hbm>> -> memref<80x128xf32, #tpu.memory_space<hbm>>
        tpu.wait_dma2 semaphore(%arg23 : memref<!tpu.dma_semaphore, #tpu.memory_space<semaphore_mem>>) src(%arg15 : memref<80x128xf32, #tpu.memory_space<vmem>>) dst(%dma_wait3A_170 : memref<80x128xf32, #tpu.memory_space<hbm>>)
      } else {
      }
      %add3A_87 = arith.constant 4 : i32
      %add3A_88 = arith.addi %add3A_75, %add3A_87 : i32
      %sub3A_89 = arith.constant 1 : i32
      %sub3A_90 = arith.subi %add3A_88, %sub3A_89 : i32
      %lt3A_91 = arith.constant 20 : i32
      %lt3A_92 = arith.cmpi slt, %sub3A_90, %lt3A_91 : i32
      %convert_element_type3A_93 = arith.extui %lt3A_92 : i1 to i32
      %cond3A_94 = arith.constant 0 : i32
      %cond3A_95 = arith.cmpi ne, %convert_element_type3A_93, %cond3A_94 : i32
      scf.if %cond3A_95 {
        %mul3A_164 = arith.constant 80 : i32
        %mul3A_165 = arith.muli %sub3A_90, %mul3A_164 : i32
        %multiple_of3A_166 = tpu.assume_multiple %mul3A_165, 8 : i32
        %dma_start3A_167 = tpu.memref_slice %arg12[%multiple_of3A_166] : memref<1600xi32, #tpu.memory_space<vmem>> -> memref<80xi32, #tpu.memory_space<vmem>>
        %dma_start3A_168 = arith.constant 0 : i32
        %dma_start3A_169 = arith.constant 0 : i32
        %dma_start3A_170 = tpu.memref_slice %arg5[%dma_start3A_168, %dma_start3A_169] : memref<1000000x128xf32, #tpu.memory_space<hbm>> -> memref<1000000x128xf32, #tpu.memory_space<hbm>>
        tpu.enqueue_indirect_dma source(%dma_start3A_170 : memref<1000000x128xf32, #tpu.memory_space<hbm>>) target(%arg15 : memref<80x128xf32, #tpu.memory_space<vmem>>) offsets(%dma_start3A_167 : memref<80xi32, #tpu.memory_space<vmem>>) semaphore(%arg19 : memref<!tpu.dma_semaphore, #tpu.memory_space<semaphore_mem>>)
      } else {
      }
      %mul3A_96 = arith.constant 80 : i32
      %mul3A_97 = arith.muli %add3A_75, %mul3A_96 : i32
      %add3A_98 = arith.addi %multiple_of3A_5, %mul3A_97 : i32
      %multiple_of3A_99 = tpu.assume_multiple %add3A_98, 8 : i32
      %dma_start3A_100 = arith.constant 0 : i32
      %dma_start3A_101 = tpu.memref_slice %arg9[%multiple_of3A_99, %dma_start3A_100] : memref<51200x128xf32, #tpu.memory_space<hbm>> -> memref<80x128xf32, #tpu.memory_space<hbm>>
      %dma_start3A_102 = arith.constant 0 : i32
      %dma_start3A_103 = tpu.memref_slice %arg9[%multiple_of3A_99, %dma_start3A_102] : memref<51200x128xf32, #tpu.memory_space<hbm>> -> memref<80x128xf32, #tpu.memory_space<hbm>>
      tpu.enqueue_dma source(%arg16 : memref<80x128xf32, #tpu.memory_space<vmem>>) target(%dma_start3A_103 : memref<80x128xf32, #tpu.memory_space<hbm>>) target_semaphore(%arg24 : memref<!tpu.dma_semaphore, #tpu.memory_space<semaphore_mem>>)
      %add3A_104 = arith.constant 2 : i32
      %add3A_105 = arith.addi %mul3A_48, %add3A_104 : i32
      %multiple_of3A_106 = arith.constant 0 : i32
      %multiple_of3A_107 = tpu.assume_multiple %multiple_of3A_106, 8 : i32
      %dma_wait3A_108 = tpu.memref_slice %arg12[%multiple_of3A_107] : memref<1600xi32, #tpu.memory_space<vmem>> -> memref<80xi32, #tpu.memory_space<vmem>>
      %dma_wait3A_109 = arith.constant 0 : i32
      %dma_wait3A_110 = arith.constant 0 : i32
      %dma_wait3A_111 = tpu.memref_slice %arg5[%dma_wait3A_109, %dma_wait3A_110] : memref<1000000x128xf32, #tpu.memory_space<hbm>> -> memref<1000000x128xf32, #tpu.memory_space<hbm>>
      tpu.wait_indirect_dma semaphore(%arg21 : memref<!tpu.dma_semaphore, #tpu.memory_space<semaphore_mem>>) src(%dma_wait3A_111 : memref<1000000x128xf32, #tpu.memory_space<hbm>>) dst(%arg17 : memref<80x128xf32, #tpu.memory_space<vmem>>)
      %ge3A_112 = arith.constant 1 : i32
      %ge3A_113 = arith.cmpi sge, %add3A_105, %ge3A_112 : i32
      %convert_element_type3A_114 = arith.extui %ge3A_113 : i1 to i32
      %cond3A_115 = arith.constant 0 : i32
      %cond3A_116 = arith.cmpi ne, %convert_element_type3A_114, %cond3A_115 : i32
      scf.if %cond3A_116 {
        %add3A_164 = arith.constant 0 : i32
        %add3A_165 = arith.addi %multiple_of3A_5, %add3A_164 : i32
        %multiple_of3A_166 = tpu.assume_multiple %add3A_165, 8 : i32
        %dma_wait3A_167 = arith.constant 0 : i32
        %dma_wait3A_168 = tpu.memref_slice %arg9[%multiple_of3A_166, %dma_wait3A_167] : memref<51200x128xf32, #tpu.memory_space<hbm>> -> memref<80x128xf32, #tpu.memory_space<hbm>>
        %dma_wait3A_169 = arith.constant 0 : i32
        %dma_wait3A_170 = tpu.memref_slice %arg9[%multiple_of3A_166, %dma_wait3A_169] : memref<51200x128xf32, #tpu.memory_space<hbm>> -> memref<80x128xf32, #tpu.memory_space<hbm>>
        tpu.wait_dma2 semaphore(%arg24 : memref<!tpu.dma_semaphore, #tpu.memory_space<semaphore_mem>>) src(%arg16 : memref<80x128xf32, #tpu.memory_space<vmem>>) dst(%dma_wait3A_170 : memref<80x128xf32, #tpu.memory_space<hbm>>)
      } else {
      }
      %add3A_117 = arith.constant 4 : i32
      %add3A_118 = arith.addi %add3A_105, %add3A_117 : i32
      %sub3A_119 = arith.constant 1 : i32
      %sub3A_120 = arith.subi %add3A_118, %sub3A_119 : i32
      %lt3A_121 = arith.constant 20 : i32
      %lt3A_122 = arith.cmpi slt, %sub3A_120, %lt3A_121 : i32
      %convert_element_type3A_123 = arith.extui %lt3A_122 : i1 to i32
      %cond3A_124 = arith.constant 0 : i32
      %cond3A_125 = arith.cmpi ne, %convert_element_type3A_123, %cond3A_124 : i32
      scf.if %cond3A_125 {
        %mul3A_164 = arith.constant 80 : i32
        %mul3A_165 = arith.muli %sub3A_120, %mul3A_164 : i32
        %multiple_of3A_166 = tpu.assume_multiple %mul3A_165, 8 : i32
        %dma_start3A_167 = tpu.memref_slice %arg12[%multiple_of3A_166] : memref<1600xi32, #tpu.memory_space<vmem>> -> memref<80xi32, #tpu.memory_space<vmem>>
        %dma_start3A_168 = arith.constant 0 : i32
        %dma_start3A_169 = arith.constant 0 : i32
        %dma_start3A_170 = tpu.memref_slice %arg5[%dma_start3A_168, %dma_start3A_169] : memref<1000000x128xf32, #tpu.memory_space<hbm>> -> memref<1000000x128xf32, #tpu.memory_space<hbm>>
        tpu.enqueue_indirect_dma source(%dma_start3A_170 : memref<1000000x128xf32, #tpu.memory_space<hbm>>) target(%arg16 : memref<80x128xf32, #tpu.memory_space<vmem>>) offsets(%dma_start3A_167 : memref<80xi32, #tpu.memory_space<vmem>>) semaphore(%arg20 : memref<!tpu.dma_semaphore, #tpu.memory_space<semaphore_mem>>)
      } else {
      }
      %mul3A_126 = arith.constant 80 : i32
      %mul3A_127 = arith.muli %add3A_105, %mul3A_126 : i32
      %add3A_128 = arith.addi %multiple_of3A_5, %mul3A_127 : i32
      %multiple_of3A_129 = tpu.assume_multiple %add3A_128, 8 : i32
      %dma_start3A_130 = arith.constant 0 : i32
      %dma_start3A_131 = tpu.memref_slice %arg9[%multiple_of3A_129, %dma_start3A_130] : memref<51200x128xf32, #tpu.memory_space<hbm>> -> memref<80x128xf32, #tpu.memory_space<hbm>>
      %dma_start3A_132 = arith.constant 0 : i32
      %dma_start3A_133 = tpu.memref_slice %arg9[%multiple_of3A_129, %dma_start3A_132] : memref<51200x128xf32, #tpu.memory_space<hbm>> -> memref<80x128xf32, #tpu.memory_space<hbm>>
      tpu.enqueue_dma source(%arg17 : memref<80x128xf32, #tpu.memory_space<vmem>>) target(%dma_start3A_133 : memref<80x128xf32, #tpu.memory_space<hbm>>) target_semaphore(%arg25 : memref<!tpu.dma_semaphore, #tpu.memory_space<semaphore_mem>>)
      %add3A_134 = arith.constant 3 : i32
      %add3A_135 = arith.addi %mul3A_48, %add3A_134 : i32
      %multiple_of3A_136 = arith.constant 0 : i32
      %multiple_of3A_137 = tpu.assume_multiple %multiple_of3A_136, 8 : i32
      %dma_wait3A_138 = tpu.memref_slice %arg12[%multiple_of3A_137] : memref<1600xi32, #tpu.memory_space<vmem>> -> memref<80xi32, #tpu.memory_space<vmem>>
      %dma_wait3A_139 = arith.constant 0 : i32
      %dma_wait3A_140 = arith.constant 0 : i32
      %dma_wait3A_141 = tpu.memref_slice %arg5[%dma_wait3A_139, %dma_wait3A_140] : memref<1000000x128xf32, #tpu.memory_space<hbm>> -> memref<1000000x128xf32, #tpu.memory_space<hbm>>
      tpu.wait_indirect_dma semaphore(%arg22 : memref<!tpu.dma_semaphore, #tpu.memory_space<semaphore_mem>>) src(%dma_wait3A_141 : memref<1000000x128xf32, #tpu.memory_space<hbm>>) dst(%arg18 : memref<80x128xf32, #tpu.memory_space<vmem>>)
      %ge3A_142 = arith.constant 1 : i32
      %ge3A_143 = arith.cmpi sge, %add3A_135, %ge3A_142 : i32
      %convert_element_type3A_144 = arith.extui %ge3A_143 : i1 to i32
      %cond3A_145 = arith.constant 0 : i32
      %cond3A_146 = arith.cmpi ne, %convert_element_type3A_144, %cond3A_145 : i32
      scf.if %cond3A_146 {
        %add3A_164 = arith.constant 0 : i32
        %add3A_165 = arith.addi %multiple_of3A_5, %add3A_164 : i32
        %multiple_of3A_166 = tpu.assume_multiple %add3A_165, 8 : i32
        %dma_wait3A_167 = arith.constant 0 : i32
        %dma_wait3A_168 = tpu.memref_slice %arg9[%multiple_of3A_166, %dma_wait3A_167] : memref<51200x128xf32, #tpu.memory_space<hbm>> -> memref<80x128xf32, #tpu.memory_space<hbm>>
        %dma_wait3A_169 = arith.constant 0 : i32
        %dma_wait3A_170 = tpu.memref_slice %arg9[%multiple_of3A_166, %dma_wait3A_169] : memref<51200x128xf32, #tpu.memory_space<hbm>> -> memref<80x128xf32, #tpu.memory_space<hbm>>
        tpu.wait_dma2 semaphore(%arg25 : memref<!tpu.dma_semaphore, #tpu.memory_space<semaphore_mem>>) src(%arg17 : memref<80x128xf32, #tpu.memory_space<vmem>>) dst(%dma_wait3A_170 : memref<80x128xf32, #tpu.memory_space<hbm>>)
      } else {
      }
      %add3A_147 = arith.constant 4 : i32
      %add3A_148 = arith.addi %add3A_135, %add3A_147 : i32
      %sub3A_149 = arith.constant 1 : i32
      %sub3A_150 = arith.subi %add3A_148, %sub3A_149 : i32
      %lt3A_151 = arith.constant 20 : i32
      %lt3A_152 = arith.cmpi slt, %sub3A_150, %lt3A_151 : i32
      %convert_element_type3A_153 = arith.extui %lt3A_152 : i1 to i32
      %cond3A_154 = arith.constant 0 : i32
      %cond3A_155 = arith.cmpi ne, %convert_element_type3A_153, %cond3A_154 : i32
      scf.if %cond3A_155 {
        %mul3A_164 = arith.constant 80 : i32
        %mul3A_165 = arith.muli %sub3A_150, %mul3A_164 : i32
        %multiple_of3A_166 = tpu.assume_multiple %mul3A_165, 8 : i32
        %dma_start3A_167 = tpu.memref_slice %arg12[%multiple_of3A_166] : memref<1600xi32, #tpu.memory_space<vmem>> -> memref<80xi32, #tpu.memory_space<vmem>>
        %dma_start3A_168 = arith.constant 0 : i32
        %dma_start3A_169 = arith.constant 0 : i32
        %dma_start3A_170 = tpu.memref_slice %arg5[%dma_start3A_168, %dma_start3A_169] : memref<1000000x128xf32, #tpu.memory_space<hbm>> -> memref<1000000x128xf32, #tpu.memory_space<hbm>>
        tpu.enqueue_indirect_dma source(%dma_start3A_170 : memref<1000000x128xf32, #tpu.memory_space<hbm>>) target(%arg17 : memref<80x128xf32, #tpu.memory_space<vmem>>) offsets(%dma_start3A_167 : memref<80xi32, #tpu.memory_space<vmem>>) semaphore(%arg21 : memref<!tpu.dma_semaphore, #tpu.memory_space<semaphore_mem>>)
      } else {
      }
      %mul3A_156 = arith.constant 80 : i32
      %mul3A_157 = arith.muli %add3A_135, %mul3A_156 : i32
      %add3A_158 = arith.addi %multiple_of3A_5, %mul3A_157 : i32
      %multiple_of3A_159 = tpu.assume_multiple %add3A_158, 8 : i32
      %dma_start3A_160 = arith.constant 0 : i32
      %dma_start3A_161 = tpu.memref_slice %arg9[%multiple_of3A_159, %dma_start3A_160] : memref<51200x128xf32, #tpu.memory_space<hbm>> -> memref<80x128xf32, #tpu.memory_space<hbm>>
      %dma_start3A_162 = arith.constant 0 : i32
      %dma_start3A_163 = tpu.memref_slice %arg9[%multiple_of3A_159, %dma_start3A_162] : memref<51200x128xf32, #tpu.memory_space<hbm>> -> memref<80x128xf32, #tpu.memory_space<hbm>>
      tpu.enqueue_dma source(%arg18 : memref<80x128xf32, #tpu.memory_space<vmem>>) target(%dma_start3A_163 : memref<80x128xf32, #tpu.memory_space<hbm>>) target_semaphore(%arg26 : memref<!tpu.dma_semaphore, #tpu.memory_space<semaphore_mem>>)
    }
    %scan3A_33 = arith.constant 5 : i32
    %add3A_34 = arith.constant 0 : i32
    %add3A_35 = arith.addi %multiple_of3A_5, %add3A_34 : i32
    %multiple_of3A_36 = tpu.assume_multiple %add3A_35, 8 : i32
    %dma_wait3A = arith.constant 0 : i32
    %dma_wait3A_37 = tpu.memref_slice %arg9[%multiple_of3A_36, %dma_wait3A] : memref<51200x128xf32, #tpu.memory_space<hbm>> -> memref<80x128xf32, #tpu.memory_space<hbm>>
    %dma_wait3A_38 = arith.constant 0 : i32
    %dma_wait3A_39 = tpu.memref_slice %arg9[%multiple_of3A_36, %dma_wait3A_38] : memref<51200x128xf32, #tpu.memory_space<hbm>> -> memref<80x128xf32, #tpu.memory_space<hbm>>
    tpu.wait_dma2 semaphore(%arg26 : memref<!tpu.dma_semaphore, #tpu.memory_space<semaphore_mem>>) src(%arg18 : memref<80x128xf32, #tpu.memory_space<vmem>>) dst(%dma_wait3A_39 : memref<80x128xf32, #tpu.memory_space<hbm>>)
    %dma_wait3A_40 = arith.constant 0 : i32
    %dma_wait3A_41 = arith.constant 0 : i32
    %dma_wait3A_42 = tpu.memref_slice %arg5[%dma_wait3A_40, %dma_wait3A_41] : memref<1000000x128xf32, #tpu.memory_space<hbm>> -> memref<1000000x128xf32, #tpu.memory_space<hbm>>
    tpu.wait_indirect_dma semaphore(%arg27 : memref<!tpu.dma_semaphore, #tpu.memory_space<semaphore_mem>>) src(%dma_wait3A_42 : memref<1000000x128xf32, #tpu.memory_space<hbm>>) dst(%arg13 : memref<8x128xf32, #tpu.memory_space<vmem>>)
    %dma_wait3A_43 = arith.constant 0 : i32
    %dma_wait3A_44 = arith.constant 0 : i32
    %dma_wait3A_45 = tpu.memref_slice %arg6[%dma_wait3A_43, %dma_wait3A_44] : memref<1000x128xf32, #tpu.memory_space<hbm>> -> memref<1000x128xf32, #tpu.memory_space<hbm>>
    tpu.wait_indirect_dma semaphore(%arg27 : memref<!tpu.dma_semaphore, #tpu.memory_space<semaphore_mem>>) src(%dma_wait3A_45 : memref<1000x128xf32, #tpu.memory_space<hbm>>) dst(%arg14 : memref<8x128xf32, #tpu.memory_space<vmem>>)
    "tpu.region"() ({
      %run_scoped3A = tpu.sem_alloc : memref<!tpu.dma_semaphore, #tpu.memory_space<semaphore_mem>>
      %dma_start3A_46 = arith.constant 0 : i32
      %dma_start3A_47 = tpu.memref_slice %arg7[%multiple_of3A, %dma_start3A_46] : memref<256x128xf32, #tpu.memory_space<hbm>> -> memref<8x128xf32, #tpu.memory_space<hbm>>
      %dma_start3A_48 = arith.constant 0 : i32
      %dma_start3A_49 = tpu.memref_slice %arg7[%multiple_of3A, %dma_start3A_48] : memref<256x128xf32, #tpu.memory_space<hbm>> -> memref<8x128xf32, #tpu.memory_space<hbm>>
      tpu.enqueue_dma source(%arg13 : memref<8x128xf32, #tpu.memory_space<vmem>>) target(%dma_start3A_49 : memref<8x128xf32, #tpu.memory_space<hbm>>) target_semaphore(%run_scoped3A : memref<!tpu.dma_semaphore, #tpu.memory_space<semaphore_mem>>)
      %dma_wait3A_50 = arith.constant 0 : i32
      %dma_wait3A_51 = tpu.memref_slice %arg7[%multiple_of3A, %dma_wait3A_50] : memref<256x128xf32, #tpu.memory_space<hbm>> -> memref<8x128xf32, #tpu.memory_space<hbm>>
      %dma_wait3A_52 = arith.constant 0 : i32
      %dma_wait3A_53 = tpu.memref_slice %arg7[%multiple_of3A, %dma_wait3A_52] : memref<256x128xf32, #tpu.memory_space<hbm>> -> memref<8x128xf32, #tpu.memory_space<hbm>>
      tpu.wait_dma2 semaphore(%run_scoped3A : memref<!tpu.dma_semaphore, #tpu.memory_space<semaphore_mem>>) src(%arg13 : memref<8x128xf32, #tpu.memory_space<vmem>>) dst(%dma_wait3A_53 : memref<8x128xf32, #tpu.memory_space<hbm>>)
      tpu.yield
    }) : () -> ()
    "tpu.region"() ({
      %run_scoped3A = tpu.sem_alloc : memref<!tpu.dma_semaphore, #tpu.memory_space<semaphore_mem>>
      %dma_start3A_46 = arith.constant 0 : i32
      %dma_start3A_47 = tpu.memref_slice %arg8[%multiple_of3A, %dma_start3A_46] : memref<256x128xf32, #tpu.memory_space<hbm>> -> memref<8x128xf32, #tpu.memory_space<hbm>>
      %dma_start3A_48 = arith.constant 0 : i32
      %dma_start3A_49 = tpu.memref_slice %arg8[%multiple_of3A, %dma_start3A_48] : memref<256x128xf32, #tpu.memory_space<hbm>> -> memref<8x128xf32, #tpu.memory_space<hbm>>
      tpu.enqueue_dma source(%arg14 : memref<8x128xf32, #tpu.memory_space<vmem>>) target(%dma_start3A_49 : memref<8x128xf32, #tpu.memory_space<hbm>>) target_semaphore(%run_scoped3A : memref<!tpu.dma_semaphore, #tpu.memory_space<semaphore_mem>>)
      %dma_wait3A_50 = arith.constant 0 : i32
      %dma_wait3A_51 = tpu.memref_slice %arg8[%multiple_of3A, %dma_wait3A_50] : memref<256x128xf32, #tpu.memory_space<hbm>> -> memref<8x128xf32, #tpu.memory_space<hbm>>
      %dma_wait3A_52 = arith.constant 0 : i32
      %dma_wait3A_53 = tpu.memref_slice %arg8[%multiple_of3A, %dma_wait3A_52] : memref<256x128xf32, #tpu.memory_space<hbm>> -> memref<8x128xf32, #tpu.memory_space<hbm>>
      tpu.wait_dma2 semaphore(%run_scoped3A : memref<!tpu.dma_semaphore, #tpu.memory_space<semaphore_mem>>) src(%arg14 : memref<8x128xf32, #tpu.memory_space<vmem>>) dst(%dma_wait3A_53 : memref<8x128xf32, #tpu.memory_space<hbm>>)
      tpu.yield
    }) : () -> ()
    return
  }
}

#map = affine_map<(d0, d1) -> (0)>
#map1 = affine_map<(d0, d1) -> (0, 0)>
module attributes {stable_mosaic.version = 14 : i64} {
  func.func @sc_gather(%arg0: i32, %arg1: i32, %arg2: memref<256xi32, #tpu.memory_space<hbm>>, %arg3: memref<256xi32, #tpu.memory_space<hbm>>, %arg4: memref<51200xi32, #tpu.memory_space<hbm>>, %arg5: memref<1000000x128xf32, #tpu.memory_space<hbm>>, %arg6: memref<1000x128xf32, #tpu.memory_space<hbm>>, %arg7: memref<256x128xf32, #tpu.memory_space<hbm>>, %arg8: memref<256x128xf32, #tpu.memory_space<hbm>>, %arg9: memref<51200x128xf32, #tpu.memory_space<hbm>>, %arg10: memref<8xi32, #tpu.memory_space<vmem>>, %arg11: memref<8xi32, #tpu.memory_space<vmem>>, %arg12: memref<1600xi32, #tpu.memory_space<vmem>>, %arg13: memref<8x128xf32, #tpu.memory_space<vmem>>, %arg14: memref<8x128xf32, #tpu.memory_space<vmem>>, %arg15: memref<80x128xf32, #tpu.memory_space<vmem>>, %arg16: memref<80x128xf32, #tpu.memory_space<vmem>>, %arg17: memref<80x128xf32, #tpu.memory_space<vmem>>, %arg18: memref<80x128xf32, #tpu.memory_space<vmem>>, %arg19: memref<!tpu.dma_semaphore, #tpu.memory_space<semaphore_mem>>, %arg20: memref<!tpu.dma_semaphore, #tpu.memory_space<semaphore_mem>>, %arg21: memref<!tpu.dma_semaphore, #tpu.memory_space<semaphore_mem>>, %arg22: memref<!tpu.dma_semaphore, #tpu.memory_space<semaphore_mem>>, %arg23: memref<!tpu.dma_semaphore, #tpu.memory_space<semaphore_mem>>, %arg24: memref<!tpu.dma_semaphore, #tpu.memory_space<semaphore_mem>>, %arg25: memref<!tpu.dma_semaphore, #tpu.memory_space<semaphore_mem>>, %arg26: memref<!tpu.dma_semaphore, #tpu.memory_space<semaphore_mem>>, %arg27: memref<!tpu.dma_semaphore, #tpu.memory_space<semaphore_mem>>) attributes {dimension_semantics = [#tpu.dimension_semantics<core_parallel>, #tpu.dimension_semantics<subcore_parallel>], iteration_bounds = array<i64: 2, 16>, scalar_prefetch = 0 : i64, scratch_operands = 18 : i64, tpu.core_type = #tpu.core_type<sc_vector_subcore>, window_params = [{transform_indices = #map}, {transform_indices = #map}, {transform_indices = #map}, {transform_indices = #map1}, {transform_indices = #map1}, {transform_indices = #map1}, {transform_indices = #map1}, {transform_indices = #map1}]} {
    %mul3A = arith.constant 2 : i32
    %mul3A_0 = arith.muli %arg1, %mul3A : i32
    %add3A = arith.addi %mul3A_0, %arg0 : i32
    %mul3A_1 = arith.constant 8 : i32
    %mul3A_2 = arith.muli %add3A, %mul3A_1 : i32
    %multiple_of3A = tpu.assume_multiple %mul3A_2, 8 : i32
    %mul3A_3 = arith.constant 1600 : i32
    %mul3A_4 = arith.muli %add3A, %mul3A_3 : i32
    %multiple_of3A_5 = tpu.assume_multiple %mul3A_4, 8 : i32
    "tpu.region"() ({
      %run_scoped3A = tpu.sem_alloc : memref<!tpu.dma_semaphore, #tpu.memory_space<semaphore_mem>>
      %dma_start3A_46 = tpu.memref_slice %arg2[%multiple_of3A] : memref<256xi32, #tpu.memory_space<hbm>> -> memref<8xi32, #tpu.memory_space<hbm>>
      %dma_start3A_47 = tpu.memref_slice %arg2[%multiple_of3A] : memref<256xi32, #tpu.memory_space<hbm>> -> memref<8xi32, #tpu.memory_space<hbm>>
      tpu.enqueue_dma source(%dma_start3A_47 : memref<8xi32, #tpu.memory_space<hbm>>) target(%arg10 : memref<8xi32, #tpu.memory_space<vmem>>) target_semaphore(%run_scoped3A : memref<!tpu.dma_semaphore, #tpu.memory_space<semaphore_mem>>)
      %dma_wait3A_48 = tpu.memref_slice %arg2[%multiple_of3A] : memref<256xi32, #tpu.memory_space<hbm>> -> memref<8xi32, #tpu.memory_space<hbm>>
      %dma_wait3A_49 = tpu.memref_slice %arg2[%multiple_of3A] : memref<256xi32, #tpu.memory_space<hbm>> -> memref<8xi32, #tpu.memory_space<hbm>>
      tpu.wait_dma2 semaphore(%run_scoped3A : memref<!tpu.dma_semaphore, #tpu.memory_space<semaphore_mem>>) src(%dma_wait3A_49 : memref<8xi32, #tpu.memory_space<hbm>>) dst(%arg10 : memref<8xi32, #tpu.memory_space<vmem>>)
      tpu.yield
    }) : () -> ()
    "tpu.region"() ({
      %run_scoped3A = tpu.sem_alloc : memref<!tpu.dma_semaphore, #tpu.memory_space<semaphore_mem>>
      %dma_start3A_46 = tpu.memref_slice %arg3[%multiple_of3A] : memref<256xi32, #tpu.memory_space<hbm>> -> memref<8xi32, #tpu.memory_space<hbm>>
      %dma_start3A_47 = tpu.memref_slice %arg3[%multiple_of3A] : memref<256xi32, #tpu.memory_space<hbm>> -> memref<8xi32, #tpu.memory_space<hbm>>
      tpu.enqueue_dma source(%dma_start3A_47 : memref<8xi32, #tpu.memory_space<hbm>>) target(%arg11 : memref<8xi32, #tpu.memory_space<vmem>>) target_semaphore(%run_scoped3A : memref<!tpu.dma_semaphore, #tpu.memory_space<semaphore_mem>>)
      %dma_wait3A_48 = tpu.memref_slice %arg3[%multiple_of3A] : memref<256xi32, #tpu.memory_space<hbm>> -> memref<8xi32, #tpu.memory_space<hbm>>
      %dma_wait3A_49 = tpu.memref_slice %arg3[%multiple_of3A] : memref<256xi32, #tpu.memory_space<hbm>> -> memref<8xi32, #tpu.memory_space<hbm>>
      tpu.wait_dma2 semaphore(%run_scoped3A : memref<!tpu.dma_semaphore, #tpu.memory_space<semaphore_mem>>) src(%dma_wait3A_49 : memref<8xi32, #tpu.memory_space<hbm>>) dst(%arg11 : memref<8xi32, #tpu.memory_space<vmem>>)
      tpu.yield
    }) : () -> ()
    "tpu.region"() ({
      %run_scoped3A = tpu.sem_alloc : memref<!tpu.dma_semaphore, #tpu.memory_space<semaphore_mem>>
      %dma_start3A_46 = tpu.memref_slice %arg4[%multiple_of3A_5] : memref<51200xi32, #tpu.memory_space<hbm>> -> memref<1600xi32, #tpu.memory_space<hbm>>
      %dma_start3A_47 = tpu.memref_slice %arg4[%multiple_of3A_5] : memref<51200xi32, #tpu.memory_space<hbm>> -> memref<1600xi32, #tpu.memory_space<hbm>>
      tpu.enqueue_dma source(%dma_start3A_47 : memref<1600xi32, #tpu.memory_space<hbm>>) target(%arg12 : memref<1600xi32, #tpu.memory_space<vmem>>) target_semaphore(%run_scoped3A : memref<!tpu.dma_semaphore, #tpu.memory_space<semaphore_mem>>)
      %dma_wait3A_48 = tpu.memref_slice %arg4[%multiple_of3A_5] : memref<51200xi32, #tpu.memory_space<hbm>> -> memref<1600xi32, #tpu.memory_space<hbm>>
      %dma_wait3A_49 = tpu.memref_slice %arg4[%multiple_of3A_5] : memref<51200xi32, #tpu.memory_space<hbm>> -> memref<1600xi32, #tpu.memory_space<hbm>>
      tpu.wait_dma2 semaphore(%run_scoped3A : memref<!tpu.dma_semaphore, #tpu.memory_space<semaphore_mem>>) src(%dma_wait3A_49 : memref<1600xi32, #tpu.memory_space<hbm>>) dst(%arg12 : memref<1600xi32, #tpu.memory_space<vmem>>)
      tpu.yield
    }) : () -> ()
    %multiple_of3A_6 = arith.constant 0 : i32
    %multiple_of3A_7 = tpu.assume_multiple %multiple_of3A_6, 8 : i32
    %dma_start3A = tpu.memref_slice %arg12[%multiple_of3A_7] : memref<1600xi32, #tpu.memory_space<vmem>> -> memref<80xi32, #tpu.memory_space<vmem>>
    %dma_start3A_8 = arith.constant 0 : i32
    %dma_start3A_9 = arith.constant 0 : i32
    %dma_start3A_10 = tpu.memref_slice %arg5[%dma_start3A_8, %dma_start3A_9] : memref<1000000x128xf32, #tpu.memory_space<hbm>> -> memref<1000000x128xf32, #tpu.memory_space<hbm>>
    tpu.enqueue_indirect_dma source(%dma_start3A_10 : memref<1000000x128xf32, #tpu.memory_space<hbm>>) target(%arg15 : memref<80x128xf32, #tpu.memory_space<vmem>>) offsets(%dma_start3A : memref<80xi32, #tpu.memory_space<vmem>>) semaphore(%arg19 : memref<!tpu.dma_semaphore, #tpu.memory_space<semaphore_mem>>)
    %multiple_of3A_11 = arith.constant 80 : i32
    %multiple_of3A_12 = tpu.assume_multiple %multiple_of3A_11, 8 : i32
    %dma_start3A_13 = tpu.memref_slice %arg12[%multiple_of3A_12] : memref<1600xi32, #tpu.memory_space<vmem>> -> memref<80xi32, #tpu.memory_space<vmem>>
    %dma_start3A_14 = arith.constant 0 : i32
    %dma_start3A_15 = arith.constant 0 : i32
    %dma_start3A_16 = tpu.memref_slice %arg5[%dma_start3A_14, %dma_start3A_15] : memref<1000000x128xf32, #tpu.memory_space<hbm>> -> memref<1000000x128xf32, #tpu.memory_space<hbm>>
    tpu.enqueue_indirect_dma source(%dma_start3A_16 : memref<1000000x128xf32, #tpu.memory_space<hbm>>) target(%arg16 : memref<80x128xf32, #tpu.memory_space<vmem>>) offsets(%dma_start3A_13 : memref<80xi32, #tpu.memory_space<vmem>>) semaphore(%arg20 : memref<!tpu.dma_semaphore, #tpu.memory_space<semaphore_mem>>)
    %multiple_of3A_17 = arith.constant 160 : i32
    %multiple_of3A_18 = tpu.assume_multiple %multiple_of3A_17, 8 : i32
    %dma_start3A_19 = tpu.memref_slice %arg12[%multiple_of3A_18] : memref<1600xi32, #tpu.memory_space<vmem>> -> memref<80xi32, #tpu.memory_space<vmem>>
    %dma_start3A_20 = arith.constant 0 : i32
    %dma_start3A_21 = arith.constant 0 : i32
    %dma_start3A_22 = tpu.memref_slice %arg5[%dma_start3A_20, %dma_start3A_21] : memref<1000000x128xf32, #tpu.memory_space<hbm>> -> memref<1000000x128xf32, #tpu.memory_space<hbm>>
    tpu.enqueue_indirect_dma source(%dma_start3A_22 : memref<1000000x128xf32, #tpu.memory_space<hbm>>) target(%arg17 : memref<80x128xf32, #tpu.memory_space<vmem>>) offsets(%dma_start3A_19 : memref<80xi32, #tpu.memory_space<vmem>>) semaphore(%arg21 : memref<!tpu.dma_semaphore, #tpu.memory_space<semaphore_mem>>)
    %dma_start3A_23 = arith.constant 0 : i32
    %dma_start3A_24 = arith.constant 0 : i32
    %dma_start3A_25 = tpu.memref_slice %arg5[%dma_start3A_23, %dma_start3A_24] : memref<1000000x128xf32, #tpu.memory_space<hbm>> -> memref<1000000x128xf32, #tpu.memory_space<hbm>>
    tpu.enqueue_indirect_dma source(%dma_start3A_25 : memref<1000000x128xf32, #tpu.memory_space<hbm>>) target(%arg13 : memref<8x128xf32, #tpu.memory_space<vmem>>) offsets(%arg10 : memref<8xi32, #tpu.memory_space<vmem>>) semaphore(%arg27 : memref<!tpu.dma_semaphore, #tpu.memory_space<semaphore_mem>>)
    %dma_start3A_26 = arith.constant 0 : i32
    %dma_start3A_27 = arith.constant 0 : i32
    %dma_start3A_28 = tpu.memref_slice %arg6[%dma_start3A_26, %dma_start3A_27] : memref<1000x128xf32, #tpu.memory_space<hbm>> -> memref<1000x128xf32, #tpu.memory_space<hbm>>
    tpu.enqueue_indirect_dma source(%dma_start3A_28 : memref<1000x128xf32, #tpu.memory_space<hbm>>) target(%arg14 : memref<8x128xf32, #tpu.memory_space<vmem>>) offsets(%arg11 : memref<8xi32, #tpu.memory_space<vmem>>) semaphore(%arg27 : memref<!tpu.dma_semaphore, #tpu.memory_space<semaphore_mem>>)
    %scan3A = arith.constant 0 : i32
    %scan3A_29 = arith.constant 0 : i32
    %scan3A_30 = arith.constant 5 : i32
    %scan3A_31 = arith.addi %scan3A_29, %scan3A_30 : i32
    %scan3A_32 = arith.constant 1 : i32
    scf.for %scan3A_46 = %scan3A_29 to %scan3A_31 step %scan3A_32  : i32 {
      %mul3A_47 = arith.constant 4 : i32
      %mul3A_48 = arith.muli %scan3A_46, %mul3A_47 : i32
      %add3A_49 = arith.constant 0 : i32
      %add3A_50 = arith.addi %mul3A_48, %add3A_49 : i32
      %multiple_of3A_51 = arith.constant 0 : i32
      %multiple_of3A_52 = tpu.assume_multiple %multiple_of3A_51, 8 : i32
      %dma_wait3A_53 = tpu.memref_slice %arg12[%multiple_of3A_52] : memref<1600xi32, #tpu.memory_space<vmem>> -> memref<80xi32, #tpu.memory_space<vmem>>
      %dma_wait3A_54 = arith.constant 0 : i32
      %dma_wait3A_55 = arith.constant 0 : i32
      %dma_wait3A_56 = tpu.memref_slice %arg5[%dma_wait3A_54, %dma_wait3A_55] : memref<1000000x128xf32, #tpu.memory_space<hbm>> -> memref<1000000x128xf32, #tpu.memory_space<hbm>>
      tpu.wait_indirect_dma semaphore(%arg19 : memref<!tpu.dma_semaphore, #tpu.memory_space<semaphore_mem>>) src(%dma_wait3A_56 : memref<1000000x128xf32, #tpu.memory_space<hbm>>) dst(%arg15 : memref<80x128xf32, #tpu.memory_space<vmem>>)
      %ge3A = arith.constant 1 : i32
      %ge3A_57 = arith.cmpi sge, %add3A_50, %ge3A : i32
      %convert_element_type3A = arith.extui %ge3A_57 : i1 to i32
      %cond3A = arith.constant 0 : i32
      %cond3A_58 = arith.cmpi ne, %convert_element_type3A, %cond3A : i32
      scf.if %cond3A_58 {
        %add3A_164 = arith.constant 0 : i32
        %add3A_165 = arith.addi %multiple_of3A_5, %add3A_164 : i32
        %multiple_of3A_166 = tpu.assume_multiple %add3A_165, 8 : i32
        %dma_wait3A_167 = arith.constant 0 : i32
        %dma_wait3A_168 = tpu.memref_slice %arg9[%multiple_of3A_166, %dma_wait3A_167] : memref<51200x128xf32, #tpu.memory_space<hbm>> -> memref<80x128xf32, #tpu.memory_space<hbm>>
        %dma_wait3A_169 = arith.constant 0 : i32
        %dma_wait3A_170 = tpu.memref_slice %arg9[%multiple_of3A_166, %dma_wait3A_169] : memref<51200x128xf32, #tpu.memory_space<hbm>> -> memref<80x128xf32, #tpu.memory_space<hbm>>
        tpu.wait_dma2 semaphore(%arg26 : memref<!tpu.dma_semaphore, #tpu.memory_space<semaphore_mem>>) src(%arg18 : memref<80x128xf32, #tpu.memory_space<vmem>>) dst(%dma_wait3A_170 : memref<80x128xf32, #tpu.memory_space<hbm>>)
      } else {
      }
      %add3A_59 = arith.constant 4 : i32
      %add3A_60 = arith.addi %add3A_50, %add3A_59 : i32
      %sub3A = arith.constant 1 : i32
      %sub3A_61 = arith.subi %add3A_60, %sub3A : i32
      %lt3A = arith.constant 20 : i32
      %lt3A_62 = arith.cmpi slt, %sub3A_61, %lt3A : i32
      %convert_element_type3A_63 = arith.extui %lt3A_62 : i1 to i32
      %cond3A_64 = arith.constant 0 : i32
      %cond3A_65 = arith.cmpi ne, %convert_element_type3A_63, %cond3A_64 : i32
      scf.if %cond3A_65 {
        %mul3A_164 = arith.constant 80 : i32
        %mul3A_165 = arith.muli %sub3A_61, %mul3A_164 : i32
        %multiple_of3A_166 = tpu.assume_multiple %mul3A_165, 8 : i32
        %dma_start3A_167 = tpu.memref_slice %arg12[%multiple_of3A_166] : memref<1600xi32, #tpu.memory_space<vmem>> -> memref<80xi32, #tpu.memory_space<vmem>>
        %dma_start3A_168 = arith.constant 0 : i32
        %dma_start3A_169 = arith.constant 0 : i32
        %dma_start3A_170 = tpu.memref_slice %arg5[%dma_start3A_168, %dma_start3A_169] : memref<1000000x128xf32, #tpu.memory_space<hbm>> -> memref<1000000x128xf32, #tpu.memory_space<hbm>>
        tpu.enqueue_indirect_dma source(%dma_start3A_170 : memref<1000000x128xf32, #tpu.memory_space<hbm>>) target(%arg18 : memref<80x128xf32, #tpu.memory_space<vmem>>) offsets(%dma_start3A_167 : memref<80xi32, #tpu.memory_space<vmem>>) semaphore(%arg22 : memref<!tpu.dma_semaphore, #tpu.memory_space<semaphore_mem>>)
      } else {
      }
      %mul3A_66 = arith.constant 80 : i32
      %mul3A_67 = arith.muli %add3A_50, %mul3A_66 : i32
      %add3A_68 = arith.addi %multiple_of3A_5, %mul3A_67 : i32
      %multiple_of3A_69 = tpu.assume_multiple %add3A_68, 8 : i32
      %dma_start3A_70 = arith.constant 0 : i32
      %dma_start3A_71 = tpu.memref_slice %arg9[%multiple_of3A_69, %dma_start3A_70] : memref<51200x128xf32, #tpu.memory_space<hbm>> -> memref<80x128xf32, #tpu.memory_space<hbm>>
      %dma_start3A_72 = arith.constant 0 : i32
      %dma_start3A_73 = tpu.memref_slice %arg9[%multiple_of3A_69, %dma_start3A_72] : memref<51200x128xf32, #tpu.memory_space<hbm>> -> memref<80x128xf32, #tpu.memory_space<hbm>>
      tpu.enqueue_dma source(%arg15 : memref<80x128xf32, #tpu.memory_space<vmem>>) target(%dma_start3A_73 : memref<80x128xf32, #tpu.memory_space<hbm>>) target_semaphore(%arg23 : memref<!tpu.dma_semaphore, #tpu.memory_space<semaphore_mem>>)
      %add3A_74 = arith.constant 1 : i32
      %add3A_75 = arith.addi %mul3A_48, %add3A_74 : i32
      %multiple_of3A_76 = arith.constant 0 : i32
      %multiple_of3A_77 = tpu.assume_multiple %multiple_of3A_76, 8 : i32
      %dma_wait3A_78 = tpu.memref_slice %arg12[%multiple_of3A_77] : memref<1600xi32, #tpu.memory_space<vmem>> -> memref<80xi32, #tpu.memory_space<vmem>>
      %dma_wait3A_79 = arith.constant 0 : i32
      %dma_wait3A_80 = arith.constant 0 : i32
      %dma_wait3A_81 = tpu.memref_slice %arg5[%dma_wait3A_79, %dma_wait3A_80] : memref<1000000x128xf32, #tpu.memory_space<hbm>> -> memref<1000000x128xf32, #tpu.memory_space<hbm>>
      tpu.wait_indirect_dma semaphore(%arg20 : memref<!tpu.dma_semaphore, #tpu.memory_space<semaphore_mem>>) src(%dma_wait3A_81 : memref<1000000x128xf32, #tpu.memory_space<hbm>>) dst(%arg16 : memref<80x128xf32, #tpu.memory_space<vmem>>)
      %ge3A_82 = arith.constant 1 : i32
      %ge3A_83 = arith.cmpi sge, %add3A_75, %ge3A_82 : i32
      %convert_element_type3A_84 = arith.extui %ge3A_83 : i1 to i32
      %cond3A_85 = arith.constant 0 : i32
      %cond3A_86 = arith.cmpi ne, %convert_element_type3A_84, %cond3A_85 : i32
      scf.if %cond3A_86 {
        %add3A_164 = arith.constant 0 : i32
        %add3A_165 = arith.addi %multiple_of3A_5, %add3A_164 : i32
        %multiple_of3A_166 = tpu.assume_multiple %add3A_165, 8 : i32
        %dma_wait3A_167 = arith.constant 0 : i32
        %dma_wait3A_168 = tpu.memref_slice %arg9[%multiple_of3A_166, %dma_wait3A_167] : memref<51200x128xf32, #tpu.memory_space<hbm>> -> memref<80x128xf32, #tpu.memory_space<hbm>>
        %dma_wait3A_169 = arith.constant 0 : i32
        %dma_wait3A_170 = tpu.memref_slice %arg9[%multiple_of3A_166, %dma_wait3A_169] : memref<51200x128xf32, #tpu.memory_space<hbm>> -> memref<80x128xf32, #tpu.memory_space<hbm>>
        tpu.wait_dma2 semaphore(%arg23 : memref<!tpu.dma_semaphore, #tpu.memory_space<semaphore_mem>>) src(%arg15 : memref<80x128xf32, #tpu.memory_space<vmem>>) dst(%dma_wait3A_170 : memref<80x128xf32, #tpu.memory_space<hbm>>)
      } else {
      }
      %add3A_87 = arith.constant 4 : i32
      %add3A_88 = arith.addi %add3A_75, %add3A_87 : i32
      %sub3A_89 = arith.constant 1 : i32
      %sub3A_90 = arith.subi %add3A_88, %sub3A_89 : i32
      %lt3A_91 = arith.constant 20 : i32
      %lt3A_92 = arith.cmpi slt, %sub3A_90, %lt3A_91 : i32
      %convert_element_type3A_93 = arith.extui %lt3A_92 : i1 to i32
      %cond3A_94 = arith.constant 0 : i32
      %cond3A_95 = arith.cmpi ne, %convert_element_type3A_93, %cond3A_94 : i32
      scf.if %cond3A_95 {
        %mul3A_164 = arith.constant 80 : i32
        %mul3A_165 = arith.muli %sub3A_90, %mul3A_164 : i32
        %multiple_of3A_166 = tpu.assume_multiple %mul3A_165, 8 : i32
        %dma_start3A_167 = tpu.memref_slice %arg12[%multiple_of3A_166] : memref<1600xi32, #tpu.memory_space<vmem>> -> memref<80xi32, #tpu.memory_space<vmem>>
        %dma_start3A_168 = arith.constant 0 : i32
        %dma_start3A_169 = arith.constant 0 : i32
        %dma_start3A_170 = tpu.memref_slice %arg5[%dma_start3A_168, %dma_start3A_169] : memref<1000000x128xf32, #tpu.memory_space<hbm>> -> memref<1000000x128xf32, #tpu.memory_space<hbm>>
        tpu.enqueue_indirect_dma source(%dma_start3A_170 : memref<1000000x128xf32, #tpu.memory_space<hbm>>) target(%arg15 : memref<80x128xf32, #tpu.memory_space<vmem>>) offsets(%dma_start3A_167 : memref<80xi32, #tpu.memory_space<vmem>>) semaphore(%arg19 : memref<!tpu.dma_semaphore, #tpu.memory_space<semaphore_mem>>)
      } else {
      }
      %mul3A_96 = arith.constant 80 : i32
      %mul3A_97 = arith.muli %add3A_75, %mul3A_96 : i32
      %add3A_98 = arith.addi %multiple_of3A_5, %mul3A_97 : i32
      %multiple_of3A_99 = tpu.assume_multiple %add3A_98, 8 : i32
      %dma_start3A_100 = arith.constant 0 : i32
      %dma_start3A_101 = tpu.memref_slice %arg9[%multiple_of3A_99, %dma_start3A_100] : memref<51200x128xf32, #tpu.memory_space<hbm>> -> memref<80x128xf32, #tpu.memory_space<hbm>>
      %dma_start3A_102 = arith.constant 0 : i32
      %dma_start3A_103 = tpu.memref_slice %arg9[%multiple_of3A_99, %dma_start3A_102] : memref<51200x128xf32, #tpu.memory_space<hbm>> -> memref<80x128xf32, #tpu.memory_space<hbm>>
      tpu.enqueue_dma source(%arg16 : memref<80x128xf32, #tpu.memory_space<vmem>>) target(%dma_start3A_103 : memref<80x128xf32, #tpu.memory_space<hbm>>) target_semaphore(%arg24 : memref<!tpu.dma_semaphore, #tpu.memory_space<semaphore_mem>>)
      %add3A_104 = arith.constant 2 : i32
      %add3A_105 = arith.addi %mul3A_48, %add3A_104 : i32
      %multiple_of3A_106 = arith.constant 0 : i32
      %multiple_of3A_107 = tpu.assume_multiple %multiple_of3A_106, 8 : i32
      %dma_wait3A_108 = tpu.memref_slice %arg12[%multiple_of3A_107] : memref<1600xi32, #tpu.memory_space<vmem>> -> memref<80xi32, #tpu.memory_space<vmem>>
      %dma_wait3A_109 = arith.constant 0 : i32
      %dma_wait3A_110 = arith.constant 0 : i32
      %dma_wait3A_111 = tpu.memref_slice %arg5[%dma_wait3A_109, %dma_wait3A_110] : memref<1000000x128xf32, #tpu.memory_space<hbm>> -> memref<1000000x128xf32, #tpu.memory_space<hbm>>
      tpu.wait_indirect_dma semaphore(%arg21 : memref<!tpu.dma_semaphore, #tpu.memory_space<semaphore_mem>>) src(%dma_wait3A_111 : memref<1000000x128xf32, #tpu.memory_space<hbm>>) dst(%arg17 : memref<80x128xf32, #tpu.memory_space<vmem>>)
      %ge3A_112 = arith.constant 1 : i32
      %ge3A_113 = arith.cmpi sge, %add3A_105, %ge3A_112 : i32
      %convert_element_type3A_114 = arith.extui %ge3A_113 : i1 to i32
      %cond3A_115 = arith.constant 0 : i32
      %cond3A_116 = arith.cmpi ne, %convert_element_type3A_114, %cond3A_115 : i32
      scf.if %cond3A_116 {
        %add3A_164 = arith.constant 0 : i32
        %add3A_165 = arith.addi %multiple_of3A_5, %add3A_164 : i32
        %multiple_of3A_166 = tpu.assume_multiple %add3A_165, 8 : i32
        %dma_wait3A_167 = arith.constant 0 : i32
        %dma_wait3A_168 = tpu.memref_slice %arg9[%multiple_of3A_166, %dma_wait3A_167] : memref<51200x128xf32, #tpu.memory_space<hbm>> -> memref<80x128xf32, #tpu.memory_space<hbm>>
        %dma_wait3A_169 = arith.constant 0 : i32
        %dma_wait3A_170 = tpu.memref_slice %arg9[%multiple_of3A_166, %dma_wait3A_169] : memref<51200x128xf32, #tpu.memory_space<hbm>> -> memref<80x128xf32, #tpu.memory_space<hbm>>
        tpu.wait_dma2 semaphore(%arg24 : memref<!tpu.dma_semaphore, #tpu.memory_space<semaphore_mem>>) src(%arg16 : memref<80x128xf32, #tpu.memory_space<vmem>>) dst(%dma_wait3A_170 : memref<80x128xf32, #tpu.memory_space<hbm>>)
      } else {
      }
      %add3A_117 = arith.constant 4 : i32
      %add3A_118 = arith.addi %add3A_105, %add3A_117 : i32
      %sub3A_119 = arith.constant 1 : i32
      %sub3A_120 = arith.subi %add3A_118, %sub3A_119 : i32
      %lt3A_121 = arith.constant 20 : i32
      %lt3A_122 = arith.cmpi slt, %sub3A_120, %lt3A_121 : i32
      %convert_element_type3A_123 = arith.extui %lt3A_122 : i1 to i32
      %cond3A_124 = arith.constant 0 : i32
      %cond3A_125 = arith.cmpi ne, %convert_element_type3A_123, %cond3A_124 : i32
      scf.if %cond3A_125 {
        %mul3A_164 = arith.constant 80 : i32
        %mul3A_165 = arith.muli %sub3A_120, %mul3A_164 : i32
        %multiple_of3A_166 = tpu.assume_multiple %mul3A_165, 8 : i32
        %dma_start3A_167 = tpu.memref_slice %arg12[%multiple_of3A_166] : memref<1600xi32, #tpu.memory_space<vmem>> -> memref<80xi32, #tpu.memory_space<vmem>>
        %dma_start3A_168 = arith.constant 0 : i32
        %dma_start3A_169 = arith.constant 0 : i32
        %dma_start3A_170 = tpu.memref_slice %arg5[%dma_start3A_168, %dma_start3A_169] : memref<1000000x128xf32, #tpu.memory_space<hbm>> -> memref<1000000x128xf32, #tpu.memory_space<hbm>>
        tpu.enqueue_indirect_dma source(%dma_start3A_170 : memref<1000000x128xf32, #tpu.memory_space<hbm>>) target(%arg16 : memref<80x128xf32, #tpu.memory_space<vmem>>) offsets(%dma_start3A_167 : memref<80xi32, #tpu.memory_space<vmem>>) semaphore(%arg20 : memref<!tpu.dma_semaphore, #tpu.memory_space<semaphore_mem>>)
      } else {
      }
      %mul3A_126 = arith.constant 80 : i32
      %mul3A_127 = arith.muli %add3A_105, %mul3A_126 : i32
      %add3A_128 = arith.addi %multiple_of3A_5, %mul3A_127 : i32
      %multiple_of3A_129 = tpu.assume_multiple %add3A_128, 8 : i32
      %dma_start3A_130 = arith.constant 0 : i32
      %dma_start3A_131 = tpu.memref_slice %arg9[%multiple_of3A_129, %dma_start3A_130] : memref<51200x128xf32, #tpu.memory_space<hbm>> -> memref<80x128xf32, #tpu.memory_space<hbm>>
      %dma_start3A_132 = arith.constant 0 : i32
      %dma_start3A_133 = tpu.memref_slice %arg9[%multiple_of3A_129, %dma_start3A_132] : memref<51200x128xf32, #tpu.memory_space<hbm>> -> memref<80x128xf32, #tpu.memory_space<hbm>>
      tpu.enqueue_dma source(%arg17 : memref<80x128xf32, #tpu.memory_space<vmem>>) target(%dma_start3A_133 : memref<80x128xf32, #tpu.memory_space<hbm>>) target_semaphore(%arg25 : memref<!tpu.dma_semaphore, #tpu.memory_space<semaphore_mem>>)
      %add3A_134 = arith.constant 3 : i32
      %add3A_135 = arith.addi %mul3A_48, %add3A_134 : i32
      %multiple_of3A_136 = arith.constant 0 : i32
      %multiple_of3A_137 = tpu.assume_multiple %multiple_of3A_136, 8 : i32
      %dma_wait3A_138 = tpu.memref_slice %arg12[%multiple_of3A_137] : memref<1600xi32, #tpu.memory_space<vmem>> -> memref<80xi32, #tpu.memory_space<vmem>>
      %dma_wait3A_139 = arith.constant 0 : i32
      %dma_wait3A_140 = arith.constant 0 : i32
      %dma_wait3A_141 = tpu.memref_slice %arg5[%dma_wait3A_139, %dma_wait3A_140] : memref<1000000x128xf32, #tpu.memory_space<hbm>> -> memref<1000000x128xf32, #tpu.memory_space<hbm>>
      tpu.wait_indirect_dma semaphore(%arg22 : memref<!tpu.dma_semaphore, #tpu.memory_space<semaphore_mem>>) src(%dma_wait3A_141 : memref<1000000x128xf32, #tpu.memory_space<hbm>>) dst(%arg18 : memref<80x128xf32, #tpu.memory_space<vmem>>)
      %ge3A_142 = arith.constant 1 : i32
      %ge3A_143 = arith.cmpi sge, %add3A_135, %ge3A_142 : i32
      %convert_element_type3A_144 = arith.extui %ge3A_143 : i1 to i32
      %cond3A_145 = arith.constant 0 : i32
      %cond3A_146 = arith.cmpi ne, %convert_element_type3A_144, %cond3A_145 : i32
      scf.if %cond3A_146 {
        %add3A_164 = arith.constant 0 : i32
        %add3A_165 = arith.addi %multiple_of3A_5, %add3A_164 : i32
        %multiple_of3A_166 = tpu.assume_multiple %add3A_165, 8 : i32
        %dma_wait3A_167 = arith.constant 0 : i32
        %dma_wait3A_168 = tpu.memref_slice %arg9[%multiple_of3A_166, %dma_wait3A_167] : memref<51200x128xf32, #tpu.memory_space<hbm>> -> memref<80x128xf32, #tpu.memory_space<hbm>>
        %dma_wait3A_169 = arith.constant 0 : i32
        %dma_wait3A_170 = tpu.memref_slice %arg9[%multiple_of3A_166, %dma_wait3A_169] : memref<51200x128xf32, #tpu.memory_space<hbm>> -> memref<80x128xf32, #tpu.memory_space<hbm>>
        tpu.wait_dma2 semaphore(%arg25 : memref<!tpu.dma_semaphore, #tpu.memory_space<semaphore_mem>>) src(%arg17 : memref<80x128xf32, #tpu.memory_space<vmem>>) dst(%dma_wait3A_170 : memref<80x128xf32, #tpu.memory_space<hbm>>)
      } else {
      }
      %add3A_147 = arith.constant 4 : i32
      %add3A_148 = arith.addi %add3A_135, %add3A_147 : i32
      %sub3A_149 = arith.constant 1 : i32
      %sub3A_150 = arith.subi %add3A_148, %sub3A_149 : i32
      %lt3A_151 = arith.constant 20 : i32
      %lt3A_152 = arith.cmpi slt, %sub3A_150, %lt3A_151 : i32
      %convert_element_type3A_153 = arith.extui %lt3A_152 : i1 to i32
      %cond3A_154 = arith.constant 0 : i32
      %cond3A_155 = arith.cmpi ne, %convert_element_type3A_153, %cond3A_154 : i32
      scf.if %cond3A_155 {
        %mul3A_164 = arith.constant 80 : i32
        %mul3A_165 = arith.muli %sub3A_150, %mul3A_164 : i32
        %multiple_of3A_166 = tpu.assume_multiple %mul3A_165, 8 : i32
        %dma_start3A_167 = tpu.memref_slice %arg12[%multiple_of3A_166] : memref<1600xi32, #tpu.memory_space<vmem>> -> memref<80xi32, #tpu.memory_space<vmem>>
        %dma_start3A_168 = arith.constant 0 : i32
        %dma_start3A_169 = arith.constant 0 : i32
        %dma_start3A_170 = tpu.memref_slice %arg5[%dma_start3A_168, %dma_start3A_169] : memref<1000000x128xf32, #tpu.memory_space<hbm>> -> memref<1000000x128xf32, #tpu.memory_space<hbm>>
        tpu.enqueue_indirect_dma source(%dma_start3A_170 : memref<1000000x128xf32, #tpu.memory_space<hbm>>) target(%arg17 : memref<80x128xf32, #tpu.memory_space<vmem>>) offsets(%dma_start3A_167 : memref<80xi32, #tpu.memory_space<vmem>>) semaphore(%arg21 : memref<!tpu.dma_semaphore, #tpu.memory_space<semaphore_mem>>)
      } else {
      }
      %mul3A_156 = arith.constant 80 : i32
      %mul3A_157 = arith.muli %add3A_135, %mul3A_156 : i32
      %add3A_158 = arith.addi %multiple_of3A_5, %mul3A_157 : i32
      %multiple_of3A_159 = tpu.assume_multiple %add3A_158, 8 : i32
      %dma_start3A_160 = arith.constant 0 : i32
      %dma_start3A_161 = tpu.memref_slice %arg9[%multiple_of3A_159, %dma_start3A_160] : memref<51200x128xf32, #tpu.memory_space<hbm>> -> memref<80x128xf32, #tpu.memory_space<hbm>>
      %dma_start3A_162 = arith.constant 0 : i32
      %dma_start3A_163 = tpu.memref_slice %arg9[%multiple_of3A_159, %dma_start3A_162] : memref<51200x128xf32, #tpu.memory_space<hbm>> -> memref<80x128xf32, #tpu.memory_space<hbm>>
      tpu.enqueue_dma source(%arg18 : memref<80x128xf32, #tpu.memory_space<vmem>>) target(%dma_start3A_163 : memref<80x128xf32, #tpu.memory_space<hbm>>) target_semaphore(%arg26 : memref<!tpu.dma_semaphore, #tpu.memory_space<semaphore_mem>>)
    }
    %scan3A_33 = arith.constant 5 : i32
    %add3A_34 = arith.constant 0 : i32
    %add3A_35 = arith.addi %multiple_of3A_5, %add3A_34 : i32
    %multiple_of3A_36 = tpu.assume_multiple %add3A_35, 8 : i32
    %dma_wait3A = arith.constant 0 : i32
    %dma_wait3A_37 = tpu.memref_slice %arg9[%multiple_of3A_36, %dma_wait3A] : memref<51200x128xf32, #tpu.memory_space<hbm>> -> memref<80x128xf32, #tpu.memory_space<hbm>>
    %dma_wait3A_38 = arith.constant 0 : i32
    %dma_wait3A_39 = tpu.memref_slice %arg9[%multiple_of3A_36, %dma_wait3A_38] : memref<51200x128xf32, #tpu.memory_space<hbm>> -> memref<80x128xf32, #tpu.memory_space<hbm>>
    tpu.wait_dma2 semaphore(%arg26 : memref<!tpu.dma_semaphore, #tpu.memory_space<semaphore_mem>>) src(%arg18 : memref<80x128xf32, #tpu.memory_space<vmem>>) dst(%dma_wait3A_39 : memref<80x128xf32, #tpu.memory_space<hbm>>)
    %dma_wait3A_40 = arith.constant 0 : i32
    %dma_wait3A_41 = arith.constant 0 : i32
    %dma_wait3A_42 = tpu.memref_slice %arg5[%dma_wait3A_40, %dma_wait3A_41] : memref<1000000x128xf32, #tpu.memory_space<hbm>> -> memref<1000000x128xf32, #tpu.memory_space<hbm>>
    tpu.wait_indirect_dma semaphore(%arg27 : memref<!tpu.dma_semaphore, #tpu.memory_space<semaphore_mem>>) src(%dma_wait3A_42 : memref<1000000x128xf32, #tpu.memory_space<hbm>>) dst(%arg13 : memref<8x128xf32, #tpu.memory_space<vmem>>)
    %dma_wait3A_43 = arith.constant 0 : i32
    %dma_wait3A_44 = arith.constant 0 : i32
    %dma_wait3A_45 = tpu.memref_slice %arg6[%dma_wait3A_43, %dma_wait3A_44] : memref<1000x128xf32, #tpu.memory_space<hbm>> -> memref<1000x128xf32, #tpu.memory_space<hbm>>
    tpu.wait_indirect_dma semaphore(%arg27 : memref<!tpu.dma_semaphore, #tpu.memory_space<semaphore_mem>>) src(%dma_wait3A_45 : memref<1000x128xf32, #tpu.memory_space<hbm>>) dst(%arg14 : memref<8x128xf32, #tpu.memory_space<vmem>>)
    "tpu.region"() ({
      %run_scoped3A = tpu.sem_alloc : memref<!tpu.dma_semaphore, #tpu.memory_space<semaphore_mem>>
      %dma_start3A_46 = arith.constant 0 : i32
      %dma_start3A_47 = tpu.memref_slice %arg7[%multiple_of3A, %dma_start3A_46] : memref<256x128xf32, #tpu.memory_space<hbm>> -> memref<8x128xf32, #tpu.memory_space<hbm>>
      %dma_start3A_48 = arith.constant 0 : i32
      %dma_start3A_49 = tpu.memref_slice %arg7[%multiple_of3A, %dma_start3A_48] : memref<256x128xf32, #tpu.memory_space<hbm>> -> memref<8x128xf32, #tpu.memory_space<hbm>>
      tpu.enqueue_dma source(%arg13 : memref<8x128xf32, #tpu.memory_space<vmem>>) target(%dma_start3A_49 : memref<8x128xf32, #tpu.memory_space<hbm>>) target_semaphore(%run_scoped3A : memref<!tpu.dma_semaphore, #tpu.memory_space<semaphore_mem>>)
      %dma_wait3A_50 = arith.constant 0 : i32
      %dma_wait3A_51 = tpu.memref_slice %arg7[%multiple_of3A, %dma_wait3A_50] : memref<256x128xf32, #tpu.memory_space<hbm>> -> memref<8x128xf32, #tpu.memory_space<hbm>>
      %dma_wait3A_52 = arith.constant 0 : i32
      %dma_wait3A_53 = tpu.memref_slice %arg7[%multiple_of3A, %dma_wait3A_52] : memref<256x128xf32, #tpu.memory_space<hbm>> -> memref<8x128xf32, #tpu.memory_space<hbm>>
      tpu.wait_dma2 semaphore(%run_scoped3A : memref<!tpu.dma_semaphore, #tpu.memory_space<semaphore_mem>>) src(%arg13 : memref<8x128xf32, #tpu.memory_space<vmem>>) dst(%dma_wait3A_53 : memref<8x128xf32, #tpu.memory_space<hbm>>)
      tpu.yield
    }) : () -> ()
    "tpu.region"() ({
      %run_scoped3A = tpu.sem_alloc : memref<!tpu.dma_semaphore, #tpu.memory_space<semaphore_mem>>
      %dma_start3A_46 = arith.constant 0 : i32
      %dma_start3A_47 = tpu.memref_slice %arg8[%multiple_of3A, %dma_start3A_46] : memref<256x128xf32, #tpu.memory_space<hbm>> -> memref<8x128xf32, #tpu.memory_space<hbm>>
      %dma_start3A_48 = arith.constant 0 : i32
      %dma_start3A_49 = tpu.memref_slice %arg8[%multiple_of3A, %dma_start3A_48] : memref<256x128xf32, #tpu.memory_space<hbm>> -> memref<8x128xf32, #tpu.memory_space<hbm>>
      tpu.enqueue_dma source(%arg14 : memref<8x128xf32, #tpu.memory_space<vmem>>) target(%dma_start3A_49 : memref<8x128xf32, #tpu.memory_space<hbm>>) target_semaphore(%run_scoped3A : memref<!tpu.dma_semaphore, #tpu.memory_space<semaphore_mem>>)
      %dma_wait3A_50 = arith.constant 0 : i32
      %dma_wait3A_51 = tpu.memref_slice %arg8[%multiple_of3A, %dma_wait3A_50] : memref<256x128xf32, #tpu.memory_space<hbm>> -> memref<8x128xf32, #tpu.memory_space<hbm>>
      %dma_wait3A_52 = arith.constant 0 : i32
      %dma_wait3A_53 = tpu.memref_slice %arg8[%multiple_of3A, %dma_wait3A_52] : memref<256x128xf32, #tpu.memory_space<hbm>> -> memref<8x128xf32, #tpu.memory_space<hbm>>
      tpu.wait_dma2 semaphore(%run_scoped3A : memref<!tpu.dma_semaphore, #tpu.memory_space<semaphore_mem>>) src(%arg14 : memref<8x128xf32, #tpu.memory_space<vmem>>) dst(%dma_wait3A_53 : memref<8x128xf32, #tpu.memory_space<hbm>>)
      tpu.yield
    }) : () -> ()
    return
  }
}

module attributes {stable_mosaic.version = 14 : i64} {
  func.func @tc_score(%arg0: i32, %arg1: memref<16x128xf32, #tpu.memory_space<vmem>>, %arg2: memref<16x128xf32, #tpu.memory_space<vmem>>, %arg3: memref<16x200x128xf32, #tpu.memory_space<vmem>>, %arg4: memref<16x200xf32, #tpu.memory_space<vmem>>) attributes {dimension_semantics = [#tpu.dimension_semantics<arbitrary>], iteration_bounds = array<i64: 16>, scalar_prefetch = 0 : i64, scratch_operands = 0 : i64, tpu.core_type = #tpu.core_type<tc>, window_params = [{transform_indices = @transform_0, window_bounds = array<i64: 16, 128>}, {transform_indices = @transform_1, window_bounds = array<i64: 16, 128>}, {transform_indices = @transform_2, window_bounds = array<i64: 16, 200, 128>}, {transform_indices = @transform_3, window_bounds = array<i64: 16, 200>}]} {
    %get3A = arith.constant 0 : index
    %get3A_0 = arith.constant 0 : index
    %get3A_1 = vector.load %arg1[%get3A, %get3A_0] : memref<16x128xf32, #tpu.memory_space<vmem>>, vector<16x128xf32>
    %get3A_2 = arith.constant 0 : index
    %get3A_3 = arith.constant 0 : index
    %get3A_4 = vector.load %arg2[%get3A_2, %get3A_3] : memref<16x128xf32, #tpu.memory_space<vmem>>, vector<16x128xf32>
    %mul3A = arith.constant 14.3615665 : f32
    %mul3A_5 = vector.broadcast %mul3A : f32 to vector<16x128xf32>
    %mul3A_6 = arith.mulf %get3A_4, %mul3A_5 : vector<16x128xf32>
    %sin3A = math.sin %mul3A_6 : vector<16x128xf32>
    %cos3A = math.cos %mul3A_6 : vector<16x128xf32>
    %slice3A = vector.extract_strided_slice %get3A_1 {offsets = [0, 0], sizes = [16, 64], strides = [1, 1]} : vector<16x128xf32> to vector<16x64xf32>
    %slice3A_7 = vector.extract_strided_slice %get3A_1 {offsets = [0, 64], sizes = [16, 64], strides = [1, 1]} : vector<16x128xf32> to vector<16x64xf32>
    %slice3A_8 = vector.extract_strided_slice %cos3A {offsets = [0, 0], sizes = [16, 64], strides = [1, 1]} : vector<16x128xf32> to vector<16x64xf32>
    %mul3A_9 = arith.mulf %slice3A, %slice3A_8 : vector<16x64xf32>
    %slice3A_10 = vector.extract_strided_slice %sin3A {offsets = [0, 0], sizes = [16, 64], strides = [1, 1]} : vector<16x128xf32> to vector<16x64xf32>
    %mul3A_11 = arith.mulf %slice3A_7, %slice3A_10 : vector<16x64xf32>
    %sub3A = arith.subf %mul3A_9, %mul3A_11 : vector<16x64xf32>
    %slice3A_12 = vector.extract_strided_slice %sin3A {offsets = [0, 0], sizes = [16, 64], strides = [1, 1]} : vector<16x128xf32> to vector<16x64xf32>
    %mul3A_13 = arith.mulf %slice3A, %slice3A_12 : vector<16x64xf32>
    %slice3A_14 = vector.extract_strided_slice %cos3A {offsets = [0, 0], sizes = [16, 64], strides = [1, 1]} : vector<16x128xf32> to vector<16x64xf32>
    %mul3A_15 = arith.mulf %slice3A_7, %slice3A_14 : vector<16x64xf32>
    %add3A = arith.addf %mul3A_13, %mul3A_15 : vector<16x64xf32>
    %concatenate3A = tpu.concatenate %sub3A, %add3A in 1 : vector<16x64xf32>, vector<16x64xf32> -> vector<16x128xf32>
    %broadcast_in_dim3A = arith.constant 1.000000e+00 : f32
    %broadcast_in_dim3A_16 = vector.broadcast %broadcast_in_dim3A : f32 to vector<128x1xf32>
    %slice3A_17 = vector.extract_strided_slice %concatenate3A {offsets = [0, 0], sizes = [8, 128], strides = [1, 1]} : vector<16x128xf32> to vector<8x128xf32>
    %broadcast_in_dim3A_18 = vector.shape_cast %slice3A_17 : vector<8x128xf32> to vector<8x1x128xf32>
    %get3A_19 = arith.constant 0 : index
    %get3A_20 = arith.constant 0 : index
    %get3A_21 = arith.constant 0 : index
    %get3A_22 = vector.load %arg3[%get3A_19, %get3A_20, %get3A_21] : memref<16x200x128xf32, #tpu.memory_space<vmem>>, vector<8x8x128xf32>
    %sub3A_23 = vector.broadcast %broadcast_in_dim3A_18 : vector<8x1x128xf32> to vector<8x8x128xf32>
    %sub3A_24 = arith.subf %sub3A_23, %get3A_22 : vector<8x8x128xf32>
    %mul3A_25 = arith.mulf %sub3A_24, %sub3A_24 : vector<8x8x128xf32>
    %slice3A_26 = vector.extract_strided_slice %mul3A_25 {offsets = [0, 0, 64], sizes = [8, 8, 64], strides = [1, 1, 1]} : vector<8x8x128xf32> to vector<8x8x64xf32>
    %slice3A_27 = vector.extract_strided_slice %mul3A_25 {offsets = [0, 0, 0], sizes = [8, 8, 64], strides = [1, 1, 1]} : vector<8x8x128xf32> to vector<8x8x64xf32>
    %concatenate3A_28 = tpu.concatenate %slice3A_26, %slice3A_27 in 2 : vector<8x8x64xf32>, vector<8x8x64xf32> -> vector<8x8x128xf32>
    %add3A_29 = arith.addf %mul3A_25, %concatenate3A_28 : vector<8x8x128xf32>
    %add3A_30 = arith.constant 1.000000e-30 : f32
    %add3A_31 = vector.broadcast %add3A_30 : f32 to vector<8x8x128xf32>
    %add3A_32 = arith.addf %add3A_29, %add3A_31 : vector<8x8x128xf32>
    %rsqrt3A = math.rsqrt %add3A_32 : vector<8x8x128xf32>
    %mul3A_33 = arith.mulf %add3A_32, %rsqrt3A : vector<8x8x128xf32>
    %reshape3A = vector.shape_cast %mul3A_33 : vector<8x8x128xf32> to vector<64x128xf32>
    %dot_general3A = arith.constant dense<0.000000e+00> : vector<64x1xf32>
    %dot_general3A_34 = tpu.matmul %reshape3A, %broadcast_in_dim3A_16, %dot_general3A {dimension_numbers = #tpu.dot_dimension_numbers<[1], [0], [0], [1], [0, 0, 1, 1], [], []>, transpose_lhs_hint = false} : vector<64x128xf32>, vector<128x1xf32>, vector<64x1xf32> -> vector<64x1xf32>
    %reshape3A_35 = vector.shape_cast %dot_general3A_34 : vector<64x1xf32> to vector<8x8xf32>
    %mul3A_36 = arith.constant 5.000000e-01 : f32
    %mul3A_37 = vector.broadcast %mul3A_36 : f32 to vector<8x8xf32>
    %mul3A_38 = arith.mulf %mul3A_37, %reshape3A_35 : vector<8x8xf32>
    %sub3A_39 = arith.constant 1.200000e+01 : f32
    %sub3A_40 = vector.broadcast %sub3A_39 : f32 to vector<8x8xf32>
    %sub3A_41 = arith.subf %mul3A_38, %sub3A_40 : vector<8x8xf32>
    %swap3A = arith.constant 0 : index
    %swap3A_42 = arith.constant 0 : index
    %swap3A_43 = vector.load %arg4[%swap3A, %swap3A_42] : memref<16x200xf32, #tpu.memory_space<vmem>>, vector<8x8xf32>
    tpu.vector_store %arg4[%swap3A, %swap3A_42], %sub3A_41 {strides = array<i32>} : memref<16x200xf32, #tpu.memory_space<vmem>>, vector<8x8xf32>,
    %get3A_44 = arith.constant 0 : index
    %get3A_45 = arith.constant 8 : index
    %get3A_46 = arith.constant 0 : index
    %get3A_47 = vector.load %arg3[%get3A_44, %get3A_45, %get3A_46] : memref<16x200x128xf32, #tpu.memory_space<vmem>>, vector<8x8x128xf32>
    %sub3A_48 = vector.broadcast %broadcast_in_dim3A_18 : vector<8x1x128xf32> to vector<8x8x128xf32>
    %sub3A_49 = arith.subf %sub3A_48, %get3A_47 : vector<8x8x128xf32>
    %mul3A_50 = arith.mulf %sub3A_49, %sub3A_49 : vector<8x8x128xf32>
    %slice3A_51 = vector.extract_strided_slice %mul3A_50 {offsets = [0, 0, 64], sizes = [8, 8, 64], strides = [1, 1, 1]} : vector<8x8x128xf32> to vector<8x8x64xf32>
    %slice3A_52 = vector.extract_strided_slice %mul3A_50 {offsets = [0, 0, 0], sizes = [8, 8, 64], strides = [1, 1, 1]} : vector<8x8x128xf32> to vector<8x8x64xf32>
    %concatenate3A_53 = tpu.concatenate %slice3A_51, %slice3A_52 in 2 : vector<8x8x64xf32>, vector<8x8x64xf32> -> vector<8x8x128xf32>
    %add3A_54 = arith.addf %mul3A_50, %concatenate3A_53 : vector<8x8x128xf32>
    %add3A_55 = arith.constant 1.000000e-30 : f32
    %add3A_56 = vector.broadcast %add3A_55 : f32 to vector<8x8x128xf32>
    %add3A_57 = arith.addf %add3A_54, %add3A_56 : vector<8x8x128xf32>
    %rsqrt3A_58 = math.rsqrt %add3A_57 : vector<8x8x128xf32>
    %mul3A_59 = arith.mulf %add3A_57, %rsqrt3A_58 : vector<8x8x128xf32>
    %reshape3A_60 = vector.shape_cast %mul3A_59 : vector<8x8x128xf32> to vector<64x128xf32>
    %dot_general3A_61 = arith.constant dense<0.000000e+00> : vector<64x1xf32>
    %dot_general3A_62 = tpu.matmul %reshape3A_60, %broadcast_in_dim3A_16, %dot_general3A_61 {dimension_numbers = #tpu.dot_dimension_numbers<[1], [0], [0], [1], [0, 0, 1, 1], [], []>, transpose_lhs_hint = false} : vector<64x128xf32>, vector<128x1xf32>, vector<64x1xf32> -> vector<64x1xf32>
    %reshape3A_63 = vector.shape_cast %dot_general3A_62 : vector<64x1xf32> to vector<8x8xf32>
    %mul3A_64 = arith.constant 5.000000e-01 : f32
    %mul3A_65 = vector.broadcast %mul3A_64 : f32 to vector<8x8xf32>
    %mul3A_66 = arith.mulf %mul3A_65, %reshape3A_63 : vector<8x8xf32>
    %sub3A_67 = arith.constant 1.200000e+01 : f32
    %sub3A_68 = vector.broadcast %sub3A_67 : f32 to vector<8x8xf32>
    %sub3A_69 = arith.subf %mul3A_66, %sub3A_68 : vector<8x8xf32>
    %swap3A_70 = arith.constant 0 : index
    %swap3A_71 = arith.constant 8 : index
    %swap3A_72 = vector.load %arg4[%swap3A_70, %swap3A_71] : memref<16x200xf32, #tpu.memory_space<vmem>>, vector<8x8xf32>
    tpu.vector_store %arg4[%swap3A_70, %swap3A_71], %sub3A_69 {strides = array<i32>} : memref<16x200xf32, #tpu.memory_space<vmem>>, vector<8x8xf32>,
    %get3A_73 = arith.constant 0 : index
    %get3A_74 = arith.constant 16 : index
    %get3A_75 = arith.constant 0 : index
    %get3A_76 = vector.load %arg3[%get3A_73, %get3A_74, %get3A_75] : memref<16x200x128xf32, #tpu.memory_space<vmem>>, vector<8x8x128xf32>
    %sub3A_77 = vector.broadcast %broadcast_in_dim3A_18 : vector<8x1x128xf32> to vector<8x8x128xf32>
    %sub3A_78 = arith.subf %sub3A_77, %get3A_76 : vector<8x8x128xf32>
    %mul3A_79 = arith.mulf %sub3A_78, %sub3A_78 : vector<8x8x128xf32>
    %slice3A_80 = vector.extract_strided_slice %mul3A_79 {offsets = [0, 0, 64], sizes = [8, 8, 64], strides = [1, 1, 1]} : vector<8x8x128xf32> to vector<8x8x64xf32>
    %slice3A_81 = vector.extract_strided_slice %mul3A_79 {offsets = [0, 0, 0], sizes = [8, 8, 64], strides = [1, 1, 1]} : vector<8x8x128xf32> to vector<8x8x64xf32>
    %concatenate3A_82 = tpu.concatenate %slice3A_80, %slice3A_81 in 2 : vector<8x8x64xf32>, vector<8x8x64xf32> -> vector<8x8x128xf32>
    %add3A_83 = arith.addf %mul3A_79, %concatenate3A_82 : vector<8x8x128xf32>
    %add3A_84 = arith.constant 1.000000e-30 : f32
    %add3A_85 = vector.broadcast %add3A_84 : f32 to vector<8x8x128xf32>
    %add3A_86 = arith.addf %add3A_83, %add3A_85 : vector<8x8x128xf32>
    %rsqrt3A_87 = math.rsqrt %add3A_86 : vector<8x8x128xf32>
    %mul3A_88 = arith.mulf %add3A_86, %rsqrt3A_87 : vector<8x8x128xf32>
    %reshape3A_89 = vector.shape_cast %mul3A_88 : vector<8x8x128xf32> to vector<64x128xf32>
    %dot_general3A_90 = arith.constant dense<0.000000e+00> : vector<64x1xf32>
    %dot_general3A_91 = tpu.matmul %reshape3A_89, %broadcast_in_dim3A_16, %dot_general3A_90 {dimension_numbers = #tpu.dot_dimension_numbers<[1], [0], [0], [1], [0, 0, 1, 1], [], []>, transpose_lhs_hint = false} : vector<64x128xf32>, vector<128x1xf32>, vector<64x1xf32> -> vector<64x1xf32>
    %reshape3A_92 = vector.shape_cast %dot_general3A_91 : vector<64x1xf32> to vector<8x8xf32>
    %mul3A_93 = arith.constant 5.000000e-01 : f32
    %mul3A_94 = vector.broadcast %mul3A_93 : f32 to vector<8x8xf32>
    %mul3A_95 = arith.mulf %mul3A_94, %reshape3A_92 : vector<8x8xf32>
    %sub3A_96 = arith.constant 1.200000e+01 : f32
    %sub3A_97 = vector.broadcast %sub3A_96 : f32 to vector<8x8xf32>
    %sub3A_98 = arith.subf %mul3A_95, %sub3A_97 : vector<8x8xf32>
    %swap3A_99 = arith.constant 0 : index
    %swap3A_100 = arith.constant 16 : index
    %swap3A_101 = vector.load %arg4[%swap3A_99, %swap3A_100] : memref<16x200xf32, #tpu.memory_space<vmem>>, vector<8x8xf32>
    tpu.vector_store %arg4[%swap3A_99, %swap3A_100], %sub3A_98 {strides = array<i32>} : memref<16x200xf32, #tpu.memory_space<vmem>>, vector<8x8xf32>,
    %get3A_102 = arith.constant 0 : index
    %get3A_103 = arith.constant 24 : index
    %get3A_104 = arith.constant 0 : index
    %get3A_105 = vector.load %arg3[%get3A_102, %get3A_103, %get3A_104] : memref<16x200x128xf32, #tpu.memory_space<vmem>>, vector<8x8x128xf32>
    %sub3A_106 = vector.broadcast %broadcast_in_dim3A_18 : vector<8x1x128xf32> to vector<8x8x128xf32>
    %sub3A_107 = arith.subf %sub3A_106, %get3A_105 : vector<8x8x128xf32>
    %mul3A_108 = arith.mulf %sub3A_107, %sub3A_107 : vector<8x8x128xf32>
    %slice3A_109 = vector.extract_strided_slice %mul3A_108 {offsets = [0, 0, 64], sizes = [8, 8, 64], strides = [1, 1, 1]} : vector<8x8x128xf32> to vector<8x8x64xf32>
    %slice3A_110 = vector.extract_strided_slice %mul3A_108 {offsets = [0, 0, 0], sizes = [8, 8, 64], strides = [1, 1, 1]} : vector<8x8x128xf32> to vector<8x8x64xf32>
    %concatenate3A_111 = tpu.concatenate %slice3A_109, %slice3A_110 in 2 : vector<8x8x64xf32>, vector<8x8x64xf32> -> vector<8x8x128xf32>
    %add3A_112 = arith.addf %mul3A_108, %concatenate3A_111 : vector<8x8x128xf32>
    %add3A_113 = arith.constant 1.000000e-30 : f32
    %add3A_114 = vector.broadcast %add3A_113 : f32 to vector<8x8x128xf32>
    %add3A_115 = arith.addf %add3A_112, %add3A_114 : vector<8x8x128xf32>
    %rsqrt3A_116 = math.rsqrt %add3A_115 : vector<8x8x128xf32>
    %mul3A_117 = arith.mulf %add3A_115, %rsqrt3A_116 : vector<8x8x128xf32>
    %reshape3A_118 = vector.shape_cast %mul3A_117 : vector<8x8x128xf32> to vector<64x128xf32>
    %dot_general3A_119 = arith.constant dense<0.000000e+00> : vector<64x1xf32>
    %dot_general3A_120 = tpu.matmul %reshape3A_118, %broadcast_in_dim3A_16, %dot_general3A_119 {dimension_numbers = #tpu.dot_dimension_numbers<[1], [0], [0], [1], [0, 0, 1, 1], [], []>, transpose_lhs_hint = false} : vector<64x128xf32>, vector<128x1xf32>, vector<64x1xf32> -> vector<64x1xf32>
    %reshape3A_121 = vector.shape_cast %dot_general3A_120 : vector<64x1xf32> to vector<8x8xf32>
    %mul3A_122 = arith.constant 5.000000e-01 : f32
    %mul3A_123 = vector.broadcast %mul3A_122 : f32 to vector<8x8xf32>
    %mul3A_124 = arith.mulf %mul3A_123, %reshape3A_121 : vector<8x8xf32>
    %sub3A_125 = arith.constant 1.200000e+01 : f32
    %sub3A_126 = vector.broadcast %sub3A_125 : f32 to vector<8x8xf32>
    %sub3A_127 = arith.subf %mul3A_124, %sub3A_126 : vector<8x8xf32>
    %swap3A_128 = arith.constant 0 : index
    %swap3A_129 = arith.constant 24 : index
    %swap3A_130 = vector.load %arg4[%swap3A_128, %swap3A_129] : memref<16x200xf32, #tpu.memory_space<vmem>>, vector<8x8xf32>
    tpu.vector_store %arg4[%swap3A_128, %swap3A_129], %sub3A_127 {strides = array<i32>} : memref<16x200xf32, #tpu.memory_space<vmem>>, vector<8x8xf32>,
    %get3A_131 = arith.constant 0 : index
    %get3A_132 = arith.constant 32 : index
    %get3A_133 = arith.constant 0 : index
    %get3A_134 = vector.load %arg3[%get3A_131, %get3A_132, %get3A_133] : memref<16x200x128xf32, #tpu.memory_space<vmem>>, vector<8x8x128xf32>
    %sub3A_135 = vector.broadcast %broadcast_in_dim3A_18 : vector<8x1x128xf32> to vector<8x8x128xf32>
    %sub3A_136 = arith.subf %sub3A_135, %get3A_134 : vector<8x8x128xf32>
    %mul3A_137 = arith.mulf %sub3A_136, %sub3A_136 : vector<8x8x128xf32>
    %slice3A_138 = vector.extract_strided_slice %mul3A_137 {offsets = [0, 0, 64], sizes = [8, 8, 64], strides = [1, 1, 1]} : vector<8x8x128xf32> to vector<8x8x64xf32>
    %slice3A_139 = vector.extract_strided_slice %mul3A_137 {offsets = [0, 0, 0], sizes = [8, 8, 64], strides = [1, 1, 1]} : vector<8x8x128xf32> to vector<8x8x64xf32>
    %concatenate3A_140 = tpu.concatenate %slice3A_138, %slice3A_139 in 2 : vector<8x8x64xf32>, vector<8x8x64xf32> -> vector<8x8x128xf32>
    %add3A_141 = arith.addf %mul3A_137, %concatenate3A_140 : vector<8x8x128xf32>
    %add3A_142 = arith.constant 1.000000e-30 : f32
    %add3A_143 = vector.broadcast %add3A_142 : f32 to vector<8x8x128xf32>
    %add3A_144 = arith.addf %add3A_141, %add3A_143 : vector<8x8x128xf32>
    %rsqrt3A_145 = math.rsqrt %add3A_144 : vector<8x8x128xf32>
    %mul3A_146 = arith.mulf %add3A_144, %rsqrt3A_145 : vector<8x8x128xf32>
    %reshape3A_147 = vector.shape_cast %mul3A_146 : vector<8x8x128xf32> to vector<64x128xf32>
    %dot_general3A_148 = arith.constant dense<0.000000e+00> : vector<64x1xf32>
    %dot_general3A_149 = tpu.matmul %reshape3A_147, %broadcast_in_dim3A_16, %dot_general3A_148 {dimension_numbers = #tpu.dot_dimension_numbers<[1], [0], [0], [1], [0, 0, 1, 1], [], []>, transpose_lhs_hint = false} : vector<64x128xf32>, vector<128x1xf32>, vector<64x1xf32> -> vector<64x1xf32>
    %reshape3A_150 = vector.shape_cast %dot_general3A_149 : vector<64x1xf32> to vector<8x8xf32>
    %mul3A_151 = arith.constant 5.000000e-01 : f32
    %mul3A_152 = vector.broadcast %mul3A_151 : f32 to vector<8x8xf32>
    %mul3A_153 = arith.mulf %mul3A_152, %reshape3A_150 : vector<8x8xf32>
    %sub3A_154 = arith.constant 1.200000e+01 : f32
    %sub3A_155 = vector.broadcast %sub3A_154 : f32 to vector<8x8xf32>
    %sub3A_156 = arith.subf %mul3A_153, %sub3A_155 : vector<8x8xf32>
    %swap3A_157 = arith.constant 0 : index
    %swap3A_158 = arith.constant 32 : index
    %swap3A_159 = vector.load %arg4[%swap3A_157, %swap3A_158] : memref<16x200xf32, #tpu.memory_space<vmem>>, vector<8x8xf32>
    tpu.vector_store %arg4[%swap3A_157, %swap3A_158], %sub3A_156 {strides = array<i32>} : memref<16x200xf32, #tpu.memory_space<vmem>>, vector<8x8xf32>,
    %get3A_160 = arith.constant 0 : index
    %get3A_161 = arith.constant 40 : index
    %get3A_162 = arith.constant 0 : index
    %get3A_163 = vector.load %arg3[%get3A_160, %get3A_161, %get3A_162] : memref<16x200x128xf32, #tpu.memory_space<vmem>>, vector<8x8x128xf32>
    %sub3A_164 = vector.broadcast %broadcast_in_dim3A_18 : vector<8x1x128xf32> to vector<8x8x128xf32>
    %sub3A_165 = arith.subf %sub3A_164, %get3A_163 : vector<8x8x128xf32>
    %mul3A_166 = arith.mulf %sub3A_165, %sub3A_165 : vector<8x8x128xf32>
    %slice3A_167 = vector.extract_strided_slice %mul3A_166 {offsets = [0, 0, 64], sizes = [8, 8, 64], strides = [1, 1, 1]} : vector<8x8x128xf32> to vector<8x8x64xf32>
    %slice3A_168 = vector.extract_strided_slice %mul3A_166 {offsets = [0, 0, 0], sizes = [8, 8, 64], strides = [1, 1, 1]} : vector<8x8x128xf32> to vector<8x8x64xf32>
    %concatenate3A_169 = tpu.concatenate %slice3A_167, %slice3A_168 in 2 : vector<8x8x64xf32>, vector<8x8x64xf32> -> vector<8x8x128xf32>
    %add3A_170 = arith.addf %mul3A_166, %concatenate3A_169 : vector<8x8x128xf32>
    %add3A_171 = arith.constant 1.000000e-30 : f32
    %add3A_172 = vector.broadcast %add3A_171 : f32 to vector<8x8x128xf32>
    %add3A_173 = arith.addf %add3A_170, %add3A_172 : vector<8x8x128xf32>
    %rsqrt3A_174 = math.rsqrt %add3A_173 : vector<8x8x128xf32>
    %mul3A_175 = arith.mulf %add3A_173, %rsqrt3A_174 : vector<8x8x128xf32>
    %reshape3A_176 = vector.shape_cast %mul3A_175 : vector<8x8x128xf32> to vector<64x128xf32>
    %dot_general3A_177 = arith.constant dense<0.000000e+00> : vector<64x1xf32>
    %dot_general3A_178 = tpu.matmul %reshape3A_176, %broadcast_in_dim3A_16, %dot_general3A_177 {dimension_numbers = #tpu.dot_dimension_numbers<[1], [0], [0], [1], [0, 0, 1, 1], [], []>, transpose_lhs_hint = false} : vector<64x128xf32>, vector<128x1xf32>, vector<64x1xf32> -> vector<64x1xf32>
    %reshape3A_179 = vector.shape_cast %dot_general3A_178 : vector<64x1xf32> to vector<8x8xf32>
    %mul3A_180 = arith.constant 5.000000e-01 : f32
    %mul3A_181 = vector.broadcast %mul3A_180 : f32 to vector<8x8xf32>
    %mul3A_182 = arith.mulf %mul3A_181, %reshape3A_179 : vector<8x8xf32>
    %sub3A_183 = arith.constant 1.200000e+01 : f32
    %sub3A_184 = vector.broadcast %sub3A_183 : f32 to vector<8x8xf32>
    %sub3A_185 = arith.subf %mul3A_182, %sub3A_184 : vector<8x8xf32>
    %swap3A_186 = arith.constant 0 : index
    %swap3A_187 = arith.constant 40 : index
    %swap3A_188 = vector.load %arg4[%swap3A_186, %swap3A_187] : memref<16x200xf32, #tpu.memory_space<vmem>>, vector<8x8xf32>
    tpu.vector_store %arg4[%swap3A_186, %swap3A_187], %sub3A_185 {strides = array<i32>} : memref<16x200xf32, #tpu.memory_space<vmem>>, vector<8x8xf32>,
    %get3A_189 = arith.constant 0 : index
    %get3A_190 = arith.constant 48 : index
    %get3A_191 = arith.constant 0 : index
    %get3A_192 = vector.load %arg3[%get3A_189, %get3A_190, %get3A_191] : memref<16x200x128xf32, #tpu.memory_space<vmem>>, vector<8x8x128xf32>
    %sub3A_193 = vector.broadcast %broadcast_in_dim3A_18 : vector<8x1x128xf32> to vector<8x8x128xf32>
    %sub3A_194 = arith.subf %sub3A_193, %get3A_192 : vector<8x8x128xf32>
    %mul3A_195 = arith.mulf %sub3A_194, %sub3A_194 : vector<8x8x128xf32>
    %slice3A_196 = vector.extract_strided_slice %mul3A_195 {offsets = [0, 0, 64], sizes = [8, 8, 64], strides = [1, 1, 1]} : vector<8x8x128xf32> to vector<8x8x64xf32>
    %slice3A_197 = vector.extract_strided_slice %mul3A_195 {offsets = [0, 0, 0], sizes = [8, 8, 64], strides = [1, 1, 1]} : vector<8x8x128xf32> to vector<8x8x64xf32>
    %concatenate3A_198 = tpu.concatenate %slice3A_196, %slice3A_197 in 2 : vector<8x8x64xf32>, vector<8x8x64xf32> -> vector<8x8x128xf32>
    %add3A_199 = arith.addf %mul3A_195, %concatenate3A_198 : vector<8x8x128xf32>
    %add3A_200 = arith.constant 1.000000e-30 : f32
    %add3A_201 = vector.broadcast %add3A_200 : f32 to vector<8x8x128xf32>
    %add3A_202 = arith.addf %add3A_199, %add3A_201 : vector<8x8x128xf32>
    %rsqrt3A_203 = math.rsqrt %add3A_202 : vector<8x8x128xf32>
    %mul3A_204 = arith.mulf %add3A_202, %rsqrt3A_203 : vector<8x8x128xf32>
    %reshape3A_205 = vector.shape_cast %mul3A_204 : vector<8x8x128xf32> to vector<64x128xf32>
    %dot_general3A_206 = arith.constant dense<0.000000e+00> : vector<64x1xf32>
    %dot_general3A_207 = tpu.matmul %reshape3A_205, %broadcast_in_dim3A_16, %dot_general3A_206 {dimension_numbers = #tpu.dot_dimension_numbers<[1], [0], [0], [1], [0, 0, 1, 1], [], []>, transpose_lhs_hint = false} : vector<64x128xf32>, vector<128x1xf32>, vector<64x1xf32> -> vector<64x1xf32>
    %reshape3A_208 = vector.shape_cast %dot_general3A_207 : vector<64x1xf32> to vector<8x8xf32>
    %mul3A_209 = arith.constant 5.000000e-01 : f32
    %mul3A_210 = vector.broadcast %mul3A_209 : f32 to vector<8x8xf32>
    %mul3A_211 = arith.mulf %mul3A_210, %reshape3A_208 : vector<8x8xf32>
    %sub3A_212 = arith.constant 1.200000e+01 : f32
    %sub3A_213 = vector.broadcast %sub3A_212 : f32 to vector<8x8xf32>
    %sub3A_214 = arith.subf %mul3A_211, %sub3A_213 : vector<8x8xf32>
    %swap3A_215 = arith.constant 0 : index
    %swap3A_216 = arith.constant 48 : index
    %swap3A_217 = vector.load %arg4[%swap3A_215, %swap3A_216] : memref<16x200xf32, #tpu.memory_space<vmem>>, vector<8x8xf32>
    tpu.vector_store %arg4[%swap3A_215, %swap3A_216], %sub3A_214 {strides = array<i32>} : memref<16x200xf32, #tpu.memory_space<vmem>>, vector<8x8xf32>,
    %get3A_218 = arith.constant 0 : index
    %get3A_219 = arith.constant 56 : index
    %get3A_220 = arith.constant 0 : index
    %get3A_221 = vector.load %arg3[%get3A_218, %get3A_219, %get3A_220] : memref<16x200x128xf32, #tpu.memory_space<vmem>>, vector<8x8x128xf32>
    %sub3A_222 = vector.broadcast %broadcast_in_dim3A_18 : vector<8x1x128xf32> to vector<8x8x128xf32>
    %sub3A_223 = arith.subf %sub3A_222, %get3A_221 : vector<8x8x128xf32>
    %mul3A_224 = arith.mulf %sub3A_223, %sub3A_223 : vector<8x8x128xf32>
    %slice3A_225 = vector.extract_strided_slice %mul3A_224 {offsets = [0, 0, 64], sizes = [8, 8, 64], strides = [1, 1, 1]} : vector<8x8x128xf32> to vector<8x8x64xf32>
    %slice3A_226 = vector.extract_strided_slice %mul3A_224 {offsets = [0, 0, 0], sizes = [8, 8, 64], strides = [1, 1, 1]} : vector<8x8x128xf32> to vector<8x8x64xf32>
    %concatenate3A_227 = tpu.concatenate %slice3A_225, %slice3A_226 in 2 : vector<8x8x64xf32>, vector<8x8x64xf32> -> vector<8x8x128xf32>
    %add3A_228 = arith.addf %mul3A_224, %concatenate3A_227 : vector<8x8x128xf32>
    %add3A_229 = arith.constant 1.000000e-30 : f32
    %add3A_230 = vector.broadcast %add3A_229 : f32 to vector<8x8x128xf32>
    %add3A_231 = arith.addf %add3A_228, %add3A_230 : vector<8x8x128xf32>
    %rsqrt3A_232 = math.rsqrt %add3A_231 : vector<8x8x128xf32>
    %mul3A_233 = arith.mulf %add3A_231, %rsqrt3A_232 : vector<8x8x128xf32>
    %reshape3A_234 = vector.shape_cast %mul3A_233 : vector<8x8x128xf32> to vector<64x128xf32>
    %dot_general3A_235 = arith.constant dense<0.000000e+00> : vector<64x1xf32>
    %dot_general3A_236 = tpu.matmul %reshape3A_234, %broadcast_in_dim3A_16, %dot_general3A_235 {dimension_numbers = #tpu.dot_dimension_numbers<[1], [0], [0], [1], [0, 0, 1, 1], [], []>, transpose_lhs_hint = false} : vector<64x128xf32>, vector<128x1xf32>, vector<64x1xf32> -> vector<64x1xf32>
    %reshape3A_237 = vector.shape_cast %dot_general3A_236 : vector<64x1xf32> to vector<8x8xf32>
    %mul3A_238 = arith.constant 5.000000e-01 : f32
    %mul3A_239 = vector.broadcast %mul3A_238 : f32 to vector<8x8xf32>
    %mul3A_240 = arith.mulf %mul3A_239, %reshape3A_237 : vector<8x8xf32>
    %sub3A_241 = arith.constant 1.200000e+01 : f32
    %sub3A_242 = vector.broadcast %sub3A_241 : f32 to vector<8x8xf32>
    %sub3A_243 = arith.subf %mul3A_240, %sub3A_242 : vector<8x8xf32>
    %swap3A_244 = arith.constant 0 : index
    %swap3A_245 = arith.constant 56 : index
    %swap3A_246 = vector.load %arg4[%swap3A_244, %swap3A_245] : memref<16x200xf32, #tpu.memory_space<vmem>>, vector<8x8xf32>
    tpu.vector_store %arg4[%swap3A_244, %swap3A_245], %sub3A_243 {strides = array<i32>} : memref<16x200xf32, #tpu.memory_space<vmem>>, vector<8x8xf32>,
    %get3A_247 = arith.constant 0 : index
    %get3A_248 = arith.constant 64 : index
    %get3A_249 = arith.constant 0 : index
    %get3A_250 = vector.load %arg3[%get3A_247, %get3A_248, %get3A_249] : memref<16x200x128xf32, #tpu.memory_space<vmem>>, vector<8x8x128xf32>
    %sub3A_251 = vector.broadcast %broadcast_in_dim3A_18 : vector<8x1x128xf32> to vector<8x8x128xf32>
    %sub3A_252 = arith.subf %sub3A_251, %get3A_250 : vector<8x8x128xf32>
    %mul3A_253 = arith.mulf %sub3A_252, %sub3A_252 : vector<8x8x128xf32>
    %slice3A_254 = vector.extract_strided_slice %mul3A_253 {offsets = [0, 0, 64], sizes = [8, 8, 64], strides = [1, 1, 1]} : vector<8x8x128xf32> to vector<8x8x64xf32>
    %slice3A_255 = vector.extract_strided_slice %mul3A_253 {offsets = [0, 0, 0], sizes = [8, 8, 64], strides = [1, 1, 1]} : vector<8x8x128xf32> to vector<8x8x64xf32>
    %concatenate3A_256 = tpu.concatenate %slice3A_254, %slice3A_255 in 2 : vector<8x8x64xf32>, vector<8x8x64xf32> -> vector<8x8x128xf32>
    %add3A_257 = arith.addf %mul3A_253, %concatenate3A_256 : vector<8x8x128xf32>
    %add3A_258 = arith.constant 1.000000e-30 : f32
    %add3A_259 = vector.broadcast %add3A_258 : f32 to vector<8x8x128xf32>
    %add3A_260 = arith.addf %add3A_257, %add3A_259 : vector<8x8x128xf32>
    %rsqrt3A_261 = math.rsqrt %add3A_260 : vector<8x8x128xf32>
    %mul3A_262 = arith.mulf %add3A_260, %rsqrt3A_261 : vector<8x8x128xf32>
    %reshape3A_263 = vector.shape_cast %mul3A_262 : vector<8x8x128xf32> to vector<64x128xf32>
    %dot_general3A_264 = arith.constant dense<0.000000e+00> : vector<64x1xf32>
    %dot_general3A_265 = tpu.matmul %reshape3A_263, %broadcast_in_dim3A_16, %dot_general3A_264 {dimension_numbers = #tpu.dot_dimension_numbers<[1], [0], [0], [1], [0, 0, 1, 1], [], []>, transpose_lhs_hint = false} : vector<64x128xf32>, vector<128x1xf32>, vector<64x1xf32> -> vector<64x1xf32>
    %reshape3A_266 = vector.shape_cast %dot_general3A_265 : vector<64x1xf32> to vector<8x8xf32>
    %mul3A_267 = arith.constant 5.000000e-01 : f32
    %mul3A_268 = vector.broadcast %mul3A_267 : f32 to vector<8x8xf32>
    %mul3A_269 = arith.mulf %mul3A_268, %reshape3A_266 : vector<8x8xf32>
    %sub3A_270 = arith.constant 1.200000e+01 : f32
    %sub3A_271 = vector.broadcast %sub3A_270 : f32 to vector<8x8xf32>
    %sub3A_272 = arith.subf %mul3A_269, %sub3A_271 : vector<8x8xf32>
    %swap3A_273 = arith.constant 0 : index
    %swap3A_274 = arith.constant 64 : index
    %swap3A_275 = vector.load %arg4[%swap3A_273, %swap3A_274] : memref<16x200xf32, #tpu.memory_space<vmem>>, vector<8x8xf32>
    tpu.vector_store %arg4[%swap3A_273, %swap3A_274], %sub3A_272 {strides = array<i32>} : memref<16x200xf32, #tpu.memory_space<vmem>>, vector<8x8xf32>,
    %get3A_276 = arith.constant 0 : index
    %get3A_277 = arith.constant 72 : index
    %get3A_278 = arith.constant 0 : index
    %get3A_279 = vector.load %arg3[%get3A_276, %get3A_277, %get3A_278] : memref<16x200x128xf32, #tpu.memory_space<vmem>>, vector<8x8x128xf32>
    %sub3A_280 = vector.broadcast %broadcast_in_dim3A_18 : vector<8x1x128xf32> to vector<8x8x128xf32>
    %sub3A_281 = arith.subf %sub3A_280, %get3A_279 : vector<8x8x128xf32>
    %mul3A_282 = arith.mulf %sub3A_281, %sub3A_281 : vector<8x8x128xf32>
    %slice3A_283 = vector.extract_strided_slice %mul3A_282 {offsets = [0, 0, 64], sizes = [8, 8, 64], strides = [1, 1, 1]} : vector<8x8x128xf32> to vector<8x8x64xf32>
    %slice3A_284 = vector.extract_strided_slice %mul3A_282 {offsets = [0, 0, 0], sizes = [8, 8, 64], strides = [1, 1, 1]} : vector<8x8x128xf32> to vector<8x8x64xf32>
    %concatenate3A_285 = tpu.concatenate %slice3A_283, %slice3A_284 in 2 : vector<8x8x64xf32>, vector<8x8x64xf32> -> vector<8x8x128xf32>
    %add3A_286 = arith.addf %mul3A_282, %concatenate3A_285 : vector<8x8x128xf32>
    %add3A_287 = arith.constant 1.000000e-30 : f32
    %add3A_288 = vector.broadcast %add3A_287 : f32 to vector<8x8x128xf32>
    %add3A_289 = arith.addf %add3A_286, %add3A_288 : vector<8x8x128xf32>
    %rsqrt3A_290 = math.rsqrt %add3A_289 : vector<8x8x128xf32>
    %mul3A_291 = arith.mulf %add3A_289, %rsqrt3A_290 : vector<8x8x128xf32>
    %reshape3A_292 = vector.shape_cast %mul3A_291 : vector<8x8x128xf32> to vector<64x128xf32>
    %dot_general3A_293 = arith.constant dense<0.000000e+00> : vector<64x1xf32>
    %dot_general3A_294 = tpu.matmul %reshape3A_292, %broadcast_in_dim3A_16, %dot_general3A_293 {dimension_numbers = #tpu.dot_dimension_numbers<[1], [0], [0], [1], [0, 0, 1, 1], [], []>, transpose_lhs_hint = false} : vector<64x128xf32>, vector<128x1xf32>, vector<64x1xf32> -> vector<64x1xf32>
    %reshape3A_295 = vector.shape_cast %dot_general3A_294 : vector<64x1xf32> to vector<8x8xf32>
    %mul3A_296 = arith.constant 5.000000e-01 : f32
    %mul3A_297 = vector.broadcast %mul3A_296 : f32 to vector<8x8xf32>
    %mul3A_298 = arith.mulf %mul3A_297, %reshape3A_295 : vector<8x8xf32>
    %sub3A_299 = arith.constant 1.200000e+01 : f32
    %sub3A_300 = vector.broadcast %sub3A_299 : f32 to vector<8x8xf32>
    %sub3A_301 = arith.subf %mul3A_298, %sub3A_300 : vector<8x8xf32>
    %swap3A_302 = arith.constant 0 : index
    %swap3A_303 = arith.constant 72 : index
    %swap3A_304 = vector.load %arg4[%swap3A_302, %swap3A_303] : memref<16x200xf32, #tpu.memory_space<vmem>>, vector<8x8xf32>
    tpu.vector_store %arg4[%swap3A_302, %swap3A_303], %sub3A_301 {strides = array<i32>} : memref<16x200xf32, #tpu.memory_space<vmem>>, vector<8x8xf32>,
    %get3A_305 = arith.constant 0 : index
    %get3A_306 = arith.constant 80 : index
    %get3A_307 = arith.constant 0 : index
    %get3A_308 = vector.load %arg3[%get3A_305, %get3A_306, %get3A_307] : memref<16x200x128xf32, #tpu.memory_space<vmem>>, vector<8x8x128xf32>
    %sub3A_309 = vector.broadcast %broadcast_in_dim3A_18 : vector<8x1x128xf32> to vector<8x8x128xf32>
    %sub3A_310 = arith.subf %sub3A_309, %get3A_308 : vector<8x8x128xf32>
    %mul3A_311 = arith.mulf %sub3A_310, %sub3A_310 : vector<8x8x128xf32>
    %slice3A_312 = vector.extract_strided_slice %mul3A_311 {offsets = [0, 0, 64], sizes = [8, 8, 64], strides = [1, 1, 1]} : vector<8x8x128xf32> to vector<8x8x64xf32>
    %slice3A_313 = vector.extract_strided_slice %mul3A_311 {offsets = [0, 0, 0], sizes = [8, 8, 64], strides = [1, 1, 1]} : vector<8x8x128xf32> to vector<8x8x64xf32>
    %concatenate3A_314 = tpu.concatenate %slice3A_312, %slice3A_313 in 2 : vector<8x8x64xf32>, vector<8x8x64xf32> -> vector<8x8x128xf32>
    %add3A_315 = arith.addf %mul3A_311, %concatenate3A_314 : vector<8x8x128xf32>
    %add3A_316 = arith.constant 1.000000e-30 : f32
    %add3A_317 = vector.broadcast %add3A_316 : f32 to vector<8x8x128xf32>
    %add3A_318 = arith.addf %add3A_315, %add3A_317 : vector<8x8x128xf32>
    %rsqrt3A_319 = math.rsqrt %add3A_318 : vector<8x8x128xf32>
    %mul3A_320 = arith.mulf %add3A_318, %rsqrt3A_319 : vector<8x8x128xf32>
    %reshape3A_321 = vector.shape_cast %mul3A_320 : vector<8x8x128xf32> to vector<64x128xf32>
    %dot_general3A_322 = arith.constant dense<0.000000e+00> : vector<64x1xf32>
    %dot_general3A_323 = tpu.matmul %reshape3A_321, %broadcast_in_dim3A_16, %dot_general3A_322 {dimension_numbers = #tpu.dot_dimension_numbers<[1], [0], [0], [1], [0, 0, 1, 1], [], []>, transpose_lhs_hint = false} : vector<64x128xf32>, vector<128x1xf32>, vector<64x1xf32> -> vector<64x1xf32>
    %reshape3A_324 = vector.shape_cast %dot_general3A_323 : vector<64x1xf32> to vector<8x8xf32>
    %mul3A_325 = arith.constant 5.000000e-01 : f32
    %mul3A_326 = vector.broadcast %mul3A_325 : f32 to vector<8x8xf32>
    %mul3A_327 = arith.mulf %mul3A_326, %reshape3A_324 : vector<8x8xf32>
    %sub3A_328 = arith.constant 1.200000e+01 : f32
    %sub3A_329 = vector.broadcast %sub3A_328 : f32 to vector<8x8xf32>
    %sub3A_330 = arith.subf %mul3A_327, %sub3A_329 : vector<8x8xf32>
    %swap3A_331 = arith.constant 0 : index
    %swap3A_332 = arith.constant 80 : index
    %swap3A_333 = vector.load %arg4[%swap3A_331, %swap3A_332] : memref<16x200xf32, #tpu.memory_space<vmem>>, vector<8x8xf32>
    tpu.vector_store %arg4[%swap3A_331, %swap3A_332], %sub3A_330 {strides = array<i32>} : memref<16x200xf32, #tpu.memory_space<vmem>>, vector<8x8xf32>,
    %get3A_334 = arith.constant 0 : index
    %get3A_335 = arith.constant 88 : index
    %get3A_336 = arith.constant 0 : index
    %get3A_337 = vector.load %arg3[%get3A_334, %get3A_335, %get3A_336] : memref<16x200x128xf32, #tpu.memory_space<vmem>>, vector<8x8x128xf32>
    %sub3A_338 = vector.broadcast %broadcast_in_dim3A_18 : vector<8x1x128xf32> to vector<8x8x128xf32>
    %sub3A_339 = arith.subf %sub3A_338, %get3A_337 : vector<8x8x128xf32>
    %mul3A_340 = arith.mulf %sub3A_339, %sub3A_339 : vector<8x8x128xf32>
    %slice3A_341 = vector.extract_strided_slice %mul3A_340 {offsets = [0, 0, 64], sizes = [8, 8, 64], strides = [1, 1, 1]} : vector<8x8x128xf32> to vector<8x8x64xf32>
    %slice3A_342 = vector.extract_strided_slice %mul3A_340 {offsets = [0, 0, 0], sizes = [8, 8, 64], strides = [1, 1, 1]} : vector<8x8x128xf32> to vector<8x8x64xf32>
    %concatenate3A_343 = tpu.concatenate %slice3A_341, %slice3A_342 in 2 : vector<8x8x64xf32>, vector<8x8x64xf32> -> vector<8x8x128xf32>
    %add3A_344 = arith.addf %mul3A_340, %concatenate3A_343 : vector<8x8x128xf32>
    %add3A_345 = arith.constant 1.000000e-30 : f32
    %add3A_346 = vector.broadcast %add3A_345 : f32 to vector<8x8x128xf32>
    %add3A_347 = arith.addf %add3A_344, %add3A_346 : vector<8x8x128xf32>
    %rsqrt3A_348 = math.rsqrt %add3A_347 : vector<8x8x128xf32>
    %mul3A_349 = arith.mulf %add3A_347, %rsqrt3A_348 : vector<8x8x128xf32>
    %reshape3A_350 = vector.shape_cast %mul3A_349 : vector<8x8x128xf32> to vector<64x128xf32>
    %dot_general3A_351 = arith.constant dense<0.000000e+00> : vector<64x1xf32>
    %dot_general3A_352 = tpu.matmul %reshape3A_350, %broadcast_in_dim3A_16, %dot_general3A_351 {dimension_numbers = #tpu.dot_dimension_numbers<[1], [0], [0], [1], [0, 0, 1, 1], [], []>, transpose_lhs_hint = false} : vector<64x128xf32>, vector<128x1xf32>, vector<64x1xf32> -> vector<64x1xf32>
    %reshape3A_353 = vector.shape_cast %dot_general3A_352 : vector<64x1xf32> to vector<8x8xf32>
    %mul3A_354 = arith.constant 5.000000e-01 : f32
    %mul3A_355 = vector.broadcast %mul3A_354 : f32 to vector<8x8xf32>
    %mul3A_356 = arith.mulf %mul3A_355, %reshape3A_353 : vector<8x8xf32>
    %sub3A_357 = arith.constant 1.200000e+01 : f32
    %sub3A_358 = vector.broadcast %sub3A_357 : f32 to vector<8x8xf32>
    %sub3A_359 = arith.subf %mul3A_356, %sub3A_358 : vector<8x8xf32>
    %swap3A_360 = arith.constant 0 : index
    %swap3A_361 = arith.constant 88 : index
    %swap3A_362 = vector.load %arg4[%swap3A_360, %swap3A_361] : memref<16x200xf32, #tpu.memory_space<vmem>>, vector<8x8xf32>
    tpu.vector_store %arg4[%swap3A_360, %swap3A_361], %sub3A_359 {strides = array<i32>} : memref<16x200xf32, #tpu.memory_space<vmem>>, vector<8x8xf32>,
    %get3A_363 = arith.constant 0 : index
    %get3A_364 = arith.constant 96 : index
    %get3A_365 = arith.constant 0 : index
    %get3A_366 = vector.load %arg3[%get3A_363, %get3A_364, %get3A_365] : memref<16x200x128xf32, #tpu.memory_space<vmem>>, vector<8x8x128xf32>
    %sub3A_367 = vector.broadcast %broadcast_in_dim3A_18 : vector<8x1x128xf32> to vector<8x8x128xf32>
    %sub3A_368 = arith.subf %sub3A_367, %get3A_366 : vector<8x8x128xf32>
    %mul3A_369 = arith.mulf %sub3A_368, %sub3A_368 : vector<8x8x128xf32>
    %slice3A_370 = vector.extract_strided_slice %mul3A_369 {offsets = [0, 0, 64], sizes = [8, 8, 64], strides = [1, 1, 1]} : vector<8x8x128xf32> to vector<8x8x64xf32>
    %slice3A_371 = vector.extract_strided_slice %mul3A_369 {offsets = [0, 0, 0], sizes = [8, 8, 64], strides = [1, 1, 1]} : vector<8x8x128xf32> to vector<8x8x64xf32>
    %concatenate3A_372 = tpu.concatenate %slice3A_370, %slice3A_371 in 2 : vector<8x8x64xf32>, vector<8x8x64xf32> -> vector<8x8x128xf32>
    %add3A_373 = arith.addf %mul3A_369, %concatenate3A_372 : vector<8x8x128xf32>
    %add3A_374 = arith.constant 1.000000e-30 : f32
    %add3A_375 = vector.broadcast %add3A_374 : f32 to vector<8x8x128xf32>
    %add3A_376 = arith.addf %add3A_373, %add3A_375 : vector<8x8x128xf32>
    %rsqrt3A_377 = math.rsqrt %add3A_376 : vector<8x8x128xf32>
    %mul3A_378 = arith.mulf %add3A_376, %rsqrt3A_377 : vector<8x8x128xf32>
    %reshape3A_379 = vector.shape_cast %mul3A_378 : vector<8x8x128xf32> to vector<64x128xf32>
    %dot_general3A_380 = arith.constant dense<0.000000e+00> : vector<64x1xf32>
    %dot_general3A_381 = tpu.matmul %reshape3A_379, %broadcast_in_dim3A_16, %dot_general3A_380 {dimension_numbers = #tpu.dot_dimension_numbers<[1], [0], [0], [1], [0, 0, 1, 1], [], []>, transpose_lhs_hint = false} : vector<64x128xf32>, vector<128x1xf32>, vector<64x1xf32> -> vector<64x1xf32>
    %reshape3A_382 = vector.shape_cast %dot_general3A_381 : vector<64x1xf32> to vector<8x8xf32>
    %mul3A_383 = arith.constant 5.000000e-01 : f32
    %mul3A_384 = vector.broadcast %mul3A_383 : f32 to vector<8x8xf32>
    %mul3A_385 = arith.mulf %mul3A_384, %reshape3A_382 : vector<8x8xf32>
    %sub3A_386 = arith.constant 1.200000e+01 : f32
    %sub3A_387 = vector.broadcast %sub3A_386 : f32 to vector<8x8xf32>
    %sub3A_388 = arith.subf %mul3A_385, %sub3A_387 : vector<8x8xf32>
    %swap3A_389 = arith.constant 0 : index
    %swap3A_390 = arith.constant 96 : index
    %swap3A_391 = vector.load %arg4[%swap3A_389, %swap3A_390] : memref<16x200xf32, #tpu.memory_space<vmem>>, vector<8x8xf32>
    tpu.vector_store %arg4[%swap3A_389, %swap3A_390], %sub3A_388 {strides = array<i32>} : memref<16x200xf32, #tpu.memory_space<vmem>>, vector<8x8xf32>,
    %get3A_392 = arith.constant 0 : index
    %get3A_393 = arith.constant 104 : index
    %get3A_394 = arith.constant 0 : index
    %get3A_395 = vector.load %arg3[%get3A_392, %get3A_393, %get3A_394] : memref<16x200x128xf32, #tpu.memory_space<vmem>>, vector<8x8x128xf32>
    %sub3A_396 = vector.broadcast %broadcast_in_dim3A_18 : vector<8x1x128xf32> to vector<8x8x128xf32>
    %sub3A_397 = arith.subf %sub3A_396, %get3A_395 : vector<8x8x128xf32>
    %mul3A_398 = arith.mulf %sub3A_397, %sub3A_397 : vector<8x8x128xf32>
    %slice3A_399 = vector.extract_strided_slice %mul3A_398 {offsets = [0, 0, 64], sizes = [8, 8, 64], strides = [1, 1, 1]} : vector<8x8x128xf32> to vector<8x8x64xf32>
    %slice3A_400 = vector.extract_strided_slice %mul3A_398 {offsets = [0, 0, 0], sizes = [8, 8, 64], strides = [1, 1, 1]} : vector<8x8x128xf32> to vector<8x8x64xf32>
    %concatenate3A_401 = tpu.concatenate %slice3A_399, %slice3A_400 in 2 : vector<8x8x64xf32>, vector<8x8x64xf32> -> vector<8x8x128xf32>
    %add3A_402 = arith.addf %mul3A_398, %concatenate3A_401 : vector<8x8x128xf32>
    %add3A_403 = arith.constant 1.000000e-30 : f32
    %add3A_404 = vector.broadcast %add3A_403 : f32 to vector<8x8x128xf32>
    %add3A_405 = arith.addf %add3A_402, %add3A_404 : vector<8x8x128xf32>
    %rsqrt3A_406 = math.rsqrt %add3A_405 : vector<8x8x128xf32>
    %mul3A_407 = arith.mulf %add3A_405, %rsqrt3A_406 : vector<8x8x128xf32>
    %reshape3A_408 = vector.shape_cast %mul3A_407 : vector<8x8x128xf32> to vector<64x128xf32>
    %dot_general3A_409 = arith.constant dense<0.000000e+00> : vector<64x1xf32>
    %dot_general3A_410 = tpu.matmul %reshape3A_408, %broadcast_in_dim3A_16, %dot_general3A_409 {dimension_numbers = #tpu.dot_dimension_numbers<[1], [0], [0], [1], [0, 0, 1, 1], [], []>, transpose_lhs_hint = false} : vector<64x128xf32>, vector<128x1xf32>, vector<64x1xf32> -> vector<64x1xf32>
    %reshape3A_411 = vector.shape_cast %dot_general3A_410 : vector<64x1xf32> to vector<8x8xf32>
    %mul3A_412 = arith.constant 5.000000e-01 : f32
    %mul3A_413 = vector.broadcast %mul3A_412 : f32 to vector<8x8xf32>
    %mul3A_414 = arith.mulf %mul3A_413, %reshape3A_411 : vector<8x8xf32>
    %sub3A_415 = arith.constant 1.200000e+01 : f32
    %sub3A_416 = vector.broadcast %sub3A_415 : f32 to vector<8x8xf32>
    %sub3A_417 = arith.subf %mul3A_414, %sub3A_416 : vector<8x8xf32>
    %swap3A_418 = arith.constant 0 : index
    %swap3A_419 = arith.constant 104 : index
    %swap3A_420 = vector.load %arg4[%swap3A_418, %swap3A_419] : memref<16x200xf32, #tpu.memory_space<vmem>>, vector<8x8xf32>
    tpu.vector_store %arg4[%swap3A_418, %swap3A_419], %sub3A_417 {strides = array<i32>} : memref<16x200xf32, #tpu.memory_space<vmem>>, vector<8x8xf32>,
    %get3A_421 = arith.constant 0 : index
    %get3A_422 = arith.constant 112 : index
    %get3A_423 = arith.constant 0 : index
    %get3A_424 = vector.load %arg3[%get3A_421, %get3A_422, %get3A_423] : memref<16x200x128xf32, #tpu.memory_space<vmem>>, vector<8x8x128xf32>
    %sub3A_425 = vector.broadcast %broadcast_in_dim3A_18 : vector<8x1x128xf32> to vector<8x8x128xf32>
    %sub3A_426 = arith.subf %sub3A_425, %get3A_424 : vector<8x8x128xf32>
    %mul3A_427 = arith.mulf %sub3A_426, %sub3A_426 : vector<8x8x128xf32>
    %slice3A_428 = vector.extract_strided_slice %mul3A_427 {offsets = [0, 0, 64], sizes = [8, 8, 64], strides = [1, 1, 1]} : vector<8x8x128xf32> to vector<8x8x64xf32>
    %slice3A_429 = vector.extract_strided_slice %mul3A_427 {offsets = [0, 0, 0], sizes = [8, 8, 64], strides = [1, 1, 1]} : vector<8x8x128xf32> to vector<8x8x64xf32>
    %concatenate3A_430 = tpu.concatenate %slice3A_428, %slice3A_429 in 2 : vector<8x8x64xf32>, vector<8x8x64xf32> -> vector<8x8x128xf32>
    %add3A_431 = arith.addf %mul3A_427, %concatenate3A_430 : vector<8x8x128xf32>
    %add3A_432 = arith.constant 1.000000e-30 : f32
    %add3A_433 = vector.broadcast %add3A_432 : f32 to vector<8x8x128xf32>
    %add3A_434 = arith.addf %add3A_431, %add3A_433 : vector<8x8x128xf32>
    %rsqrt3A_435 = math.rsqrt %add3A_434 : vector<8x8x128xf32>
    %mul3A_436 = arith.mulf %add3A_434, %rsqrt3A_435 : vector<8x8x128xf32>
    %reshape3A_437 = vector.shape_cast %mul3A_436 : vector<8x8x128xf32> to vector<64x128xf32>
    %dot_general3A_438 = arith.constant dense<0.000000e+00> : vector<64x1xf32>
    %dot_general3A_439 = tpu.matmul %reshape3A_437, %broadcast_in_dim3A_16, %dot_general3A_438 {dimension_numbers = #tpu.dot_dimension_numbers<[1], [0], [0], [1], [0, 0, 1, 1], [], []>, transpose_lhs_hint = false} : vector<64x128xf32>, vector<128x1xf32>, vector<64x1xf32> -> vector<64x1xf32>
    %reshape3A_440 = vector.shape_cast %dot_general3A_439 : vector<64x1xf32> to vector<8x8xf32>
    %mul3A_441 = arith.constant 5.000000e-01 : f32
    %mul3A_442 = vector.broadcast %mul3A_441 : f32 to vector<8x8xf32>
    %mul3A_443 = arith.mulf %mul3A_442, %reshape3A_440 : vector<8x8xf32>
    %sub3A_444 = arith.constant 1.200000e+01 : f32
    %sub3A_445 = vector.broadcast %sub3A_444 : f32 to vector<8x8xf32>
    %sub3A_446 = arith.subf %mul3A_443, %sub3A_445 : vector<8x8xf32>
    %swap3A_447 = arith.constant 0 : index
    %swap3A_448 = arith.constant 112 : index
    %swap3A_449 = vector.load %arg4[%swap3A_447, %swap3A_448] : memref<16x200xf32, #tpu.memory_space<vmem>>, vector<8x8xf32>
    tpu.vector_store %arg4[%swap3A_447, %swap3A_448], %sub3A_446 {strides = array<i32>} : memref<16x200xf32, #tpu.memory_space<vmem>>, vector<8x8xf32>,
    %get3A_450 = arith.constant 0 : index
    %get3A_451 = arith.constant 120 : index
    %get3A_452 = arith.constant 0 : index
    %get3A_453 = vector.load %arg3[%get3A_450, %get3A_451, %get3A_452] : memref<16x200x128xf32, #tpu.memory_space<vmem>>, vector<8x8x128xf32>
    %sub3A_454 = vector.broadcast %broadcast_in_dim3A_18 : vector<8x1x128xf32> to vector<8x8x128xf32>
    %sub3A_455 = arith.subf %sub3A_454, %get3A_453 : vector<8x8x128xf32>
    %mul3A_456 = arith.mulf %sub3A_455, %sub3A_455 : vector<8x8x128xf32>
    %slice3A_457 = vector.extract_strided_slice %mul3A_456 {offsets = [0, 0, 64], sizes = [8, 8, 64], strides = [1, 1, 1]} : vector<8x8x128xf32> to vector<8x8x64xf32>
    %slice3A_458 = vector.extract_strided_slice %mul3A_456 {offsets = [0, 0, 0], sizes = [8, 8, 64], strides = [1, 1, 1]} : vector<8x8x128xf32> to vector<8x8x64xf32>
    %concatenate3A_459 = tpu.concatenate %slice3A_457, %slice3A_458 in 2 : vector<8x8x64xf32>, vector<8x8x64xf32> -> vector<8x8x128xf32>
    %add3A_460 = arith.addf %mul3A_456, %concatenate3A_459 : vector<8x8x128xf32>
    %add3A_461 = arith.constant 1.000000e-30 : f32
    %add3A_462 = vector.broadcast %add3A_461 : f32 to vector<8x8x128xf32>
    %add3A_463 = arith.addf %add3A_460, %add3A_462 : vector<8x8x128xf32>
    %rsqrt3A_464 = math.rsqrt %add3A_463 : vector<8x8x128xf32>
    %mul3A_465 = arith.mulf %add3A_463, %rsqrt3A_464 : vector<8x8x128xf32>
    %reshape3A_466 = vector.shape_cast %mul3A_465 : vector<8x8x128xf32> to vector<64x128xf32>
    %dot_general3A_467 = arith.constant dense<0.000000e+00> : vector<64x1xf32>
    %dot_general3A_468 = tpu.matmul %reshape3A_466, %broadcast_in_dim3A_16, %dot_general3A_467 {dimension_numbers = #tpu.dot_dimension_numbers<[1], [0], [0], [1], [0, 0, 1, 1], [], []>, transpose_lhs_hint = false} : vector<64x128xf32>, vector<128x1xf32>, vector<64x1xf32> -> vector<64x1xf32>
    %reshape3A_469 = vector.shape_cast %dot_general3A_468 : vector<64x1xf32> to vector<8x8xf32>
    %mul3A_470 = arith.constant 5.000000e-01 : f32
    %mul3A_471 = vector.broadcast %mul3A_470 : f32 to vector<8x8xf32>
    %mul3A_472 = arith.mulf %mul3A_471, %reshape3A_469 : vector<8x8xf32>
    %sub3A_473 = arith.constant 1.200000e+01 : f32
    %sub3A_474 = vector.broadcast %sub3A_473 : f32 to vector<8x8xf32>
    %sub3A_475 = arith.subf %mul3A_472, %sub3A_474 : vector<8x8xf32>
    %swap3A_476 = arith.constant 0 : index
    %swap3A_477 = arith.constant 120 : index
    %swap3A_478 = vector.load %arg4[%swap3A_476, %swap3A_477] : memref<16x200xf32, #tpu.memory_space<vmem>>, vector<8x8xf32>
    tpu.vector_store %arg4[%swap3A_476, %swap3A_477], %sub3A_475 {strides = array<i32>} : memref<16x200xf32, #tpu.memory_space<vmem>>, vector<8x8xf32>,
    %get3A_479 = arith.constant 0 : index
    %get3A_480 = arith.constant 128 : index
    %get3A_481 = arith.constant 0 : index
    %get3A_482 = vector.load %arg3[%get3A_479, %get3A_480, %get3A_481] : memref<16x200x128xf32, #tpu.memory_space<vmem>>, vector<8x8x128xf32>
    %sub3A_483 = vector.broadcast %broadcast_in_dim3A_18 : vector<8x1x128xf32> to vector<8x8x128xf32>
    %sub3A_484 = arith.subf %sub3A_483, %get3A_482 : vector<8x8x128xf32>
    %mul3A_485 = arith.mulf %sub3A_484, %sub3A_484 : vector<8x8x128xf32>
    %slice3A_486 = vector.extract_strided_slice %mul3A_485 {offsets = [0, 0, 64], sizes = [8, 8, 64], strides = [1, 1, 1]} : vector<8x8x128xf32> to vector<8x8x64xf32>
    %slice3A_487 = vector.extract_strided_slice %mul3A_485 {offsets = [0, 0, 0], sizes = [8, 8, 64], strides = [1, 1, 1]} : vector<8x8x128xf32> to vector<8x8x64xf32>
    %concatenate3A_488 = tpu.concatenate %slice3A_486, %slice3A_487 in 2 : vector<8x8x64xf32>, vector<8x8x64xf32> -> vector<8x8x128xf32>
    %add3A_489 = arith.addf %mul3A_485, %concatenate3A_488 : vector<8x8x128xf32>
    %add3A_490 = arith.constant 1.000000e-30 : f32
    %add3A_491 = vector.broadcast %add3A_490 : f32 to vector<8x8x128xf32>
    %add3A_492 = arith.addf %add3A_489, %add3A_491 : vector<8x8x128xf32>
    %rsqrt3A_493 = math.rsqrt %add3A_492 : vector<8x8x128xf32>
    %mul3A_494 = arith.mulf %add3A_492, %rsqrt3A_493 : vector<8x8x128xf32>
    %reshape3A_495 = vector.shape_cast %mul3A_494 : vector<8x8x128xf32> to vector<64x128xf32>
    %dot_general3A_496 = arith.constant dense<0.000000e+00> : vector<64x1xf32>
    %dot_general3A_497 = tpu.matmul %reshape3A_495, %broadcast_in_dim3A_16, %dot_general3A_496 {dimension_numbers = #tpu.dot_dimension_numbers<[1], [0], [0], [1], [0, 0, 1, 1], [], []>, transpose_lhs_hint = false} : vector<64x128xf32>, vector<128x1xf32>, vector<64x1xf32> -> vector<64x1xf32>
    %reshape3A_498 = vector.shape_cast %dot_general3A_497 : vector<64x1xf32> to vector<8x8xf32>
    %mul3A_499 = arith.constant 5.000000e-01 : f32
    %mul3A_500 = vector.broadcast %mul3A_499 : f32 to vector<8x8xf32>
    %mul3A_501 = arith.mulf %mul3A_500, %reshape3A_498 : vector<8x8xf32>
    %sub3A_502 = arith.constant 1.200000e+01 : f32
    %sub3A_503 = vector.broadcast %sub3A_502 : f32 to vector<8x8xf32>
    %sub3A_504 = arith.subf %mul3A_501, %sub3A_503 : vector<8x8xf32>
    %swap3A_505 = arith.constant 0 : index
    %swap3A_506 = arith.constant 128 : index
    %swap3A_507 = vector.load %arg4[%swap3A_505, %swap3A_506] : memref<16x200xf32, #tpu.memory_space<vmem>>, vector<8x8xf32>
    tpu.vector_store %arg4[%swap3A_505, %swap3A_506], %sub3A_504 {strides = array<i32>} : memref<16x200xf32, #tpu.memory_space<vmem>>, vector<8x8xf32>,
    %get3A_508 = arith.constant 0 : index
    %get3A_509 = arith.constant 136 : index
    %get3A_510 = arith.constant 0 : index
    %get3A_511 = vector.load %arg3[%get3A_508, %get3A_509, %get3A_510] : memref<16x200x128xf32, #tpu.memory_space<vmem>>, vector<8x8x128xf32>
    %sub3A_512 = vector.broadcast %broadcast_in_dim3A_18 : vector<8x1x128xf32> to vector<8x8x128xf32>
    %sub3A_513 = arith.subf %sub3A_512, %get3A_511 : vector<8x8x128xf32>
    %mul3A_514 = arith.mulf %sub3A_513, %sub3A_513 : vector<8x8x128xf32>
    %slice3A_515 = vector.extract_strided_slice %mul3A_514 {offsets = [0, 0, 64], sizes = [8, 8, 64], strides = [1, 1, 1]} : vector<8x8x128xf32> to vector<8x8x64xf32>
    %slice3A_516 = vector.extract_strided_slice %mul3A_514 {offsets = [0, 0, 0], sizes = [8, 8, 64], strides = [1, 1, 1]} : vector<8x8x128xf32> to vector<8x8x64xf32>
    %concatenate3A_517 = tpu.concatenate %slice3A_515, %slice3A_516 in 2 : vector<8x8x64xf32>, vector<8x8x64xf32> -> vector<8x8x128xf32>
    %add3A_518 = arith.addf %mul3A_514, %concatenate3A_517 : vector<8x8x128xf32>
    %add3A_519 = arith.constant 1.000000e-30 : f32
    %add3A_520 = vector.broadcast %add3A_519 : f32 to vector<8x8x128xf32>
    %add3A_521 = arith.addf %add3A_518, %add3A_520 : vector<8x8x128xf32>
    %rsqrt3A_522 = math.rsqrt %add3A_521 : vector<8x8x128xf32>
    %mul3A_523 = arith.mulf %add3A_521, %rsqrt3A_522 : vector<8x8x128xf32>
    %reshape3A_524 = vector.shape_cast %mul3A_523 : vector<8x8x128xf32> to vector<64x128xf32>
    %dot_general3A_525 = arith.constant dense<0.000000e+00> : vector<64x1xf32>
    %dot_general3A_526 = tpu.matmul %reshape3A_524, %broadcast_in_dim3A_16, %dot_general3A_525 {dimension_numbers = #tpu.dot_dimension_numbers<[1], [0], [0], [1], [0, 0, 1, 1], [], []>, transpose_lhs_hint = false} : vector<64x128xf32>, vector<128x1xf32>, vector<64x1xf32> -> vector<64x1xf32>
    %reshape3A_527 = vector.shape_cast %dot_general3A_526 : vector<64x1xf32> to vector<8x8xf32>
    %mul3A_528 = arith.constant 5.000000e-01 : f32
    %mul3A_529 = vector.broadcast %mul3A_528 : f32 to vector<8x8xf32>
    %mul3A_530 = arith.mulf %mul3A_529, %reshape3A_527 : vector<8x8xf32>
    %sub3A_531 = arith.constant 1.200000e+01 : f32
    %sub3A_532 = vector.broadcast %sub3A_531 : f32 to vector<8x8xf32>
    %sub3A_533 = arith.subf %mul3A_530, %sub3A_532 : vector<8x8xf32>
    %swap3A_534 = arith.constant 0 : index
    %swap3A_535 = arith.constant 136 : index
    %swap3A_536 = vector.load %arg4[%swap3A_534, %swap3A_535] : memref<16x200xf32, #tpu.memory_space<vmem>>, vector<8x8xf32>
    tpu.vector_store %arg4[%swap3A_534, %swap3A_535], %sub3A_533 {strides = array<i32>} : memref<16x200xf32, #tpu.memory_space<vmem>>, vector<8x8xf32>,
    %get3A_537 = arith.constant 0 : index
    %get3A_538 = arith.constant 144 : index
    %get3A_539 = arith.constant 0 : index
    %get3A_540 = vector.load %arg3[%get3A_537, %get3A_538, %get3A_539] : memref<16x200x128xf32, #tpu.memory_space<vmem>>, vector<8x8x128xf32>
    %sub3A_541 = vector.broadcast %broadcast_in_dim3A_18 : vector<8x1x128xf32> to vector<8x8x128xf32>
    %sub3A_542 = arith.subf %sub3A_541, %get3A_540 : vector<8x8x128xf32>
    %mul3A_543 = arith.mulf %sub3A_542, %sub3A_542 : vector<8x8x128xf32>
    %slice3A_544 = vector.extract_strided_slice %mul3A_543 {offsets = [0, 0, 64], sizes = [8, 8, 64], strides = [1, 1, 1]} : vector<8x8x128xf32> to vector<8x8x64xf32>
    %slice3A_545 = vector.extract_strided_slice %mul3A_543 {offsets = [0, 0, 0], sizes = [8, 8, 64], strides = [1, 1, 1]} : vector<8x8x128xf32> to vector<8x8x64xf32>
    %concatenate3A_546 = tpu.concatenate %slice3A_544, %slice3A_545 in 2 : vector<8x8x64xf32>, vector<8x8x64xf32> -> vector<8x8x128xf32>
    %add3A_547 = arith.addf %mul3A_543, %concatenate3A_546 : vector<8x8x128xf32>
    %add3A_548 = arith.constant 1.000000e-30 : f32
    %add3A_549 = vector.broadcast %add3A_548 : f32 to vector<8x8x128xf32>
    %add3A_550 = arith.addf %add3A_547, %add3A_549 : vector<8x8x128xf32>
    %rsqrt3A_551 = math.rsqrt %add3A_550 : vector<8x8x128xf32>
    %mul3A_552 = arith.mulf %add3A_550, %rsqrt3A_551 : vector<8x8x128xf32>
    %reshape3A_553 = vector.shape_cast %mul3A_552 : vector<8x8x128xf32> to vector<64x128xf32>
    %dot_general3A_554 = arith.constant dense<0.000000e+00> : vector<64x1xf32>
    %dot_general3A_555 = tpu.matmul %reshape3A_553, %broadcast_in_dim3A_16, %dot_general3A_554 {dimension_numbers = #tpu.dot_dimension_numbers<[1], [0], [0], [1], [0, 0, 1, 1], [], []>, transpose_lhs_hint = false} : vector<64x128xf32>, vector<128x1xf32>, vector<64x1xf32> -> vector<64x1xf32>
    %reshape3A_556 = vector.shape_cast %dot_general3A_555 : vector<64x1xf32> to vector<8x8xf32>
    %mul3A_557 = arith.constant 5.000000e-01 : f32
    %mul3A_558 = vector.broadcast %mul3A_557 : f32 to vector<8x8xf32>
    %mul3A_559 = arith.mulf %mul3A_558, %reshape3A_556 : vector<8x8xf32>
    %sub3A_560 = arith.constant 1.200000e+01 : f32
    %sub3A_561 = vector.broadcast %sub3A_560 : f32 to vector<8x8xf32>
    %sub3A_562 = arith.subf %mul3A_559, %sub3A_561 : vector<8x8xf32>
    %swap3A_563 = arith.constant 0 : index
    %swap3A_564 = arith.constant 144 : index
    %swap3A_565 = vector.load %arg4[%swap3A_563, %swap3A_564] : memref<16x200xf32, #tpu.memory_space<vmem>>, vector<8x8xf32>
    tpu.vector_store %arg4[%swap3A_563, %swap3A_564], %sub3A_562 {strides = array<i32>} : memref<16x200xf32, #tpu.memory_space<vmem>>, vector<8x8xf32>,
    %get3A_566 = arith.constant 0 : index
    %get3A_567 = arith.constant 152 : index
    %get3A_568 = arith.constant 0 : index
    %get3A_569 = vector.load %arg3[%get3A_566, %get3A_567, %get3A_568] : memref<16x200x128xf32, #tpu.memory_space<vmem>>, vector<8x8x128xf32>
    %sub3A_570 = vector.broadcast %broadcast_in_dim3A_18 : vector<8x1x128xf32> to vector<8x8x128xf32>
    %sub3A_571 = arith.subf %sub3A_570, %get3A_569 : vector<8x8x128xf32>
    %mul3A_572 = arith.mulf %sub3A_571, %sub3A_571 : vector<8x8x128xf32>
    %slice3A_573 = vector.extract_strided_slice %mul3A_572 {offsets = [0, 0, 64], sizes = [8, 8, 64], strides = [1, 1, 1]} : vector<8x8x128xf32> to vector<8x8x64xf32>
    %slice3A_574 = vector.extract_strided_slice %mul3A_572 {offsets = [0, 0, 0], sizes = [8, 8, 64], strides = [1, 1, 1]} : vector<8x8x128xf32> to vector<8x8x64xf32>
    %concatenate3A_575 = tpu.concatenate %slice3A_573, %slice3A_574 in 2 : vector<8x8x64xf32>, vector<8x8x64xf32> -> vector<8x8x128xf32>
    %add3A_576 = arith.addf %mul3A_572, %concatenate3A_575 : vector<8x8x128xf32>
    %add3A_577 = arith.constant 1.000000e-30 : f32
    %add3A_578 = vector.broadcast %add3A_577 : f32 to vector<8x8x128xf32>
    %add3A_579 = arith.addf %add3A_576, %add3A_578 : vector<8x8x128xf32>
    %rsqrt3A_580 = math.rsqrt %add3A_579 : vector<8x8x128xf32>
    %mul3A_581 = arith.mulf %add3A_579, %rsqrt3A_580 : vector<8x8x128xf32>
    %reshape3A_582 = vector.shape_cast %mul3A_581 : vector<8x8x128xf32> to vector<64x128xf32>
    %dot_general3A_583 = arith.constant dense<0.000000e+00> : vector<64x1xf32>
    %dot_general3A_584 = tpu.matmul %reshape3A_582, %broadcast_in_dim3A_16, %dot_general3A_583 {dimension_numbers = #tpu.dot_dimension_numbers<[1], [0], [0], [1], [0, 0, 1, 1], [], []>, transpose_lhs_hint = false} : vector<64x128xf32>, vector<128x1xf32>, vector<64x1xf32> -> vector<64x1xf32>
    %reshape3A_585 = vector.shape_cast %dot_general3A_584 : vector<64x1xf32> to vector<8x8xf32>
    %mul3A_586 = arith.constant 5.000000e-01 : f32
    %mul3A_587 = vector.broadcast %mul3A_586 : f32 to vector<8x8xf32>
    %mul3A_588 = arith.mulf %mul3A_587, %reshape3A_585 : vector<8x8xf32>
    %sub3A_589 = arith.constant 1.200000e+01 : f32
    %sub3A_590 = vector.broadcast %sub3A_589 : f32 to vector<8x8xf32>
    %sub3A_591 = arith.subf %mul3A_588, %sub3A_590 : vector<8x8xf32>
    %swap3A_592 = arith.constant 0 : index
    %swap3A_593 = arith.constant 152 : index
    %swap3A_594 = vector.load %arg4[%swap3A_592, %swap3A_593] : memref<16x200xf32, #tpu.memory_space<vmem>>, vector<8x8xf32>
    tpu.vector_store %arg4[%swap3A_592, %swap3A_593], %sub3A_591 {strides = array<i32>} : memref<16x200xf32, #tpu.memory_space<vmem>>, vector<8x8xf32>,
    %get3A_595 = arith.constant 0 : index
    %get3A_596 = arith.constant 160 : index
    %get3A_597 = arith.constant 0 : index
    %get3A_598 = vector.load %arg3[%get3A_595, %get3A_596, %get3A_597] : memref<16x200x128xf32, #tpu.memory_space<vmem>>, vector<8x8x128xf32>
    %sub3A_599 = vector.broadcast %broadcast_in_dim3A_18 : vector<8x1x128xf32> to vector<8x8x128xf32>
    %sub3A_600 = arith.subf %sub3A_599, %get3A_598 : vector<8x8x128xf32>
    %mul3A_601 = arith.mulf %sub3A_600, %sub3A_600 : vector<8x8x128xf32>
    %slice3A_602 = vector.extract_strided_slice %mul3A_601 {offsets = [0, 0, 64], sizes = [8, 8, 64], strides = [1, 1, 1]} : vector<8x8x128xf32> to vector<8x8x64xf32>
    %slice3A_603 = vector.extract_strided_slice %mul3A_601 {offsets = [0, 0, 0], sizes = [8, 8, 64], strides = [1, 1, 1]} : vector<8x8x128xf32> to vector<8x8x64xf32>
    %concatenate3A_604 = tpu.concatenate %slice3A_602, %slice3A_603 in 2 : vector<8x8x64xf32>, vector<8x8x64xf32> -> vector<8x8x128xf32>
    %add3A_605 = arith.addf %mul3A_601, %concatenate3A_604 : vector<8x8x128xf32>
    %add3A_606 = arith.constant 1.000000e-30 : f32
    %add3A_607 = vector.broadcast %add3A_606 : f32 to vector<8x8x128xf32>
    %add3A_608 = arith.addf %add3A_605, %add3A_607 : vector<8x8x128xf32>
    %rsqrt3A_609 = math.rsqrt %add3A_608 : vector<8x8x128xf32>
    %mul3A_610 = arith.mulf %add3A_608, %rsqrt3A_609 : vector<8x8x128xf32>
    %reshape3A_611 = vector.shape_cast %mul3A_610 : vector<8x8x128xf32> to vector<64x128xf32>
    %dot_general3A_612 = arith.constant dense<0.000000e+00> : vector<64x1xf32>
    %dot_general3A_613 = tpu.matmul %reshape3A_611, %broadcast_in_dim3A_16, %dot_general3A_612 {dimension_numbers = #tpu.dot_dimension_numbers<[1], [0], [0], [1], [0, 0, 1, 1], [], []>, transpose_lhs_hint = false} : vector<64x128xf32>, vector<128x1xf32>, vector<64x1xf32> -> vector<64x1xf32>
    %reshape3A_614 = vector.shape_cast %dot_general3A_613 : vector<64x1xf32> to vector<8x8xf32>
    %mul3A_615 = arith.constant 5.000000e-01 : f32
    %mul3A_616 = vector.broadcast %mul3A_615 : f32 to vector<8x8xf32>
    %mul3A_617 = arith.mulf %mul3A_616, %reshape3A_614 : vector<8x8xf32>
    %sub3A_618 = arith.constant 1.200000e+01 : f32
    %sub3A_619 = vector.broadcast %sub3A_618 : f32 to vector<8x8xf32>
    %sub3A_620 = arith.subf %mul3A_617, %sub3A_619 : vector<8x8xf32>
    %swap3A_621 = arith.constant 0 : index
    %swap3A_622 = arith.constant 160 : index
    %swap3A_623 = vector.load %arg4[%swap3A_621, %swap3A_622] : memref<16x200xf32, #tpu.memory_space<vmem>>, vector<8x8xf32>
    tpu.vector_store %arg4[%swap3A_621, %swap3A_622], %sub3A_620 {strides = array<i32>} : memref<16x200xf32, #tpu.memory_space<vmem>>, vector<8x8xf32>,
    %get3A_624 = arith.constant 0 : index
    %get3A_625 = arith.constant 168 : index
    %get3A_626 = arith.constant 0 : index
    %get3A_627 = vector.load %arg3[%get3A_624, %get3A_625, %get3A_626] : memref<16x200x128xf32, #tpu.memory_space<vmem>>, vector<8x8x128xf32>
    %sub3A_628 = vector.broadcast %broadcast_in_dim3A_18 : vector<8x1x128xf32> to vector<8x8x128xf32>
    %sub3A_629 = arith.subf %sub3A_628, %get3A_627 : vector<8x8x128xf32>
    %mul3A_630 = arith.mulf %sub3A_629, %sub3A_629 : vector<8x8x128xf32>
    %slice3A_631 = vector.extract_strided_slice %mul3A_630 {offsets = [0, 0, 64], sizes = [8, 8, 64], strides = [1, 1, 1]} : vector<8x8x128xf32> to vector<8x8x64xf32>
    %slice3A_632 = vector.extract_strided_slice %mul3A_630 {offsets = [0, 0, 0], sizes = [8, 8, 64], strides = [1, 1, 1]} : vector<8x8x128xf32> to vector<8x8x64xf32>
    %concatenate3A_633 = tpu.concatenate %slice3A_631, %slice3A_632 in 2 : vector<8x8x64xf32>, vector<8x8x64xf32> -> vector<8x8x128xf32>
    %add3A_634 = arith.addf %mul3A_630, %concatenate3A_633 : vector<8x8x128xf32>
    %add3A_635 = arith.constant 1.000000e-30 : f32
    %add3A_636 = vector.broadcast %add3A_635 : f32 to vector<8x8x128xf32>
    %add3A_637 = arith.addf %add3A_634, %add3A_636 : vector<8x8x128xf32>
    %rsqrt3A_638 = math.rsqrt %add3A_637 : vector<8x8x128xf32>
    %mul3A_639 = arith.mulf %add3A_637, %rsqrt3A_638 : vector<8x8x128xf32>
    %reshape3A_640 = vector.shape_cast %mul3A_639 : vector<8x8x128xf32> to vector<64x128xf32>
    %dot_general3A_641 = arith.constant dense<0.000000e+00> : vector<64x1xf32>
    %dot_general3A_642 = tpu.matmul %reshape3A_640, %broadcast_in_dim3A_16, %dot_general3A_641 {dimension_numbers = #tpu.dot_dimension_numbers<[1], [0], [0], [1], [0, 0, 1, 1], [], []>, transpose_lhs_hint = false} : vector<64x128xf32>, vector<128x1xf32>, vector<64x1xf32> -> vector<64x1xf32>
    %reshape3A_643 = vector.shape_cast %dot_general3A_642 : vector<64x1xf32> to vector<8x8xf32>
    %mul3A_644 = arith.constant 5.000000e-01 : f32
    %mul3A_645 = vector.broadcast %mul3A_644 : f32 to vector<8x8xf32>
    %mul3A_646 = arith.mulf %mul3A_645, %reshape3A_643 : vector<8x8xf32>
    %sub3A_647 = arith.constant 1.200000e+01 : f32
    %sub3A_648 = vector.broadcast %sub3A_647 : f32 to vector<8x8xf32>
    %sub3A_649 = arith.subf %mul3A_646, %sub3A_648 : vector<8x8xf32>
    %swap3A_650 = arith.constant 0 : index
    %swap3A_651 = arith.constant 168 : index
    %swap3A_652 = vector.load %arg4[%swap3A_650, %swap3A_651] : memref<16x200xf32, #tpu.memory_space<vmem>>, vector<8x8xf32>
    tpu.vector_store %arg4[%swap3A_650, %swap3A_651], %sub3A_649 {strides = array<i32>} : memref<16x200xf32, #tpu.memory_space<vmem>>, vector<8x8xf32>,
    %get3A_653 = arith.constant 0 : index
    %get3A_654 = arith.constant 176 : index
    %get3A_655 = arith.constant 0 : index
    %get3A_656 = vector.load %arg3[%get3A_653, %get3A_654, %get3A_655] : memref<16x200x128xf32, #tpu.memory_space<vmem>>, vector<8x8x128xf32>
    %sub3A_657 = vector.broadcast %broadcast_in_dim3A_18 : vector<8x1x128xf32> to vector<8x8x128xf32>
    %sub3A_658 = arith.subf %sub3A_657, %get3A_656 : vector<8x8x128xf32>
    %mul3A_659 = arith.mulf %sub3A_658, %sub3A_658 : vector<8x8x128xf32>
    %slice3A_660 = vector.extract_strided_slice %mul3A_659 {offsets = [0, 0, 64], sizes = [8, 8, 64], strides = [1, 1, 1]} : vector<8x8x128xf32> to vector<8x8x64xf32>
    %slice3A_661 = vector.extract_strided_slice %mul3A_659 {offsets = [0, 0, 0], sizes = [8, 8, 64], strides = [1, 1, 1]} : vector<8x8x128xf32> to vector<8x8x64xf32>
    %concatenate3A_662 = tpu.concatenate %slice3A_660, %slice3A_661 in 2 : vector<8x8x64xf32>, vector<8x8x64xf32> -> vector<8x8x128xf32>
    %add3A_663 = arith.addf %mul3A_659, %concatenate3A_662 : vector<8x8x128xf32>
    %add3A_664 = arith.constant 1.000000e-30 : f32
    %add3A_665 = vector.broadcast %add3A_664 : f32 to vector<8x8x128xf32>
    %add3A_666 = arith.addf %add3A_663, %add3A_665 : vector<8x8x128xf32>
    %rsqrt3A_667 = math.rsqrt %add3A_666 : vector<8x8x128xf32>
    %mul3A_668 = arith.mulf %add3A_666, %rsqrt3A_667 : vector<8x8x128xf32>
    %reshape3A_669 = vector.shape_cast %mul3A_668 : vector<8x8x128xf32> to vector<64x128xf32>
    %dot_general3A_670 = arith.constant dense<0.000000e+00> : vector<64x1xf32>
    %dot_general3A_671 = tpu.matmul %reshape3A_669, %broadcast_in_dim3A_16, %dot_general3A_670 {dimension_numbers = #tpu.dot_dimension_numbers<[1], [0], [0], [1], [0, 0, 1, 1], [], []>, transpose_lhs_hint = false} : vector<64x128xf32>, vector<128x1xf32>, vector<64x1xf32> -> vector<64x1xf32>
    %reshape3A_672 = vector.shape_cast %dot_general3A_671 : vector<64x1xf32> to vector<8x8xf32>
    %mul3A_673 = arith.constant 5.000000e-01 : f32
    %mul3A_674 = vector.broadcast %mul3A_673 : f32 to vector<8x8xf32>
    %mul3A_675 = arith.mulf %mul3A_674, %reshape3A_672 : vector<8x8xf32>
    %sub3A_676 = arith.constant 1.200000e+01 : f32
    %sub3A_677 = vector.broadcast %sub3A_676 : f32 to vector<8x8xf32>
    %sub3A_678 = arith.subf %mul3A_675, %sub3A_677 : vector<8x8xf32>
    %swap3A_679 = arith.constant 0 : index
    %swap3A_680 = arith.constant 176 : index
    %swap3A_681 = vector.load %arg4[%swap3A_679, %swap3A_680] : memref<16x200xf32, #tpu.memory_space<vmem>>, vector<8x8xf32>
    tpu.vector_store %arg4[%swap3A_679, %swap3A_680], %sub3A_678 {strides = array<i32>} : memref<16x200xf32, #tpu.memory_space<vmem>>, vector<8x8xf32>,
    %get3A_682 = arith.constant 0 : index
    %get3A_683 = arith.constant 184 : index
    %get3A_684 = arith.constant 0 : index
    %get3A_685 = vector.load %arg3[%get3A_682, %get3A_683, %get3A_684] : memref<16x200x128xf32, #tpu.memory_space<vmem>>, vector<8x8x128xf32>
    %sub3A_686 = vector.broadcast %broadcast_in_dim3A_18 : vector<8x1x128xf32> to vector<8x8x128xf32>
    %sub3A_687 = arith.subf %sub3A_686, %get3A_685 : vector<8x8x128xf32>
    %mul3A_688 = arith.mulf %sub3A_687, %sub3A_687 : vector<8x8x128xf32>
    %slice3A_689 = vector.extract_strided_slice %mul3A_688 {offsets = [0, 0, 64], sizes = [8, 8, 64], strides = [1, 1, 1]} : vector<8x8x128xf32> to vector<8x8x64xf32>
    %slice3A_690 = vector.extract_strided_slice %mul3A_688 {offsets = [0, 0, 0], sizes = [8, 8, 64], strides = [1, 1, 1]} : vector<8x8x128xf32> to vector<8x8x64xf32>
    %concatenate3A_691 = tpu.concatenate %slice3A_689, %slice3A_690 in 2 : vector<8x8x64xf32>, vector<8x8x64xf32> -> vector<8x8x128xf32>
    %add3A_692 = arith.addf %mul3A_688, %concatenate3A_691 : vector<8x8x128xf32>
    %add3A_693 = arith.constant 1.000000e-30 : f32
    %add3A_694 = vector.broadcast %add3A_693 : f32 to vector<8x8x128xf32>
    %add3A_695 = arith.addf %add3A_692, %add3A_694 : vector<8x8x128xf32>
    %rsqrt3A_696 = math.rsqrt %add3A_695 : vector<8x8x128xf32>
    %mul3A_697 = arith.mulf %add3A_695, %rsqrt3A_696 : vector<8x8x128xf32>
    %reshape3A_698 = vector.shape_cast %mul3A_697 : vector<8x8x128xf32> to vector<64x128xf32>
    %dot_general3A_699 = arith.constant dense<0.000000e+00> : vector<64x1xf32>
    %dot_general3A_700 = tpu.matmul %reshape3A_698, %broadcast_in_dim3A_16, %dot_general3A_699 {dimension_numbers = #tpu.dot_dimension_numbers<[1], [0], [0], [1], [0, 0, 1, 1], [], []>, transpose_lhs_hint = false} : vector<64x128xf32>, vector<128x1xf32>, vector<64x1xf32> -> vector<64x1xf32>
    %reshape3A_701 = vector.shape_cast %dot_general3A_700 : vector<64x1xf32> to vector<8x8xf32>
    %mul3A_702 = arith.constant 5.000000e-01 : f32
    %mul3A_703 = vector.broadcast %mul3A_702 : f32 to vector<8x8xf32>
    %mul3A_704 = arith.mulf %mul3A_703, %reshape3A_701 : vector<8x8xf32>
    %sub3A_705 = arith.constant 1.200000e+01 : f32
    %sub3A_706 = vector.broadcast %sub3A_705 : f32 to vector<8x8xf32>
    %sub3A_707 = arith.subf %mul3A_704, %sub3A_706 : vector<8x8xf32>
    %swap3A_708 = arith.constant 0 : index
    %swap3A_709 = arith.constant 184 : index
    %swap3A_710 = vector.load %arg4[%swap3A_708, %swap3A_709] : memref<16x200xf32, #tpu.memory_space<vmem>>, vector<8x8xf32>
    tpu.vector_store %arg4[%swap3A_708, %swap3A_709], %sub3A_707 {strides = array<i32>} : memref<16x200xf32, #tpu.memory_space<vmem>>, vector<8x8xf32>,
    %get3A_711 = arith.constant 0 : index
    %get3A_712 = arith.constant 192 : index
    %get3A_713 = arith.constant 0 : index
    %get3A_714 = vector.load %arg3[%get3A_711, %get3A_712, %get3A_713] : memref<16x200x128xf32, #tpu.memory_space<vmem>>, vector<8x8x128xf32>
    %sub3A_715 = vector.broadcast %broadcast_in_dim3A_18 : vector<8x1x128xf32> to vector<8x8x128xf32>
    %sub3A_716 = arith.subf %sub3A_715, %get3A_714 : vector<8x8x128xf32>
    %mul3A_717 = arith.mulf %sub3A_716, %sub3A_716 : vector<8x8x128xf32>
    %slice3A_718 = vector.extract_strided_slice %mul3A_717 {offsets = [0, 0, 64], sizes = [8, 8, 64], strides = [1, 1, 1]} : vector<8x8x128xf32> to vector<8x8x64xf32>
    %slice3A_719 = vector.extract_strided_slice %mul3A_717 {offsets = [0, 0, 0], sizes = [8, 8, 64], strides = [1, 1, 1]} : vector<8x8x128xf32> to vector<8x8x64xf32>
    %concatenate3A_720 = tpu.concatenate %slice3A_718, %slice3A_719 in 2 : vector<8x8x64xf32>, vector<8x8x64xf32> -> vector<8x8x128xf32>
    %add3A_721 = arith.addf %mul3A_717, %concatenate3A_720 : vector<8x8x128xf32>
    %add3A_722 = arith.constant 1.000000e-30 : f32
    %add3A_723 = vector.broadcast %add3A_722 : f32 to vector<8x8x128xf32>
    %add3A_724 = arith.addf %add3A_721, %add3A_723 : vector<8x8x128xf32>
    %rsqrt3A_725 = math.rsqrt %add3A_724 : vector<8x8x128xf32>
    %mul3A_726 = arith.mulf %add3A_724, %rsqrt3A_725 : vector<8x8x128xf32>
    %reshape3A_727 = vector.shape_cast %mul3A_726 : vector<8x8x128xf32> to vector<64x128xf32>
    %dot_general3A_728 = arith.constant dense<0.000000e+00> : vector<64x1xf32>
    %dot_general3A_729 = tpu.matmul %reshape3A_727, %broadcast_in_dim3A_16, %dot_general3A_728 {dimension_numbers = #tpu.dot_dimension_numbers<[1], [0], [0], [1], [0, 0, 1, 1], [], []>, transpose_lhs_hint = false} : vector<64x128xf32>, vector<128x1xf32>, vector<64x1xf32> -> vector<64x1xf32>
    %reshape3A_730 = vector.shape_cast %dot_general3A_729 : vector<64x1xf32> to vector<8x8xf32>
    %mul3A_731 = arith.constant 5.000000e-01 : f32
    %mul3A_732 = vector.broadcast %mul3A_731 : f32 to vector<8x8xf32>
    %mul3A_733 = arith.mulf %mul3A_732, %reshape3A_730 : vector<8x8xf32>
    %sub3A_734 = arith.constant 1.200000e+01 : f32
    %sub3A_735 = vector.broadcast %sub3A_734 : f32 to vector<8x8xf32>
    %sub3A_736 = arith.subf %mul3A_733, %sub3A_735 : vector<8x8xf32>
    %swap3A_737 = arith.constant 0 : index
    %swap3A_738 = arith.constant 192 : index
    %swap3A_739 = vector.load %arg4[%swap3A_737, %swap3A_738] : memref<16x200xf32, #tpu.memory_space<vmem>>, vector<8x8xf32>
    tpu.vector_store %arg4[%swap3A_737, %swap3A_738], %sub3A_736 {strides = array<i32>} : memref<16x200xf32, #tpu.memory_space<vmem>>, vector<8x8xf32>,
    %slice3A_740 = vector.extract_strided_slice %concatenate3A {offsets = [8, 0], sizes = [8, 128], strides = [1, 1]} : vector<16x128xf32> to vector<8x128xf32>
    %broadcast_in_dim3A_741 = vector.shape_cast %slice3A_740 : vector<8x128xf32> to vector<8x1x128xf32>
    %get3A_742 = arith.constant 8 : index
    %get3A_743 = arith.constant 0 : index
    %get3A_744 = arith.constant 0 : index
    %get3A_745 = vector.load %arg3[%get3A_742, %get3A_743, %get3A_744] : memref<16x200x128xf32, #tpu.memory_space<vmem>>, vector<8x8x128xf32>
    %sub3A_746 = vector.broadcast %broadcast_in_dim3A_741 : vector<8x1x128xf32> to vector<8x8x128xf32>
    %sub3A_747 = arith.subf %sub3A_746, %get3A_745 : vector<8x8x128xf32>
    %mul3A_748 = arith.mulf %sub3A_747, %sub3A_747 : vector<8x8x128xf32>
    %slice3A_749 = vector.extract_strided_slice %mul3A_748 {offsets = [0, 0, 64], sizes = [8, 8, 64], strides = [1, 1, 1]} : vector<8x8x128xf32> to vector<8x8x64xf32>
    %slice3A_750 = vector.extract_strided_slice %mul3A_748 {offsets = [0, 0, 0], sizes = [8, 8, 64], strides = [1, 1, 1]} : vector<8x8x128xf32> to vector<8x8x64xf32>
    %concatenate3A_751 = tpu.concatenate %slice3A_749, %slice3A_750 in 2 : vector<8x8x64xf32>, vector<8x8x64xf32> -> vector<8x8x128xf32>
    %add3A_752 = arith.addf %mul3A_748, %concatenate3A_751 : vector<8x8x128xf32>
    %add3A_753 = arith.constant 1.000000e-30 : f32
    %add3A_754 = vector.broadcast %add3A_753 : f32 to vector<8x8x128xf32>
    %add3A_755 = arith.addf %add3A_752, %add3A_754 : vector<8x8x128xf32>
    %rsqrt3A_756 = math.rsqrt %add3A_755 : vector<8x8x128xf32>
    %mul3A_757 = arith.mulf %add3A_755, %rsqrt3A_756 : vector<8x8x128xf32>
    %reshape3A_758 = vector.shape_cast %mul3A_757 : vector<8x8x128xf32> to vector<64x128xf32>
    %dot_general3A_759 = arith.constant dense<0.000000e+00> : vector<64x1xf32>
    %dot_general3A_760 = tpu.matmul %reshape3A_758, %broadcast_in_dim3A_16, %dot_general3A_759 {dimension_numbers = #tpu.dot_dimension_numbers<[1], [0], [0], [1], [0, 0, 1, 1], [], []>, transpose_lhs_hint = false} : vector<64x128xf32>, vector<128x1xf32>, vector<64x1xf32> -> vector<64x1xf32>
    %reshape3A_761 = vector.shape_cast %dot_general3A_760 : vector<64x1xf32> to vector<8x8xf32>
    %mul3A_762 = arith.constant 5.000000e-01 : f32
    %mul3A_763 = vector.broadcast %mul3A_762 : f32 to vector<8x8xf32>
    %mul3A_764 = arith.mulf %mul3A_763, %reshape3A_761 : vector<8x8xf32>
    %sub3A_765 = arith.constant 1.200000e+01 : f32
    %sub3A_766 = vector.broadcast %sub3A_765 : f32 to vector<8x8xf32>
    %sub3A_767 = arith.subf %mul3A_764, %sub3A_766 : vector<8x8xf32>
    %swap3A_768 = arith.constant 8 : index
    %swap3A_769 = arith.constant 0 : index
    %swap3A_770 = vector.load %arg4[%swap3A_768, %swap3A_769] : memref<16x200xf32, #tpu.memory_space<vmem>>, vector<8x8xf32>
    tpu.vector_store %arg4[%swap3A_768, %swap3A_769], %sub3A_767 {strides = array<i32>} : memref<16x200xf32, #tpu.memory_space<vmem>>, vector<8x8xf32>,
    %get3A_771 = arith.constant 8 : index
    %get3A_772 = arith.constant 8 : index
    %get3A_773 = arith.constant 0 : index
    %get3A_774 = vector.load %arg3[%get3A_771, %get3A_772, %get3A_773] : memref<16x200x128xf32, #tpu.memory_space<vmem>>, vector<8x8x128xf32>
    %sub3A_775 = vector.broadcast %broadcast_in_dim3A_741 : vector<8x1x128xf32> to vector<8x8x128xf32>
    %sub3A_776 = arith.subf %sub3A_775, %get3A_774 : vector<8x8x128xf32>
    %mul3A_777 = arith.mulf %sub3A_776, %sub3A_776 : vector<8x8x128xf32>
    %slice3A_778 = vector.extract_strided_slice %mul3A_777 {offsets = [0, 0, 64], sizes = [8, 8, 64], strides = [1, 1, 1]} : vector<8x8x128xf32> to vector<8x8x64xf32>
    %slice3A_779 = vector.extract_strided_slice %mul3A_777 {offsets = [0, 0, 0], sizes = [8, 8, 64], strides = [1, 1, 1]} : vector<8x8x128xf32> to vector<8x8x64xf32>
    %concatenate3A_780 = tpu.concatenate %slice3A_778, %slice3A_779 in 2 : vector<8x8x64xf32>, vector<8x8x64xf32> -> vector<8x8x128xf32>
    %add3A_781 = arith.addf %mul3A_777, %concatenate3A_780 : vector<8x8x128xf32>
    %add3A_782 = arith.constant 1.000000e-30 : f32
    %add3A_783 = vector.broadcast %add3A_782 : f32 to vector<8x8x128xf32>
    %add3A_784 = arith.addf %add3A_781, %add3A_783 : vector<8x8x128xf32>
    %rsqrt3A_785 = math.rsqrt %add3A_784 : vector<8x8x128xf32>
    %mul3A_786 = arith.mulf %add3A_784, %rsqrt3A_785 : vector<8x8x128xf32>
    %reshape3A_787 = vector.shape_cast %mul3A_786 : vector<8x8x128xf32> to vector<64x128xf32>
    %dot_general3A_788 = arith.constant dense<0.000000e+00> : vector<64x1xf32>
    %dot_general3A_789 = tpu.matmul %reshape3A_787, %broadcast_in_dim3A_16, %dot_general3A_788 {dimension_numbers = #tpu.dot_dimension_numbers<[1], [0], [0], [1], [0, 0, 1, 1], [], []>, transpose_lhs_hint = false} : vector<64x128xf32>, vector<128x1xf32>, vector<64x1xf32> -> vector<64x1xf32>
    %reshape3A_790 = vector.shape_cast %dot_general3A_789 : vector<64x1xf32> to vector<8x8xf32>
    %mul3A_791 = arith.constant 5.000000e-01 : f32
    %mul3A_792 = vector.broadcast %mul3A_791 : f32 to vector<8x8xf32>
    %mul3A_793 = arith.mulf %mul3A_792, %reshape3A_790 : vector<8x8xf32>
    %sub3A_794 = arith.constant 1.200000e+01 : f32
    %sub3A_795 = vector.broadcast %sub3A_794 : f32 to vector<8x8xf32>
    %sub3A_796 = arith.subf %mul3A_793, %sub3A_795 : vector<8x8xf32>
    %swap3A_797 = arith.constant 8 : index
    %swap3A_798 = arith.constant 8 : index
    %swap3A_799 = vector.load %arg4[%swap3A_797, %swap3A_798] : memref<16x200xf32, #tpu.memory_space<vmem>>, vector<8x8xf32>
    tpu.vector_store %arg4[%swap3A_797, %swap3A_798], %sub3A_796 {strides = array<i32>} : memref<16x200xf32, #tpu.memory_space<vmem>>, vector<8x8xf32>,
    %get3A_800 = arith.constant 8 : index
    %get3A_801 = arith.constant 16 : index
    %get3A_802 = arith.constant 0 : index
    %get3A_803 = vector.load %arg3[%get3A_800, %get3A_801, %get3A_802] : memref<16x200x128xf32, #tpu.memory_space<vmem>>, vector<8x8x128xf32>
    %sub3A_804 = vector.broadcast %broadcast_in_dim3A_741 : vector<8x1x128xf32> to vector<8x8x128xf32>
    %sub3A_805 = arith.subf %sub3A_804, %get3A_803 : vector<8x8x128xf32>
    %mul3A_806 = arith.mulf %sub3A_805, %sub3A_805 : vector<8x8x128xf32>
    %slice3A_807 = vector.extract_strided_slice %mul3A_806 {offsets = [0, 0, 64], sizes = [8, 8, 64], strides = [1, 1, 1]} : vector<8x8x128xf32> to vector<8x8x64xf32>
    %slice3A_808 = vector.extract_strided_slice %mul3A_806 {offsets = [0, 0, 0], sizes = [8, 8, 64], strides = [1, 1, 1]} : vector<8x8x128xf32> to vector<8x8x64xf32>
    %concatenate3A_809 = tpu.concatenate %slice3A_807, %slice3A_808 in 2 : vector<8x8x64xf32>, vector<8x8x64xf32> -> vector<8x8x128xf32>
    %add3A_810 = arith.addf %mul3A_806, %concatenate3A_809 : vector<8x8x128xf32>
    %add3A_811 = arith.constant 1.000000e-30 : f32
    %add3A_812 = vector.broadcast %add3A_811 : f32 to vector<8x8x128xf32>
    %add3A_813 = arith.addf %add3A_810, %add3A_812 : vector<8x8x128xf32>
    %rsqrt3A_814 = math.rsqrt %add3A_813 : vector<8x8x128xf32>
    %mul3A_815 = arith.mulf %add3A_813, %rsqrt3A_814 : vector<8x8x128xf32>
    %reshape3A_816 = vector.shape_cast %mul3A_815 : vector<8x8x128xf32> to vector<64x128xf32>
    %dot_general3A_817 = arith.constant dense<0.000000e+00> : vector<64x1xf32>
    %dot_general3A_818 = tpu.matmul %reshape3A_816, %broadcast_in_dim3A_16, %dot_general3A_817 {dimension_numbers = #tpu.dot_dimension_numbers<[1], [0], [0], [1], [0, 0, 1, 1], [], []>, transpose_lhs_hint = false} : vector<64x128xf32>, vector<128x1xf32>, vector<64x1xf32> -> vector<64x1xf32>
    %reshape3A_819 = vector.shape_cast %dot_general3A_818 : vector<64x1xf32> to vector<8x8xf32>
    %mul3A_820 = arith.constant 5.000000e-01 : f32
    %mul3A_821 = vector.broadcast %mul3A_820 : f32 to vector<8x8xf32>
    %mul3A_822 = arith.mulf %mul3A_821, %reshape3A_819 : vector<8x8xf32>
    %sub3A_823 = arith.constant 1.200000e+01 : f32
    %sub3A_824 = vector.broadcast %sub3A_823 : f32 to vector<8x8xf32>
    %sub3A_825 = arith.subf %mul3A_822, %sub3A_824 : vector<8x8xf32>
    %swap3A_826 = arith.constant 8 : index
    %swap3A_827 = arith.constant 16 : index
    %swap3A_828 = vector.load %arg4[%swap3A_826, %swap3A_827] : memref<16x200xf32, #tpu.memory_space<vmem>>, vector<8x8xf32>
    tpu.vector_store %arg4[%swap3A_826, %swap3A_827], %sub3A_825 {strides = array<i32>} : memref<16x200xf32, #tpu.memory_space<vmem>>, vector<8x8xf32>,
    %get3A_829 = arith.constant 8 : index
    %get3A_830 = arith.constant 24 : index
    %get3A_831 = arith.constant 0 : index
    %get3A_832 = vector.load %arg3[%get3A_829, %get3A_830, %get3A_831] : memref<16x200x128xf32, #tpu.memory_space<vmem>>, vector<8x8x128xf32>
    %sub3A_833 = vector.broadcast %broadcast_in_dim3A_741 : vector<8x1x128xf32> to vector<8x8x128xf32>
    %sub3A_834 = arith.subf %sub3A_833, %get3A_832 : vector<8x8x128xf32>
    %mul3A_835 = arith.mulf %sub3A_834, %sub3A_834 : vector<8x8x128xf32>
    %slice3A_836 = vector.extract_strided_slice %mul3A_835 {offsets = [0, 0, 64], sizes = [8, 8, 64], strides = [1, 1, 1]} : vector<8x8x128xf32> to vector<8x8x64xf32>
    %slice3A_837 = vector.extract_strided_slice %mul3A_835 {offsets = [0, 0, 0], sizes = [8, 8, 64], strides = [1, 1, 1]} : vector<8x8x128xf32> to vector<8x8x64xf32>
    %concatenate3A_838 = tpu.concatenate %slice3A_836, %slice3A_837 in 2 : vector<8x8x64xf32>, vector<8x8x64xf32> -> vector<8x8x128xf32>
    %add3A_839 = arith.addf %mul3A_835, %concatenate3A_838 : vector<8x8x128xf32>
    %add3A_840 = arith.constant 1.000000e-30 : f32
    %add3A_841 = vector.broadcast %add3A_840 : f32 to vector<8x8x128xf32>
    %add3A_842 = arith.addf %add3A_839, %add3A_841 : vector<8x8x128xf32>
    %rsqrt3A_843 = math.rsqrt %add3A_842 : vector<8x8x128xf32>
    %mul3A_844 = arith.mulf %add3A_842, %rsqrt3A_843 : vector<8x8x128xf32>
    %reshape3A_845 = vector.shape_cast %mul3A_844 : vector<8x8x128xf32> to vector<64x128xf32>
    %dot_general3A_846 = arith.constant dense<0.000000e+00> : vector<64x1xf32>
    %dot_general3A_847 = tpu.matmul %reshape3A_845, %broadcast_in_dim3A_16, %dot_general3A_846 {dimension_numbers = #tpu.dot_dimension_numbers<[1], [0], [0], [1], [0, 0, 1, 1], [], []>, transpose_lhs_hint = false} : vector<64x128xf32>, vector<128x1xf32>, vector<64x1xf32> -> vector<64x1xf32>
    %reshape3A_848 = vector.shape_cast %dot_general3A_847 : vector<64x1xf32> to vector<8x8xf32>
    %mul3A_849 = arith.constant 5.000000e-01 : f32
    %mul3A_850 = vector.broadcast %mul3A_849 : f32 to vector<8x8xf32>
    %mul3A_851 = arith.mulf %mul3A_850, %reshape3A_848 : vector<8x8xf32>
    %sub3A_852 = arith.constant 1.200000e+01 : f32
    %sub3A_853 = vector.broadcast %sub3A_852 : f32 to vector<8x8xf32>
    %sub3A_854 = arith.subf %mul3A_851, %sub3A_853 : vector<8x8xf32>
    %swap3A_855 = arith.constant 8 : index
    %swap3A_856 = arith.constant 24 : index
    %swap3A_857 = vector.load %arg4[%swap3A_855, %swap3A_856] : memref<16x200xf32, #tpu.memory_space<vmem>>, vector<8x8xf32>
    tpu.vector_store %arg4[%swap3A_855, %swap3A_856], %sub3A_854 {strides = array<i32>} : memref<16x200xf32, #tpu.memory_space<vmem>>, vector<8x8xf32>,
    %get3A_858 = arith.constant 8 : index
    %get3A_859 = arith.constant 32 : index
    %get3A_860 = arith.constant 0 : index
    %get3A_861 = vector.load %arg3[%get3A_858, %get3A_859, %get3A_860] : memref<16x200x128xf32, #tpu.memory_space<vmem>>, vector<8x8x128xf32>
    %sub3A_862 = vector.broadcast %broadcast_in_dim3A_741 : vector<8x1x128xf32> to vector<8x8x128xf32>
    %sub3A_863 = arith.subf %sub3A_862, %get3A_861 : vector<8x8x128xf32>
    %mul3A_864 = arith.mulf %sub3A_863, %sub3A_863 : vector<8x8x128xf32>
    %slice3A_865 = vector.extract_strided_slice %mul3A_864 {offsets = [0, 0, 64], sizes = [8, 8, 64], strides = [1, 1, 1]} : vector<8x8x128xf32> to vector<8x8x64xf32>
    %slice3A_866 = vector.extract_strided_slice %mul3A_864 {offsets = [0, 0, 0], sizes = [8, 8, 64], strides = [1, 1, 1]} : vector<8x8x128xf32> to vector<8x8x64xf32>
    %concatenate3A_867 = tpu.concatenate %slice3A_865, %slice3A_866 in 2 : vector<8x8x64xf32>, vector<8x8x64xf32> -> vector<8x8x128xf32>
    %add3A_868 = arith.addf %mul3A_864, %concatenate3A_867 : vector<8x8x128xf32>
    %add3A_869 = arith.constant 1.000000e-30 : f32
    %add3A_870 = vector.broadcast %add3A_869 : f32 to vector<8x8x128xf32>
    %add3A_871 = arith.addf %add3A_868, %add3A_870 : vector<8x8x128xf32>
    %rsqrt3A_872 = math.rsqrt %add3A_871 : vector<8x8x128xf32>
    %mul3A_873 = arith.mulf %add3A_871, %rsqrt3A_872 : vector<8x8x128xf32>
    %reshape3A_874 = vector.shape_cast %mul3A_873 : vector<8x8x128xf32> to vector<64x128xf32>
    %dot_general3A_875 = arith.constant dense<0.000000e+00> : vector<64x1xf32>
    %dot_general3A_876 = tpu.matmul %reshape3A_874, %broadcast_in_dim3A_16, %dot_general3A_875 {dimension_numbers = #tpu.dot_dimension_numbers<[1], [0], [0], [1], [0, 0, 1, 1], [], []>, transpose_lhs_hint = false} : vector<64x128xf32>, vector<128x1xf32>, vector<64x1xf32> -> vector<64x1xf32>
    %reshape3A_877 = vector.shape_cast %dot_general3A_876 : vector<64x1xf32> to vector<8x8xf32>
    %mul3A_878 = arith.constant 5.000000e-01 : f32
    %mul3A_879 = vector.broadcast %mul3A_878 : f32 to vector<8x8xf32>
    %mul3A_880 = arith.mulf %mul3A_879, %reshape3A_877 : vector<8x8xf32>
    %sub3A_881 = arith.constant 1.200000e+01 : f32
    %sub3A_882 = vector.broadcast %sub3A_881 : f32 to vector<8x8xf32>
    %sub3A_883 = arith.subf %mul3A_880, %sub3A_882 : vector<8x8xf32>
    %swap3A_884 = arith.constant 8 : index
    %swap3A_885 = arith.constant 32 : index
    %swap3A_886 = vector.load %arg4[%swap3A_884, %swap3A_885] : memref<16x200xf32, #tpu.memory_space<vmem>>, vector<8x8xf32>
    tpu.vector_store %arg4[%swap3A_884, %swap3A_885], %sub3A_883 {strides = array<i32>} : memref<16x200xf32, #tpu.memory_space<vmem>>, vector<8x8xf32>,
    %get3A_887 = arith.constant 8 : index
    %get3A_888 = arith.constant 40 : index
    %get3A_889 = arith.constant 0 : index
    %get3A_890 = vector.load %arg3[%get3A_887, %get3A_888, %get3A_889] : memref<16x200x128xf32, #tpu.memory_space<vmem>>, vector<8x8x128xf32>
    %sub3A_891 = vector.broadcast %broadcast_in_dim3A_741 : vector<8x1x128xf32> to vector<8x8x128xf32>
    %sub3A_892 = arith.subf %sub3A_891, %get3A_890 : vector<8x8x128xf32>
    %mul3A_893 = arith.mulf %sub3A_892, %sub3A_892 : vector<8x8x128xf32>
    %slice3A_894 = vector.extract_strided_slice %mul3A_893 {offsets = [0, 0, 64], sizes = [8, 8, 64], strides = [1, 1, 1]} : vector<8x8x128xf32> to vector<8x8x64xf32>
    %slice3A_895 = vector.extract_strided_slice %mul3A_893 {offsets = [0, 0, 0], sizes = [8, 8, 64], strides = [1, 1, 1]} : vector<8x8x128xf32> to vector<8x8x64xf32>
    %concatenate3A_896 = tpu.concatenate %slice3A_894, %slice3A_895 in 2 : vector<8x8x64xf32>, vector<8x8x64xf32> -> vector<8x8x128xf32>
    %add3A_897 = arith.addf %mul3A_893, %concatenate3A_896 : vector<8x8x128xf32>
    %add3A_898 = arith.constant 1.000000e-30 : f32
    %add3A_899 = vector.broadcast %add3A_898 : f32 to vector<8x8x128xf32>
    %add3A_900 = arith.addf %add3A_897, %add3A_899 : vector<8x8x128xf32>
    %rsqrt3A_901 = math.rsqrt %add3A_900 : vector<8x8x128xf32>
    %mul3A_902 = arith.mulf %add3A_900, %rsqrt3A_901 : vector<8x8x128xf32>
    %reshape3A_903 = vector.shape_cast %mul3A_902 : vector<8x8x128xf32> to vector<64x128xf32>
    %dot_general3A_904 = arith.constant dense<0.000000e+00> : vector<64x1xf32>
    %dot_general3A_905 = tpu.matmul %reshape3A_903, %broadcast_in_dim3A_16, %dot_general3A_904 {dimension_numbers = #tpu.dot_dimension_numbers<[1], [0], [0], [1], [0, 0, 1, 1], [], []>, transpose_lhs_hint = false} : vector<64x128xf32>, vector<128x1xf32>, vector<64x1xf32> -> vector<64x1xf32>
    %reshape3A_906 = vector.shape_cast %dot_general3A_905 : vector<64x1xf32> to vector<8x8xf32>
    %mul3A_907 = arith.constant 5.000000e-01 : f32
    %mul3A_908 = vector.broadcast %mul3A_907 : f32 to vector<8x8xf32>
    %mul3A_909 = arith.mulf %mul3A_908, %reshape3A_906 : vector<8x8xf32>
    %sub3A_910 = arith.constant 1.200000e+01 : f32
    %sub3A_911 = vector.broadcast %sub3A_910 : f32 to vector<8x8xf32>
    %sub3A_912 = arith.subf %mul3A_909, %sub3A_911 : vector<8x8xf32>
    %swap3A_913 = arith.constant 8 : index
    %swap3A_914 = arith.constant 40 : index
    %swap3A_915 = vector.load %arg4[%swap3A_913, %swap3A_914] : memref<16x200xf32, #tpu.memory_space<vmem>>, vector<8x8xf32>
    tpu.vector_store %arg4[%swap3A_913, %swap3A_914], %sub3A_912 {strides = array<i32>} : memref<16x200xf32, #tpu.memory_space<vmem>>, vector<8x8xf32>,
    %get3A_916 = arith.constant 8 : index
    %get3A_917 = arith.constant 48 : index
    %get3A_918 = arith.constant 0 : index
    %get3A_919 = vector.load %arg3[%get3A_916, %get3A_917, %get3A_918] : memref<16x200x128xf32, #tpu.memory_space<vmem>>, vector<8x8x128xf32>
    %sub3A_920 = vector.broadcast %broadcast_in_dim3A_741 : vector<8x1x128xf32> to vector<8x8x128xf32>
    %sub3A_921 = arith.subf %sub3A_920, %get3A_919 : vector<8x8x128xf32>
    %mul3A_922 = arith.mulf %sub3A_921, %sub3A_921 : vector<8x8x128xf32>
    %slice3A_923 = vector.extract_strided_slice %mul3A_922 {offsets = [0, 0, 64], sizes = [8, 8, 64], strides = [1, 1, 1]} : vector<8x8x128xf32> to vector<8x8x64xf32>
    %slice3A_924 = vector.extract_strided_slice %mul3A_922 {offsets = [0, 0, 0], sizes = [8, 8, 64], strides = [1, 1, 1]} : vector<8x8x128xf32> to vector<8x8x64xf32>
    %concatenate3A_925 = tpu.concatenate %slice3A_923, %slice3A_924 in 2 : vector<8x8x64xf32>, vector<8x8x64xf32> -> vector<8x8x128xf32>
    %add3A_926 = arith.addf %mul3A_922, %concatenate3A_925 : vector<8x8x128xf32>
    %add3A_927 = arith.constant 1.000000e-30 : f32
    %add3A_928 = vector.broadcast %add3A_927 : f32 to vector<8x8x128xf32>
    %add3A_929 = arith.addf %add3A_926, %add3A_928 : vector<8x8x128xf32>
    %rsqrt3A_930 = math.rsqrt %add3A_929 : vector<8x8x128xf32>
    %mul3A_931 = arith.mulf %add3A_929, %rsqrt3A_930 : vector<8x8x128xf32>
    %reshape3A_932 = vector.shape_cast %mul3A_931 : vector<8x8x128xf32> to vector<64x128xf32>
    %dot_general3A_933 = arith.constant dense<0.000000e+00> : vector<64x1xf32>
    %dot_general3A_934 = tpu.matmul %reshape3A_932, %broadcast_in_dim3A_16, %dot_general3A_933 {dimension_numbers = #tpu.dot_dimension_numbers<[1], [0], [0], [1], [0, 0, 1, 1], [], []>, transpose_lhs_hint = false} : vector<64x128xf32>, vector<128x1xf32>, vector<64x1xf32> -> vector<64x1xf32>
    %reshape3A_935 = vector.shape_cast %dot_general3A_934 : vector<64x1xf32> to vector<8x8xf32>
    %mul3A_936 = arith.constant 5.000000e-01 : f32
    %mul3A_937 = vector.broadcast %mul3A_936 : f32 to vector<8x8xf32>
    %mul3A_938 = arith.mulf %mul3A_937, %reshape3A_935 : vector<8x8xf32>
    %sub3A_939 = arith.constant 1.200000e+01 : f32
    %sub3A_940 = vector.broadcast %sub3A_939 : f32 to vector<8x8xf32>
    %sub3A_941 = arith.subf %mul3A_938, %sub3A_940 : vector<8x8xf32>
    %swap3A_942 = arith.constant 8 : index
    %swap3A_943 = arith.constant 48 : index
    %swap3A_944 = vector.load %arg4[%swap3A_942, %swap3A_943] : memref<16x200xf32, #tpu.memory_space<vmem>>, vector<8x8xf32>
    tpu.vector_store %arg4[%swap3A_942, %swap3A_943], %sub3A_941 {strides = array<i32>} : memref<16x200xf32, #tpu.memory_space<vmem>>, vector<8x8xf32>,
    %get3A_945 = arith.constant 8 : index
    %get3A_946 = arith.constant 56 : index
    %get3A_947 = arith.constant 0 : index
    %get3A_948 = vector.load %arg3[%get3A_945, %get3A_946, %get3A_947] : memref<16x200x128xf32, #tpu.memory_space<vmem>>, vector<8x8x128xf32>
    %sub3A_949 = vector.broadcast %broadcast_in_dim3A_741 : vector<8x1x128xf32> to vector<8x8x128xf32>
    %sub3A_950 = arith.subf %sub3A_949, %get3A_948 : vector<8x8x128xf32>
    %mul3A_951 = arith.mulf %sub3A_950, %sub3A_950 : vector<8x8x128xf32>
    %slice3A_952 = vector.extract_strided_slice %mul3A_951 {offsets = [0, 0, 64], sizes = [8, 8, 64], strides = [1, 1, 1]} : vector<8x8x128xf32> to vector<8x8x64xf32>
    %slice3A_953 = vector.extract_strided_slice %mul3A_951 {offsets = [0, 0, 0], sizes = [8, 8, 64], strides = [1, 1, 1]} : vector<8x8x128xf32> to vector<8x8x64xf32>
    %concatenate3A_954 = tpu.concatenate %slice3A_952, %slice3A_953 in 2 : vector<8x8x64xf32>, vector<8x8x64xf32> -> vector<8x8x128xf32>
    %add3A_955 = arith.addf %mul3A_951, %concatenate3A_954 : vector<8x8x128xf32>
    %add3A_956 = arith.constant 1.000000e-30 : f32
    %add3A_957 = vector.broadcast %add3A_956 : f32 to vector<8x8x128xf32>
    %add3A_958 = arith.addf %add3A_955, %add3A_957 : vector<8x8x128xf32>
    %rsqrt3A_959 = math.rsqrt %add3A_958 : vector<8x8x128xf32>
    %mul3A_960 = arith.mulf %add3A_958, %rsqrt3A_959 : vector<8x8x128xf32>
    %reshape3A_961 = vector.shape_cast %mul3A_960 : vector<8x8x128xf32> to vector<64x128xf32>
    %dot_general3A_962 = arith.constant dense<0.000000e+00> : vector<64x1xf32>
    %dot_general3A_963 = tpu.matmul %reshape3A_961, %broadcast_in_dim3A_16, %dot_general3A_962 {dimension_numbers = #tpu.dot_dimension_numbers<[1], [0], [0], [1], [0, 0, 1, 1], [], []>, transpose_lhs_hint = false} : vector<64x128xf32>, vector<128x1xf32>, vector<64x1xf32> -> vector<64x1xf32>
    %reshape3A_964 = vector.shape_cast %dot_general3A_963 : vector<64x1xf32> to vector<8x8xf32>
    %mul3A_965 = arith.constant 5.000000e-01 : f32
    %mul3A_966 = vector.broadcast %mul3A_965 : f32 to vector<8x8xf32>
    %mul3A_967 = arith.mulf %mul3A_966, %reshape3A_964 : vector<8x8xf32>
    %sub3A_968 = arith.constant 1.200000e+01 : f32
    %sub3A_969 = vector.broadcast %sub3A_968 : f32 to vector<8x8xf32>
    %sub3A_970 = arith.subf %mul3A_967, %sub3A_969 : vector<8x8xf32>
    %swap3A_971 = arith.constant 8 : index
    %swap3A_972 = arith.constant 56 : index
    %swap3A_973 = vector.load %arg4[%swap3A_971, %swap3A_972] : memref<16x200xf32, #tpu.memory_space<vmem>>, vector<8x8xf32>
    tpu.vector_store %arg4[%swap3A_971, %swap3A_972], %sub3A_970 {strides = array<i32>} : memref<16x200xf32, #tpu.memory_space<vmem>>, vector<8x8xf32>,
    %get3A_974 = arith.constant 8 : index
    %get3A_975 = arith.constant 64 : index
    %get3A_976 = arith.constant 0 : index
    %get3A_977 = vector.load %arg3[%get3A_974, %get3A_975, %get3A_976] : memref<16x200x128xf32, #tpu.memory_space<vmem>>, vector<8x8x128xf32>
    %sub3A_978 = vector.broadcast %broadcast_in_dim3A_741 : vector<8x1x128xf32> to vector<8x8x128xf32>
    %sub3A_979 = arith.subf %sub3A_978, %get3A_977 : vector<8x8x128xf32>
    %mul3A_980 = arith.mulf %sub3A_979, %sub3A_979 : vector<8x8x128xf32>
    %slice3A_981 = vector.extract_strided_slice %mul3A_980 {offsets = [0, 0, 64], sizes = [8, 8, 64], strides = [1, 1, 1]} : vector<8x8x128xf32> to vector<8x8x64xf32>
    %slice3A_982 = vector.extract_strided_slice %mul3A_980 {offsets = [0, 0, 0], sizes = [8, 8, 64], strides = [1, 1, 1]} : vector<8x8x128xf32> to vector<8x8x64xf32>
    %concatenate3A_983 = tpu.concatenate %slice3A_981, %slice3A_982 in 2 : vector<8x8x64xf32>, vector<8x8x64xf32> -> vector<8x8x128xf32>
    %add3A_984 = arith.addf %mul3A_980, %concatenate3A_983 : vector<8x8x128xf32>
    %add3A_985 = arith.constant 1.000000e-30 : f32
    %add3A_986 = vector.broadcast %add3A_985 : f32 to vector<8x8x128xf32>
    %add3A_987 = arith.addf %add3A_984, %add3A_986 : vector<8x8x128xf32>
    %rsqrt3A_988 = math.rsqrt %add3A_987 : vector<8x8x128xf32>
    %mul3A_989 = arith.mulf %add3A_987, %rsqrt3A_988 : vector<8x8x128xf32>
    %reshape3A_990 = vector.shape_cast %mul3A_989 : vector<8x8x128xf32> to vector<64x128xf32>
    %dot_general3A_991 = arith.constant dense<0.000000e+00> : vector<64x1xf32>
    %dot_general3A_992 = tpu.matmul %reshape3A_990, %broadcast_in_dim3A_16, %dot_general3A_991 {dimension_numbers = #tpu.dot_dimension_numbers<[1], [0], [0], [1], [0, 0, 1, 1], [], []>, transpose_lhs_hint = false} : vector<64x128xf32>, vector<128x1xf32>, vector<64x1xf32> -> vector<64x1xf32>
    %reshape3A_993 = vector.shape_cast %dot_general3A_992 : vector<64x1xf32> to vector<8x8xf32>
    %mul3A_994 = arith.constant 5.000000e-01 : f32
    %mul3A_995 = vector.broadcast %mul3A_994 : f32 to vector<8x8xf32>
    %mul3A_996 = arith.mulf %mul3A_995, %reshape3A_993 : vector<8x8xf32>
    %sub3A_997 = arith.constant 1.200000e+01 : f32
    %sub3A_998 = vector.broadcast %sub3A_997 : f32 to vector<8x8xf32>
    %sub3A_999 = arith.subf %mul3A_996, %sub3A_998 : vector<8x8xf32>
    %swap3A_1000 = arith.constant 8 : index
    %swap3A_1001 = arith.constant 64 : index
    %swap3A_1002 = vector.load %arg4[%swap3A_1000, %swap3A_1001] : memref<16x200xf32, #tpu.memory_space<vmem>>, vector<8x8xf32>
    tpu.vector_store %arg4[%swap3A_1000, %swap3A_1001], %sub3A_999 {strides = array<i32>} : memref<16x200xf32, #tpu.memory_space<vmem>>, vector<8x8xf32>,
    %get3A_1003 = arith.constant 8 : index
    %get3A_1004 = arith.constant 72 : index
    %get3A_1005 = arith.constant 0 : index
    %get3A_1006 = vector.load %arg3[%get3A_1003, %get3A_1004, %get3A_1005] : memref<16x200x128xf32, #tpu.memory_space<vmem>>, vector<8x8x128xf32>
    %sub3A_1007 = vector.broadcast %broadcast_in_dim3A_741 : vector<8x1x128xf32> to vector<8x8x128xf32>
    %sub3A_1008 = arith.subf %sub3A_1007, %get3A_1006 : vector<8x8x128xf32>
    %mul3A_1009 = arith.mulf %sub3A_1008, %sub3A_1008 : vector<8x8x128xf32>
    %slice3A_1010 = vector.extract_strided_slice %mul3A_1009 {offsets = [0, 0, 64], sizes = [8, 8, 64], strides = [1, 1, 1]} : vector<8x8x128xf32> to vector<8x8x64xf32>
    %slice3A_1011 = vector.extract_strided_slice %mul3A_1009 {offsets = [0, 0, 0], sizes = [8, 8, 64], strides = [1, 1, 1]} : vector<8x8x128xf32> to vector<8x8x64xf32>
    %concatenate3A_1012 = tpu.concatenate %slice3A_1010, %slice3A_1011 in 2 : vector<8x8x64xf32>, vector<8x8x64xf32> -> vector<8x8x128xf32>
    %add3A_1013 = arith.addf %mul3A_1009, %concatenate3A_1012 : vector<8x8x128xf32>
    %add3A_1014 = arith.constant 1.000000e-30 : f32
    %add3A_1015 = vector.broadcast %add3A_1014 : f32 to vector<8x8x128xf32>
    %add3A_1016 = arith.addf %add3A_1013, %add3A_1015 : vector<8x8x128xf32>
    %rsqrt3A_1017 = math.rsqrt %add3A_1016 : vector<8x8x128xf32>
    %mul3A_1018 = arith.mulf %add3A_1016, %rsqrt3A_1017 : vector<8x8x128xf32>
    %reshape3A_1019 = vector.shape_cast %mul3A_1018 : vector<8x8x128xf32> to vector<64x128xf32>
    %dot_general3A_1020 = arith.constant dense<0.000000e+00> : vector<64x1xf32>
    %dot_general3A_1021 = tpu.matmul %reshape3A_1019, %broadcast_in_dim3A_16, %dot_general3A_1020 {dimension_numbers = #tpu.dot_dimension_numbers<[1], [0], [0], [1], [0, 0, 1, 1], [], []>, transpose_lhs_hint = false} : vector<64x128xf32>, vector<128x1xf32>, vector<64x1xf32> -> vector<64x1xf32>
    %reshape3A_1022 = vector.shape_cast %dot_general3A_1021 : vector<64x1xf32> to vector<8x8xf32>
    %mul3A_1023 = arith.constant 5.000000e-01 : f32
    %mul3A_1024 = vector.broadcast %mul3A_1023 : f32 to vector<8x8xf32>
    %mul3A_1025 = arith.mulf %mul3A_1024, %reshape3A_1022 : vector<8x8xf32>
    %sub3A_1026 = arith.constant 1.200000e+01 : f32
    %sub3A_1027 = vector.broadcast %sub3A_1026 : f32 to vector<8x8xf32>
    %sub3A_1028 = arith.subf %mul3A_1025, %sub3A_1027 : vector<8x8xf32>
    %swap3A_1029 = arith.constant 8 : index
    %swap3A_1030 = arith.constant 72 : index
    %swap3A_1031 = vector.load %arg4[%swap3A_1029, %swap3A_1030] : memref<16x200xf32, #tpu.memory_space<vmem>>, vector<8x8xf32>
    tpu.vector_store %arg4[%swap3A_1029, %swap3A_1030], %sub3A_1028 {strides = array<i32>} : memref<16x200xf32, #tpu.memory_space<vmem>>, vector<8x8xf32>,
    %get3A_1032 = arith.constant 8 : index
    %get3A_1033 = arith.constant 80 : index
    %get3A_1034 = arith.constant 0 : index
    %get3A_1035 = vector.load %arg3[%get3A_1032, %get3A_1033, %get3A_1034] : memref<16x200x128xf32, #tpu.memory_space<vmem>>, vector<8x8x128xf32>
    %sub3A_1036 = vector.broadcast %broadcast_in_dim3A_741 : vector<8x1x128xf32> to vector<8x8x128xf32>
    %sub3A_1037 = arith.subf %sub3A_1036, %get3A_1035 : vector<8x8x128xf32>
    %mul3A_1038 = arith.mulf %sub3A_1037, %sub3A_1037 : vector<8x8x128xf32>
    %slice3A_1039 = vector.extract_strided_slice %mul3A_1038 {offsets = [0, 0, 64], sizes = [8, 8, 64], strides = [1, 1, 1]} : vector<8x8x128xf32> to vector<8x8x64xf32>
    %slice3A_1040 = vector.extract_strided_slice %mul3A_1038 {offsets = [0, 0, 0], sizes = [8, 8, 64], strides = [1, 1, 1]} : vector<8x8x128xf32> to vector<8x8x64xf32>
    %concatenate3A_1041 = tpu.concatenate %slice3A_1039, %slice3A_1040 in 2 : vector<8x8x64xf32>, vector<8x8x64xf32> -> vector<8x8x128xf32>
    %add3A_1042 = arith.addf %mul3A_1038, %concatenate3A_1041 : vector<8x8x128xf32>
    %add3A_1043 = arith.constant 1.000000e-30 : f32
    %add3A_1044 = vector.broadcast %add3A_1043 : f32 to vector<8x8x128xf32>
    %add3A_1045 = arith.addf %add3A_1042, %add3A_1044 : vector<8x8x128xf32>
    %rsqrt3A_1046 = math.rsqrt %add3A_1045 : vector<8x8x128xf32>
    %mul3A_1047 = arith.mulf %add3A_1045, %rsqrt3A_1046 : vector<8x8x128xf32>
    %reshape3A_1048 = vector.shape_cast %mul3A_1047 : vector<8x8x128xf32> to vector<64x128xf32>
    %dot_general3A_1049 = arith.constant dense<0.000000e+00> : vector<64x1xf32>
    %dot_general3A_1050 = tpu.matmul %reshape3A_1048, %broadcast_in_dim3A_16, %dot_general3A_1049 {dimension_numbers = #tpu.dot_dimension_numbers<[1], [0], [0], [1], [0, 0, 1, 1], [], []>, transpose_lhs_hint = false} : vector<64x128xf32>, vector<128x1xf32>, vector<64x1xf32> -> vector<64x1xf32>
    %reshape3A_1051 = vector.shape_cast %dot_general3A_1050 : vector<64x1xf32> to vector<8x8xf32>
    %mul3A_1052 = arith.constant 5.000000e-01 : f32
    %mul3A_1053 = vector.broadcast %mul3A_1052 : f32 to vector<8x8xf32>
    %mul3A_1054 = arith.mulf %mul3A_1053, %reshape3A_1051 : vector<8x8xf32>
    %sub3A_1055 = arith.constant 1.200000e+01 : f32
    %sub3A_1056 = vector.broadcast %sub3A_1055 : f32 to vector<8x8xf32>
    %sub3A_1057 = arith.subf %mul3A_1054, %sub3A_1056 : vector<8x8xf32>
    %swap3A_1058 = arith.constant 8 : index
    %swap3A_1059 = arith.constant 80 : index
    %swap3A_1060 = vector.load %arg4[%swap3A_1058, %swap3A_1059] : memref<16x200xf32, #tpu.memory_space<vmem>>, vector<8x8xf32>
    tpu.vector_store %arg4[%swap3A_1058, %swap3A_1059], %sub3A_1057 {strides = array<i32>} : memref<16x200xf32, #tpu.memory_space<vmem>>, vector<8x8xf32>,
    %get3A_1061 = arith.constant 8 : index
    %get3A_1062 = arith.constant 88 : index
    %get3A_1063 = arith.constant 0 : index
    %get3A_1064 = vector.load %arg3[%get3A_1061, %get3A_1062, %get3A_1063] : memref<16x200x128xf32, #tpu.memory_space<vmem>>, vector<8x8x128xf32>
    %sub3A_1065 = vector.broadcast %broadcast_in_dim3A_741 : vector<8x1x128xf32> to vector<8x8x128xf32>
    %sub3A_1066 = arith.subf %sub3A_1065, %get3A_1064 : vector<8x8x128xf32>
    %mul3A_1067 = arith.mulf %sub3A_1066, %sub3A_1066 : vector<8x8x128xf32>
    %slice3A_1068 = vector.extract_strided_slice %mul3A_1067 {offsets = [0, 0, 64], sizes = [8, 8, 64], strides = [1, 1, 1]} : vector<8x8x128xf32> to vector<8x8x64xf32>
    %slice3A_1069 = vector.extract_strided_slice %mul3A_1067 {offsets = [0, 0, 0], sizes = [8, 8, 64], strides = [1, 1, 1]} : vector<8x8x128xf32> to vector<8x8x64xf32>
    %concatenate3A_1070 = tpu.concatenate %slice3A_1068, %slice3A_1069 in 2 : vector<8x8x64xf32>, vector<8x8x64xf32> -> vector<8x8x128xf32>
    %add3A_1071 = arith.addf %mul3A_1067, %concatenate3A_1070 : vector<8x8x128xf32>
    %add3A_1072 = arith.constant 1.000000e-30 : f32
    %add3A_1073 = vector.broadcast %add3A_1072 : f32 to vector<8x8x128xf32>
    %add3A_1074 = arith.addf %add3A_1071, %add3A_1073 : vector<8x8x128xf32>
    %rsqrt3A_1075 = math.rsqrt %add3A_1074 : vector<8x8x128xf32>
    %mul3A_1076 = arith.mulf %add3A_1074, %rsqrt3A_1075 : vector<8x8x128xf32>
    %reshape3A_1077 = vector.shape_cast %mul3A_1076 : vector<8x8x128xf32> to vector<64x128xf32>
    %dot_general3A_1078 = arith.constant dense<0.000000e+00> : vector<64x1xf32>
    %dot_general3A_1079 = tpu.matmul %reshape3A_1077, %broadcast_in_dim3A_16, %dot_general3A_1078 {dimension_numbers = #tpu.dot_dimension_numbers<[1], [0], [0], [1], [0, 0, 1, 1], [], []>, transpose_lhs_hint = false} : vector<64x128xf32>, vector<128x1xf32>, vector<64x1xf32> -> vector<64x1xf32>
    %reshape3A_1080 = vector.shape_cast %dot_general3A_1079 : vector<64x1xf32> to vector<8x8xf32>
    %mul3A_1081 = arith.constant 5.000000e-01 : f32
    %mul3A_1082 = vector.broadcast %mul3A_1081 : f32 to vector<8x8xf32>
    %mul3A_1083 = arith.mulf %mul3A_1082, %reshape3A_1080 : vector<8x8xf32>
    %sub3A_1084 = arith.constant 1.200000e+01 : f32
    %sub3A_1085 = vector.broadcast %sub3A_1084 : f32 to vector<8x8xf32>
    %sub3A_1086 = arith.subf %mul3A_1083, %sub3A_1085 : vector<8x8xf32>
    %swap3A_1087 = arith.constant 8 : index
    %swap3A_1088 = arith.constant 88 : index
    %swap3A_1089 = vector.load %arg4[%swap3A_1087, %swap3A_1088] : memref<16x200xf32, #tpu.memory_space<vmem>>, vector<8x8xf32>
    tpu.vector_store %arg4[%swap3A_1087, %swap3A_1088], %sub3A_1086 {strides = array<i32>} : memref<16x200xf32, #tpu.memory_space<vmem>>, vector<8x8xf32>,
    %get3A_1090 = arith.constant 8 : index
    %get3A_1091 = arith.constant 96 : index
    %get3A_1092 = arith.constant 0 : index
    %get3A_1093 = vector.load %arg3[%get3A_1090, %get3A_1091, %get3A_1092] : memref<16x200x128xf32, #tpu.memory_space<vmem>>, vector<8x8x128xf32>
    %sub3A_1094 = vector.broadcast %broadcast_in_dim3A_741 : vector<8x1x128xf32> to vector<8x8x128xf32>
    %sub3A_1095 = arith.subf %sub3A_1094, %get3A_1093 : vector<8x8x128xf32>
    %mul3A_1096 = arith.mulf %sub3A_1095, %sub3A_1095 : vector<8x8x128xf32>
    %slice3A_1097 = vector.extract_strided_slice %mul3A_1096 {offsets = [0, 0, 64], sizes = [8, 8, 64], strides = [1, 1, 1]} : vector<8x8x128xf32> to vector<8x8x64xf32>
    %slice3A_1098 = vector.extract_strided_slice %mul3A_1096 {offsets = [0, 0, 0], sizes = [8, 8, 64], strides = [1, 1, 1]} : vector<8x8x128xf32> to vector<8x8x64xf32>
    %concatenate3A_1099 = tpu.concatenate %slice3A_1097, %slice3A_1098 in 2 : vector<8x8x64xf32>, vector<8x8x64xf32> -> vector<8x8x128xf32>
    %add3A_1100 = arith.addf %mul3A_1096, %concatenate3A_1099 : vector<8x8x128xf32>
    %add3A_1101 = arith.constant 1.000000e-30 : f32
    %add3A_1102 = vector.broadcast %add3A_1101 : f32 to vector<8x8x128xf32>
    %add3A_1103 = arith.addf %add3A_1100, %add3A_1102 : vector<8x8x128xf32>
    %rsqrt3A_1104 = math.rsqrt %add3A_1103 : vector<8x8x128xf32>
    %mul3A_1105 = arith.mulf %add3A_1103, %rsqrt3A_1104 : vector<8x8x128xf32>
    %reshape3A_1106 = vector.shape_cast %mul3A_1105 : vector<8x8x128xf32> to vector<64x128xf32>
    %dot_general3A_1107 = arith.constant dense<0.000000e+00> : vector<64x1xf32>
    %dot_general3A_1108 = tpu.matmul %reshape3A_1106, %broadcast_in_dim3A_16, %dot_general3A_1107 {dimension_numbers = #tpu.dot_dimension_numbers<[1], [0], [0], [1], [0, 0, 1, 1], [], []>, transpose_lhs_hint = false} : vector<64x128xf32>, vector<128x1xf32>, vector<64x1xf32> -> vector<64x1xf32>
    %reshape3A_1109 = vector.shape_cast %dot_general3A_1108 : vector<64x1xf32> to vector<8x8xf32>
    %mul3A_1110 = arith.constant 5.000000e-01 : f32
    %mul3A_1111 = vector.broadcast %mul3A_1110 : f32 to vector<8x8xf32>
    %mul3A_1112 = arith.mulf %mul3A_1111, %reshape3A_1109 : vector<8x8xf32>
    %sub3A_1113 = arith.constant 1.200000e+01 : f32
    %sub3A_1114 = vector.broadcast %sub3A_1113 : f32 to vector<8x8xf32>
    %sub3A_1115 = arith.subf %mul3A_1112, %sub3A_1114 : vector<8x8xf32>
    %swap3A_1116 = arith.constant 8 : index
    %swap3A_1117 = arith.constant 96 : index
    %swap3A_1118 = vector.load %arg4[%swap3A_1116, %swap3A_1117] : memref<16x200xf32, #tpu.memory_space<vmem>>, vector<8x8xf32>
    tpu.vector_store %arg4[%swap3A_1116, %swap3A_1117], %sub3A_1115 {strides = array<i32>} : memref<16x200xf32, #tpu.memory_space<vmem>>, vector<8x8xf32>,
    %get3A_1119 = arith.constant 8 : index
    %get3A_1120 = arith.constant 104 : index
    %get3A_1121 = arith.constant 0 : index
    %get3A_1122 = vector.load %arg3[%get3A_1119, %get3A_1120, %get3A_1121] : memref<16x200x128xf32, #tpu.memory_space<vmem>>, vector<8x8x128xf32>
    %sub3A_1123 = vector.broadcast %broadcast_in_dim3A_741 : vector<8x1x128xf32> to vector<8x8x128xf32>
    %sub3A_1124 = arith.subf %sub3A_1123, %get3A_1122 : vector<8x8x128xf32>
    %mul3A_1125 = arith.mulf %sub3A_1124, %sub3A_1124 : vector<8x8x128xf32>
    %slice3A_1126 = vector.extract_strided_slice %mul3A_1125 {offsets = [0, 0, 64], sizes = [8, 8, 64], strides = [1, 1, 1]} : vector<8x8x128xf32> to vector<8x8x64xf32>
    %slice3A_1127 = vector.extract_strided_slice %mul3A_1125 {offsets = [0, 0, 0], sizes = [8, 8, 64], strides = [1, 1, 1]} : vector<8x8x128xf32> to vector<8x8x64xf32>
    %concatenate3A_1128 = tpu.concatenate %slice3A_1126, %slice3A_1127 in 2 : vector<8x8x64xf32>, vector<8x8x64xf32> -> vector<8x8x128xf32>
    %add3A_1129 = arith.addf %mul3A_1125, %concatenate3A_1128 : vector<8x8x128xf32>
    %add3A_1130 = arith.constant 1.000000e-30 : f32
    %add3A_1131 = vector.broadcast %add3A_1130 : f32 to vector<8x8x128xf32>
    %add3A_1132 = arith.addf %add3A_1129, %add3A_1131 : vector<8x8x128xf32>
    %rsqrt3A_1133 = math.rsqrt %add3A_1132 : vector<8x8x128xf32>
    %mul3A_1134 = arith.mulf %add3A_1132, %rsqrt3A_1133 : vector<8x8x128xf32>
    %reshape3A_1135 = vector.shape_cast %mul3A_1134 : vector<8x8x128xf32> to vector<64x128xf32>
    %dot_general3A_1136 = arith.constant dense<0.000000e+00> : vector<64x1xf32>
    %dot_general3A_1137 = tpu.matmul %reshape3A_1135, %broadcast_in_dim3A_16, %dot_general3A_1136 {dimension_numbers = #tpu.dot_dimension_numbers<[1], [0], [0], [1], [0, 0, 1, 1], [], []>, transpose_lhs_hint = false} : vector<64x128xf32>, vector<128x1xf32>, vector<64x1xf32> -> vector<64x1xf32>
    %reshape3A_1138 = vector.shape_cast %dot_general3A_1137 : vector<64x1xf32> to vector<8x8xf32>
    %mul3A_1139 = arith.constant 5.000000e-01 : f32
    %mul3A_1140 = vector.broadcast %mul3A_1139 : f32 to vector<8x8xf32>
    %mul3A_1141 = arith.mulf %mul3A_1140, %reshape3A_1138 : vector<8x8xf32>
    %sub3A_1142 = arith.constant 1.200000e+01 : f32
    %sub3A_1143 = vector.broadcast %sub3A_1142 : f32 to vector<8x8xf32>
    %sub3A_1144 = arith.subf %mul3A_1141, %sub3A_1143 : vector<8x8xf32>
    %swap3A_1145 = arith.constant 8 : index
    %swap3A_1146 = arith.constant 104 : index
    %swap3A_1147 = vector.load %arg4[%swap3A_1145, %swap3A_1146] : memref<16x200xf32, #tpu.memory_space<vmem>>, vector<8x8xf32>
    tpu.vector_store %arg4[%swap3A_1145, %swap3A_1146], %sub3A_1144 {strides = array<i32>} : memref<16x200xf32, #tpu.memory_space<vmem>>, vector<8x8xf32>,
    %get3A_1148 = arith.constant 8 : index
    %get3A_1149 = arith.constant 112 : index
    %get3A_1150 = arith.constant 0 : index
    %get3A_1151 = vector.load %arg3[%get3A_1148, %get3A_1149, %get3A_1150] : memref<16x200x128xf32, #tpu.memory_space<vmem>>, vector<8x8x128xf32>
    %sub3A_1152 = vector.broadcast %broadcast_in_dim3A_741 : vector<8x1x128xf32> to vector<8x8x128xf32>
    %sub3A_1153 = arith.subf %sub3A_1152, %get3A_1151 : vector<8x8x128xf32>
    %mul3A_1154 = arith.mulf %sub3A_1153, %sub3A_1153 : vector<8x8x128xf32>
    %slice3A_1155 = vector.extract_strided_slice %mul3A_1154 {offsets = [0, 0, 64], sizes = [8, 8, 64], strides = [1, 1, 1]} : vector<8x8x128xf32> to vector<8x8x64xf32>
    %slice3A_1156 = vector.extract_strided_slice %mul3A_1154 {offsets = [0, 0, 0], sizes = [8, 8, 64], strides = [1, 1, 1]} : vector<8x8x128xf32> to vector<8x8x64xf32>
    %concatenate3A_1157 = tpu.concatenate %slice3A_1155, %slice3A_1156 in 2 : vector<8x8x64xf32>, vector<8x8x64xf32> -> vector<8x8x128xf32>
    %add3A_1158 = arith.addf %mul3A_1154, %concatenate3A_1157 : vector<8x8x128xf32>
    %add3A_1159 = arith.constant 1.000000e-30 : f32
    %add3A_1160 = vector.broadcast %add3A_1159 : f32 to vector<8x8x128xf32>
    %add3A_1161 = arith.addf %add3A_1158, %add3A_1160 : vector<8x8x128xf32>
    %rsqrt3A_1162 = math.rsqrt %add3A_1161 : vector<8x8x128xf32>
    %mul3A_1163 = arith.mulf %add3A_1161, %rsqrt3A_1162 : vector<8x8x128xf32>
    %reshape3A_1164 = vector.shape_cast %mul3A_1163 : vector<8x8x128xf32> to vector<64x128xf32>
    %dot_general3A_1165 = arith.constant dense<0.000000e+00> : vector<64x1xf32>
    %dot_general3A_1166 = tpu.matmul %reshape3A_1164, %broadcast_in_dim3A_16, %dot_general3A_1165 {dimension_numbers = #tpu.dot_dimension_numbers<[1], [0], [0], [1], [0, 0, 1, 1], [], []>, transpose_lhs_hint = false} : vector<64x128xf32>, vector<128x1xf32>, vector<64x1xf32> -> vector<64x1xf32>
    %reshape3A_1167 = vector.shape_cast %dot_general3A_1166 : vector<64x1xf32> to vector<8x8xf32>
    %mul3A_1168 = arith.constant 5.000000e-01 : f32
    %mul3A_1169 = vector.broadcast %mul3A_1168 : f32 to vector<8x8xf32>
    %mul3A_1170 = arith.mulf %mul3A_1169, %reshape3A_1167 : vector<8x8xf32>
    %sub3A_1171 = arith.constant 1.200000e+01 : f32
    %sub3A_1172 = vector.broadcast %sub3A_1171 : f32 to vector<8x8xf32>
    %sub3A_1173 = arith.subf %mul3A_1170, %sub3A_1172 : vector<8x8xf32>
    %swap3A_1174 = arith.constant 8 : index
    %swap3A_1175 = arith.constant 112 : index
    %swap3A_1176 = vector.load %arg4[%swap3A_1174, %swap3A_1175] : memref<16x200xf32, #tpu.memory_space<vmem>>, vector<8x8xf32>
    tpu.vector_store %arg4[%swap3A_1174, %swap3A_1175], %sub3A_1173 {strides = array<i32>} : memref<16x200xf32, #tpu.memory_space<vmem>>, vector<8x8xf32>,
    %get3A_1177 = arith.constant 8 : index
    %get3A_1178 = arith.constant 120 : index
    %get3A_1179 = arith.constant 0 : index
    %get3A_1180 = vector.load %arg3[%get3A_1177, %get3A_1178, %get3A_1179] : memref<16x200x128xf32, #tpu.memory_space<vmem>>, vector<8x8x128xf32>
    %sub3A_1181 = vector.broadcast %broadcast_in_dim3A_741 : vector<8x1x128xf32> to vector<8x8x128xf32>
    %sub3A_1182 = arith.subf %sub3A_1181, %get3A_1180 : vector<8x8x128xf32>
    %mul3A_1183 = arith.mulf %sub3A_1182, %sub3A_1182 : vector<8x8x128xf32>
    %slice3A_1184 = vector.extract_strided_slice %mul3A_1183 {offsets = [0, 0, 64], sizes = [8, 8, 64], strides = [1, 1, 1]} : vector<8x8x128xf32> to vector<8x8x64xf32>
    %slice3A_1185 = vector.extract_strided_slice %mul3A_1183 {offsets = [0, 0, 0], sizes = [8, 8, 64], strides = [1, 1, 1]} : vector<8x8x128xf32> to vector<8x8x64xf32>
    %concatenate3A_1186 = tpu.concatenate %slice3A_1184, %slice3A_1185 in 2 : vector<8x8x64xf32>, vector<8x8x64xf32> -> vector<8x8x128xf32>
    %add3A_1187 = arith.addf %mul3A_1183, %concatenate3A_1186 : vector<8x8x128xf32>
    %add3A_1188 = arith.constant 1.000000e-30 : f32
    %add3A_1189 = vector.broadcast %add3A_1188 : f32 to vector<8x8x128xf32>
    %add3A_1190 = arith.addf %add3A_1187, %add3A_1189 : vector<8x8x128xf32>
    %rsqrt3A_1191 = math.rsqrt %add3A_1190 : vector<8x8x128xf32>
    %mul3A_1192 = arith.mulf %add3A_1190, %rsqrt3A_1191 : vector<8x8x128xf32>
    %reshape3A_1193 = vector.shape_cast %mul3A_1192 : vector<8x8x128xf32> to vector<64x128xf32>
    %dot_general3A_1194 = arith.constant dense<0.000000e+00> : vector<64x1xf32>
    %dot_general3A_1195 = tpu.matmul %reshape3A_1193, %broadcast_in_dim3A_16, %dot_general3A_1194 {dimension_numbers = #tpu.dot_dimension_numbers<[1], [0], [0], [1], [0, 0, 1, 1], [], []>, transpose_lhs_hint = false} : vector<64x128xf32>, vector<128x1xf32>, vector<64x1xf32> -> vector<64x1xf32>
    %reshape3A_1196 = vector.shape_cast %dot_general3A_1195 : vector<64x1xf32> to vector<8x8xf32>
    %mul3A_1197 = arith.constant 5.000000e-01 : f32
    %mul3A_1198 = vector.broadcast %mul3A_1197 : f32 to vector<8x8xf32>
    %mul3A_1199 = arith.mulf %mul3A_1198, %reshape3A_1196 : vector<8x8xf32>
    %sub3A_1200 = arith.constant 1.200000e+01 : f32
    %sub3A_1201 = vector.broadcast %sub3A_1200 : f32 to vector<8x8xf32>
    %sub3A_1202 = arith.subf %mul3A_1199, %sub3A_1201 : vector<8x8xf32>
    %swap3A_1203 = arith.constant 8 : index
    %swap3A_1204 = arith.constant 120 : index
    %swap3A_1205 = vector.load %arg4[%swap3A_1203, %swap3A_1204] : memref<16x200xf32, #tpu.memory_space<vmem>>, vector<8x8xf32>
    tpu.vector_store %arg4[%swap3A_1203, %swap3A_1204], %sub3A_1202 {strides = array<i32>} : memref<16x200xf32, #tpu.memory_space<vmem>>, vector<8x8xf32>,
    %get3A_1206 = arith.constant 8 : index
    %get3A_1207 = arith.constant 128 : index
    %get3A_1208 = arith.constant 0 : index
    %get3A_1209 = vector.load %arg3[%get3A_1206, %get3A_1207, %get3A_1208] : memref<16x200x128xf32, #tpu.memory_space<vmem>>, vector<8x8x128xf32>
    %sub3A_1210 = vector.broadcast %broadcast_in_dim3A_741 : vector<8x1x128xf32> to vector<8x8x128xf32>
    %sub3A_1211 = arith.subf %sub3A_1210, %get3A_1209 : vector<8x8x128xf32>
    %mul3A_1212 = arith.mulf %sub3A_1211, %sub3A_1211 : vector<8x8x128xf32>
    %slice3A_1213 = vector.extract_strided_slice %mul3A_1212 {offsets = [0, 0, 64], sizes = [8, 8, 64], strides = [1, 1, 1]} : vector<8x8x128xf32> to vector<8x8x64xf32>
    %slice3A_1214 = vector.extract_strided_slice %mul3A_1212 {offsets = [0, 0, 0], sizes = [8, 8, 64], strides = [1, 1, 1]} : vector<8x8x128xf32> to vector<8x8x64xf32>
    %concatenate3A_1215 = tpu.concatenate %slice3A_1213, %slice3A_1214 in 2 : vector<8x8x64xf32>, vector<8x8x64xf32> -> vector<8x8x128xf32>
    %add3A_1216 = arith.addf %mul3A_1212, %concatenate3A_1215 : vector<8x8x128xf32>
    %add3A_1217 = arith.constant 1.000000e-30 : f32
    %add3A_1218 = vector.broadcast %add3A_1217 : f32 to vector<8x8x128xf32>
    %add3A_1219 = arith.addf %add3A_1216, %add3A_1218 : vector<8x8x128xf32>
    %rsqrt3A_1220 = math.rsqrt %add3A_1219 : vector<8x8x128xf32>
    %mul3A_1221 = arith.mulf %add3A_1219, %rsqrt3A_1220 : vector<8x8x128xf32>
    %reshape3A_1222 = vector.shape_cast %mul3A_1221 : vector<8x8x128xf32> to vector<64x128xf32>
    %dot_general3A_1223 = arith.constant dense<0.000000e+00> : vector<64x1xf32>
    %dot_general3A_1224 = tpu.matmul %reshape3A_1222, %broadcast_in_dim3A_16, %dot_general3A_1223 {dimension_numbers = #tpu.dot_dimension_numbers<[1], [0], [0], [1], [0, 0, 1, 1], [], []>, transpose_lhs_hint = false} : vector<64x128xf32>, vector<128x1xf32>, vector<64x1xf32> -> vector<64x1xf32>
    %reshape3A_1225 = vector.shape_cast %dot_general3A_1224 : vector<64x1xf32> to vector<8x8xf32>
    %mul3A_1226 = arith.constant 5.000000e-01 : f32
    %mul3A_1227 = vector.broadcast %mul3A_1226 : f32 to vector<8x8xf32>
    %mul3A_1228 = arith.mulf %mul3A_1227, %reshape3A_1225 : vector<8x8xf32>
    %sub3A_1229 = arith.constant 1.200000e+01 : f32
    %sub3A_1230 = vector.broadcast %sub3A_1229 : f32 to vector<8x8xf32>
    %sub3A_1231 = arith.subf %mul3A_1228, %sub3A_1230 : vector<8x8xf32>
    %swap3A_1232 = arith.constant 8 : index
    %swap3A_1233 = arith.constant 128 : index
    %swap3A_1234 = vector.load %arg4[%swap3A_1232, %swap3A_1233] : memref<16x200xf32, #tpu.memory_space<vmem>>, vector<8x8xf32>
    tpu.vector_store %arg4[%swap3A_1232, %swap3A_1233], %sub3A_1231 {strides = array<i32>} : memref<16x200xf32, #tpu.memory_space<vmem>>, vector<8x8xf32>,
    %get3A_1235 = arith.constant 8 : index
    %get3A_1236 = arith.constant 136 : index
    %get3A_1237 = arith.constant 0 : index
    %get3A_1238 = vector.load %arg3[%get3A_1235, %get3A_1236, %get3A_1237] : memref<16x200x128xf32, #tpu.memory_space<vmem>>, vector<8x8x128xf32>
    %sub3A_1239 = vector.broadcast %broadcast_in_dim3A_741 : vector<8x1x128xf32> to vector<8x8x128xf32>
    %sub3A_1240 = arith.subf %sub3A_1239, %get3A_1238 : vector<8x8x128xf32>
    %mul3A_1241 = arith.mulf %sub3A_1240, %sub3A_1240 : vector<8x8x128xf32>
    %slice3A_1242 = vector.extract_strided_slice %mul3A_1241 {offsets = [0, 0, 64], sizes = [8, 8, 64], strides = [1, 1, 1]} : vector<8x8x128xf32> to vector<8x8x64xf32>
    %slice3A_1243 = vector.extract_strided_slice %mul3A_1241 {offsets = [0, 0, 0], sizes = [8, 8, 64], strides = [1, 1, 1]} : vector<8x8x128xf32> to vector<8x8x64xf32>
    %concatenate3A_1244 = tpu.concatenate %slice3A_1242, %slice3A_1243 in 2 : vector<8x8x64xf32>, vector<8x8x64xf32> -> vector<8x8x128xf32>
    %add3A_1245 = arith.addf %mul3A_1241, %concatenate3A_1244 : vector<8x8x128xf32>
    %add3A_1246 = arith.constant 1.000000e-30 : f32
    %add3A_1247 = vector.broadcast %add3A_1246 : f32 to vector<8x8x128xf32>
    %add3A_1248 = arith.addf %add3A_1245, %add3A_1247 : vector<8x8x128xf32>
    %rsqrt3A_1249 = math.rsqrt %add3A_1248 : vector<8x8x128xf32>
    %mul3A_1250 = arith.mulf %add3A_1248, %rsqrt3A_1249 : vector<8x8x128xf32>
    %reshape3A_1251 = vector.shape_cast %mul3A_1250 : vector<8x8x128xf32> to vector<64x128xf32>
    %dot_general3A_1252 = arith.constant dense<0.000000e+00> : vector<64x1xf32>
    %dot_general3A_1253 = tpu.matmul %reshape3A_1251, %broadcast_in_dim3A_16, %dot_general3A_1252 {dimension_numbers = #tpu.dot_dimension_numbers<[1], [0], [0], [1], [0, 0, 1, 1], [], []>, transpose_lhs_hint = false} : vector<64x128xf32>, vector<128x1xf32>, vector<64x1xf32> -> vector<64x1xf32>
    %reshape3A_1254 = vector.shape_cast %dot_general3A_1253 : vector<64x1xf32> to vector<8x8xf32>
    %mul3A_1255 = arith.constant 5.000000e-01 : f32
    %mul3A_1256 = vector.broadcast %mul3A_1255 : f32 to vector<8x8xf32>
    %mul3A_1257 = arith.mulf %mul3A_1256, %reshape3A_1254 : vector<8x8xf32>
    %sub3A_1258 = arith.constant 1.200000e+01 : f32
    %sub3A_1259 = vector.broadcast %sub3A_1258 : f32 to vector<8x8xf32>
    %sub3A_1260 = arith.subf %mul3A_1257, %sub3A_1259 : vector<8x8xf32>
    %swap3A_1261 = arith.constant 8 : index
    %swap3A_1262 = arith.constant 136 : index
    %swap3A_1263 = vector.load %arg4[%swap3A_1261, %swap3A_1262] : memref<16x200xf32, #tpu.memory_space<vmem>>, vector<8x8xf32>
    tpu.vector_store %arg4[%swap3A_1261, %swap3A_1262], %sub3A_1260 {strides = array<i32>} : memref<16x200xf32, #tpu.memory_space<vmem>>, vector<8x8xf32>,
    %get3A_1264 = arith.constant 8 : index
    %get3A_1265 = arith.constant 144 : index
    %get3A_1266 = arith.constant 0 : index
    %get3A_1267 = vector.load %arg3[%get3A_1264, %get3A_1265, %get3A_1266] : memref<16x200x128xf32, #tpu.memory_space<vmem>>, vector<8x8x128xf32>
    %sub3A_1268 = vector.broadcast %broadcast_in_dim3A_741 : vector<8x1x128xf32> to vector<8x8x128xf32>
    %sub3A_1269 = arith.subf %sub3A_1268, %get3A_1267 : vector<8x8x128xf32>
    %mul3A_1270 = arith.mulf %sub3A_1269, %sub3A_1269 : vector<8x8x128xf32>
    %slice3A_1271 = vector.extract_strided_slice %mul3A_1270 {offsets = [0, 0, 64], sizes = [8, 8, 64], strides = [1, 1, 1]} : vector<8x8x128xf32> to vector<8x8x64xf32>
    %slice3A_1272 = vector.extract_strided_slice %mul3A_1270 {offsets = [0, 0, 0], sizes = [8, 8, 64], strides = [1, 1, 1]} : vector<8x8x128xf32> to vector<8x8x64xf32>
    %concatenate3A_1273 = tpu.concatenate %slice3A_1271, %slice3A_1272 in 2 : vector<8x8x64xf32>, vector<8x8x64xf32> -> vector<8x8x128xf32>
    %add3A_1274 = arith.addf %mul3A_1270, %concatenate3A_1273 : vector<8x8x128xf32>
    %add3A_1275 = arith.constant 1.000000e-30 : f32
    %add3A_1276 = vector.broadcast %add3A_1275 : f32 to vector<8x8x128xf32>
    %add3A_1277 = arith.addf %add3A_1274, %add3A_1276 : vector<8x8x128xf32>
    %rsqrt3A_1278 = math.rsqrt %add3A_1277 : vector<8x8x128xf32>
    %mul3A_1279 = arith.mulf %add3A_1277, %rsqrt3A_1278 : vector<8x8x128xf32>
    %reshape3A_1280 = vector.shape_cast %mul3A_1279 : vector<8x8x128xf32> to vector<64x128xf32>
    %dot_general3A_1281 = arith.constant dense<0.000000e+00> : vector<64x1xf32>
    %dot_general3A_1282 = tpu.matmul %reshape3A_1280, %broadcast_in_dim3A_16, %dot_general3A_1281 {dimension_numbers = #tpu.dot_dimension_numbers<[1], [0], [0], [1], [0, 0, 1, 1], [], []>, transpose_lhs_hint = false} : vector<64x128xf32>, vector<128x1xf32>, vector<64x1xf32> -> vector<64x1xf32>
    %reshape3A_1283 = vector.shape_cast %dot_general3A_1282 : vector<64x1xf32> to vector<8x8xf32>
    %mul3A_1284 = arith.constant 5.000000e-01 : f32
    %mul3A_1285 = vector.broadcast %mul3A_1284 : f32 to vector<8x8xf32>
    %mul3A_1286 = arith.mulf %mul3A_1285, %reshape3A_1283 : vector<8x8xf32>
    %sub3A_1287 = arith.constant 1.200000e+01 : f32
    %sub3A_1288 = vector.broadcast %sub3A_1287 : f32 to vector<8x8xf32>
    %sub3A_1289 = arith.subf %mul3A_1286, %sub3A_1288 : vector<8x8xf32>
    %swap3A_1290 = arith.constant 8 : index
    %swap3A_1291 = arith.constant 144 : index
    %swap3A_1292 = vector.load %arg4[%swap3A_1290, %swap3A_1291] : memref<16x200xf32, #tpu.memory_space<vmem>>, vector<8x8xf32>
    tpu.vector_store %arg4[%swap3A_1290, %swap3A_1291], %sub3A_1289 {strides = array<i32>} : memref<16x200xf32, #tpu.memory_space<vmem>>, vector<8x8xf32>,
    %get3A_1293 = arith.constant 8 : index
    %get3A_1294 = arith.constant 152 : index
    %get3A_1295 = arith.constant 0 : index
    %get3A_1296 = vector.load %arg3[%get3A_1293, %get3A_1294, %get3A_1295] : memref<16x200x128xf32, #tpu.memory_space<vmem>>, vector<8x8x128xf32>
    %sub3A_1297 = vector.broadcast %broadcast_in_dim3A_741 : vector<8x1x128xf32> to vector<8x8x128xf32>
    %sub3A_1298 = arith.subf %sub3A_1297, %get3A_1296 : vector<8x8x128xf32>
    %mul3A_1299 = arith.mulf %sub3A_1298, %sub3A_1298 : vector<8x8x128xf32>
    %slice3A_1300 = vector.extract_strided_slice %mul3A_1299 {offsets = [0, 0, 64], sizes = [8, 8, 64], strides = [1, 1, 1]} : vector<8x8x128xf32> to vector<8x8x64xf32>
    %slice3A_1301 = vector.extract_strided_slice %mul3A_1299 {offsets = [0, 0, 0], sizes = [8, 8, 64], strides = [1, 1, 1]} : vector<8x8x128xf32> to vector<8x8x64xf32>
    %concatenate3A_1302 = tpu.concatenate %slice3A_1300, %slice3A_1301 in 2 : vector<8x8x64xf32>, vector<8x8x64xf32> -> vector<8x8x128xf32>
    %add3A_1303 = arith.addf %mul3A_1299, %concatenate3A_1302 : vector<8x8x128xf32>
    %add3A_1304 = arith.constant 1.000000e-30 : f32
    %add3A_1305 = vector.broadcast %add3A_1304 : f32 to vector<8x8x128xf32>
    %add3A_1306 = arith.addf %add3A_1303, %add3A_1305 : vector<8x8x128xf32>
    %rsqrt3A_1307 = math.rsqrt %add3A_1306 : vector<8x8x128xf32>
    %mul3A_1308 = arith.mulf %add3A_1306, %rsqrt3A_1307 : vector<8x8x128xf32>
    %reshape3A_1309 = vector.shape_cast %mul3A_1308 : vector<8x8x128xf32> to vector<64x128xf32>
    %dot_general3A_1310 = arith.constant dense<0.000000e+00> : vector<64x1xf32>
    %dot_general3A_1311 = tpu.matmul %reshape3A_1309, %broadcast_in_dim3A_16, %dot_general3A_1310 {dimension_numbers = #tpu.dot_dimension_numbers<[1], [0], [0], [1], [0, 0, 1, 1], [], []>, transpose_lhs_hint = false} : vector<64x128xf32>, vector<128x1xf32>, vector<64x1xf32> -> vector<64x1xf32>
    %reshape3A_1312 = vector.shape_cast %dot_general3A_1311 : vector<64x1xf32> to vector<8x8xf32>
    %mul3A_1313 = arith.constant 5.000000e-01 : f32
    %mul3A_1314 = vector.broadcast %mul3A_1313 : f32 to vector<8x8xf32>
    %mul3A_1315 = arith.mulf %mul3A_1314, %reshape3A_1312 : vector<8x8xf32>
    %sub3A_1316 = arith.constant 1.200000e+01 : f32
    %sub3A_1317 = vector.broadcast %sub3A_1316 : f32 to vector<8x8xf32>
    %sub3A_1318 = arith.subf %mul3A_1315, %sub3A_1317 : vector<8x8xf32>
    %swap3A_1319 = arith.constant 8 : index
    %swap3A_1320 = arith.constant 152 : index
    %swap3A_1321 = vector.load %arg4[%swap3A_1319, %swap3A_1320] : memref<16x200xf32, #tpu.memory_space<vmem>>, vector<8x8xf32>
    tpu.vector_store %arg4[%swap3A_1319, %swap3A_1320], %sub3A_1318 {strides = array<i32>} : memref<16x200xf32, #tpu.memory_space<vmem>>, vector<8x8xf32>,
    %get3A_1322 = arith.constant 8 : index
    %get3A_1323 = arith.constant 160 : index
    %get3A_1324 = arith.constant 0 : index
    %get3A_1325 = vector.load %arg3[%get3A_1322, %get3A_1323, %get3A_1324] : memref<16x200x128xf32, #tpu.memory_space<vmem>>, vector<8x8x128xf32>
    %sub3A_1326 = vector.broadcast %broadcast_in_dim3A_741 : vector<8x1x128xf32> to vector<8x8x128xf32>
    %sub3A_1327 = arith.subf %sub3A_1326, %get3A_1325 : vector<8x8x128xf32>
    %mul3A_1328 = arith.mulf %sub3A_1327, %sub3A_1327 : vector<8x8x128xf32>
    %slice3A_1329 = vector.extract_strided_slice %mul3A_1328 {offsets = [0, 0, 64], sizes = [8, 8, 64], strides = [1, 1, 1]} : vector<8x8x128xf32> to vector<8x8x64xf32>
    %slice3A_1330 = vector.extract_strided_slice %mul3A_1328 {offsets = [0, 0, 0], sizes = [8, 8, 64], strides = [1, 1, 1]} : vector<8x8x128xf32> to vector<8x8x64xf32>
    %concatenate3A_1331 = tpu.concatenate %slice3A_1329, %slice3A_1330 in 2 : vector<8x8x64xf32>, vector<8x8x64xf32> -> vector<8x8x128xf32>
    %add3A_1332 = arith.addf %mul3A_1328, %concatenate3A_1331 : vector<8x8x128xf32>
    %add3A_1333 = arith.constant 1.000000e-30 : f32
    %add3A_1334 = vector.broadcast %add3A_1333 : f32 to vector<8x8x128xf32>
    %add3A_1335 = arith.addf %add3A_1332, %add3A_1334 : vector<8x8x128xf32>
    %rsqrt3A_1336 = math.rsqrt %add3A_1335 : vector<8x8x128xf32>
    %mul3A_1337 = arith.mulf %add3A_1335, %rsqrt3A_1336 : vector<8x8x128xf32>
    %reshape3A_1338 = vector.shape_cast %mul3A_1337 : vector<8x8x128xf32> to vector<64x128xf32>
    %dot_general3A_1339 = arith.constant dense<0.000000e+00> : vector<64x1xf32>
    %dot_general3A_1340 = tpu.matmul %reshape3A_1338, %broadcast_in_dim3A_16, %dot_general3A_1339 {dimension_numbers = #tpu.dot_dimension_numbers<[1], [0], [0], [1], [0, 0, 1, 1], [], []>, transpose_lhs_hint = false} : vector<64x128xf32>, vector<128x1xf32>, vector<64x1xf32> -> vector<64x1xf32>
    %reshape3A_1341 = vector.shape_cast %dot_general3A_1340 : vector<64x1xf32> to vector<8x8xf32>
    %mul3A_1342 = arith.constant 5.000000e-01 : f32
    %mul3A_1343 = vector.broadcast %mul3A_1342 : f32 to vector<8x8xf32>
    %mul3A_1344 = arith.mulf %mul3A_1343, %reshape3A_1341 : vector<8x8xf32>
    %sub3A_1345 = arith.constant 1.200000e+01 : f32
    %sub3A_1346 = vector.broadcast %sub3A_1345 : f32 to vector<8x8xf32>
    %sub3A_1347 = arith.subf %mul3A_1344, %sub3A_1346 : vector<8x8xf32>
    %swap3A_1348 = arith.constant 8 : index
    %swap3A_1349 = arith.constant 160 : index
    %swap3A_1350 = vector.load %arg4[%swap3A_1348, %swap3A_1349] : memref<16x200xf32, #tpu.memory_space<vmem>>, vector<8x8xf32>
    tpu.vector_store %arg4[%swap3A_1348, %swap3A_1349], %sub3A_1347 {strides = array<i32>} : memref<16x200xf32, #tpu.memory_space<vmem>>, vector<8x8xf32>,
    %get3A_1351 = arith.constant 8 : index
    %get3A_1352 = arith.constant 168 : index
    %get3A_1353 = arith.constant 0 : index
    %get3A_1354 = vector.load %arg3[%get3A_1351, %get3A_1352, %get3A_1353] : memref<16x200x128xf32, #tpu.memory_space<vmem>>, vector<8x8x128xf32>
    %sub3A_1355 = vector.broadcast %broadcast_in_dim3A_741 : vector<8x1x128xf32> to vector<8x8x128xf32>
    %sub3A_1356 = arith.subf %sub3A_1355, %get3A_1354 : vector<8x8x128xf32>
    %mul3A_1357 = arith.mulf %sub3A_1356, %sub3A_1356 : vector<8x8x128xf32>
    %slice3A_1358 = vector.extract_strided_slice %mul3A_1357 {offsets = [0, 0, 64], sizes = [8, 8, 64], strides = [1, 1, 1]} : vector<8x8x128xf32> to vector<8x8x64xf32>
    %slice3A_1359 = vector.extract_strided_slice %mul3A_1357 {offsets = [0, 0, 0], sizes = [8, 8, 64], strides = [1, 1, 1]} : vector<8x8x128xf32> to vector<8x8x64xf32>
    %concatenate3A_1360 = tpu.concatenate %slice3A_1358, %slice3A_1359 in 2 : vector<8x8x64xf32>, vector<8x8x64xf32> -> vector<8x8x128xf32>
    %add3A_1361 = arith.addf %mul3A_1357, %concatenate3A_1360 : vector<8x8x128xf32>
    %add3A_1362 = arith.constant 1.000000e-30 : f32
    %add3A_1363 = vector.broadcast %add3A_1362 : f32 to vector<8x8x128xf32>
    %add3A_1364 = arith.addf %add3A_1361, %add3A_1363 : vector<8x8x128xf32>
    %rsqrt3A_1365 = math.rsqrt %add3A_1364 : vector<8x8x128xf32>
    %mul3A_1366 = arith.mulf %add3A_1364, %rsqrt3A_1365 : vector<8x8x128xf32>
    %reshape3A_1367 = vector.shape_cast %mul3A_1366 : vector<8x8x128xf32> to vector<64x128xf32>
    %dot_general3A_1368 = arith.constant dense<0.000000e+00> : vector<64x1xf32>
    %dot_general3A_1369 = tpu.matmul %reshape3A_1367, %broadcast_in_dim3A_16, %dot_general3A_1368 {dimension_numbers = #tpu.dot_dimension_numbers<[1], [0], [0], [1], [0, 0, 1, 1], [], []>, transpose_lhs_hint = false} : vector<64x128xf32>, vector<128x1xf32>, vector<64x1xf32> -> vector<64x1xf32>
    %reshape3A_1370 = vector.shape_cast %dot_general3A_1369 : vector<64x1xf32> to vector<8x8xf32>
    %mul3A_1371 = arith.constant 5.000000e-01 : f32
    %mul3A_1372 = vector.broadcast %mul3A_1371 : f32 to vector<8x8xf32>
    %mul3A_1373 = arith.mulf %mul3A_1372, %reshape3A_1370 : vector<8x8xf32>
    %sub3A_1374 = arith.constant 1.200000e+01 : f32
    %sub3A_1375 = vector.broadcast %sub3A_1374 : f32 to vector<8x8xf32>
    %sub3A_1376 = arith.subf %mul3A_1373, %sub3A_1375 : vector<8x8xf32>
    %swap3A_1377 = arith.constant 8 : index
    %swap3A_1378 = arith.constant 168 : index
    %swap3A_1379 = vector.load %arg4[%swap3A_1377, %swap3A_1378] : memref<16x200xf32, #tpu.memory_space<vmem>>, vector<8x8xf32>
    tpu.vector_store %arg4[%swap3A_1377, %swap3A_1378], %sub3A_1376 {strides = array<i32>} : memref<16x200xf32, #tpu.memory_space<vmem>>, vector<8x8xf32>,
    %get3A_1380 = arith.constant 8 : index
    %get3A_1381 = arith.constant 176 : index
    %get3A_1382 = arith.constant 0 : index
    %get3A_1383 = vector.load %arg3[%get3A_1380, %get3A_1381, %get3A_1382] : memref<16x200x128xf32, #tpu.memory_space<vmem>>, vector<8x8x128xf32>
    %sub3A_1384 = vector.broadcast %broadcast_in_dim3A_741 : vector<8x1x128xf32> to vector<8x8x128xf32>
    %sub3A_1385 = arith.subf %sub3A_1384, %get3A_1383 : vector<8x8x128xf32>
    %mul3A_1386 = arith.mulf %sub3A_1385, %sub3A_1385 : vector<8x8x128xf32>
    %slice3A_1387 = vector.extract_strided_slice %mul3A_1386 {offsets = [0, 0, 64], sizes = [8, 8, 64], strides = [1, 1, 1]} : vector<8x8x128xf32> to vector<8x8x64xf32>
    %slice3A_1388 = vector.extract_strided_slice %mul3A_1386 {offsets = [0, 0, 0], sizes = [8, 8, 64], strides = [1, 1, 1]} : vector<8x8x128xf32> to vector<8x8x64xf32>
    %concatenate3A_1389 = tpu.concatenate %slice3A_1387, %slice3A_1388 in 2 : vector<8x8x64xf32>, vector<8x8x64xf32> -> vector<8x8x128xf32>
    %add3A_1390 = arith.addf %mul3A_1386, %concatenate3A_1389 : vector<8x8x128xf32>
    %add3A_1391 = arith.constant 1.000000e-30 : f32
    %add3A_1392 = vector.broadcast %add3A_1391 : f32 to vector<8x8x128xf32>
    %add3A_1393 = arith.addf %add3A_1390, %add3A_1392 : vector<8x8x128xf32>
    %rsqrt3A_1394 = math.rsqrt %add3A_1393 : vector<8x8x128xf32>
    %mul3A_1395 = arith.mulf %add3A_1393, %rsqrt3A_1394 : vector<8x8x128xf32>
    %reshape3A_1396 = vector.shape_cast %mul3A_1395 : vector<8x8x128xf32> to vector<64x128xf32>
    %dot_general3A_1397 = arith.constant dense<0.000000e+00> : vector<64x1xf32>
    %dot_general3A_1398 = tpu.matmul %reshape3A_1396, %broadcast_in_dim3A_16, %dot_general3A_1397 {dimension_numbers = #tpu.dot_dimension_numbers<[1], [0], [0], [1], [0, 0, 1, 1], [], []>, transpose_lhs_hint = false} : vector<64x128xf32>, vector<128x1xf32>, vector<64x1xf32> -> vector<64x1xf32>
    %reshape3A_1399 = vector.shape_cast %dot_general3A_1398 : vector<64x1xf32> to vector<8x8xf32>
    %mul3A_1400 = arith.constant 5.000000e-01 : f32
    %mul3A_1401 = vector.broadcast %mul3A_1400 : f32 to vector<8x8xf32>
    %mul3A_1402 = arith.mulf %mul3A_1401, %reshape3A_1399 : vector<8x8xf32>
    %sub3A_1403 = arith.constant 1.200000e+01 : f32
    %sub3A_1404 = vector.broadcast %sub3A_1403 : f32 to vector<8x8xf32>
    %sub3A_1405 = arith.subf %mul3A_1402, %sub3A_1404 : vector<8x8xf32>
    %swap3A_1406 = arith.constant 8 : index
    %swap3A_1407 = arith.constant 176 : index
    %swap3A_1408 = vector.load %arg4[%swap3A_1406, %swap3A_1407] : memref<16x200xf32, #tpu.memory_space<vmem>>, vector<8x8xf32>
    tpu.vector_store %arg4[%swap3A_1406, %swap3A_1407], %sub3A_1405 {strides = array<i32>} : memref<16x200xf32, #tpu.memory_space<vmem>>, vector<8x8xf32>,
    %get3A_1409 = arith.constant 8 : index
    %get3A_1410 = arith.constant 184 : index
    %get3A_1411 = arith.constant 0 : index
    %get3A_1412 = vector.load %arg3[%get3A_1409, %get3A_1410, %get3A_1411] : memref<16x200x128xf32, #tpu.memory_space<vmem>>, vector<8x8x128xf32>
    %sub3A_1413 = vector.broadcast %broadcast_in_dim3A_741 : vector<8x1x128xf32> to vector<8x8x128xf32>
    %sub3A_1414 = arith.subf %sub3A_1413, %get3A_1412 : vector<8x8x128xf32>
    %mul3A_1415 = arith.mulf %sub3A_1414, %sub3A_1414 : vector<8x8x128xf32>
    %slice3A_1416 = vector.extract_strided_slice %mul3A_1415 {offsets = [0, 0, 64], sizes = [8, 8, 64], strides = [1, 1, 1]} : vector<8x8x128xf32> to vector<8x8x64xf32>
    %slice3A_1417 = vector.extract_strided_slice %mul3A_1415 {offsets = [0, 0, 0], sizes = [8, 8, 64], strides = [1, 1, 1]} : vector<8x8x128xf32> to vector<8x8x64xf32>
    %concatenate3A_1418 = tpu.concatenate %slice3A_1416, %slice3A_1417 in 2 : vector<8x8x64xf32>, vector<8x8x64xf32> -> vector<8x8x128xf32>
    %add3A_1419 = arith.addf %mul3A_1415, %concatenate3A_1418 : vector<8x8x128xf32>
    %add3A_1420 = arith.constant 1.000000e-30 : f32
    %add3A_1421 = vector.broadcast %add3A_1420 : f32 to vector<8x8x128xf32>
    %add3A_1422 = arith.addf %add3A_1419, %add3A_1421 : vector<8x8x128xf32>
    %rsqrt3A_1423 = math.rsqrt %add3A_1422 : vector<8x8x128xf32>
    %mul3A_1424 = arith.mulf %add3A_1422, %rsqrt3A_1423 : vector<8x8x128xf32>
    %reshape3A_1425 = vector.shape_cast %mul3A_1424 : vector<8x8x128xf32> to vector<64x128xf32>
    %dot_general3A_1426 = arith.constant dense<0.000000e+00> : vector<64x1xf32>
    %dot_general3A_1427 = tpu.matmul %reshape3A_1425, %broadcast_in_dim3A_16, %dot_general3A_1426 {dimension_numbers = #tpu.dot_dimension_numbers<[1], [0], [0], [1], [0, 0, 1, 1], [], []>, transpose_lhs_hint = false} : vector<64x128xf32>, vector<128x1xf32>, vector<64x1xf32> -> vector<64x1xf32>
    %reshape3A_1428 = vector.shape_cast %dot_general3A_1427 : vector<64x1xf32> to vector<8x8xf32>
    %mul3A_1429 = arith.constant 5.000000e-01 : f32
    %mul3A_1430 = vector.broadcast %mul3A_1429 : f32 to vector<8x8xf32>
    %mul3A_1431 = arith.mulf %mul3A_1430, %reshape3A_1428 : vector<8x8xf32>
    %sub3A_1432 = arith.constant 1.200000e+01 : f32
    %sub3A_1433 = vector.broadcast %sub3A_1432 : f32 to vector<8x8xf32>
    %sub3A_1434 = arith.subf %mul3A_1431, %sub3A_1433 : vector<8x8xf32>
    %swap3A_1435 = arith.constant 8 : index
    %swap3A_1436 = arith.constant 184 : index
    %swap3A_1437 = vector.load %arg4[%swap3A_1435, %swap3A_1436] : memref<16x200xf32, #tpu.memory_space<vmem>>, vector<8x8xf32>
    tpu.vector_store %arg4[%swap3A_1435, %swap3A_1436], %sub3A_1434 {strides = array<i32>} : memref<16x200xf32, #tpu.memory_space<vmem>>, vector<8x8xf32>,
    %get3A_1438 = arith.constant 8 : index
    %get3A_1439 = arith.constant 192 : index
    %get3A_1440 = arith.constant 0 : index
    %get3A_1441 = vector.load %arg3[%get3A_1438, %get3A_1439, %get3A_1440] : memref<16x200x128xf32, #tpu.memory_space<vmem>>, vector<8x8x128xf32>
    %sub3A_1442 = vector.broadcast %broadcast_in_dim3A_741 : vector<8x1x128xf32> to vector<8x8x128xf32>
    %sub3A_1443 = arith.subf %sub3A_1442, %get3A_1441 : vector<8x8x128xf32>
    %mul3A_1444 = arith.mulf %sub3A_1443, %sub3A_1443 : vector<8x8x128xf32>
    %slice3A_1445 = vector.extract_strided_slice %mul3A_1444 {offsets = [0, 0, 64], sizes = [8, 8, 64], strides = [1, 1, 1]} : vector<8x8x128xf32> to vector<8x8x64xf32>
    %slice3A_1446 = vector.extract_strided_slice %mul3A_1444 {offsets = [0, 0, 0], sizes = [8, 8, 64], strides = [1, 1, 1]} : vector<8x8x128xf32> to vector<8x8x64xf32>
    %concatenate3A_1447 = tpu.concatenate %slice3A_1445, %slice3A_1446 in 2 : vector<8x8x64xf32>, vector<8x8x64xf32> -> vector<8x8x128xf32>
    %add3A_1448 = arith.addf %mul3A_1444, %concatenate3A_1447 : vector<8x8x128xf32>
    %add3A_1449 = arith.constant 1.000000e-30 : f32
    %add3A_1450 = vector.broadcast %add3A_1449 : f32 to vector<8x8x128xf32>
    %add3A_1451 = arith.addf %add3A_1448, %add3A_1450 : vector<8x8x128xf32>
    %rsqrt3A_1452 = math.rsqrt %add3A_1451 : vector<8x8x128xf32>
    %mul3A_1453 = arith.mulf %add3A_1451, %rsqrt3A_1452 : vector<8x8x128xf32>
    %reshape3A_1454 = vector.shape_cast %mul3A_1453 : vector<8x8x128xf32> to vector<64x128xf32>
    %dot_general3A_1455 = arith.constant dense<0.000000e+00> : vector<64x1xf32>
    %dot_general3A_1456 = tpu.matmul %reshape3A_1454, %broadcast_in_dim3A_16, %dot_general3A_1455 {dimension_numbers = #tpu.dot_dimension_numbers<[1], [0], [0], [1], [0, 0, 1, 1], [], []>, transpose_lhs_hint = false} : vector<64x128xf32>, vector<128x1xf32>, vector<64x1xf32> -> vector<64x1xf32>
    %reshape3A_1457 = vector.shape_cast %dot_general3A_1456 : vector<64x1xf32> to vector<8x8xf32>
    %mul3A_1458 = arith.constant 5.000000e-01 : f32
    %mul3A_1459 = vector.broadcast %mul3A_1458 : f32 to vector<8x8xf32>
    %mul3A_1460 = arith.mulf %mul3A_1459, %reshape3A_1457 : vector<8x8xf32>
    %sub3A_1461 = arith.constant 1.200000e+01 : f32
    %sub3A_1462 = vector.broadcast %sub3A_1461 : f32 to vector<8x8xf32>
    %sub3A_1463 = arith.subf %mul3A_1460, %sub3A_1462 : vector<8x8xf32>
    %swap3A_1464 = arith.constant 8 : index
    %swap3A_1465 = arith.constant 192 : index
    %swap3A_1466 = vector.load %arg4[%swap3A_1464, %swap3A_1465] : memref<16x200xf32, #tpu.memory_space<vmem>>, vector<8x8xf32>
    tpu.vector_store %arg4[%swap3A_1464, %swap3A_1465], %sub3A_1463 {strides = array<i32>} : memref<16x200xf32, #tpu.memory_space<vmem>>, vector<8x8xf32>,
    return
  }
  func.func @transform_0(%arg0: i32) -> (i32, i32) {
    %c0_i32 = arith.constant 0 : i32
    %c0_i32_0 = arith.constant 0 : i32
    return %arg0, %c0_i32 : i32, i32
  }
  func.func @transform_1(%arg0: i32) -> (i32, i32) {
    %c0_i32 = arith.constant 0 : i32
    %c0_i32_0 = arith.constant 0 : i32
    return %arg0, %c0_i32 : i32, i32
  }
  func.func @transform_2(%arg0: i32) -> (i32, i32, i32) {
    %c0_i32 = arith.constant 0 : i32
    %c0_i32_0 = arith.constant 0 : i32
    %c0_i32_1 = arith.constant 0 : i32
    return %arg0, %c0_i32, %c0_i32_0 : i32, i32, i32
  }
  func.func @transform_3(%arg0: i32) -> (i32, i32) {
    %c0_i32 = arith.constant 0 : i32
    %c0_i32_0 = arith.constant 0 : i32
    return %arg0, %c0_i32 : i32, i32
  }
}

</mosaic_0001>

<sc_bundles>
// kernel: kernel.10.cloned.1.call-start
scs
__scs_entry_jumppad:
0x0: {  	(pc) =	sbr.rel $0x88, $3  }
0x1: {  	(tag) =	ssettag $0x0;
	lr =	simm.s32 $0x1  }
0x2: {  	[smem:$0x3F9C] =	sst lr;
	_ =	strace $0xD0000000  }
0x3: {  	_ = 	snop  }
0x4: {  	_ = 	snop  }
0x5: {  	_ = 	snop  }
0x6: {  	_ = 	snop  }
0x7: {  	_ = 	snop  }
__scs_overlays_trampoline_lowered:
0x8: {  	[smem:$0x3FAB] =	sst s0  }
0x9: {  	[smem:$0x3FAC] =	sst s1  }
0xa: {  	[smem:$0x3FAD] =	sst s2  }
0xb: {  	[smem:$0x3FAE] =	sst s3  }
0xc: {  	[smem:$0x3FAF] =	sst s4  }
0xd: {  	[smem:$0x3FB0] =	sst s5  }
0xe: {  	[smem:$0x3FB1] =	sst s6  }
0xf: {  	[smem:$0x3FB2] =	sst s7  }
0x10: {  	[smem:$0x3FB3] =	sst s8  }
0x11: {  	[smem:$0x3FB4] =	sst s9;
	s0 =	simm.s32 @!p0 $0x0  }
0x12: {  	s1 =	sld [smem:$0x3F9A];
	s0 =	simm.s32 @p0 $0x1  }
0x13: {  	[smem:$0x3FB5] =	sst s0;
	s0 =	simm.s32 @!p1 $0x0  }
0x14: {  	s2 =	sld [smem:$0x3F99];
	s0 =	simm.s32 @p1 $0x1  }
0x15: {  	[smem:$0x3FB6] =	sst s0;
	s0 =	simm.s32 @!p2 $0x0  }
0x16: {  	s3 =	sld [smem:$0x3FDB];
	s0 =	simm.s32 @p2 $0x1  }
0x17: {  	s4 =	simm.s32 $0x1BF5;
	[smem:$0x3FB8] =	sst s0  }
0x18: {  	s0 =	sld [smem:$0x3F9B];
	_ =	swait.ge [sflag:s4], $0x0  }
0x19: {  	s7 =	sld [smem:$0x3F9C]  }
0x1a: {  	s8 =	sadd.s32 $0xFFFFE003, lr  }
0x1b: {  	s9 =	sadd.s32 $0xFFFFFEF7, lr;
	s5 =	simm.s32 $0xFFFFFFFF;
	p2 =	slt.u32 s8, $0xFFFFF086  }
0x1c: {  	p1 =	slt.u32 s9, $0xF7A;
	s5 =	simm.s32 @!p2 $0x0  }
0x1d: {  	s5 =	simm.s32 @p1 $0x1;
	p0 =	seq.s32 s7, s2  }
0x1e: {  	s7 =	smul.u32 @!p0 $0xF7A, s2;
	p2 =	seq.s32 @!p0 s5, $0x0  }
0x1f: {  	s9 =	smul.u32 $0xF7A, s1;
	s8 =	simm.s32 @!p0 $0x1BF5;
	p2 =	por !p2, p0  }
0x20: {  	[sflag:s8] =	ssyncset.s32 @!p0 $0xFFFFF086;
	s6 =	sadd.s32 @!p0 s3, s7;
	s7 =	simm.s32 @!p0 $0x108  }
0x21: {  	s3 =	sadd.s32 s3, s9;
	s6 =	sadd.s32 @!p0 $0x88, s6;
	s7 =	simm.s32 @p2 $0x1082  }
0x22: {  	[simem:s7], [sflag:s8] =	dma.local @!p0 [hbm:s6], $0xF7A  }
0x23: {  	s9 =	sor.u32 $0xD0000000, s2;
	s6 =	simm.s32 $0x108;
	_ =	swait.ge @!p0 [sflag:s8], $0x0  }
0x24: {  	s3 =	sadd.s32 $0x88, s3;
	s6 =	simm.s32 @!p1 $0x1082;
	[sflag:s4] =	ssyncset.s32 $0xFFFFF086  }
0x25: {  	[simem:s6], [sflag:s4] =	dma.local [hbm:s3], $0xF7A  }
0x26: {  	[smem:$0x3F9C] =	sst s1;
	(tag) =	ssettag s2;
	_ =	strace s9  }
0x27: {  	s1 =	sld [smem:$0x3FAC]  }
0x28: {  	s2 =	sld [smem:$0x3FAD]  }
0x29: {  	s4 =	sld [smem:$0x3FAF]  }
0x2a: {  	p0 =	seq.s32 s5, $0x0;
	s5 =	sld [smem:$0x3FB0]  }
0x2b: {  	s6 =	sld [smem:$0x3FB1]  }
0x2c: {  	s7 =	sld [smem:$0x3FB2]  }
0x2d: {  	s3 =	simm.s32 $0x108;
	s8 =	sld [smem:$0x3FB3]  }
0x2e: {  	s3 =	simm.s32 @!p0 $0x1082;
	s9 =	sld [smem:$0x3FB4]  }
0x2f: {  	lr =	sadd.s32 s0, s3;
	s0 =	sld [smem:$0x3FAB]  }
0x30: {  	s3 =	sld [smem:$0x3FAE]  }
0x31: {  	[smem:$0x3FB7] =	sst s10  }
0x32: {  	s10 =	sld [smem:$0x3FB5];
	_ =	sdelay $0x3  }
0x33: {  	p0 =	seq.s32 s10, $0x1;
	s10 =	sld [smem:$0x3FB7];
	_ =	sdelay $0x3  }
0x34: {  	[smem:$0x3FB7] =	sst s10  }
0x35: {  	s10 =	sld [smem:$0x3FB6];
	_ =	sdelay $0x3  }
0x36: {  	p1 =	seq.s32 s10, $0x1;
	s10 =	sld [smem:$0x3FB7];
	_ =	sdelay $0x3  }
0x37: {  	[smem:$0x3FB7] =	sst s10  }
0x38: {  	s10 =	sld [smem:$0x3FB8]  }
0x39: {  	_ = 	snop;
	(pc) =	sbr.ind lr, $3  }
0x3a: {  	_ = 	snop  }
0x3b: {  	_ = 	snop  }
0x3c: {  	p2 =	seq.s32 s10, $0x1;
	s10 =	sld [smem:$0x3FB7]  }
0x3d: {  	_ =	shalt  }
0x3e: {  	_ =	shalt  }
0x3f: {  	_ =	shalt  }
0x40: {  	_ =	shalt  }
0x41: {  	_ =	shalt  }
0x42: {  	_ =	shalt  }
0x43: {  	_ =	shalt  }
0x44: {  	_ =	shalt  }
0x45: {  	_ =	shalt  }
0x46: {  	_ =	shalt  }
0x47: {  	_ =	shalt  }
0x48: {  	_ =	shalt  }
0x49: {  	_ =	shalt  }
0x4a: {  	_ =	shalt  }
0x4b: {  	_ =	shalt  }
0x4c: {  	_ =	shalt  }
0x4d: {  	_ =	shalt  }
0x4e: {  	_ =	shalt  }
0x4f: {  	_ =	shalt  }
0x50: {  	_ =	shalt  }
0x51: {  	_ =	shalt  }
0x52: {  	_ =	shalt  }
0x53: {  	_ =	shalt  }
0x54: {  	_ =	shalt  }
0x55: {  	_ =	shalt  }
0x56: {  	_ =	shalt  }
0x57: {  	_ =	shalt  }
0x58: {  	_ =	shalt  }
0x59: {  	_ =	shalt  }
0x5a: {  	_ =	shalt  }
0x5b: {  	_ =	shalt  }
0x5c: {  	_ =	shalt  }
0x5d: {  	_ =	shalt  }
0x5e: {  	_ =	shalt  }
0x5f: {  	_ =	shalt  }
0x60: {  	_ =	shalt  }
0x61: {  	_ =	shalt  }
0x62: {  	_ =	shalt  }
0x63: {  	_ =	shalt  }
0x64: {  	_ =	shalt  }
0x65: {  	_ =	shalt  }
0x66: {  	_ =	shalt  }
0x67: {  	_ =	shalt  }
0x68: {  	_ =	shalt  }
0x69: {  	_ =	shalt  }
0x6a: {  	_ =	shalt  }
0x6b: {  	_ =	shalt  }
0x6c: {  	_ =	shalt  }
0x6d: {  	_ =	shalt  }
0x6e: {  	_ =	shalt  }
0x6f: {  	_ =	shalt  }
0x70: {  	_ =	shalt  }
0x71: {  	_ =	shalt  }
0x72: {  	_ =	shalt  }
0x73: {  	_ =	shalt  }
0x74: {  	_ =	shalt  }
0x75: {  	_ =	shalt  }
0x76: {  	_ =	shalt  }
0x77: {  	_ =	shalt  }
0x78: {  	_ =	shalt  }
0x79: {  	_ =	shalt  }
0x7a: {  	_ =	shalt  }
0x7b: {  	_ =	shalt  }
0x7c: {  	_ =	shalt  }
0x7d: {  	_ =	shalt  }
0x7e: {  	_ =	shalt  }
0x7f: {  	_ =	shalt  }
0x80: {  	_ =	shalt  }
0x81: {  	_ =	shalt  }
0x82: {  	_ =	shalt  }
0x83: {  	_ =	shalt  }
0x84: {  	_ =	shalt  }
0x85: {  	_ =	shalt  }
0x86: {  	_ =	shalt  }
0x87: {  	_ =	shalt  }
.Lfunc_end0:
.L_simem_size_0:
called_computation_lowered:
.L_overlay_start_0:
0x88: {  	s2 =	sld [smem:$0x3FD9]  }
0x89: {  	s3 =	sld [smem:$0x3FFE];
	_ =	sdelay $0x1  }
0x8a: {  	s1 =	srdreg.scid  }
0x8b: {  	s0 =	sand.u32 $0x1, s1  }
0x8c: {  	s17 =	sshll.u32 s0, $0xA;
	s2 =	sadd.s32 s3, s2  }
0x8d: {  	s2 =	sadd.s32 s2, s17  }
0x8e: {  	[smem:$0x3FC3] =	sst s2  }
0x8f: {  	_ = 	snop  }
0x90: {  	s18 =	sld [smem:$0x3FC6]  }
0x91: {  	s4 =	sld [smem:$0x3FD0];
	(tm) =	ssettm $0x1  }
0x92: {  	s19 =	sld [smem:$0x3FFB];
	_ =	sdelay $0x3  }
0x93: {  	_ =	strace s19  }
0x94: {  	s2 =	sld [smem:$0x3FFC];
	_ =	sdelay $0x3  }
0x95: {  	_ =	strace s2  }
0x96: {  	s2 =	sld [smem:$0x3FFD];
	_ =	sdelay $0x3  }
0x97: {  	_ =	strace s2  }
0x98: {  	_ =	strace $0x8FFFFFFF  }
0x99: {  	s20 =	sld [smem:$0x3FDB];
	_ =	sdelay $0x1  }
0x9a: {  	s5 =	simm.s32 $_scs_section_size  }
0x9b: {  	s6 =	simm.s32 $_size__tile_overlayer_lowered;
	s7 =	simm.s32 $_tile_overlayer_lowered  }
0x9c: {  	s8 =	simm.s32 $0x1BFF;
	s21 =	sshll.u32 s7, $0x1;
	s5 =	sadd.s32 s5, s20  }
0x9d: {  	s22 =	simm.s32 $0x0;
	s6 =	sshll.u32 s6, $0x1;
	s7 =	sadd.s32 s21, s5  }
0x9e: {  	[timem:s22], [sflag:s8] =	dma.local [hbm:s7], s6  }
0x9f: {  	_ =	swait.ge [sflag:s8], s6  }
0xa0: {  	s6 =	ssub.s32 $0x0, s6;
	[sflag:s8] =	ssyncset.done $0x0  }
0xa1: {  	[sflag:s8] =	ssyncadd.s32 s6;
	_ =	sdelay $0x1  }
0xa2: {  	s23 =	simm.s32 $0x1B8B  }
0xa3: {  	_ =	swait.ge [sflag:s23], $0x1  }
0xa4: {  	[sflag:s23] =	ssyncset.done $0x0  }
0xa5: {  	[sflag:s23] =	ssyncadd.s32 $0xFFFFFFFF  }
0xa6: {  	s6 =	sld [smem:$0x0]  }
0xa7: {  	s7 =	sand.u32 $0xFFFFFFFE, s1  }
0xa8: {  	p0 =	sne.s32 s1, s7  }
0xa9: {  	s7 =	sshll.u32 @p0 s7, $0xE  }
0xaa: {  	s7 =	sadd.s32 @p0 $0x11B8D, s7;
	s8 =	sshll.u32 @p0 s6, $0x11  }
0xab: {  	s7 =	sor.u32 @p0 s8, s7  }
0xac: {  	[sflag:s7] =	ssyncadd.remote.s32 @p0 $0x1;
	_ =	sdelay $0x1  }
0xad: {  	s7 =	simm.s32 @p0 $0x1B8D  }
0xae: {  	_ =	swait.eq @p0 [sflag:s7], $0x1  }
0xaf: {  	[sflag:s7] =	ssyncadd.s32 @p0 $0xFFFFFFFF  }
0xb0: {  	s8 =	sshll.u32 @!p0 s1, $0xE  }
0xb1: {  	s8 =	sor.u32 @!p0 $0x4000, s8;
	s7 =	simm.s32 @!p0 $0x1B8D  }
0xb2: {  	s6 =	sshll.u32 @!p0 s6, $0x11;
	s8 =	sadd.s32 @!p0 $0x11B8D, s8;
	_ =	swait.eq @!p0 [sflag:s7], $0x1  }
0xb3: {  	s6 =	sor.u32 @!p0 s6, s8;
	[sflag:s7] =	ssyncadd.s32 @!p0 $0xFFFFFFFF  }
0xb4: {  	s25 =	simm.s32 $0x1B8E;
	s24 =	sld [smem:$0x3FFE];
	[sflag:s6] =	ssyncadd.remote.s32 @!p0 $0x1  }
0xb5: {  	s26 =	simm.s32 $execute0_lowered;
	[smem:$0x3FD2] =	sst s25  }
0xb6: {  	s7 =	sshll.u32 s26, $0x1;
	_ =	strace $0x8000004F;
	[dreg:$0x1] =	wrdreg $0xFFFFFFFF  }
0xb7: {  	s28 =	simm.s32 $_size_execute0_lowered;
	s5 =	sadd.s32 s5, s7;
	[dreg:$0x0] =	wrdreg $0x0  }
0xb8: {  	s7 =	sshll.u32 s28, $0x1;
	[dreg:$0x2] =	wrdreg s5  }
0xb9: {  	[dreg:$0x3] =	wrdreg s7  }
0xba: {  	[dreg:$0x4] =	wrdreg $0xC0  }
0xbb: {  	_ =	task [dreg:s22], $0x5FFFF  }
0xbc: {  	[dreg:$0x1] =	wrdreg $0xFFFFFFFF  }
0xbd: {  	[dreg:$0x0] =	wrdreg $0x60  }
0xbe: {  	[dreg:$0x2] =	wrdreg s24  }
0xbf: {  	[dreg:$0x3] =	wrdreg s18  }
0xc0: {  	[dreg:$0x4] =	wrdreg s4  }
0xc1: {  	[dreg:$0x5] =	wrdreg $0x9  }
0xc2: {  	_ =	task.clear_ibuf [dreg:s22], $0x6FFFF;
	_ =	strace $0x9000004F  }
0xc3: {  	s29 =	simm.s32 $0x9;
	_ =	strace $0x80000051  }
0xc4: {  	_ =	swait.ge [sflag:s29], $0x1  }
0xc5: {  	[sflag:s29] =	ssyncadd.s32 $0xFFFFFFFF  }
0xc6: {  	_ =	strace $0x90000051  }
0xc7: {  	_ =	sfence  }
0xc8: {  	s30 =	sld [smem:$0x0];
	_ =	sdelay $0x2  }
0xc9: {  	s31 =	sshll.u32 s1, $0xD;
	s1 =	sshrl.u32 s1, $0x2  }
0xca: {  	s4 =	sand.u32 $0x4000, s31;
	s1 =	sadd.s32 s1, s30  }
0xcb: {  	s0 =	sor.u32 s4, s0;
	s1 =	sshll.u32 s1, $0x11  }
0xcc: {  	s0 =	sor.u32 s1, s0  }
0xcd: {  	s0 =	sadd.s32 $0x8F2B, s0  }
0xce: {  	[sflag:s0] =	ssyncadd.remote.s32 $0x1  }
0xcf: {  	_ =	sfence.sel $0xFFFF  }
0xd0: {  	[dreg:$0x0] =	wrdreg $0xFFFFFFFF;
	(pc) =	sbr.abs _section_cstart, $3  }
0xd1: {  	[dreg:$0x1] =	wrdreg $0xFFFFFFFF  }
0xd2: {  	_ =	task.clear_ibuf [dreg:s22], $0x2FFFF;
	_ =	strace $0x9FFFFFFF  }
0xd3: {  	(tm) =	ssettm $0x7FFFFFFF  }
tec
execute0_lowered:
.L_overlay_start_1:
0x0: {  	(tag) =	ssettag $0x1  }
0x1: {  	s0 =	rddreg [dreg:$0x0]  }
0x2: {  	s1 =	srdreg.scid;
	s7 =	stileid.u32  }
0x3: {  	s2 =	rddreg [dreg:$0x1];
	s4 =	simm.s32 $0x0;
	s12 =	simm.s32 $0xA  }
0x4: {  	s13 =	simm.s32 $0x80;
	s14 =	simm.s32 $0x100;
	s15 =	simm.s32 $0x50  }
0x5: {  	s16 =	simm.s32 $0xF80;
	s18 =	simm.s32 $0x3780;
	s20 =	simm.s32 $0x5F80  }
0x6: {  	s21 =	simm.s32 $0x8;
	s22 =	simm.s32 $0x780;
	s23 =	simm.s32 $0xB80  }
0x7: {  	s24 =	simm.s32 $0x1;
	s28 =	simm.s32 $0x5;
	s29 =	simm.s32 $0x3  }
0x8: {  	s30 =	simm.s32 $0x6;
	s31 =	simm.s32 $0x4;
	s1 =	sand.u32 $0x1, s1  }
0x9: {  	s3 =	sshll.u32 s7, $0x1;
	[smem:$0x7FF] =	sst s4;
	s7 =	smul.u32 $0xC800, s7  }
0xa: {  	s3 =	sor.u32 s1, s3;
	s8 =	ssub.s32 $0x2, s1;
	s1 =	smul.u32 $0x6400, s1  }
0xb: {  	_ =	strace $0x80000050;
	s5 =	smul.u32 $0x640, s3;
	s6 =	sadd.s32 s3, s0  }
0xc: {  	s3 =	sshll.u32 s3, $0x7;
	s9 =	sshrl.u32 s8, $0x1;
	s25 =	sadd.s32 $0xB000, s6  }
0xd: {  	s3 =	sadd.s32 s3, s0;
	s6 =	sadd.s32 $0xAE00, s6;
	[dreg:$0x4] =	wrdreg s25  }
0xe: {  	s10 =	ssub.s32 s8, s9;
	s5 =	sshrl.u32 s5, $0x3;
	[dreg:$0x5] =	wrdreg s6  }
0xf: {  	s26 =	sadd.s32 $0x269200, s3;
	s9 =	sadd.s32 $0x26A200, s3;
	s10 =	smax.u32 s10, $0x1  }
0x10: {  	s25 =	simm.s32 $0x8780;
	s3 =	simm.s32 $0x0;
	s5 =	sadd.s32 s5, s0  }
0x11: {  	s0 =	sadd.s32 s7, s0;
	[dreg:$0x7] =	wrdreg s26;
	s26 =	simm.s32 $0x2  }
0x12: {  	s5 =	sadd.s32 $0x6E00, s5;
	s0 =	sadd.s32 s1, s0;
	s1 =	simm.s32 $0x7  }
0x13: {  	[dreg:$0x6] =	wrdreg s5;
	s11 =	sadd.s32 $0x26BC00, s0;
	s0 =	simm.s32 $0x9  }
.LBB2_1:
0x14: {  	s5 =	rddreg [dreg:$0x4]  }
0x15: {  	[tilespmem:s4], [sflag:$0xA] =	stream.linear.gather [hbm4b:s5+s4], $0x8, $0x38;
	[tilespmem:$0xAF80] =	vst v63  }
0x16: {  	_ =	swait.ge [sflag:s12], $0x8  }
0x17: {  	[sflag:s12] =	ssyncset.done $0x0  }
0x18: {  	s7 =	rddreg [dreg:$0x5];
	[sflag:s12] =	ssyncadd.s32 $0xFFFFFFF8  }
0x19: {  	[tilespmem:s13], [sflag:$0xA] =	stream.linear.gather [hbm4b:s7+s4], $0x8, $0x38;
	[tilespmem:$0xAF80] =	vst v63  }
0x1a: {  	_ =	swait.ge [sflag:s12], $0x8  }
0x1b: {  	[sflag:s12] =	ssyncset.done $0x0  }
0x1c: {  	s8 =	rddreg [dreg:$0x6];
	[sflag:s12] =	ssyncadd.s32 $0xFFFFFFF8  }
0x1d: {  	[tilespmem:s14], [sflag:$0xA] =	stream.linear.gather [hbm4b:s8+s4], $0x640, $0x38;
	[tilespmem:$0xAF80] =	vst v63  }
0x1e: {  	_ =	swait.ge [sflag:s12], $0x640  }
0x1f: {  	[sflag:s12] =	ssyncset.done $0x0  }
0x20: {  	[sflag:s12] =	ssyncadd.s32 $0xFFFFF9C0  }
0x21: {  	[tilespmem:s16], [sflag:$0x1] =	stream.indirect.gather [hbm4b:s2+s15], $0x80, s14, s15, $0xb8;
	[tilespmem:$0xAF80] =	vst v63  }
0x22: {  	s17 =	simm.s32 $0x150  }
0x23: {  	[tilespmem:s18], [sflag:$0x2] =	stream.indirect.gather [hbm4b:s2+s15], $0x80, s17, s15, $0xb8;
	[tilespmem:$0xAF80] =	vst v63  }
0x24: {  	s19 =	simm.s32 $0x1A0  }
0x25: {  	[tilespmem:s20], [sflag:$0x3] =	stream.indirect.gather [hbm4b:s2+s15], $0x80, s19, s15, $0xb8;
	[tilespmem:$0xAF80] =	vst v63  }
0x26: {  	_ = 	snop  }
0x27: {  	[tilespmem:s22], [sflag:$0x9] =	stream.indirect.gather [hbm4b:s2+s21], $0x80, s4, s21, $0xb8;
	[tilespmem:$0xAF80] =	vst v63  }
0x28: {  	s6 =	rddreg [dreg:$0x2]  }
0x29: {  	[tilespmem:s23], [sflag:$0x9] =	stream.indirect.gather [hbm4b:s6+s21], $0x80, s13, s21, $0xb8;
	[tilespmem:$0xAF80] =	vst v63  }
0x2a: {  	_ =	swait.ge [sflag:s24], $0x2800  }
0x2b: {  	p0 =	por $0x1, $0x1;
	[sflag:s24] =	ssyncset.done $0x0  }
0x2c: {  	s5 =	simm.s32 @!p0 $0x8;
	[sflag:s24] =	ssyncadd.s32 $0xFFFFD800  }
0x2d: {  	_ =	swait.ge @!p0 [sflag:s5], $0x2800  }
0x2e: {  	[sflag:s5] =	ssyncset.done @!p0 $0x0  }
0x2f: {  	s7 =	simm.s32 $0x1F0;
	[sflag:s5] =	ssyncadd.s32 @!p0 $0xFFFFD800  }
0x30: {  	[tilespmem:s25], [sflag:$0x4] =	stream.indirect.gather [hbm4b:s2+s15], $0x80, s7, s15, $0xb8;
	[tilespmem:$0xAF80] =	vst v63  }
0x31: {  	s8 =	sadd.s32 $0xFFFFF600, s11  }
0x32: {  	[hbm4b:s8+s4] =	stream.linear.scatter [tilespmem:s16], [sflag:$0x5], $0x2800, $0x38;
	[tilespmem:$0xAF80] =	vst v63  }
0x33: {  	_ =	swait.ge [sflag:s26], $0x2800  }
0x34: {  	[sflag:s26] =	ssyncset.done $0x0  }
0x35: {  	[sflag:s26] =	ssyncadd.s32 $0xFFFFD800  }
0x36: {  	p0 =	por $0x0, $0x0;
	_ =	swait.ge [sflag:s28], $0x2800  }
0x37: {  	s5 =	simm.s32 @!p0 $0xF80;
	[sflag:s28] =	ssyncset.done $0x0  }
0x38: {  	s17 =	simm.s32 @!p0 $0x240;
	s19 =	simm.s32 @!p0 $0x50;
	[sflag:s28] =	ssyncadd.s32 $0xFFFFD800  }
0x39: {  	[tilespmem:s5], [sflag:$0x1] =	stream.indirect.gather @!p0 [hbm4b:s2+s19], $0x80, s17, s19, $0xb8;
	[tilespmem:$0xAF80] =	vst v63  }
0x3a: {  	s17 =	sadd.s32 $0xFFFFFB00, s11  }
0x3b: {  	[hbm4b:s17+s4] =	stream.linear.scatter [tilespmem:s18], [sflag:$0x6], $0x2800, $0x38;
	[tilespmem:$0xAF80] =	vst v63  }
0x3c: {  	_ =	swait.ge [sflag:s29], $0x2800  }
0x3d: {  	[sflag:s29] =	ssyncset.done $0x0  }
0x3e: {  	[sflag:s29] =	ssyncadd.s32 $0xFFFFD800  }
0x3f: {  	_ =	swait.ge [sflag:s30], $0x2800  }
0x40: {  	[sflag:s30] =	ssyncset.done $0x0  }
0x41: {  	s5 =	simm.s32 @!p0 $0x290;
	s17 =	simm.s32 @!p0 $0x3780;
	[sflag:s30] =	ssyncadd.s32 $0xFFFFD800  }
0x42: {  	[tilespmem:s17], [sflag:$0x2] =	stream.indirect.gather @!p0 [hbm4b:s2+s19], $0x80, s5, s19, $0xb8;
	[tilespmem:$0xAF80] =	vst v63  }
0x43: {  	_ = 	snop  }
0x44: {  	[hbm4b:s11+s4] =	stream.linear.scatter [tilespmem:s20], [sflag:$0x7], $0x2800, $0x38;
	[tilespmem:$0xAF80] =	vst v63  }
0x45: {  	_ =	swait.ge [sflag:s31], $0x2800  }
0x46: {  	[sflag:s31] =	ssyncset.done $0x0  }
0x47: {  	[sflag:s31] =	ssyncadd.s32 $0xFFFFD800  }
0x48: {  	_ =	swait.ge [sflag:s1], $0x2800  }
0x49: {  	[sflag:s1] =	ssyncset.done $0x0  }
0x4a: {  	s5 =	simm.s32 @!p0 $0x2E0;
	s17 =	simm.s32 @!p0 $0x5F80;
	[sflag:s1] =	ssyncadd.s32 $0xFFFFD800  }
0x4b: {  	[tilespmem:s17], [sflag:$0x3] =	stream.indirect.gather @!p0 [hbm4b:s2+s19], $0x80, s5, s19, $0xb8;
	[tilespmem:$0xAF80] =	vst v63  }
0x4c: {  	s17 =	simm.s32 $0x500;
	s5 =	sadd.s32 $0x500, s11;
	s19 =	sadd.s32 $0x1400, s11  }
.LBB2_2:
0x4d: {  	[hbm4b:s5+s4] =	stream.linear.scatter [tilespmem:s25], [sflag:$0x8], $0x2800, $0x38;
	[tilespmem:$0xAF80] =	vst v63  }
0x4e: {  	s5 =	smov.u32 s17;
	s17 =	sadd.s32 $0x500, s17;
	_ =	swait.ge [sflag:s24], $0x2800  }
0x4f: {  	p1 =	seq.s32 s5, $0x0;
	p0 =	sne.s32 s17, $0x1900;
	[sflag:s24] =	ssyncset.done $0x0  }
0x50: {  	s6 =	simm.s32 @!p1 $0x8;
	[sflag:s24] =	ssyncadd.s32 $0xFFFFD800  }
0x51: {  	_ =	swait.ge @!p1 [sflag:s6], $0x2800  }
0x52: {  	s7 =	sshra.s32 s5, $0x2;
	[sflag:s6] =	ssyncset.done @!p1 $0x0  }
0x53: {  	[sflag:s6] =	ssyncadd.s32 @!p1 $0xFFFFD800;
	s6 =	sadd.s32 $0x1F0, s7  }
0x54: {  	[tilespmem:s25], [sflag:$0x4] =	stream.indirect.gather [hbm4b:s2+s15], $0x80, s6, s15, $0xb8;
	[tilespmem:$0xAF80] =	vst v63  }
0x55: {  	s6 =	sadd.s32 $0xFFFFF600, s19  }
0x56: {  	[hbm4b:s6+s4] =	stream.linear.scatter [tilespmem:s16], [sflag:$0x5], $0x2800, $0x38;
	[tilespmem:$0xAF80] =	vst v63  }
0x57: {  	_ =	swait.ge [sflag:s26], $0x2800  }
0x58: {  	[sflag:s26] =	ssyncset.done $0x0  }
0x59: {  	[sflag:s26] =	ssyncadd.s32 $0xFFFFD800  }
0x5a: {  	p1 =	seq.s32 s5, $0x1400;
	_ =	swait.ge [sflag:s28], $0x2800  }
0x5b: {  	s5 =	sshra.s32 @!p1 s5, $0x2;
	s6 =	simm.s32 @!p1 $0xF80;
	[sflag:s28] =	ssyncset.done $0x0  }
0x5c: {  	s8 =	simm.s32 @!p1 $0x50;
	s7 =	sadd.s32 @!p1 $0x240, s5;
	[sflag:s28] =	ssyncadd.s32 $0xFFFFD800  }
0x5d: {  	[tilespmem:s6], [sflag:$0x1] =	stream.indirect.gather @!p1 [hbm4b:s2+s8], $0x80, s7, s8, $0xb8;
	[tilespmem:$0xAF80] =	vst v63  }
0x5e: {  	s6 =	sadd.s32 $0xFFFFFB00, s19;
	s7 =	sadd.s32 @!p1 $0x290, s5;
	s5 =	sadd.s32 @!p1 $0x2E0, s5  }
0x5f: {  	[hbm4b:s6+s4] =	stream.linear.scatter [tilespmem:s18], [sflag:$0x6], $0x2800, $0x38;
	[tilespmem:$0xAF80] =	vst v63  }
0x60: {  	_ =	swait.ge [sflag:s29], $0x2800  }
0x61: {  	[sflag:s29] =	ssyncset.done $0x0  }
0x62: {  	[sflag:s29] =	ssyncadd.s32 $0xFFFFD800  }
0x63: {  	_ =	swait.ge [sflag:s30], $0x2800  }
0x64: {  	[sflag:s30] =	ssyncset.done $0x0  }
0x65: {  	s6 =	simm.s32 @!p1 $0x3780;
	[sflag:s30] =	ssyncadd.s32 $0xFFFFD800  }
0x66: {  	[tilespmem:s6], [sflag:$0x2] =	stream.indirect.gather @!p1 [hbm4b:s2+s8], $0x80, s7, s8, $0xb8;
	[tilespmem:$0xAF80] =	vst v63  }
0x67: {  	_ = 	snop  }
0x68: {  	[hbm4b:s19+s4] =	stream.linear.scatter [tilespmem:s20], [sflag:$0x7], $0x2800, $0x38;
	[tilespmem:$0xAF80] =	vst v63  }
0x69: {  	_ =	swait.ge [sflag:s31], $0x2800  }
0x6a: {  	[sflag:s31] =	ssyncset.done $0x0  }
0x6b: {  	[sflag:s31] =	ssyncadd.s32 $0xFFFFD800  }
.Ltmp0:
0x6c: {  	_ =	swait.ge [sflag:s1], $0x2800;
	(pc) =	sbr.rel @p0 .LBB2_2-.Ltmp0, $4  }
0x6d: {  	[sflag:s1] =	ssyncset.done $0x0  }
0x6e: {  	s6 =	simm.s32 @!p1 $0x5F80;
	[sflag:s1] =	ssyncadd.s32 $0xFFFFD800  }
0x6f: {  	[tilespmem:s6], [sflag:$0x3] =	stream.indirect.gather @!p1 [hbm4b:s2+s8], $0x80, s5, s8, $0xb8;
	[tilespmem:$0xAF80] =	vst v63  }
0x70: {  	s5 =	sadd.s32 $0x500, s19;
	s19 =	sadd.s32 $0x1400, s19  }
0x71: {  	[hbm4b:s5+s4] =	stream.linear.scatter [tilespmem:s25], [sflag:$0x8], $0x2800, $0x38;
	[tilespmem:$0xAF80] =	vst v63  }
0x72: {  	_ =	swait.ge [sflag:s21], $0x2800  }
0x73: {  	[sflag:s21] =	ssyncset.done $0x0  }
0x74: {  	[sflag:s21] =	ssyncadd.s32 $0xFFFFD800  }
0x75: {  	_ =	swait.ge [sflag:s0], $0x400  }
0x76: {  	[sflag:s0] =	ssyncset.done $0x0  }
0x77: {  	[sflag:s0] =	ssyncadd.s32 $0xFFFFFC00  }
0x78: {  	_ =	swait.ge [sflag:s0], $0x400  }
0x79: {  	[sflag:s0] =	ssyncset.done $0x0  }
0x7a: {  	s19 =	rddreg [dreg:$0x7];
	[sflag:s0] =	ssyncadd.s32 $0xFFFFFC00  }
0x7b: {  	[hbm4b:s19+s4] =	stream.linear.scatter [tilespmem:s22], [sflag:$0xA], $0x400, $0x38;
	[tilespmem:$0xAF80] =	vst v63  }
0x7c: {  	s3 =	sadd.s32 $0x1, s3;
	_ =	swait.ge [sflag:s12], $0x400  }
0x7d: {  	p0 =	sne.s32 s3, s10;
	[sflag:s12] =	ssyncset.done $0x0  }
.Ltmp1:
0x7e: {  	[sflag:s12] =	ssyncadd.s32 $0xFFFFFC00;
	(pc) =	sbr.rel @p0 .LBB2_1-.Ltmp1, $4  }
0x7f: {  	[hbm4b:s9+s4] =	stream.linear.scatter [tilespmem:s23], [sflag:$0xA], $0x400, $0x38;
	[tilespmem:$0xAF80] =	vst v63  }
0x80: {  	_ =	swait.ge [sflag:s12], $0x400  }
0x81: {  	[sflag:s12] =	ssyncset.done $0x0  }
0x82: {  	[sflag:s12] =	ssyncadd.s32 $0xFFFFFC00  }
0x83: {  	_ =	sfence.sel $0x180000  }
0x84: {  	[bflag:$0x0] =	sbarrier.arrive $0xFFFF  }
0x85: {  	_ =	strace $0x90000050  }
0x86: {  	s0 =	stileid.u32;
	[bflag:$0x2] =	sbarrier.arrive $0xFFFF  }
0x87: {  	p0 =	sne.s32 s0, $0x0;
	s0 =	rddreg [dreg:$0x3]  }
0x88: {  	s0 =	sadd.s32 @!p0 $0x100000, s0  }
0x89: {  	[sflag:s0] =	ssyncadd.tile.s32 @!p0 $0x1;
	_ =	shalt  }
.Lfunc_end2:
_tile_overlayer_lowered:
.L_overlay_start_2:
0x8a: {  	(tag) =	ssettag $0x2  }
0x8b: {  	s0 =	rddreg [dreg:$0x0];
	s2 =	stileid.u32  }
0x8c: {  	s1 =	rddreg [dreg:$0x1];
	p0 =	sne.s32 s2, $0x0  }
0x8d: {  	s3 =	rddreg [dreg:$0x2];
	[bflag:$0x3] =	sbarrier.arrive $0xFFFF;
	s2 =	simm.s32 @!p0 $0x1C0A  }
0x8e: {  	[timem:s3], [sflag:s2] =	dma.local @!p0 [hbm:s0], s1  }
0x8f: {  	s0 =	simm.s32 @!p0 $0xA  }
0x90: {  	_ =	swait.ge @!p0 [sflag:s0], s1  }
0x91: {  	s1 =	ssub.s32 @!p0 $0x0, s1;
	[sflag:s0] =	ssyncset.done @!p0 $0x0  }
0x92: {  	[sflag:s0] =	ssyncadd.s32 @!p0 s1  }
0x93: {  	[bflag:$0x3] =	sbarrier.arrive $0xFFFF  }
0x94: {  	_ =	shalt  }

// kernel: kernel.13.cloned.1.call-start
scs
__scs_entry_jumppad:
0x0: {  	(pc) =	sbr.rel $0x88, $3  }
0x1: {  	(tag) =	ssettag $0x0;
	lr =	simm.s32 $0x1  }
0x2: {  	[smem:$0x3F9C] =	sst lr;
	_ =	strace $0xD0000000  }
0x3: {  	_ = 	snop  }
0x4: {  	_ = 	snop  }
0x5: {  	_ = 	snop  }
0x6: {  	_ = 	snop  }
0x7: {  	_ = 	snop  }
__scs_overlays_trampoline_lowered:
0x8: {  	[smem:$0x3FAB] =	sst s0  }
0x9: {  	[smem:$0x3FAC] =	sst s1  }
0xa: {  	[smem:$0x3FAD] =	sst s2  }
0xb: {  	[smem:$0x3FAE] =	sst s3  }
0xc: {  	[smem:$0x3FAF] =	sst s4  }
0xd: {  	[smem:$0x3FB0] =	sst s5  }
0xe: {  	[smem:$0x3FB1] =	sst s6  }
0xf: {  	[smem:$0x3FB2] =	sst s7  }
0x10: {  	[smem:$0x3FB3] =	sst s8  }
0x11: {  	[smem:$0x3FB4] =	sst s9;
	s0 =	simm.s32 @!p0 $0x0  }
0x12: {  	s1 =	sld [smem:$0x3F9A];
	s0 =	simm.s32 @p0 $0x1  }
0x13: {  	[smem:$0x3FB5] =	sst s0;
	s0 =	simm.s32 @!p1 $0x0  }
0x14: {  	s2 =	sld [smem:$0x3F99];
	s0 =	simm.s32 @p1 $0x1  }
0x15: {  	[smem:$0x3FB6] =	sst s0;
	s0 =	simm.s32 @!p2 $0x0  }
0x16: {  	s3 =	sld [smem:$0x3FDB];
	s0 =	simm.s32 @p2 $0x1  }
0x17: {  	s4 =	simm.s32 $0x1BF5;
	[smem:$0x3FB8] =	sst s0  }
0x18: {  	s0 =	sld [smem:$0x3F9B];
	_ =	swait.ge [sflag:s4], $0x0  }
0x19: {  	s7 =	sld [smem:$0x3F9C]  }
0x1a: {  	s8 =	sadd.s32 $0xFFFFE003, lr  }
0x1b: {  	s9 =	sadd.s32 $0xFFFFFEF7, lr;
	s5 =	simm.s32 $0xFFFFFFFF;
	p2 =	slt.u32 s8, $0xFFFFF086  }
0x1c: {  	p1 =	slt.u32 s9, $0xF7A;
	s5 =	simm.s32 @!p2 $0x0  }
0x1d: {  	s5 =	simm.s32 @p1 $0x1;
	p0 =	seq.s32 s7, s2  }
0x1e: {  	s7 =	smul.u32 @!p0 $0xF7A, s2;
	p2 =	seq.s32 @!p0 s5, $0x0  }
0x1f: {  	s9 =	smul.u32 $0xF7A, s1;
	s8 =	simm.s32 @!p0 $0x1BF5;
	p2 =	por !p2, p0  }
0x20: {  	[sflag:s8] =	ssyncset.s32 @!p0 $0xFFFFF086;
	s6 =	sadd.s32 @!p0 s3, s7;
	s7 =	simm.s32 @!p0 $0x108  }
0x21: {  	s3 =	sadd.s32 s3, s9;
	s6 =	sadd.s32 @!p0 $0x88, s6;
	s7 =	simm.s32 @p2 $0x1082  }
0x22: {  	[simem:s7], [sflag:s8] =	dma.local @!p0 [hbm:s6], $0xF7A  }
0x23: {  	s9 =	sor.u32 $0xD0000000, s2;
	s6 =	simm.s32 $0x108;
	_ =	swait.ge @!p0 [sflag:s8], $0x0  }
0x24: {  	s3 =	sadd.s32 $0x88, s3;
	s6 =	simm.s32 @!p1 $0x1082;
	[sflag:s4] =	ssyncset.s32 $0xFFFFF086  }
0x25: {  	[simem:s6], [sflag:s4] =	dma.local [hbm:s3], $0xF7A  }
0x26: {  	[smem:$0x3F9C] =	sst s1;
	(tag) =	ssettag s2;
	_ =	strace s9  }
0x27: {  	s1 =	sld [smem:$0x3FAC]  }
0x28: {  	s2 =	sld [smem:$0x3FAD]  }
0x29: {  	s4 =	sld [smem:$0x3FAF]  }
0x2a: {  	p0 =	seq.s32 s5, $0x0;
	s5 =	sld [smem:$0x3FB0]  }
0x2b: {  	s6 =	sld [smem:$0x3FB1]  }
0x2c: {  	s7 =	sld [smem:$0x3FB2]  }
0x2d: {  	s3 =	simm.s32 $0x108;
	s8 =	sld [smem:$0x3FB3]  }
0x2e: {  	s3 =	simm.s32 @!p0 $0x1082;
	s9 =	sld [smem:$0x3FB4]  }
0x2f: {  	lr =	sadd.s32 s0, s3;
	s0 =	sld [smem:$0x3FAB]  }
0x30: {  	s3 =	sld [smem:$0x3FAE]  }
0x31: {  	[smem:$0x3FB7] =	sst s10  }
0x32: {  	s10 =	sld [smem:$0x3FB5];
	_ =	sdelay $0x3  }
0x33: {  	p0 =	seq.s32 s10, $0x1;
	s10 =	sld [smem:$0x3FB7];
	_ =	sdelay $0x3  }
0x34: {  	[smem:$0x3FB7] =	sst s10  }
0x35: {  	s10 =	sld [smem:$0x3FB6];
	_ =	sdelay $0x3  }
0x36: {  	p1 =	seq.s32 s10, $0x1;
	s10 =	sld [smem:$0x3FB7];
	_ =	sdelay $0x3  }
0x37: {  	[smem:$0x3FB7] =	sst s10  }
0x38: {  	s10 =	sld [smem:$0x3FB8]  }
0x39: {  	_ = 	snop;
	(pc) =	sbr.ind lr, $3  }
0x3a: {  	_ = 	snop  }
0x3b: {  	_ = 	snop  }
0x3c: {  	p2 =	seq.s32 s10, $0x1;
	s10 =	sld [smem:$0x3FB7]  }
0x3d: {  	_ =	shalt  }
0x3e: {  	_ =	shalt  }
0x3f: {  	_ =	shalt  }
0x40: {  	_ =	shalt  }
0x41: {  	_ =	shalt  }
0x42: {  	_ =	shalt  }
0x43: {  	_ =	shalt  }
0x44: {  	_ =	shalt  }
0x45: {  	_ =	shalt  }
0x46: {  	_ =	shalt  }
0x47: {  	_ =	shalt  }
0x48: {  	_ =	shalt  }
0x49: {  	_ =	shalt  }
0x4a: {  	_ =	shalt  }
0x4b: {  	_ =	shalt  }
0x4c: {  	_ =	shalt  }
0x4d: {  	_ =	shalt  }
0x4e: {  	_ =	shalt  }
0x4f: {  	_ =	shalt  }
0x50: {  	_ =	shalt  }
0x51: {  	_ =	shalt  }
0x52: {  	_ =	shalt  }
0x53: {  	_ =	shalt  }
0x54: {  	_ =	shalt  }
0x55: {  	_ =	shalt  }
0x56: {  	_ =	shalt  }
0x57: {  	_ =	shalt  }
0x58: {  	_ =	shalt  }
0x59: {  	_ =	shalt  }
0x5a: {  	_ =	shalt  }
0x5b: {  	_ =	shalt  }
0x5c: {  	_ =	shalt  }
0x5d: {  	_ =	shalt  }
0x5e: {  	_ =	shalt  }
0x5f: {  	_ =	shalt  }
0x60: {  	_ =	shalt  }
0x61: {  	_ =	shalt  }
0x62: {  	_ =	shalt  }
0x63: {  	_ =	shalt  }
0x64: {  	_ =	shalt  }
0x65: {  	_ =	shalt  }
0x66: {  	_ =	shalt  }
0x67: {  	_ =	shalt  }
0x68: {  	_ =	shalt  }
0x69: {  	_ =	shalt  }
0x6a: {  	_ =	shalt  }
0x6b: {  	_ =	shalt  }
0x6c: {  	_ =	shalt  }
0x6d: {  	_ =	shalt  }
0x6e: {  	_ =	shalt  }
0x6f: {  	_ =	shalt  }
0x70: {  	_ =	shalt  }
0x71: {  	_ =	shalt  }
0x72: {  	_ =	shalt  }
0x73: {  	_ =	shalt  }
0x74: {  	_ =	shalt  }
0x75: {  	_ =	shalt  }
0x76: {  	_ =	shalt  }
0x77: {  	_ =	shalt  }
0x78: {  	_ =	shalt  }
0x79: {  	_ =	shalt  }
0x7a: {  	_ =	shalt  }
0x7b: {  	_ =	shalt  }
0x7c: {  	_ =	shalt  }
0x7d: {  	_ =	shalt  }
0x7e: {  	_ =	shalt  }
0x7f: {  	_ =	shalt  }
0x80: {  	_ =	shalt  }
0x81: {  	_ =	shalt  }
0x82: {  	_ =	shalt  }
0x83: {  	_ =	shalt  }
0x84: {  	_ =	shalt  }
0x85: {  	_ =	shalt  }
0x86: {  	_ =	shalt  }
0x87: {  	_ =	shalt  }
.Lfunc_end0:
.L_simem_size_0:
called_computation.1_lowered:
.L_overlay_start_0:
0x88: {  	s2 =	sld [smem:$0x3FD9]  }
0x89: {  	s3 =	sld [smem:$0x3FFE];
	_ =	sdelay $0x1  }
0x8a: {  	s1 =	srdreg.scid  }
0x8b: {  	s0 =	sand.u32 $0x1, s1  }
0x8c: {  	s17 =	sshll.u32 s0, $0xA;
	s2 =	sadd.s32 s3, s2  }
0x8d: {  	s2 =	sadd.s32 s2, s17  }
0x8e: {  	[smem:$0x3FC3] =	sst s2  }
0x8f: {  	_ = 	snop  }
0x90: {  	s2 =	sld [smem:$0x3FC6]  }
0x91: {  	s18 =	sld [smem:$0x3FD0];
	(tm) =	ssettm $0x1  }
0x92: {  	s4 =	sld [smem:$0x3FFB];
	_ =	sdelay $0x3  }
0x93: {  	_ =	strace s4  }
0x94: {  	s4 =	sld [smem:$0x3FFC];
	_ =	sdelay $0x3  }
0x95: {  	_ =	strace s4  }
0x96: {  	s4 =	sld [smem:$0x3FFD];
	_ =	sdelay $0x3  }
0x97: {  	_ =	strace s4  }
0x98: {  	_ =	strace $0x8FFFFFFF  }
0x99: {  	s19 =	sld [smem:$0x3FDB];
	_ =	sdelay $0x1  }
0x9a: {  	s5 =	simm.s32 $_scs_section_size  }
0x9b: {  	s6 =	simm.s32 $_size__tile_overlayer_lowered;
	s7 =	simm.s32 $_tile_overlayer_lowered  }
0x9c: {  	s22 =	simm.s32 $0x1BFF;
	s21 =	sshll.u32 s7, $0x1;
	s4 =	sadd.s32 s5, s19  }
0x9d: {  	s8 =	simm.s32 $0x0;
	s20 =	sshll.u32 s6, $0x1;
	s6 =	sadd.s32 s21, s4  }
0x9e: {  	[timem:s8], [sflag:s22] =	dma.local [hbm:s6], s20  }
0x9f: {  	_ =	swait.ge [sflag:s22], s20  }
0xa0: {  	s5 =	ssub.s32 $0x0, s20;
	[sflag:s22] =	ssyncset.done $0x0  }
0xa1: {  	[sflag:s22] =	ssyncadd.s32 s5;
	_ =	sdelay $0x1  }
0xa2: {  	s23 =	simm.s32 $0x1B8B  }
0xa3: {  	_ =	swait.ge [sflag:s23], $0x1  }
0xa4: {  	[sflag:s23] =	ssyncset.done $0x0  }
0xa5: {  	s25 =	simm.s32 $0x1B8E;
	s24 =	sld [smem:$0x3FFE];
	[sflag:s23] =	ssyncadd.s32 $0xFFFFFFFF  }
0xa6: {  	s26 =	simm.s32 $execute0_lowered;
	[smem:$0x3FD2] =	sst s25  }
0xa7: {  	s6 =	sshll.u32 s26, $0x1;
	_ =	strace $0x80000046;
	[dreg:$0x1] =	wrdreg $0xFFFFFFFF  }
0xa8: {  	s28 =	simm.s32 $_size_execute0_lowered;
	s4 =	sadd.s32 s4, s6;
	[dreg:$0x0] =	wrdreg $0x0  }
0xa9: {  	s6 =	sshll.u32 s28, $0x1;
	[dreg:$0x2] =	wrdreg s4  }
0xaa: {  	[dreg:$0x3] =	wrdreg s6  }
0xab: {  	[dreg:$0x4] =	wrdreg $0xC0  }
0xac: {  	_ =	task [dreg:s8], $0x5FFFF  }
0xad: {  	[dreg:$0x1] =	wrdreg $0xFFFFFFFF  }
0xae: {  	[dreg:$0x0] =	wrdreg $0x60  }
0xaf: {  	[dreg:$0x2] =	wrdreg s24  }
0xb0: {  	[dreg:$0x3] =	wrdreg s2  }
0xb1: {  	[dreg:$0x4] =	wrdreg s18  }
0xb2: {  	[dreg:$0x5] =	wrdreg $0xA  }
0xb3: {  	_ =	task.clear_ibuf [dreg:s8], $0x6FFFF;
	_ =	strace $0x90000046  }
0xb4: {  	s29 =	simm.s32 $0xA;
	_ =	strace $0x80000048  }
0xb5: {  	_ =	swait.ge [sflag:s29], $0x1  }
0xb6: {  	[sflag:s29] =	ssyncadd.s32 $0xFFFFFFFF  }
0xb7: {  	_ =	strace $0x90000048  }
0xb8: {  	_ =	sfence  }
0xb9: {  	s30 =	sld [smem:$0x0];
	_ =	sdelay $0x2  }
0xba: {  	s31 =	sshll.u32 s1, $0xD;
	s1 =	sshrl.u32 s1, $0x2  }
0xbb: {  	s3 =	sand.u32 $0x4000, s31;
	s1 =	sadd.s32 s1, s30  }
0xbc: {  	s0 =	sor.u32 s3, s0;
	s1 =	sshll.u32 s1, $0x11  }
0xbd: {  	s0 =	sor.u32 s1, s0  }
0xbe: {  	s0 =	sadd.s32 $0x8F2B, s0  }
0xbf: {  	[sflag:s0] =	ssyncadd.remote.s32 $0x1  }
0xc0: {  	_ =	sfence.sel $0xFFFF  }
0xc1: {  	[dreg:$0x0] =	wrdreg $0xFFFFFFFF;
	(pc) =	sbr.abs _section_cstart, $3  }
0xc2: {  	[dreg:$0x1] =	wrdreg $0xFFFFFFFF  }
0xc3: {  	_ =	task.clear_ibuf [dreg:s8], $0x2FFFF;
	_ =	strace $0x9FFFFFFF  }
0xc4: {  	(tm) =	ssettm $0x7FFFFFFF  }
0xc5: {  	_ =	shalt  }
tec
execute0_lowered:
.L_overlay_start_1:
0x0: {  	(tag) =	ssettag $0x1  }
0x1: {  	s0 =	rddreg [dreg:$0x0]  }
0x2: {  	s1 =	srdreg.scid;
	s7 =	stileid.u32  }
0x3: {  	s2 =	rddreg [dreg:$0x1];
	s4 =	simm.s32 $0x0;
	s12 =	simm.s32 $0xA  }
0x4: {  	s13 =	simm.s32 $0x80;
	s14 =	simm.s32 $0x100;
	s15 =	simm.s32 $0x50  }
0x5: {  	s16 =	simm.s32 $0xF80;
	s18 =	simm.s32 $0x3780;
	s20 =	simm.s32 $0x5F80  }
0x6: {  	s21 =	simm.s32 $0x8;
	s22 =	simm.s32 $0x780;
	s23 =	simm.s32 $0xB80  }
0x7: {  	s24 =	simm.s32 $0x1;
	s28 =	simm.s32 $0x5;
	s29 =	simm.s32 $0x3  }
0x8: {  	s30 =	simm.s32 $0x6;
	s31 =	simm.s32 $0x4;
	s1 =	sand.u32 $0x1, s1  }
0x9: {  	s3 =	sshll.u32 s7, $0x1;
	[smem:$0x7FF] =	sst s4;
	s7 =	smul.u32 $0xC800, s7  }
0xa: {  	s3 =	sor.u32 s1, s3;
	s8 =	ssub.s32 $0x2, s1;
	s1 =	smul.u32 $0x6400, s1  }
0xb: {  	_ =	strace $0x80000047;
	s5 =	smul.u32 $0x640, s3;
	s6 =	sadd.s32 s3, s0  }
0xc: {  	s3 =	sshll.u32 s3, $0x7;
	s9 =	sshrl.u32 s8, $0x1;
	s25 =	sadd.s32 $0xA400, s6  }
0xd: {  	s3 =	sadd.s32 s3, s0;
	s6 =	sadd.s32 $0xA200, s6;
	[dreg:$0x4] =	wrdreg s25  }
0xe: {  	s10 =	ssub.s32 s8, s9;
	s5 =	sshrl.u32 s5, $0x3;
	[dreg:$0x5] =	wrdreg s6  }
0xf: {  	s26 =	sadd.s32 $0xB200, s3;
	s9 =	sadd.s32 $0xC200, s3;
	s10 =	smax.u32 s10, $0x1  }
0x10: {  	s25 =	simm.s32 $0x8780;
	s3 =	simm.s32 $0x0;
	s5 =	sadd.s32 s5, s0  }
0x11: {  	s0 =	sadd.s32 s7, s0;
	[dreg:$0x7] =	wrdreg s26;
	s26 =	simm.s32 $0x2  }
0x12: {  	s5 =	sadd.s32 $0x8800, s5;
	s0 =	sadd.s32 s1, s0;
	s1 =	simm.s32 $0x7  }
0x13: {  	[dreg:$0x6] =	wrdreg s5;
	s11 =	sadd.s32 $0xDC00, s0;
	s0 =	simm.s32 $0x9  }
.LBB2_1:
0x14: {  	s5 =	rddreg [dreg:$0x4]  }
0x15: {  	[tilespmem:s4], [sflag:$0xA] =	stream.linear.gather [hbm4b:s5+s4], $0x8, $0x38;
	[tilespmem:$0xAF80] =	vst v63  }
0x16: {  	_ =	swait.ge [sflag:s12], $0x8  }
0x17: {  	[sflag:s12] =	ssyncset.done $0x0  }
0x18: {  	s7 =	rddreg [dreg:$0x5];
	[sflag:s12] =	ssyncadd.s32 $0xFFFFFFF8  }
0x19: {  	[tilespmem:s13], [sflag:$0xA] =	stream.linear.gather [hbm4b:s7+s4], $0x8, $0x38;
	[tilespmem:$0xAF80] =	vst v63  }
0x1a: {  	_ =	swait.ge [sflag:s12], $0x8  }
0x1b: {  	[sflag:s12] =	ssyncset.done $0x0  }
0x1c: {  	s8 =	rddreg [dreg:$0x6];
	[sflag:s12] =	ssyncadd.s32 $0xFFFFFFF8  }
0x1d: {  	[tilespmem:s14], [sflag:$0xA] =	stream.linear.gather [hbm4b:s8+s4], $0x640, $0x38;
	[tilespmem:$0xAF80] =	vst v63  }
0x1e: {  	_ =	swait.ge [sflag:s12], $0x640  }
0x1f: {  	[sflag:s12] =	ssyncset.done $0x0  }
0x20: {  	[sflag:s12] =	ssyncadd.s32 $0xFFFFF9C0  }
0x21: {  	[tilespmem:s16], [sflag:$0x1] =	stream.indirect.gather [hbm4b:s2+s15], $0x80, s14, s15, $0xb8;
	[tilespmem:$0xAF80] =	vst v63  }
0x22: {  	s17 =	simm.s32 $0x150  }
0x23: {  	[tilespmem:s18], [sflag:$0x2] =	stream.indirect.gather [hbm4b:s2+s15], $0x80, s17, s15, $0xb8;
	[tilespmem:$0xAF80] =	vst v63  }
0x24: {  	s19 =	simm.s32 $0x1A0  }
0x25: {  	[tilespmem:s20], [sflag:$0x3] =	stream.indirect.gather [hbm4b:s2+s15], $0x80, s19, s15, $0xb8;
	[tilespmem:$0xAF80] =	vst v63  }
0x26: {  	_ = 	snop  }
0x27: {  	[tilespmem:s22], [sflag:$0x9] =	stream.indirect.gather [hbm4b:s2+s21], $0x80, s4, s21, $0xb8;
	[tilespmem:$0xAF80] =	vst v63  }
0x28: {  	s6 =	rddreg [dreg:$0x2]  }
0x29: {  	[tilespmem:s23], [sflag:$0x9] =	stream.indirect.gather [hbm4b:s6+s21], $0x80, s13, s21, $0xb8;
	[tilespmem:$0xAF80] =	vst v63  }
0x2a: {  	_ =	swait.ge [sflag:s24], $0x2800  }
0x2b: {  	p0 =	por $0x1, $0x1;
	[sflag:s24] =	ssyncset.done $0x0  }
0x2c: {  	s5 =	simm.s32 @!p0 $0x8;
	[sflag:s24] =	ssyncadd.s32 $0xFFFFD800  }
0x2d: {  	_ =	swait.ge @!p0 [sflag:s5], $0x2800  }
0x2e: {  	[sflag:s5] =	ssyncset.done @!p0 $0x0  }
0x2f: {  	s7 =	simm.s32 $0x1F0;
	[sflag:s5] =	ssyncadd.s32 @!p0 $0xFFFFD800  }
0x30: {  	[tilespmem:s25], [sflag:$0x4] =	stream.indirect.gather [hbm4b:s2+s15], $0x80, s7, s15, $0xb8;
	[tilespmem:$0xAF80] =	vst v63  }
0x31: {  	s8 =	sadd.s32 $0xFFFFF600, s11  }
0x32: {  	[hbm4b:s8+s4] =	stream.linear.scatter [tilespmem:s16], [sflag:$0x5], $0x2800, $0x38;
	[tilespmem:$0xAF80] =	vst v63  }
0x33: {  	_ =	swait.ge [sflag:s26], $0x2800  }
0x34: {  	[sflag:s26] =	ssyncset.done $0x0  }
0x35: {  	[sflag:s26] =	ssyncadd.s32 $0xFFFFD800  }
0x36: {  	p0 =	por $0x0, $0x0;
	_ =	swait.ge [sflag:s28], $0x2800  }
0x37: {  	s5 =	simm.s32 @!p0 $0xF80;
	[sflag:s28] =	ssyncset.done $0x0  }
0x38: {  	s17 =	simm.s32 @!p0 $0x240;
	s19 =	simm.s32 @!p0 $0x50;
	[sflag:s28] =	ssyncadd.s32 $0xFFFFD800  }
0x39: {  	[tilespmem:s5], [sflag:$0x1] =	stream.indirect.gather @!p0 [hbm4b:s2+s19], $0x80, s17, s19, $0xb8;
	[tilespmem:$0xAF80] =	vst v63  }
0x3a: {  	s17 =	sadd.s32 $0xFFFFFB00, s11  }
0x3b: {  	[hbm4b:s17+s4] =	stream.linear.scatter [tilespmem:s18], [sflag:$0x6], $0x2800, $0x38;
	[tilespmem:$0xAF80] =	vst v63  }
0x3c: {  	_ =	swait.ge [sflag:s29], $0x2800  }
0x3d: {  	[sflag:s29] =	ssyncset.done $0x0  }
0x3e: {  	[sflag:s29] =	ssyncadd.s32 $0xFFFFD800  }
0x3f: {  	_ =	swait.ge [sflag:s30], $0x2800  }
0x40: {  	[sflag:s30] =	ssyncset.done $0x0  }
0x41: {  	s5 =	simm.s32 @!p0 $0x290;
	s17 =	simm.s32 @!p0 $0x3780;
	[sflag:s30] =	ssyncadd.s32 $0xFFFFD800  }
0x42: {  	[tilespmem:s17], [sflag:$0x2] =	stream.indirect.gather @!p0 [hbm4b:s2+s19], $0x80, s5, s19, $0xb8;
	[tilespmem:$0xAF80] =	vst v63  }
0x43: {  	_ = 	snop  }
0x44: {  	[hbm4b:s11+s4] =	stream.linear.scatter [tilespmem:s20], [sflag:$0x7], $0x2800, $0x38;
	[tilespmem:$0xAF80] =	vst v63  }
0x45: {  	_ =	swait.ge [sflag:s31], $0x2800  }
0x46: {  	[sflag:s31] =	ssyncset.done $0x0  }
0x47: {  	[sflag:s31] =	ssyncadd.s32 $0xFFFFD800  }
0x48: {  	_ =	swait.ge [sflag:s1], $0x2800  }
0x49: {  	[sflag:s1] =	ssyncset.done $0x0  }
0x4a: {  	s5 =	simm.s32 @!p0 $0x2E0;
	s17 =	simm.s32 @!p0 $0x5F80;
	[sflag:s1] =	ssyncadd.s32 $0xFFFFD800  }
0x4b: {  	[tilespmem:s17], [sflag:$0x3] =	stream.indirect.gather @!p0 [hbm4b:s2+s19], $0x80, s5, s19, $0xb8;
	[tilespmem:$0xAF80] =	vst v63  }
0x4c: {  	s17 =	simm.s32 $0x500;
	s5 =	sadd.s32 $0x500, s11;
	s19 =	sadd.s32 $0x1400, s11  }
.LBB2_2:
0x4d: {  	[hbm4b:s5+s4] =	stream.linear.scatter [tilespmem:s25], [sflag:$0x8], $0x2800, $0x38;
	[tilespmem:$0xAF80] =	vst v63  }
0x4e: {  	s5 =	smov.u32 s17;
	s17 =	sadd.s32 $0x500, s17;
	_ =	swait.ge [sflag:s24], $0x2800  }
0x4f: {  	p1 =	seq.s32 s5, $0x0;
	p0 =	sne.s32 s17, $0x1900;
	[sflag:s24] =	ssyncset.done $0x0  }
0x50: {  	s6 =	simm.s32 @!p1 $0x8;
	[sflag:s24] =	ssyncadd.s32 $0xFFFFD800  }
0x51: {  	_ =	swait.ge @!p1 [sflag:s6], $0x2800  }
0x52: {  	s7 =	sshra.s32 s5, $0x2;
	[sflag:s6] =	ssyncset.done @!p1 $0x0  }
0x53: {  	[sflag:s6] =	ssyncadd.s32 @!p1 $0xFFFFD800;
	s6 =	sadd.s32 $0x1F0, s7  }
0x54: {  	[tilespmem:s25], [sflag:$0x4] =	stream.indirect.gather [hbm4b:s2+s15], $0x80, s6, s15, $0xb8;
	[tilespmem:$0xAF80] =	vst v63  }
0x55: {  	s6 =	sadd.s32 $0xFFFFF600, s19  }
0x56: {  	[hbm4b:s6+s4] =	stream.linear.scatter [tilespmem:s16], [sflag:$0x5], $0x2800, $0x38;
	[tilespmem:$0xAF80] =	vst v63  }
0x57: {  	_ =	swait.ge [sflag:s26], $0x2800  }
0x58: {  	[sflag:s26] =	ssyncset.done $0x0  }
0x59: {  	[sflag:s26] =	ssyncadd.s32 $0xFFFFD800  }
0x5a: {  	p1 =	seq.s32 s5, $0x1400;
	_ =	swait.ge [sflag:s28], $0x2800  }
0x5b: {  	s5 =	sshra.s32 @!p1 s5, $0x2;
	s6 =	simm.s32 @!p1 $0xF80;
	[sflag:s28] =	ssyncset.done $0x0  }
0x5c: {  	s8 =	simm.s32 @!p1 $0x50;
	s7 =	sadd.s32 @!p1 $0x240, s5;
	[sflag:s28] =	ssyncadd.s32 $0xFFFFD800  }
0x5d: {  	[tilespmem:s6], [sflag:$0x1] =	stream.indirect.gather @!p1 [hbm4b:s2+s8], $0x80, s7, s8, $0xb8;
	[tilespmem:$0xAF80] =	vst v63  }
0x5e: {  	s6 =	sadd.s32 $0xFFFFFB00, s19;
	s7 =	sadd.s32 @!p1 $0x290, s5;
	s5 =	sadd.s32 @!p1 $0x2E0, s5  }
0x5f: {  	[hbm4b:s6+s4] =	stream.linear.scatter [tilespmem:s18], [sflag:$0x6], $0x2800, $0x38;
	[tilespmem:$0xAF80] =	vst v63  }
0x60: {  	_ =	swait.ge [sflag:s29], $0x2800  }
0x61: {  	[sflag:s29] =	ssyncset.done $0x0  }
0x62: {  	[sflag:s29] =	ssyncadd.s32 $0xFFFFD800  }
0x63: {  	_ =	swait.ge [sflag:s30], $0x2800  }
0x64: {  	[sflag:s30] =	ssyncset.done $0x0  }
0x65: {  	s6 =	simm.s32 @!p1 $0x3780;
	[sflag:s30] =	ssyncadd.s32 $0xFFFFD800  }
0x66: {  	[tilespmem:s6], [sflag:$0x2] =	stream.indirect.gather @!p1 [hbm4b:s2+s8], $0x80, s7, s8, $0xb8;
	[tilespmem:$0xAF80] =	vst v63  }
0x67: {  	_ = 	snop  }
0x68: {  	[hbm4b:s19+s4] =	stream.linear.scatter [tilespmem:s20], [sflag:$0x7], $0x2800, $0x38;
	[tilespmem:$0xAF80] =	vst v63  }
0x69: {  	_ =	swait.ge [sflag:s31], $0x2800  }
0x6a: {  	[sflag:s31] =	ssyncset.done $0x0  }
0x6b: {  	[sflag:s31] =	ssyncadd.s32 $0xFFFFD800  }
.Ltmp0:
0x6c: {  	_ =	swait.ge [sflag:s1], $0x2800;
	(pc) =	sbr.rel @p0 .LBB2_2-.Ltmp0, $4  }
0x6d: {  	[sflag:s1] =	ssyncset.done $0x0  }
0x6e: {  	s6 =	simm.s32 @!p1 $0x5F80;
	[sflag:s1] =	ssyncadd.s32 $0xFFFFD800  }
0x6f: {  	[tilespmem:s6], [sflag:$0x3] =	stream.indirect.gather @!p1 [hbm4b:s2+s8], $0x80, s5, s8, $0xb8;
	[tilespmem:$0xAF80] =	vst v63  }
0x70: {  	s5 =	sadd.s32 $0x500, s19;
	s19 =	sadd.s32 $0x1400, s19  }
0x71: {  	[hbm4b:s5+s4] =	stream.linear.scatter [tilespmem:s25], [sflag:$0x8], $0x2800, $0x38;
	[tilespmem:$0xAF80] =	vst v63  }
0x72: {  	_ =	swait.ge [sflag:s21], $0x2800  }
0x73: {  	[sflag:s21] =	ssyncset.done $0x0  }
0x74: {  	[sflag:s21] =	ssyncadd.s32 $0xFFFFD800  }
0x75: {  	_ =	swait.ge [sflag:s0], $0x400  }
0x76: {  	[sflag:s0] =	ssyncset.done $0x0  }
0x77: {  	[sflag:s0] =	ssyncadd.s32 $0xFFFFFC00  }
0x78: {  	_ =	swait.ge [sflag:s0], $0x400  }
0x79: {  	[sflag:s0] =	ssyncset.done $0x0  }
0x7a: {  	s19 =	rddreg [dreg:$0x7];
	[sflag:s0] =	ssyncadd.s32 $0xFFFFFC00  }
0x7b: {  	[hbm4b:s19+s4] =	stream.linear.scatter [tilespmem:s22], [sflag:$0xA], $0x400, $0x38;
	[tilespmem:$0xAF80] =	vst v63  }
0x7c: {  	s3 =	sadd.s32 $0x1, s3;
	_ =	swait.ge [sflag:s12], $0x400  }
0x7d: {  	p0 =	sne.s32 s3, s10;
	[sflag:s12] =	ssyncset.done $0x0  }
.Ltmp1:
0x7e: {  	[sflag:s12] =	ssyncadd.s32 $0xFFFFFC00;
	(pc) =	sbr.rel @p0 .LBB2_1-.Ltmp1, $4  }
0x7f: {  	[hbm4b:s9+s4] =	stream.linear.scatter [tilespmem:s23], [sflag:$0xA], $0x400, $0x38;
	[tilespmem:$0xAF80] =	vst v63  }
0x80: {  	_ =	swait.ge [sflag:s12], $0x400  }
0x81: {  	[sflag:s12] =	ssyncset.done $0x0  }
0x82: {  	[sflag:s12] =	ssyncadd.s32 $0xFFFFFC00  }
0x83: {  	_ =	sfence.sel $0x180000  }
0x84: {  	[bflag:$0x0] =	sbarrier.arrive $0xFFFF  }
0x85: {  	_ =	strace $0x90000047  }
0x86: {  	s0 =	stileid.u32;
	[bflag:$0x2] =	sbarrier.arrive $0xFFFF  }
0x87: {  	p0 =	sne.s32 s0, $0x0;
	s0 =	rddreg [dreg:$0x3]  }
0x88: {  	s0 =	sadd.s32 @!p0 $0x100000, s0  }
0x89: {  	[sflag:s0] =	ssyncadd.tile.s32 @!p0 $0x1;
	_ =	shalt  }
.Lfunc_end2:
_tile_overlayer_lowered:
.L_overlay_start_2:
0x8a: {  	(tag) =	ssettag $0x2  }
0x8b: {  	s0 =	rddreg [dreg:$0x0];
	s2 =	stileid.u32  }
0x8c: {  	s1 =	rddreg [dreg:$0x1];
	p0 =	sne.s32 s2, $0x0  }
0x8d: {  	s3 =	rddreg [dreg:$0x2];
	[bflag:$0x3] =	sbarrier.arrive $0xFFFF;
	s2 =	simm.s32 @!p0 $0x1C0A  }
0x8e: {  	[timem:s3], [sflag:s2] =	dma.local @!p0 [hbm:s0], s1  }
0x8f: {  	s0 =	simm.s32 @!p0 $0xA  }
0x90: {  	_ =	swait.ge @!p0 [sflag:s0], s1  }
0x91: {  	s1 =	ssub.s32 @!p0 $0x0, s1;
	[sflag:s0] =	ssyncset.done @!p0 $0x0  }
0x92: {  	[sflag:s0] =	ssyncadd.s32 @!p0 s1  }
0x93: {  	[bflag:$0x3] =	sbarrier.arrive $0xFFFF  }
0x94: {  	_ =	shalt  }

// kernel: kernel.16.cloned.1.call-start
scs
__scs_entry_jumppad:
0x0: {  	(pc) =	sbr.rel $0x88, $3  }
0x1: {  	(tag) =	ssettag $0x0;
	lr =	simm.s32 $0x1  }
0x2: {  	[smem:$0x3F9C] =	sst lr;
	_ =	strace $0xD0000000  }
0x3: {  	_ = 	snop  }
0x4: {  	_ = 	snop  }
0x5: {  	_ = 	snop  }
0x6: {  	_ = 	snop  }
0x7: {  	_ = 	snop  }
__scs_overlays_trampoline_lowered:
0x8: {  	[smem:$0x3FAB] =	sst s0  }
0x9: {  	[smem:$0x3FAC] =	sst s1  }
0xa: {  	[smem:$0x3FAD] =	sst s2  }
0xb: {  	[smem:$0x3FAE] =	sst s3  }
0xc: {  	[smem:$0x3FAF] =	sst s4  }
0xd: {  	[smem:$0x3FB0] =	sst s5  }
0xe: {  	[smem:$0x3FB1] =	sst s6  }
0xf: {  	[smem:$0x3FB2] =	sst s7  }
0x10: {  	[smem:$0x3FB3] =	sst s8  }
0x11: {  	[smem:$0x3FB4] =	sst s9;
	s0 =	simm.s32 @!p0 $0x0  }
0x12: {  	s1 =	sld [smem:$0x3F9A];
	s0 =	simm.s32 @p0 $0x1  }
0x13: {  	[smem:$0x3FB5] =	sst s0;
	s0 =	simm.s32 @!p1 $0x0  }
0x14: {  	s2 =	sld [smem:$0x3F99];
	s0 =	simm.s32 @p1 $0x1  }
0x15: {  	[smem:$0x3FB6] =	sst s0;
	s0 =	simm.s32 @!p2 $0x0  }
0x16: {  	s3 =	sld [smem:$0x3FDB];
	s0 =	simm.s32 @p2 $0x1  }
0x17: {  	s4 =	simm.s32 $0x1BF5;
	[smem:$0x3FB8] =	sst s0  }
0x18: {  	s0 =	sld [smem:$0x3F9B];
	_ =	swait.ge [sflag:s4], $0x0  }
0x19: {  	s7 =	sld [smem:$0x3F9C]  }
0x1a: {  	s8 =	sadd.s32 $0xFFFFE003, lr  }
0x1b: {  	s9 =	sadd.s32 $0xFFFFFEF7, lr;
	s5 =	simm.s32 $0xFFFFFFFF;
	p2 =	slt.u32 s8, $0xFFFFF086  }
0x1c: {  	p1 =	slt.u32 s9, $0xF7A;
	s5 =	simm.s32 @!p2 $0x0  }
0x1d: {  	s5 =	simm.s32 @p1 $0x1;
	p0 =	seq.s32 s7, s2  }
0x1e: {  	s7 =	smul.u32 @!p0 $0xF7A, s2;
	p2 =	seq.s32 @!p0 s5, $0x0  }
0x1f: {  	s9 =	smul.u32 $0xF7A, s1;
	s8 =	simm.s32 @!p0 $0x1BF5;
	p2 =	por !p2, p0  }
0x20: {  	[sflag:s8] =	ssyncset.s32 @!p0 $0xFFFFF086;
	s6 =	sadd.s32 @!p0 s3, s7;
	s7 =	simm.s32 @!p0 $0x108  }
0x21: {  	s3 =	sadd.s32 s3, s9;
	s6 =	sadd.s32 @!p0 $0x88, s6;
	s7 =	simm.s32 @p2 $0x1082  }
0x22: {  	[simem:s7], [sflag:s8] =	dma.local @!p0 [hbm:s6], $0xF7A  }
0x23: {  	s9 =	sor.u32 $0xD0000000, s2;
	s6 =	simm.s32 $0x108;
	_ =	swait.ge @!p0 [sflag:s8], $0x0  }
0x24: {  	s3 =	sadd.s32 $0x88, s3;
	s6 =	simm.s32 @!p1 $0x1082;
	[sflag:s4] =	ssyncset.s32 $0xFFFFF086  }
0x25: {  	[simem:s6], [sflag:s4] =	dma.local [hbm:s3], $0xF7A  }
0x26: {  	[smem:$0x3F9C] =	sst s1;
	(tag) =	ssettag s2;
	_ =	strace s9  }
0x27: {  	s1 =	sld [smem:$0x3FAC]  }
0x28: {  	s2 =	sld [smem:$0x3FAD]  }
0x29: {  	s4 =	sld [smem:$0x3FAF]  }
0x2a: {  	p0 =	seq.s32 s5, $0x0;
	s5 =	sld [smem:$0x3FB0]  }
0x2b: {  	s6 =	sld [smem:$0x3FB1]  }
0x2c: {  	s7 =	sld [smem:$0x3FB2]  }
0x2d: {  	s3 =	simm.s32 $0x108;
	s8 =	sld [smem:$0x3FB3]  }
0x2e: {  	s3 =	simm.s32 @!p0 $0x1082;
	s9 =	sld [smem:$0x3FB4]  }
0x2f: {  	lr =	sadd.s32 s0, s3;
	s0 =	sld [smem:$0x3FAB]  }
0x30: {  	s3 =	sld [smem:$0x3FAE]  }
0x31: {  	[smem:$0x3FB7] =	sst s10  }
0x32: {  	s10 =	sld [smem:$0x3FB5];
	_ =	sdelay $0x3  }
0x33: {  	p0 =	seq.s32 s10, $0x1;
	s10 =	sld [smem:$0x3FB7];
	_ =	sdelay $0x3  }
0x34: {  	[smem:$0x3FB7] =	sst s10  }
0x35: {  	s10 =	sld [smem:$0x3FB6];
	_ =	sdelay $0x3  }
0x36: {  	p1 =	seq.s32 s10, $0x1;
	s10 =	sld [smem:$0x3FB7];
	_ =	sdelay $0x3  }
0x37: {  	[smem:$0x3FB7] =	sst s10  }
0x38: {  	s10 =	sld [smem:$0x3FB8]  }
0x39: {  	_ = 	snop;
	(pc) =	sbr.ind lr, $3  }
0x3a: {  	_ = 	snop  }
0x3b: {  	_ = 	snop  }
0x3c: {  	p2 =	seq.s32 s10, $0x1;
	s10 =	sld [smem:$0x3FB7]  }
0x3d: {  	_ =	shalt  }
0x3e: {  	_ =	shalt  }
0x3f: {  	_ =	shalt  }
0x40: {  	_ =	shalt  }
0x41: {  	_ =	shalt  }
0x42: {  	_ =	shalt  }
0x43: {  	_ =	shalt  }
0x44: {  	_ =	shalt  }
0x45: {  	_ =	shalt  }
0x46: {  	_ =	shalt  }
0x47: {  	_ =	shalt  }
0x48: {  	_ =	shalt  }
0x49: {  	_ =	shalt  }
0x4a: {  	_ =	shalt  }
0x4b: {  	_ =	shalt  }
0x4c: {  	_ =	shalt  }
0x4d: {  	_ =	shalt  }
0x4e: {  	_ =	shalt  }
0x4f: {  	_ =	shalt  }
0x50: {  	_ =	shalt  }
0x51: {  	_ =	shalt  }
0x52: {  	_ =	shalt  }
0x53: {  	_ =	shalt  }
0x54: {  	_ =	shalt  }
0x55: {  	_ =	shalt  }
0x56: {  	_ =	shalt  }
0x57: {  	_ =	shalt  }
0x58: {  	_ =	shalt  }
0x59: {  	_ =	shalt  }
0x5a: {  	_ =	shalt  }
0x5b: {  	_ =	shalt  }
0x5c: {  	_ =	shalt  }
0x5d: {  	_ =	shalt  }
0x5e: {  	_ =	shalt  }
0x5f: {  	_ =	shalt  }
0x60: {  	_ =	shalt  }
0x61: {  	_ =	shalt  }
0x62: {  	_ =	shalt  }
0x63: {  	_ =	shalt  }
0x64: {  	_ =	shalt  }
0x65: {  	_ =	shalt  }
0x66: {  	_ =	shalt  }
0x67: {  	_ =	shalt  }
0x68: {  	_ =	shalt  }
0x69: {  	_ =	shalt  }
0x6a: {  	_ =	shalt  }
0x6b: {  	_ =	shalt  }
0x6c: {  	_ =	shalt  }
0x6d: {  	_ =	shalt  }
0x6e: {  	_ =	shalt  }
0x6f: {  	_ =	shalt  }
0x70: {  	_ =	shalt  }
0x71: {  	_ =	shalt  }
0x72: {  	_ =	shalt  }
0x73: {  	_ =	shalt  }
0x74: {  	_ =	shalt  }
0x75: {  	_ =	shalt  }
0x76: {  	_ =	shalt  }
0x77: {  	_ =	shalt  }
0x78: {  	_ =	shalt  }
0x79: {  	_ =	shalt  }
0x7a: {  	_ =	shalt  }
0x7b: {  	_ =	shalt  }
0x7c: {  	_ =	shalt  }
0x7d: {  	_ =	shalt  }
0x7e: {  	_ =	shalt  }
0x7f: {  	_ =	shalt  }
0x80: {  	_ =	shalt  }
0x81: {  	_ =	shalt  }
0x82: {  	_ =	shalt  }
0x83: {  	_ =	shalt  }
0x84: {  	_ =	shalt  }
0x85: {  	_ =	shalt  }
0x86: {  	_ =	shalt  }
0x87: {  	_ =	shalt  }
.Lfunc_end0:
.L_simem_size_0:
called_computation.2_lowered:
.L_overlay_start_0:
0x88: {  	s2 =	sld [smem:$0x3FD9]  }
0x89: {  	s3 =	sld [smem:$0x3FFE];
	_ =	sdelay $0x1  }
0x8a: {  	s1 =	srdreg.scid  }
0x8b: {  	s0 =	sand.u32 $0x1, s1  }
0x8c: {  	s17 =	sshll.u32 s0, $0xA;
	s2 =	sadd.s32 s3, s2  }
0x8d: {  	s2 =	sadd.s32 s2, s17  }
0x8e: {  	[smem:$0x3FC3] =	sst s2  }
0x8f: {  	_ = 	snop  }
0x90: {  	s18 =	sld [smem:$0x3FC6]  }
0x91: {  	s4 =	sld [smem:$0x3FD0];
	(tm) =	ssettm $0x1  }
0x92: {  	s19 =	sld [smem:$0x3FFB];
	_ =	sdelay $0x3  }
0x93: {  	_ =	strace s19  }
0x94: {  	s2 =	sld [smem:$0x3FFC];
	_ =	sdelay $0x3  }
0x95: {  	_ =	strace s2  }
0x96: {  	s2 =	sld [smem:$0x3FFD];
	_ =	sdelay $0x3  }
0x97: {  	_ =	strace s2  }
0x98: {  	_ =	strace $0x8FFFFFFF  }
0x99: {  	s20 =	sld [smem:$0x3FDB];
	_ =	sdelay $0x1  }
0x9a: {  	s5 =	simm.s32 $_scs_section_size  }
0x9b: {  	s6 =	simm.s32 $_size__tile_overlayer_lowered;
	s7 =	simm.s32 $_tile_overlayer_lowered  }
0x9c: {  	s8 =	simm.s32 $0x1BFF;
	s21 =	sshll.u32 s7, $0x1;
	s5 =	sadd.s32 s5, s20  }
0x9d: {  	s22 =	simm.s32 $0x0;
	s6 =	sshll.u32 s6, $0x1;
	s7 =	sadd.s32 s21, s5  }
0x9e: {  	[timem:s22], [sflag:s8] =	dma.local [hbm:s7], s6  }
0x9f: {  	_ =	swait.ge [sflag:s8], s6  }
0xa0: {  	s6 =	ssub.s32 $0x0, s6;
	[sflag:s8] =	ssyncset.done $0x0  }
0xa1: {  	[sflag:s8] =	ssyncadd.s32 s6;
	_ =	sdelay $0x1  }
0xa2: {  	s23 =	simm.s32 $0x1B8B  }
0xa3: {  	_ =	swait.ge [sflag:s23], $0x1  }
0xa4: {  	[sflag:s23] =	ssyncset.done $0x0  }
0xa5: {  	[sflag:s23] =	ssyncadd.s32 $0xFFFFFFFF  }
0xa6: {  	s6 =	sld [smem:$0x0]  }
0xa7: {  	s7 =	sand.u32 $0xFFFFFFFE, s1  }
0xa8: {  	p0 =	sne.s32 s1, s7  }
0xa9: {  	s7 =	sshll.u32 @p0 s7, $0xE  }
0xaa: {  	s7 =	sadd.s32 @p0 $0x11B8D, s7;
	s8 =	sshll.u32 @p0 s6, $0x11  }
0xab: {  	s7 =	sor.u32 @p0 s8, s7  }
0xac: {  	[sflag:s7] =	ssyncadd.remote.s32 @p0 $0x1;
	_ =	sdelay $0x1  }
0xad: {  	s7 =	simm.s32 @p0 $0x1B8D  }
0xae: {  	_ =	swait.eq @p0 [sflag:s7], $0x1  }
0xaf: {  	[sflag:s7] =	ssyncadd.s32 @p0 $0xFFFFFFFF  }
0xb0: {  	s8 =	sshll.u32 @!p0 s1, $0xE  }
0xb1: {  	s8 =	sor.u32 @!p0 $0x4000, s8;
	s7 =	simm.s32 @!p0 $0x1B8D  }
0xb2: {  	s6 =	sshll.u32 @!p0 s6, $0x11;
	s8 =	sadd.s32 @!p0 $0x11B8D, s8;
	_ =	swait.eq @!p0 [sflag:s7], $0x1  }
0xb3: {  	s6 =	sor.u32 @!p0 s6, s8;
	[sflag:s7] =	ssyncadd.s32 @!p0 $0xFFFFFFFF  }
0xb4: {  	s25 =	simm.s32 $0x1B8E;
	s24 =	sld [smem:$0x3FFE];
	[sflag:s6] =	ssyncadd.remote.s32 @!p0 $0x1  }
0xb5: {  	s26 =	simm.s32 $execute0_lowered;
	[smem:$0x3FD2] =	sst s25  }
0xb6: {  	s7 =	sshll.u32 s26, $0x1;
	_ =	strace $0x80000049;
	[dreg:$0x1] =	wrdreg $0xFFFFFFFF  }
0xb7: {  	s28 =	simm.s32 $_size_execute0_lowered;
	s5 =	sadd.s32 s5, s7;
	[dreg:$0x0] =	wrdreg $0x0  }
0xb8: {  	s7 =	sshll.u32 s28, $0x1;
	[dreg:$0x2] =	wrdreg s5  }
0xb9: {  	[dreg:$0x3] =	wrdreg s7  }
0xba: {  	[dreg:$0x4] =	wrdreg $0xC0  }
0xbb: {  	_ =	task [dreg:s22], $0x5FFFF  }
0xbc: {  	[dreg:$0x1] =	wrdreg $0xFFFFFFFF  }
0xbd: {  	[dreg:$0x0] =	wrdreg $0x60  }
0xbe: {  	[dreg:$0x2] =	wrdreg s24  }
0xbf: {  	[dreg:$0x3] =	wrdreg s18  }
0xc0: {  	[dreg:$0x4] =	wrdreg s4  }
0xc1: {  	[dreg:$0x5] =	wrdreg $0xB  }
0xc2: {  	_ =	task.clear_ibuf [dreg:s22], $0x6FFFF;
	_ =	strace $0x90000049  }
0xc3: {  	s29 =	simm.s32 $0xB;
	_ =	strace $0x8000004B  }
0xc4: {  	_ =	swait.ge [sflag:s29], $0x1  }
0xc5: {  	[sflag:s29] =	ssyncadd.s32 $0xFFFFFFFF  }
0xc6: {  	_ =	strace $0x9000004B  }
0xc7: {  	_ =	sfence  }
0xc8: {  	s30 =	sld [smem:$0x0];
	_ =	sdelay $0x2  }
0xc9: {  	s31 =	sshll.u32 s1, $0xD;
	s1 =	sshrl.u32 s1, $0x2  }
0xca: {  	s4 =	sand.u32 $0x4000, s31;
	s1 =	sadd.s32 s1, s30  }
0xcb: {  	s0 =	sor.u32 s4, s0;
	s1 =	sshll.u32 s1, $0x11  }
0xcc: {  	s0 =	sor.u32 s1, s0  }
0xcd: {  	s0 =	sadd.s32 $0x8F2B, s0  }
0xce: {  	[sflag:s0] =	ssyncadd.remote.s32 $0x1  }
0xcf: {  	_ =	sfence.sel $0xFFFF  }
0xd0: {  	[dreg:$0x0] =	wrdreg $0xFFFFFFFF;
	(pc) =	sbr.abs _section_cstart, $3  }
0xd1: {  	[dreg:$0x1] =	wrdreg $0xFFFFFFFF  }
0xd2: {  	_ =	task.clear_ibuf [dreg:s22], $0x2FFFF;
	_ =	strace $0x9FFFFFFF  }
0xd3: {  	(tm) =	ssettm $0x7FFFFFFF  }
tec
execute0_lowered:
.L_overlay_start_1:
0x0: {  	(tag) =	ssettag $0x1  }
0x1: {  	s0 =	rddreg [dreg:$0x0]  }
0x2: {  	s1 =	srdreg.scid;
	s7 =	stileid.u32  }
0x3: {  	s2 =	rddreg [dreg:$0x1];
	s4 =	simm.s32 $0x0;
	s12 =	simm.s32 $0xA  }
0x4: {  	s13 =	simm.s32 $0x80;
	s14 =	simm.s32 $0x100;
	s15 =	simm.s32 $0x50  }
0x5: {  	s16 =	simm.s32 $0xF80;
	s18 =	simm.s32 $0x3780;
	s20 =	simm.s32 $0x5F80  }
0x6: {  	s21 =	simm.s32 $0x8;
	s22 =	simm.s32 $0x780;
	s23 =	simm.s32 $0xB80  }
0x7: {  	s24 =	simm.s32 $0x1;
	s28 =	simm.s32 $0x5;
	s29 =	simm.s32 $0x3  }
0x8: {  	s30 =	simm.s32 $0x6;
	s31 =	simm.s32 $0x4;
	s1 =	sand.u32 $0x1, s1  }
0x9: {  	s3 =	sshll.u32 s7, $0x1;
	[smem:$0x7FF] =	sst s4;
	s7 =	smul.u32 $0xC800, s7  }
0xa: {  	s3 =	sor.u32 s1, s3;
	s8 =	ssub.s32 $0x2, s1;
	s1 =	smul.u32 $0x6400, s1  }
0xb: {  	_ =	strace $0x8000004A;
	s5 =	smul.u32 $0x640, s3;
	s6 =	sadd.s32 s3, s0  }
0xc: {  	s3 =	sshll.u32 s3, $0x7;
	s9 =	sshrl.u32 s8, $0x1;
	s25 =	sadd.s32 $0xA800, s6  }
0xd: {  	s3 =	sadd.s32 s3, s0;
	s6 =	sadd.s32 $0xA600, s6;
	[dreg:$0x4] =	wrdreg s25  }
0xe: {  	s10 =	ssub.s32 s8, s9;
	s5 =	sshrl.u32 s5, $0x3;
	[dreg:$0x5] =	wrdreg s6  }
0xf: {  	s26 =	sadd.s32 $0xD5200, s3;
	s9 =	sadd.s32 $0xD6200, s3;
	s10 =	smax.u32 s10, $0x1  }
0x10: {  	s25 =	simm.s32 $0x8780;
	s3 =	simm.s32 $0x0;
	s5 =	sadd.s32 s5, s0  }
0x11: {  	s0 =	sadd.s32 s7, s0;
	[dreg:$0x7] =	wrdreg s26;
	s26 =	simm.s32 $0x2  }
0x12: {  	s5 =	sadd.s32 $0x3A00, s5;
	s0 =	sadd.s32 s1, s0;
	s1 =	simm.s32 $0x7  }
0x13: {  	[dreg:$0x6] =	wrdreg s5;
	s11 =	sadd.s32 $0xD7C00, s0;
	s0 =	simm.s32 $0x9  }
.LBB2_1:
0x14: {  	s5 =	rddreg [dreg:$0x4]  }
0x15: {  	[tilespmem:s4], [sflag:$0xA] =	stream.linear.gather [hbm4b:s5+s4], $0x8, $0x38;
	[tilespmem:$0xAF80] =	vst v63  }
0x16: {  	_ =	swait.ge [sflag:s12], $0x8  }
0x17: {  	[sflag:s12] =	ssyncset.done $0x0  }
0x18: {  	s7 =	rddreg [dreg:$0x5];
	[sflag:s12] =	ssyncadd.s32 $0xFFFFFFF8  }
0x19: {  	[tilespmem:s13], [sflag:$0xA] =	stream.linear.gather [hbm4b:s7+s4], $0x8, $0x38;
	[tilespmem:$0xAF80] =	vst v63  }
0x1a: {  	_ =	swait.ge [sflag:s12], $0x8  }
0x1b: {  	[sflag:s12] =	ssyncset.done $0x0  }
0x1c: {  	s8 =	rddreg [dreg:$0x6];
	[sflag:s12] =	ssyncadd.s32 $0xFFFFFFF8  }
0x1d: {  	[tilespmem:s14], [sflag:$0xA] =	stream.linear.gather [hbm4b:s8+s4], $0x640, $0x38;
	[tilespmem:$0xAF80] =	vst v63  }
0x1e: {  	_ =	swait.ge [sflag:s12], $0x640  }
0x1f: {  	[sflag:s12] =	ssyncset.done $0x0  }
0x20: {  	[sflag:s12] =	ssyncadd.s32 $0xFFFFF9C0  }
0x21: {  	[tilespmem:s16], [sflag:$0x1] =	stream.indirect.gather [hbm4b:s2+s15], $0x80, s14, s15, $0xb8;
	[tilespmem:$0xAF80] =	vst v63  }
0x22: {  	s17 =	simm.s32 $0x150  }
0x23: {  	[tilespmem:s18], [sflag:$0x2] =	stream.indirect.gather [hbm4b:s2+s15], $0x80, s17, s15, $0xb8;
	[tilespmem:$0xAF80] =	vst v63  }
0x24: {  	s19 =	simm.s32 $0x1A0  }
0x25: {  	[tilespmem:s20], [sflag:$0x3] =	stream.indirect.gather [hbm4b:s2+s15], $0x80, s19, s15, $0xb8;
	[tilespmem:$0xAF80] =	vst v63  }
0x26: {  	_ = 	snop  }
0x27: {  	[tilespmem:s22], [sflag:$0x9] =	stream.indirect.gather [hbm4b:s2+s21], $0x80, s4, s21, $0xb8;
	[tilespmem:$0xAF80] =	vst v63  }
0x28: {  	s6 =	rddreg [dreg:$0x2]  }
0x29: {  	[tilespmem:s23], [sflag:$0x9] =	stream.indirect.gather [hbm4b:s6+s21], $0x80, s13, s21, $0xb8;
	[tilespmem:$0xAF80] =	vst v63  }
0x2a: {  	_ =	swait.ge [sflag:s24], $0x2800  }
0x2b: {  	p0 =	por $0x1, $0x1;
	[sflag:s24] =	ssyncset.done $0x0  }
0x2c: {  	s5 =	simm.s32 @!p0 $0x8;
	[sflag:s24] =	ssyncadd.s32 $0xFFFFD800  }
0x2d: {  	_ =	swait.ge @!p0 [sflag:s5], $0x2800  }
0x2e: {  	[sflag:s5] =	ssyncset.done @!p0 $0x0  }
0x2f: {  	s7 =	simm.s32 $0x1F0;
	[sflag:s5] =	ssyncadd.s32 @!p0 $0xFFFFD800  }
0x30: {  	[tilespmem:s25], [sflag:$0x4] =	stream.indirect.gather [hbm4b:s2+s15], $0x80, s7, s15, $0xb8;
	[tilespmem:$0xAF80] =	vst v63  }
0x31: {  	s8 =	sadd.s32 $0xFFFFF600, s11  }
0x32: {  	[hbm4b:s8+s4] =	stream.linear.scatter [tilespmem:s16], [sflag:$0x5], $0x2800, $0x38;
	[tilespmem:$0xAF80] =	vst v63  }
0x33: {  	_ =	swait.ge [sflag:s26], $0x2800  }
0x34: {  	[sflag:s26] =	ssyncset.done $0x0  }
0x35: {  	[sflag:s26] =	ssyncadd.s32 $0xFFFFD800  }
0x36: {  	p0 =	por $0x0, $0x0;
	_ =	swait.ge [sflag:s28], $0x2800  }
0x37: {  	s5 =	simm.s32 @!p0 $0xF80;
	[sflag:s28] =	ssyncset.done $0x0  }
0x38: {  	s17 =	simm.s32 @!p0 $0x240;
	s19 =	simm.s32 @!p0 $0x50;
	[sflag:s28] =	ssyncadd.s32 $0xFFFFD800  }
0x39: {  	[tilespmem:s5], [sflag:$0x1] =	stream.indirect.gather @!p0 [hbm4b:s2+s19], $0x80, s17, s19, $0xb8;
	[tilespmem:$0xAF80] =	vst v63  }
0x3a: {  	s17 =	sadd.s32 $0xFFFFFB00, s11  }
0x3b: {  	[hbm4b:s17+s4] =	stream.linear.scatter [tilespmem:s18], [sflag:$0x6], $0x2800, $0x38;
	[tilespmem:$0xAF80] =	vst v63  }
0x3c: {  	_ =	swait.ge [sflag:s29], $0x2800  }
0x3d: {  	[sflag:s29] =	ssyncset.done $0x0  }
0x3e: {  	[sflag:s29] =	ssyncadd.s32 $0xFFFFD800  }
0x3f: {  	_ =	swait.ge [sflag:s30], $0x2800  }
0x40: {  	[sflag:s30] =	ssyncset.done $0x0  }
0x41: {  	s5 =	simm.s32 @!p0 $0x290;
	s17 =	simm.s32 @!p0 $0x3780;
	[sflag:s30] =	ssyncadd.s32 $0xFFFFD800  }
0x42: {  	[tilespmem:s17], [sflag:$0x2] =	stream.indirect.gather @!p0 [hbm4b:s2+s19], $0x80, s5, s19, $0xb8;
	[tilespmem:$0xAF80] =	vst v63  }
0x43: {  	_ = 	snop  }
0x44: {  	[hbm4b:s11+s4] =	stream.linear.scatter [tilespmem:s20], [sflag:$0x7], $0x2800, $0x38;
	[tilespmem:$0xAF80] =	vst v63  }
0x45: {  	_ =	swait.ge [sflag:s31], $0x2800  }
0x46: {  	[sflag:s31] =	ssyncset.done $0x0  }
0x47: {  	[sflag:s31] =	ssyncadd.s32 $0xFFFFD800  }
0x48: {  	_ =	swait.ge [sflag:s1], $0x2800  }
0x49: {  	[sflag:s1] =	ssyncset.done $0x0  }
0x4a: {  	s5 =	simm.s32 @!p0 $0x2E0;
	s17 =	simm.s32 @!p0 $0x5F80;
	[sflag:s1] =	ssyncadd.s32 $0xFFFFD800  }
0x4b: {  	[tilespmem:s17], [sflag:$0x3] =	stream.indirect.gather @!p0 [hbm4b:s2+s19], $0x80, s5, s19, $0xb8;
	[tilespmem:$0xAF80] =	vst v63  }
0x4c: {  	s17 =	simm.s32 $0x500;
	s5 =	sadd.s32 $0x500, s11;
	s19 =	sadd.s32 $0x1400, s11  }
.LBB2_2:
0x4d: {  	[hbm4b:s5+s4] =	stream.linear.scatter [tilespmem:s25], [sflag:$0x8], $0x2800, $0x38;
	[tilespmem:$0xAF80] =	vst v63  }
0x4e: {  	s5 =	smov.u32 s17;
	s17 =	sadd.s32 $0x500, s17;
	_ =	swait.ge [sflag:s24], $0x2800  }
0x4f: {  	p1 =	seq.s32 s5, $0x0;
	p0 =	sne.s32 s17, $0x1900;
	[sflag:s24] =	ssyncset.done $0x0  }
0x50: {  	s6 =	simm.s32 @!p1 $0x8;
	[sflag:s24] =	ssyncadd.s32 $0xFFFFD800  }
0x51: {  	_ =	swait.ge @!p1 [sflag:s6], $0x2800  }
0x52: {  	s7 =	sshra.s32 s5, $0x2;
	[sflag:s6] =	ssyncset.done @!p1 $0x0  }
0x53: {  	[sflag:s6] =	ssyncadd.s32 @!p1 $0xFFFFD800;
	s6 =	sadd.s32 $0x1F0, s7  }
0x54: {  	[tilespmem:s25], [sflag:$0x4] =	stream.indirect.gather [hbm4b:s2+s15], $0x80, s6, s15, $0xb8;
	[tilespmem:$0xAF80] =	vst v63  }
0x55: {  	s6 =	sadd.s32 $0xFFFFF600, s19  }
0x56: {  	[hbm4b:s6+s4] =	stream.linear.scatter [tilespmem:s16], [sflag:$0x5], $0x2800, $0x38;
	[tilespmem:$0xAF80] =	vst v63  }
0x57: {  	_ =	swait.ge [sflag:s26], $0x2800  }
0x58: {  	[sflag:s26] =	ssyncset.done $0x0  }
0x59: {  	[sflag:s26] =	ssyncadd.s32 $0xFFFFD800  }
0x5a: {  	p1 =	seq.s32 s5, $0x1400;
	_ =	swait.ge [sflag:s28], $0x2800  }
0x5b: {  	s5 =	sshra.s32 @!p1 s5, $0x2;
	s6 =	simm.s32 @!p1 $0xF80;
	[sflag:s28] =	ssyncset.done $0x0  }
0x5c: {  	s8 =	simm.s32 @!p1 $0x50;
	s7 =	sadd.s32 @!p1 $0x240, s5;
	[sflag:s28] =	ssyncadd.s32 $0xFFFFD800  }
0x5d: {  	[tilespmem:s6], [sflag:$0x1] =	stream.indirect.gather @!p1 [hbm4b:s2+s8], $0x80, s7, s8, $0xb8;
	[tilespmem:$0xAF80] =	vst v63  }
0x5e: {  	s6 =	sadd.s32 $0xFFFFFB00, s19;
	s7 =	sadd.s32 @!p1 $0x290, s5;
	s5 =	sadd.s32 @!p1 $0x2E0, s5  }
0x5f: {  	[hbm4b:s6+s4] =	stream.linear.scatter [tilespmem:s18], [sflag:$0x6], $0x2800, $0x38;
	[tilespmem:$0xAF80] =	vst v63  }
0x60: {  	_ =	swait.ge [sflag:s29], $0x2800  }
0x61: {  	[sflag:s29] =	ssyncset.done $0x0  }
0x62: {  	[sflag:s29] =	ssyncadd.s32 $0xFFFFD800  }
0x63: {  	_ =	swait.ge [sflag:s30], $0x2800  }
0x64: {  	[sflag:s30] =	ssyncset.done $0x0  }
0x65: {  	s6 =	simm.s32 @!p1 $0x3780;
	[sflag:s30] =	ssyncadd.s32 $0xFFFFD800  }
0x66: {  	[tilespmem:s6], [sflag:$0x2] =	stream.indirect.gather @!p1 [hbm4b:s2+s8], $0x80, s7, s8, $0xb8;
	[tilespmem:$0xAF80] =	vst v63  }
0x67: {  	_ = 	snop  }
0x68: {  	[hbm4b:s19+s4] =	stream.linear.scatter [tilespmem:s20], [sflag:$0x7], $0x2800, $0x38;
	[tilespmem:$0xAF80] =	vst v63  }
0x69: {  	_ =	swait.ge [sflag:s31], $0x2800  }
0x6a: {  	[sflag:s31] =	ssyncset.done $0x0  }
0x6b: {  	[sflag:s31] =	ssyncadd.s32 $0xFFFFD800  }
.Ltmp0:
0x6c: {  	_ =	swait.ge [sflag:s1], $0x2800;
	(pc) =	sbr.rel @p0 .LBB2_2-.Ltmp0, $4  }
0x6d: {  	[sflag:s1] =	ssyncset.done $0x0  }
0x6e: {  	s6 =	simm.s32 @!p1 $0x5F80;
	[sflag:s1] =	ssyncadd.s32 $0xFFFFD800  }
0x6f: {  	[tilespmem:s6], [sflag:$0x3] =	stream.indirect.gather @!p1 [hbm4b:s2+s8], $0x80, s5, s8, $0xb8;
	[tilespmem:$0xAF80] =	vst v63  }
0x70: {  	s5 =	sadd.s32 $0x500, s19;
	s19 =	sadd.s32 $0x1400, s19  }
0x71: {  	[hbm4b:s5+s4] =	stream.linear.scatter [tilespmem:s25], [sflag:$0x8], $0x2800, $0x38;
	[tilespmem:$0xAF80] =	vst v63  }
0x72: {  	_ =	swait.ge [sflag:s21], $0x2800  }
0x73: {  	[sflag:s21] =	ssyncset.done $0x0  }
0x74: {  	[sflag:s21] =	ssyncadd.s32 $0xFFFFD800  }
0x75: {  	_ =	swait.ge [sflag:s0], $0x400  }
0x76: {  	[sflag:s0] =	ssyncset.done $0x0  }
0x77: {  	[sflag:s0] =	ssyncadd.s32 $0xFFFFFC00  }
0x78: {  	_ =	swait.ge [sflag:s0], $0x400  }
0x79: {  	[sflag:s0] =	ssyncset.done $0x0  }
0x7a: {  	s19 =	rddreg [dreg:$0x7];
	[sflag:s0] =	ssyncadd.s32 $0xFFFFFC00  }
0x7b: {  	[hbm4b:s19+s4] =	stream.linear.scatter [tilespmem:s22], [sflag:$0xA], $0x400, $0x38;
	[tilespmem:$0xAF80] =	vst v63  }
0x7c: {  	s3 =	sadd.s32 $0x1, s3;
	_ =	swait.ge [sflag:s12], $0x400  }
0x7d: {  	p0 =	sne.s32 s3, s10;
	[sflag:s12] =	ssyncset.done $0x0  }
.Ltmp1:
0x7e: {  	[sflag:s12] =	ssyncadd.s32 $0xFFFFFC00;
	(pc) =	sbr.rel @p0 .LBB2_1-.Ltmp1, $4  }
0x7f: {  	[hbm4b:s9+s4] =	stream.linear.scatter [tilespmem:s23], [sflag:$0xA], $0x400, $0x38;
	[tilespmem:$0xAF80] =	vst v63  }
0x80: {  	_ =	swait.ge [sflag:s12], $0x400  }
0x81: {  	[sflag:s12] =	ssyncset.done $0x0  }
0x82: {  	[sflag:s12] =	ssyncadd.s32 $0xFFFFFC00  }
0x83: {  	_ =	sfence.sel $0x180000  }
0x84: {  	[bflag:$0x0] =	sbarrier.arrive $0xFFFF  }
0x85: {  	_ =	strace $0x9000004A  }
0x86: {  	s0 =	stileid.u32;
	[bflag:$0x2] =	sbarrier.arrive $0xFFFF  }
0x87: {  	p0 =	sne.s32 s0, $0x0;
	s0 =	rddreg [dreg:$0x3]  }
0x88: {  	s0 =	sadd.s32 @!p0 $0x100000, s0  }
0x89: {  	[sflag:s0] =	ssyncadd.tile.s32 @!p0 $0x1;
	_ =	shalt  }
.Lfunc_end2:
_tile_overlayer_lowered:
.L_overlay_start_2:
0x8a: {  	(tag) =	ssettag $0x2  }
0x8b: {  	s0 =	rddreg [dreg:$0x0];
	s2 =	stileid.u32  }
0x8c: {  	s1 =	rddreg [dreg:$0x1];
	p0 =	sne.s32 s2, $0x0  }
0x8d: {  	s3 =	rddreg [dreg:$0x2];
	[bflag:$0x3] =	sbarrier.arrive $0xFFFF;
	s2 =	simm.s32 @!p0 $0x1C0A  }
0x8e: {  	[timem:s3], [sflag:s2] =	dma.local @!p0 [hbm:s0], s1  }
0x8f: {  	s0 =	simm.s32 @!p0 $0xA  }
0x90: {  	_ =	swait.ge @!p0 [sflag:s0], s1  }
0x91: {  	s1 =	ssub.s32 @!p0 $0x0, s1;
	[sflag:s0] =	ssyncset.done @!p0 $0x0  }
0x92: {  	[sflag:s0] =	ssyncadd.s32 @!p0 s1  }
0x93: {  	[bflag:$0x3] =	sbarrier.arrive $0xFFFF  }
0x94: {  	_ =	shalt  }

// kernel: kernel.19.cloned.1.call-start
scs
__scs_entry_jumppad:
0x0: {  	(pc) =	sbr.rel $0x88, $3  }
0x1: {  	(tag) =	ssettag $0x0;
	lr =	simm.s32 $0x1  }
0x2: {  	[smem:$0x3F9C] =	sst lr;
	_ =	strace $0xD0000000  }
0x3: {  	_ = 	snop  }
0x4: {  	_ = 	snop  }
0x5: {  	_ = 	snop  }
0x6: {  	_ = 	snop  }
0x7: {  	_ = 	snop  }
__scs_overlays_trampoline_lowered:
0x8: {  	[smem:$0x3FAB] =	sst s0  }
0x9: {  	[smem:$0x3FAC] =	sst s1  }
0xa: {  	[smem:$0x3FAD] =	sst s2  }
0xb: {  	[smem:$0x3FAE] =	sst s3  }
0xc: {  	[smem:$0x3FAF] =	sst s4  }
0xd: {  	[smem:$0x3FB0] =	sst s5  }
0xe: {  	[smem:$0x3FB1] =	sst s6  }
0xf: {  	[smem:$0x3FB2] =	sst s7  }
0x10: {  	[smem:$0x3FB3] =	sst s8  }
0x11: {  	[smem:$0x3FB4] =	sst s9;
	s0 =	simm.s32 @!p0 $0x0  }
0x12: {  	s1 =	sld [smem:$0x3F9A];
	s0 =	simm.s32 @p0 $0x1  }
0x13: {  	[smem:$0x3FB5] =	sst s0;
	s0 =	simm.s32 @!p1 $0x0  }
0x14: {  	s2 =	sld [smem:$0x3F99];
	s0 =	simm.s32 @p1 $0x1  }
0x15: {  	[smem:$0x3FB6] =	sst s0;
	s0 =	simm.s32 @!p2 $0x0  }
0x16: {  	s3 =	sld [smem:$0x3FDB];
	s0 =	simm.s32 @p2 $0x1  }
0x17: {  	s4 =	simm.s32 $0x1BF5;
	[smem:$0x3FB8] =	sst s0  }
0x18: {  	s0 =	sld [smem:$0x3F9B];
	_ =	swait.ge [sflag:s4], $0x0  }
0x19: {  	s7 =	sld [smem:$0x3F9C]  }
0x1a: {  	s8 =	sadd.s32 $0xFFFFE003, lr  }
0x1b: {  	s9 =	sadd.s32 $0xFFFFFEF7, lr;
	s5 =	simm.s32 $0xFFFFFFFF;
	p2 =	slt.u32 s8, $0xFFFFF086  }
0x1c: {  	p1 =	slt.u32 s9, $0xF7A;
	s5 =	simm.s32 @!p2 $0x0  }
0x1d: {  	s5 =	simm.s32 @p1 $0x1;
	p0 =	seq.s32 s7, s2  }
0x1e: {  	s7 =	smul.u32 @!p0 $0xF7A, s2;
	p2 =	seq.s32 @!p0 s5, $0x0  }
0x1f: {  	s9 =	smul.u32 $0xF7A, s1;
	s8 =	simm.s32 @!p0 $0x1BF5;
	p2 =	por !p2, p0  }
0x20: {  	[sflag:s8] =	ssyncset.s32 @!p0 $0xFFFFF086;
	s6 =	sadd.s32 @!p0 s3, s7;
	s7 =	simm.s32 @!p0 $0x108  }
0x21: {  	s3 =	sadd.s32 s3, s9;
	s6 =	sadd.s32 @!p0 $0x88, s6;
	s7 =	simm.s32 @p2 $0x1082  }
0x22: {  	[simem:s7], [sflag:s8] =	dma.local @!p0 [hbm:s6], $0xF7A  }
0x23: {  	s9 =	sor.u32 $0xD0000000, s2;
	s6 =	simm.s32 $0x108;
	_ =	swait.ge @!p0 [sflag:s8], $0x0  }
0x24: {  	s3 =	sadd.s32 $0x88, s3;
	s6 =	simm.s32 @!p1 $0x1082;
	[sflag:s4] =	ssyncset.s32 $0xFFFFF086  }
0x25: {  	[simem:s6], [sflag:s4] =	dma.local [hbm:s3], $0xF7A  }
0x26: {  	[smem:$0x3F9C] =	sst s1;
	(tag) =	ssettag s2;
	_ =	strace s9  }
0x27: {  	s1 =	sld [smem:$0x3FAC]  }
0x28: {  	s2 =	sld [smem:$0x3FAD]  }
0x29: {  	s4 =	sld [smem:$0x3FAF]  }
0x2a: {  	p0 =	seq.s32 s5, $0x0;
	s5 =	sld [smem:$0x3FB0]  }
0x2b: {  	s6 =	sld [smem:$0x3FB1]  }
0x2c: {  	s7 =	sld [smem:$0x3FB2]  }
0x2d: {  	s3 =	simm.s32 $0x108;
	s8 =	sld [smem:$0x3FB3]  }
0x2e: {  	s3 =	simm.s32 @!p0 $0x1082;
	s9 =	sld [smem:$0x3FB4]  }
0x2f: {  	lr =	sadd.s32 s0, s3;
	s0 =	sld [smem:$0x3FAB]  }
0x30: {  	s3 =	sld [smem:$0x3FAE]  }
0x31: {  	[smem:$0x3FB7] =	sst s10  }
0x32: {  	s10 =	sld [smem:$0x3FB5];
	_ =	sdelay $0x3  }
0x33: {  	p0 =	seq.s32 s10, $0x1;
	s10 =	sld [smem:$0x3FB7];
	_ =	sdelay $0x3  }
0x34: {  	[smem:$0x3FB7] =	sst s10  }
0x35: {  	s10 =	sld [smem:$0x3FB6];
	_ =	sdelay $0x3  }
0x36: {  	p1 =	seq.s32 s10, $0x1;
	s10 =	sld [smem:$0x3FB7];
	_ =	sdelay $0x3  }
0x37: {  	[smem:$0x3FB7] =	sst s10  }
0x38: {  	s10 =	sld [smem:$0x3FB8]  }
0x39: {  	_ = 	snop;
	(pc) =	sbr.ind lr, $3  }
0x3a: {  	_ = 	snop  }
0x3b: {  	_ = 	snop  }
0x3c: {  	p2 =	seq.s32 s10, $0x1;
	s10 =	sld [smem:$0x3FB7]  }
0x3d: {  	_ =	shalt  }
0x3e: {  	_ =	shalt  }
0x3f: {  	_ =	shalt  }
0x40: {  	_ =	shalt  }
0x41: {  	_ =	shalt  }
0x42: {  	_ =	shalt  }
0x43: {  	_ =	shalt  }
0x44: {  	_ =	shalt  }
0x45: {  	_ =	shalt  }
0x46: {  	_ =	shalt  }
0x47: {  	_ =	shalt  }
0x48: {  	_ =	shalt  }
0x49: {  	_ =	shalt  }
0x4a: {  	_ =	shalt  }
0x4b: {  	_ =	shalt  }
0x4c: {  	_ =	shalt  }
0x4d: {  	_ =	shalt  }
0x4e: {  	_ =	shalt  }
0x4f: {  	_ =	shalt  }
0x50: {  	_ =	shalt  }
0x51: {  	_ =	shalt  }
0x52: {  	_ =	shalt  }
0x53: {  	_ =	shalt  }
0x54: {  	_ =	shalt  }
0x55: {  	_ =	shalt  }
0x56: {  	_ =	shalt  }
0x57: {  	_ =	shalt  }
0x58: {  	_ =	shalt  }
0x59: {  	_ =	shalt  }
0x5a: {  	_ =	shalt  }
0x5b: {  	_ =	shalt  }
0x5c: {  	_ =	shalt  }
0x5d: {  	_ =	shalt  }
0x5e: {  	_ =	shalt  }
0x5f: {  	_ =	shalt  }
0x60: {  	_ =	shalt  }
0x61: {  	_ =	shalt  }
0x62: {  	_ =	shalt  }
0x63: {  	_ =	shalt  }
0x64: {  	_ =	shalt  }
0x65: {  	_ =	shalt  }
0x66: {  	_ =	shalt  }
0x67: {  	_ =	shalt  }
0x68: {  	_ =	shalt  }
0x69: {  	_ =	shalt  }
0x6a: {  	_ =	shalt  }
0x6b: {  	_ =	shalt  }
0x6c: {  	_ =	shalt  }
0x6d: {  	_ =	shalt  }
0x6e: {  	_ =	shalt  }
0x6f: {  	_ =	shalt  }
0x70: {  	_ =	shalt  }
0x71: {  	_ =	shalt  }
0x72: {  	_ =	shalt  }
0x73: {  	_ =	shalt  }
0x74: {  	_ =	shalt  }
0x75: {  	_ =	shalt  }
0x76: {  	_ =	shalt  }
0x77: {  	_ =	shalt  }
0x78: {  	_ =	shalt  }
0x79: {  	_ =	shalt  }
0x7a: {  	_ =	shalt  }
0x7b: {  	_ =	shalt  }
0x7c: {  	_ =	shalt  }
0x7d: {  	_ =	shalt  }
0x7e: {  	_ =	shalt  }
0x7f: {  	_ =	shalt  }
0x80: {  	_ =	shalt  }
0x81: {  	_ =	shalt  }
0x82: {  	_ =	shalt  }
0x83: {  	_ =	shalt  }
0x84: {  	_ =	shalt  }
0x85: {  	_ =	shalt  }
0x86: {  	_ =	shalt  }
0x87: {  	_ =	shalt  }
.Lfunc_end0:
.L_simem_size_0:
called_computation.3_lowered:
.L_overlay_start_0:
0x88: {  	s2 =	sld [smem:$0x3FD9]  }
0x89: {  	s3 =	sld [smem:$0x3FFE];
	_ =	sdelay $0x1  }
0x8a: {  	s1 =	srdreg.scid  }
0x8b: {  	s0 =	sand.u32 $0x1, s1  }
0x8c: {  	s17 =	sshll.u32 s0, $0xA;
	s2 =	sadd.s32 s3, s2  }
0x8d: {  	s2 =	sadd.s32 s2, s17  }
0x8e: {  	[smem:$0x3FC3] =	sst s2  }
0x8f: {  	_ = 	snop  }
0x90: {  	s18 =	sld [smem:$0x3FC6]  }
0x91: {  	s4 =	sld [smem:$0x3FD0];
	(tm) =	ssettm $0x1  }
0x92: {  	s19 =	sld [smem:$0x3FFB];
	_ =	sdelay $0x3  }
0x93: {  	_ =	strace s19  }
0x94: {  	s2 =	sld [smem:$0x3FFC];
	_ =	sdelay $0x3  }
0x95: {  	_ =	strace s2  }
0x96: {  	s2 =	sld [smem:$0x3FFD];
	_ =	sdelay $0x3  }
0x97: {  	_ =	strace s2  }
0x98: {  	_ =	strace $0x8FFFFFFF  }
0x99: {  	s20 =	sld [smem:$0x3FDB];
	_ =	sdelay $0x1  }
0x9a: {  	s5 =	simm.s32 $_scs_section_size  }
0x9b: {  	s6 =	simm.s32 $_size__tile_overlayer_lowered;
	s7 =	simm.s32 $_tile_overlayer_lowered  }
0x9c: {  	s8 =	simm.s32 $0x1BFF;
	s21 =	sshll.u32 s7, $0x1;
	s5 =	sadd.s32 s5, s20  }
0x9d: {  	s22 =	simm.s32 $0x0;
	s6 =	sshll.u32 s6, $0x1;
	s7 =	sadd.s32 s21, s5  }
0x9e: {  	[timem:s22], [sflag:s8] =	dma.local [hbm:s7], s6  }
0x9f: {  	_ =	swait.ge [sflag:s8], s6  }
0xa0: {  	s6 =	ssub.s32 $0x0, s6;
	[sflag:s8] =	ssyncset.done $0x0  }
0xa1: {  	[sflag:s8] =	ssyncadd.s32 s6;
	_ =	sdelay $0x1  }
0xa2: {  	s23 =	simm.s32 $0x1B8B  }
0xa3: {  	_ =	swait.ge [sflag:s23], $0x1  }
0xa4: {  	[sflag:s23] =	ssyncset.done $0x0  }
0xa5: {  	[sflag:s23] =	ssyncadd.s32 $0xFFFFFFFF  }
0xa6: {  	s6 =	sld [smem:$0x0]  }
0xa7: {  	s7 =	sand.u32 $0xFFFFFFFE, s1  }
0xa8: {  	p0 =	sne.s32 s1, s7  }
0xa9: {  	s7 =	sshll.u32 @p0 s7, $0xE  }
0xaa: {  	s7 =	sadd.s32 @p0 $0x11B8D, s7;
	s8 =	sshll.u32 @p0 s6, $0x11  }
0xab: {  	s7 =	sor.u32 @p0 s8, s7  }
0xac: {  	[sflag:s7] =	ssyncadd.remote.s32 @p0 $0x1;
	_ =	sdelay $0x1  }
0xad: {  	s7 =	simm.s32 @p0 $0x1B8D  }
0xae: {  	_ =	swait.eq @p0 [sflag:s7], $0x1  }
0xaf: {  	[sflag:s7] =	ssyncadd.s32 @p0 $0xFFFFFFFF  }
0xb0: {  	s8 =	sshll.u32 @!p0 s1, $0xE  }
0xb1: {  	s8 =	sor.u32 @!p0 $0x4000, s8;
	s7 =	simm.s32 @!p0 $0x1B8D  }
0xb2: {  	s6 =	sshll.u32 @!p0 s6, $0x11;
	s8 =	sadd.s32 @!p0 $0x11B8D, s8;
	_ =	swait.eq @!p0 [sflag:s7], $0x1  }
0xb3: {  	s6 =	sor.u32 @!p0 s6, s8;
	[sflag:s7] =	ssyncadd.s32 @!p0 $0xFFFFFFFF  }
0xb4: {  	s25 =	simm.s32 $0x1B8E;
	s24 =	sld [smem:$0x3FFE];
	[sflag:s6] =	ssyncadd.remote.s32 @!p0 $0x1  }
0xb5: {  	s26 =	simm.s32 $execute0_lowered;
	[smem:$0x3FD2] =	sst s25  }
0xb6: {  	s7 =	sshll.u32 s26, $0x1;
	_ =	strace $0x8000004C;
	[dreg:$0x1] =	wrdreg $0xFFFFFFFF  }
0xb7: {  	s28 =	simm.s32 $_size_execute0_lowered;
	s5 =	sadd.s32 s5, s7;
	[dreg:$0x0] =	wrdreg $0x0  }
0xb8: {  	s7 =	sshll.u32 s28, $0x1;
	[dreg:$0x2] =	wrdreg s5  }
0xb9: {  	[dreg:$0x3] =	wrdreg s7  }
0xba: {  	[dreg:$0x4] =	wrdreg $0xC0  }
0xbb: {  	_ =	task [dreg:s22], $0x5FFFF  }
0xbc: {  	[dreg:$0x1] =	wrdreg $0xFFFFFFFF  }
0xbd: {  	[dreg:$0x0] =	wrdreg $0x60  }
0xbe: {  	[dreg:$0x2] =	wrdreg s24  }
0xbf: {  	[dreg:$0x3] =	wrdreg s18  }
0xc0: {  	[dreg:$0x4] =	wrdreg s4  }
0xc1: {  	[dreg:$0x5] =	wrdreg $0xC  }
0xc2: {  	_ =	task.clear_ibuf [dreg:s22], $0x6FFFF;
	_ =	strace $0x9000004C  }
0xc3: {  	s29 =	simm.s32 $0xC;
	_ =	strace $0x8000004E  }
0xc4: {  	_ =	swait.ge [sflag:s29], $0x1  }
0xc5: {  	[sflag:s29] =	ssyncadd.s32 $0xFFFFFFFF  }
0xc6: {  	_ =	strace $0x9000004E  }
0xc7: {  	_ =	sfence  }
0xc8: {  	s30 =	sld [smem:$0x0];
	_ =	sdelay $0x2  }
0xc9: {  	s31 =	sshll.u32 s1, $0xD;
	s1 =	sshrl.u32 s1, $0x2  }
0xca: {  	s4 =	sand.u32 $0x4000, s31;
	s1 =	sadd.s32 s1, s30  }
0xcb: {  	s0 =	sor.u32 s4, s0;
	s1 =	sshll.u32 s1, $0x11  }
0xcc: {  	s0 =	sor.u32 s1, s0  }
0xcd: {  	s0 =	sadd.s32 $0x8F2B, s0  }
0xce: {  	[sflag:s0] =	ssyncadd.remote.s32 $0x1  }
0xcf: {  	_ =	sfence.sel $0xFFFF  }
0xd0: {  	[dreg:$0x0] =	wrdreg $0xFFFFFFFF;
	(pc) =	sbr.abs _section_cstart, $3  }
0xd1: {  	[dreg:$0x1] =	wrdreg $0xFFFFFFFF  }
0xd2: {  	_ =	task.clear_ibuf [dreg:s22], $0x2FFFF;
	_ =	strace $0x9FFFFFFF  }
0xd3: {  	(tm) =	ssettm $0x7FFFFFFF  }
tec
execute0_lowered:
.L_overlay_start_1:
0x0: {  	(tag) =	ssettag $0x1  }
0x1: {  	s0 =	rddreg [dreg:$0x0]  }
0x2: {  	s1 =	srdreg.scid;
	s7 =	stileid.u32  }
0x3: {  	s2 =	rddreg [dreg:$0x1];
	s4 =	simm.s32 $0x0;
	s12 =	simm.s32 $0xA  }
0x4: {  	s13 =	simm.s32 $0x80;
	s14 =	simm.s32 $0x100;
	s15 =	simm.s32 $0x50  }
0x5: {  	s16 =	simm.s32 $0xF80;
	s18 =	simm.s32 $0x3780;
	s20 =	simm.s32 $0x5F80  }
0x6: {  	s21 =	simm.s32 $0x8;
	s22 =	simm.s32 $0x780;
	s23 =	simm.s32 $0xB80  }
0x7: {  	s24 =	simm.s32 $0x1;
	s28 =	simm.s32 $0x5;
	s29 =	simm.s32 $0x3  }
0x8: {  	s30 =	simm.s32 $0x6;
	s31 =	simm.s32 $0x4;
	s1 =	sand.u32 $0x1, s1  }
0x9: {  	s3 =	sshll.u32 s7, $0x1;
	[smem:$0x7FF] =	sst s4;
	s7 =	smul.u32 $0xC800, s7  }
0xa: {  	s3 =	sor.u32 s1, s3;
	s8 =	ssub.s32 $0x2, s1;
	s1 =	smul.u32 $0x6400, s1  }
0xb: {  	_ =	strace $0x8000004D;
	s5 =	smul.u32 $0x640, s3;
	s6 =	sadd.s32 s3, s0  }
0xc: {  	s3 =	sshll.u32 s3, $0x7;
	s9 =	sshrl.u32 s8, $0x1;
	s25 =	sadd.s32 $0xAC00, s6  }
0xd: {  	s3 =	sadd.s32 s3, s0;
	s6 =	sadd.s32 $0xAA00, s6;
	[dreg:$0x4] =	wrdreg s25  }
0xe: {  	s10 =	ssub.s32 s8, s9;
	s5 =	sshrl.u32 s5, $0x3;
	[dreg:$0x5] =	wrdreg s6  }
0xf: {  	s26 =	sadd.s32 $0x19F200, s3;
	s9 =	sadd.s32 $0x1A0200, s3;
	s10 =	smax.u32 s10, $0x1  }
0x10: {  	s25 =	simm.s32 $0x8780;
	s3 =	simm.s32 $0x0;
	s5 =	sadd.s32 s5, s0  }
0x11: {  	s0 =	sadd.s32 s7, s0;
	[dreg:$0x7] =	wrdreg s26;
	s26 =	simm.s32 $0x2  }
0x12: {  	s5 =	sadd.s32 $0x5400, s5;
	s0 =	sadd.s32 s1, s0;
	s1 =	simm.s32 $0x7  }
0x13: {  	[dreg:$0x6] =	wrdreg s5;
	s11 =	sadd.s32 $0x1A1C00, s0;
	s0 =	simm.s32 $0x9  }
.LBB2_1:
0x14: {  	s5 =	rddreg [dreg:$0x4]  }
0x15: {  	[tilespmem:s4], [sflag:$0xA] =	stream.linear.gather [hbm4b:s5+s4], $0x8, $0x38;
	[tilespmem:$0xAF80] =	vst v63  }
0x16: {  	_ =	swait.ge [sflag:s12], $0x8  }
0x17: {  	[sflag:s12] =	ssyncset.done $0x0  }
0x18: {  	s7 =	rddreg [dreg:$0x5];
	[sflag:s12] =	ssyncadd.s32 $0xFFFFFFF8  }
0x19: {  	[tilespmem:s13], [sflag:$0xA] =	stream.linear.gather [hbm4b:s7+s4], $0x8, $0x38;
	[tilespmem:$0xAF80] =	vst v63  }
0x1a: {  	_ =	swait.ge [sflag:s12], $0x8  }
0x1b: {  	[sflag:s12] =	ssyncset.done $0x0  }
0x1c: {  	s8 =	rddreg [dreg:$0x6];
	[sflag:s12] =	ssyncadd.s32 $0xFFFFFFF8  }
0x1d: {  	[tilespmem:s14], [sflag:$0xA] =	stream.linear.gather [hbm4b:s8+s4], $0x640, $0x38;
	[tilespmem:$0xAF80] =	vst v63  }
0x1e: {  	_ =	swait.ge [sflag:s12], $0x640  }
0x1f: {  	[sflag:s12] =	ssyncset.done $0x0  }
0x20: {  	[sflag:s12] =	ssyncadd.s32 $0xFFFFF9C0  }
0x21: {  	[tilespmem:s16], [sflag:$0x1] =	stream.indirect.gather [hbm4b:s2+s15], $0x80, s14, s15, $0xb8;
	[tilespmem:$0xAF80] =	vst v63  }
0x22: {  	s17 =	simm.s32 $0x150  }
0x23: {  	[tilespmem:s18], [sflag:$0x2] =	stream.indirect.gather [hbm4b:s2+s15], $0x80, s17, s15, $0xb8;
	[tilespmem:$0xAF80] =	vst v63  }
0x24: {  	s19 =	simm.s32 $0x1A0  }
0x25: {  	[tilespmem:s20], [sflag:$0x3] =	stream.indirect.gather [hbm4b:s2+s15], $0x80, s19, s15, $0xb8;
	[tilespmem:$0xAF80] =	vst v63  }
0x26: {  	_ = 	snop  }
0x27: {  	[tilespmem:s22], [sflag:$0x9] =	stream.indirect.gather [hbm4b:s2+s21], $0x80, s4, s21, $0xb8;
	[tilespmem:$0xAF80] =	vst v63  }
0x28: {  	s6 =	rddreg [dreg:$0x2]  }
0x29: {  	[tilespmem:s23], [sflag:$0x9] =	stream.indirect.gather [hbm4b:s6+s21], $0x80, s13, s21, $0xb8;
	[tilespmem:$0xAF80] =	vst v63  }
0x2a: {  	_ =	swait.ge [sflag:s24], $0x2800  }
0x2b: {  	p0 =	por $0x1, $0x1;
	[sflag:s24] =	ssyncset.done $0x0  }
0x2c: {  	s5 =	simm.s32 @!p0 $0x8;
	[sflag:s24] =	ssyncadd.s32 $0xFFFFD800  }
0x2d: {  	_ =	swait.ge @!p0 [sflag:s5], $0x2800  }
0x2e: {  	[sflag:s5] =	ssyncset.done @!p0 $0x0  }
0x2f: {  	s7 =	simm.s32 $0x1F0;
	[sflag:s5] =	ssyncadd.s32 @!p0 $0xFFFFD800  }
0x30: {  	[tilespmem:s25], [sflag:$0x4] =	stream.indirect.gather [hbm4b:s2+s15], $0x80, s7, s15, $0xb8;
	[tilespmem:$0xAF80] =	vst v63  }
0x31: {  	s8 =	sadd.s32 $0xFFFFF600, s11  }
0x32: {  	[hbm4b:s8+s4] =	stream.linear.scatter [tilespmem:s16], [sflag:$0x5], $0x2800, $0x38;
	[tilespmem:$0xAF80] =	vst v63  }
0x33: {  	_ =	swait.ge [sflag:s26], $0x2800  }
0x34: {  	[sflag:s26] =	ssyncset.done $0x0  }
0x35: {  	[sflag:s26] =	ssyncadd.s32 $0xFFFFD800  }
0x36: {  	p0 =	por $0x0, $0x0;
	_ =	swait.ge [sflag:s28], $0x2800  }
0x37: {  	s5 =	simm.s32 @!p0 $0xF80;
	[sflag:s28] =	ssyncset.done $0x0  }
0x38: {  	s17 =	simm.s32 @!p0 $0x240;
	s19 =	simm.s32 @!p0 $0x50;
	[sflag:s28] =	ssyncadd.s32 $0xFFFFD800  }
0x39: {  	[tilespmem:s5], [sflag:$0x1] =	stream.indirect.gather @!p0 [hbm4b:s2+s19], $0x80, s17, s19, $0xb8;
	[tilespmem:$0xAF80] =	vst v63  }
0x3a: {  	s17 =	sadd.s32 $0xFFFFFB00, s11  }
0x3b: {  	[hbm4b:s17+s4] =	stream.linear.scatter [tilespmem:s18], [sflag:$0x6], $0x2800, $0x38;
	[tilespmem:$0xAF80] =	vst v63  }
0x3c: {  	_ =	swait.ge [sflag:s29], $0x2800  }
0x3d: {  	[sflag:s29] =	ssyncset.done $0x0  }
0x3e: {  	[sflag:s29] =	ssyncadd.s32 $0xFFFFD800  }
0x3f: {  	_ =	swait.ge [sflag:s30], $0x2800  }
0x40: {  	[sflag:s30] =	ssyncset.done $0x0  }
0x41: {  	s5 =	simm.s32 @!p0 $0x290;
	s17 =	simm.s32 @!p0 $0x3780;
	[sflag:s30] =	ssyncadd.s32 $0xFFFFD800  }
0x42: {  	[tilespmem:s17], [sflag:$0x2] =	stream.indirect.gather @!p0 [hbm4b:s2+s19], $0x80, s5, s19, $0xb8;
	[tilespmem:$0xAF80] =	vst v63  }
0x43: {  	_ = 	snop  }
0x44: {  	[hbm4b:s11+s4] =	stream.linear.scatter [tilespmem:s20], [sflag:$0x7], $0x2800, $0x38;
	[tilespmem:$0xAF80] =	vst v63  }
0x45: {  	_ =	swait.ge [sflag:s31], $0x2800  }
0x46: {  	[sflag:s31] =	ssyncset.done $0x0  }
0x47: {  	[sflag:s31] =	ssyncadd.s32 $0xFFFFD800  }
0x48: {  	_ =	swait.ge [sflag:s1], $0x2800  }
0x49: {  	[sflag:s1] =	ssyncset.done $0x0  }
0x4a: {  	s5 =	simm.s32 @!p0 $0x2E0;
	s17 =	simm.s32 @!p0 $0x5F80;
	[sflag:s1] =	ssyncadd.s32 $0xFFFFD800  }
0x4b: {  	[tilespmem:s17], [sflag:$0x3] =	stream.indirect.gather @!p0 [hbm4b:s2+s19], $0x80, s5, s19, $0xb8;
	[tilespmem:$0xAF80] =	vst v63  }
0x4c: {  	s17 =	simm.s32 $0x500;
	s5 =	sadd.s32 $0x500, s11;
	s19 =	sadd.s32 $0x1400, s11  }
.LBB2_2:
0x4d: {  	[hbm4b:s5+s4] =	stream.linear.scatter [tilespmem:s25], [sflag:$0x8], $0x2800, $0x38;
	[tilespmem:$0xAF80] =	vst v63  }
0x4e: {  	s5 =	smov.u32 s17;
	s17 =	sadd.s32 $0x500, s17;
	_ =	swait.ge [sflag:s24], $0x2800  }
0x4f: {  	p1 =	seq.s32 s5, $0x0;
	p0 =	sne.s32 s17, $0x1900;
	[sflag:s24] =	ssyncset.done $0x0  }
0x50: {  	s6 =	simm.s32 @!p1 $0x8;
	[sflag:s24] =	ssyncadd.s32 $0xFFFFD800  }
0x51: {  	_ =	swait.ge @!p1 [sflag:s6], $0x2800  }
0x52: {  	s7 =	sshra.s32 s5, $0x2;
	[sflag:s6] =	ssyncset.done @!p1 $0x0  }
0x53: {  	[sflag:s6] =	ssyncadd.s32 @!p1 $0xFFFFD800;
	s6 =	sadd.s32 $0x1F0, s7  }
0x54: {  	[tilespmem:s25], [sflag:$0x4] =	stream.indirect.gather [hbm4b:s2+s15], $0x80, s6, s15, $0xb8;
	[tilespmem:$0xAF80] =	vst v63  }
0x55: {  	s6 =	sadd.s32 $0xFFFFF600, s19  }
0x56: {  	[hbm4b:s6+s4] =	stream.linear.scatter [tilespmem:s16], [sflag:$0x5], $0x2800, $0x38;
	[tilespmem:$0xAF80] =	vst v63  }
0x57: {  	_ =	swait.ge [sflag:s26], $0x2800  }
0x58: {  	[sflag:s26] =	ssyncset.done $0x0  }
0x59: {  	[sflag:s26] =	ssyncadd.s32 $0xFFFFD800  }
0x5a: {  	p1 =	seq.s32 s5, $0x1400;
	_ =	swait.ge [sflag:s28], $0x2800  }
0x5b: {  	s5 =	sshra.s32 @!p1 s5, $0x2;
	s6 =	simm.s32 @!p1 $0xF80;
	[sflag:s28] =	ssyncset.done $0x0  }
0x5c: {  	s8 =	simm.s32 @!p1 $0x50;
	s7 =	sadd.s32 @!p1 $0x240, s5;
	[sflag:s28] =	ssyncadd.s32 $0xFFFFD800  }
0x5d: {  	[tilespmem:s6], [sflag:$0x1] =	stream.indirect.gather @!p1 [hbm4b:s2+s8], $0x80, s7, s8, $0xb8;
	[tilespmem:$0xAF80] =	vst v63  }
0x5e: {  	s6 =	sadd.s32 $0xFFFFFB00, s19;
	s7 =	sadd.s32 @!p1 $0x290, s5;
	s5 =	sadd.s32 @!p1 $0x2E0, s5  }
0x5f: {  	[hbm4b:s6+s4] =	stream.linear.scatter [tilespmem:s18], [sflag:$0x6], $0x2800, $0x38;
	[tilespmem:$0xAF80] =	vst v63  }
0x60: {  	_ =	swait.ge [sflag:s29], $0x2800  }
0x61: {  	[sflag:s29] =	ssyncset.done $0x0  }
0x62: {  	[sflag:s29] =	ssyncadd.s32 $0xFFFFD800  }
0x63: {  	_ =	swait.ge [sflag:s30], $0x2800  }
0x64: {  	[sflag:s30] =	ssyncset.done $0x0  }
0x65: {  	s6 =	simm.s32 @!p1 $0x3780;
	[sflag:s30] =	ssyncadd.s32 $0xFFFFD800  }
0x66: {  	[tilespmem:s6], [sflag:$0x2] =	stream.indirect.gather @!p1 [hbm4b:s2+s8], $0x80, s7, s8, $0xb8;
	[tilespmem:$0xAF80] =	vst v63  }
0x67: {  	_ = 	snop  }
0x68: {  	[hbm4b:s19+s4] =	stream.linear.scatter [tilespmem:s20], [sflag:$0x7], $0x2800, $0x38;
	[tilespmem:$0xAF80] =	vst v63  }
0x69: {  	_ =	swait.ge [sflag:s31], $0x2800  }
0x6a: {  	[sflag:s31] =	ssyncset.done $0x0  }
0x6b: {  	[sflag:s31] =	ssyncadd.s32 $0xFFFFD800  }
.Ltmp0:
0x6c: {  	_ =	swait.ge [sflag:s1], $0x2800;
	(pc) =	sbr.rel @p0 .LBB2_2-.Ltmp0, $4  }
0x6d: {  	[sflag:s1] =	ssyncset.done $0x0  }
0x6e: {  	s6 =	simm.s32 @!p1 $0x5F80;
	[sflag:s1] =	ssyncadd.s32 $0xFFFFD800  }
0x6f: {  	[tilespmem:s6], [sflag:$0x3] =	stream.indirect.gather @!p1 [hbm4b:s2+s8], $0x80, s5, s8, $0xb8;
	[tilespmem:$0xAF80] =	vst v63  }
0x70: {  	s5 =	sadd.s32 $0x500, s19;
	s19 =	sadd.s32 $0x1400, s19  }
0x71: {  	[hbm4b:s5+s4] =	stream.linear.scatter [tilespmem:s25], [sflag:$0x8], $0x2800, $0x38;
	[tilespmem:$0xAF80] =	vst v63  }
0x72: {  	_ =	swait.ge [sflag:s21], $0x2800  }
0x73: {  	[sflag:s21] =	ssyncset.done $0x0  }
0x74: {  	[sflag:s21] =	ssyncadd.s32 $0xFFFFD800  }
0x75: {  	_ =	swait.ge [sflag:s0], $0x400  }
0x76: {  	[sflag:s0] =	ssyncset.done $0x0  }
0x77: {  	[sflag:s0] =	ssyncadd.s32 $0xFFFFFC00  }
0x78: {  	_ =	swait.ge [sflag:s0], $0x400  }
0x79: {  	[sflag:s0] =	ssyncset.done $0x0  }
0x7a: {  	s19 =	rddreg [dreg:$0x7];
	[sflag:s0] =	ssyncadd.s32 $0xFFFFFC00  }
0x7b: {  	[hbm4b:s19+s4] =	stream.linear.scatter [tilespmem:s22], [sflag:$0xA], $0x400, $0x38;
	[tilespmem:$0xAF80] =	vst v63  }
0x7c: {  	s3 =	sadd.s32 $0x1, s3;
	_ =	swait.ge [sflag:s12], $0x400  }
0x7d: {  	p0 =	sne.s32 s3, s10;
	[sflag:s12] =	ssyncset.done $0x0  }
.Ltmp1:
0x7e: {  	[sflag:s12] =	ssyncadd.s32 $0xFFFFFC00;
	(pc) =	sbr.rel @p0 .LBB2_1-.Ltmp1, $4  }
0x7f: {  	[hbm4b:s9+s4] =	stream.linear.scatter [tilespmem:s23], [sflag:$0xA], $0x400, $0x38;
	[tilespmem:$0xAF80] =	vst v63  }
0x80: {  	_ =	swait.ge [sflag:s12], $0x400  }
0x81: {  	[sflag:s12] =	ssyncset.done $0x0  }
0x82: {  	[sflag:s12] =	ssyncadd.s32 $0xFFFFFC00  }
0x83: {  	_ =	sfence.sel $0x180000  }
0x84: {  	[bflag:$0x0] =	sbarrier.arrive $0xFFFF  }
0x85: {  	_ =	strace $0x9000004D  }
0x86: {  	s0 =	stileid.u32;
	[bflag:$0x2] =	sbarrier.arrive $0xFFFF  }
0x87: {  	p0 =	sne.s32 s0, $0x0;
	s0 =	rddreg [dreg:$0x3]  }
0x88: {  	s0 =	sadd.s32 @!p0 $0x100000, s0  }
0x89: {  	[sflag:s0] =	ssyncadd.tile.s32 @!p0 $0x1;
	_ =	shalt  }
.Lfunc_end2:
_tile_overlayer_lowered:
.L_overlay_start_2:
0x8a: {  	(tag) =	ssettag $0x2  }
0x8b: {  	s0 =	rddreg [dreg:$0x0];
	s2 =	stileid.u32  }
0x8c: {  	s1 =	rddreg [dreg:$0x1];
	p0 =	sne.s32 s2, $0x0  }
0x8d: {  	s3 =	rddreg [dreg:$0x2];
	[bflag:$0x3] =	sbarrier.arrive $0xFFFF;
	s2 =	simm.s32 @!p0 $0x1C0A  }
0x8e: {  	[timem:s3], [sflag:s2] =	dma.local @!p0 [hbm:s0], s1  }
0x8f: {  	s0 =	simm.s32 @!p0 $0xA  }
0x90: {  	_ =	swait.ge @!p0 [sflag:s0], s1  }
0x91: {  	s1 =	ssub.s32 @!p0 $0x0, s1;
	[sflag:s0] =	ssyncset.done @!p0 $0x0  }
0x92: {  	[sflag:s0] =	ssyncadd.s32 @!p0 s1  }
0x93: {  	[bflag:$0x3] =	sbarrier.arrive $0xFFFF  }
0x94: {  	_ =	shalt  }

</sc_bundles>
